<compile_context>
chip_gen: v7x
topology: tpu7x:2x2x1
jax: 0.10.2.dev20260603
libtpu: 0.0.44.dev20260713+nightly
codegen_flags: <defaults>
</compile_context>

<pallas_src>
import functools

import jax
import jax.numpy as jnp
from jax import lax
from jax.experimental import pallas as pl
from jax.experimental.pallas import tpu as pltpu
from jax.experimental.pallas import tpu_sc as plsc

N_NODES = 10000
N_EDGES = 320000
D_FEAT = 128
HID = 16

NPAD = 10240
NC, NS = 2, 16
NW = NC * NS
EPT = N_EDGES // NW
CH = 80
NCH = EPT // CH
SLICE = NPAD // NS
CH2 = 128
CPT = 80
NEPAD = NW * CPT * CH2
NBUF = 4
NGRP = CPT // NBUF

_MESH = plsc.VectorSubcoreMesh(core_axis_name="c", subcore_axis_name="s")
_SC_PARAMS = pltpu.CompilerParams(needs_layout_passes=False,
                                  use_tc_tiling_on_sc=False)

_F32 = jnp.float32


_NDBUF = 4


@functools.partial(
    pl.kernel, mesh=_MESH, compiler_params=_SC_PARAMS,
    out_type=jax.ShapeDtypeStruct((NC, NPAD), _F32),
    scratch_types=[
        pltpu.VMEM_SHARED((NPAD,), _F32),
        pltpu.VMEM((SLICE,), _F32),
        pltpu.VMEM((CPT, CH2), jnp.int32),
        pltpu.VMEM((CH2,), _F32),
    ] + [pltpu.SemaphoreType.DMA] * _NDBUF,
)
def _deg_kernel(dst_hbm, out_hbm, acc, zbuf, dbuf, ones, *sems):
    cid = lax.axis_index("c")
    sid = lax.axis_index("s")
    wid = cid * NS + sid
    for j in range(SLICE // 16):
        zbuf[pl.ds(j * 16, 16)] = jnp.zeros((16,), _F32)
    pltpu.sync_copy(zbuf, acc.at[pl.ds(sid * SLICE, SLICE)])
    for j in range(CH2 // 16):
        ones[pl.ds(j * 16, 16)] = jnp.full((16,), 1.0, _F32)
    pltpu.sync_copy(dst_hbm.at[pl.ds(wid * CPT, CPT), :], dbuf)
    plsc.subcore_barrier()

    for b in range(_NDBUF):
        pltpu.async_copy(ones, acc.at[dbuf.at[b]], sems[b], add=True)

    def body(g, carry):
        for b in range(_NDBUF):
            j = g * _NDBUF + b
            pltpu.make_async_copy(ones, acc.at[dbuf.at[j]], sems[b]).wait()
            pltpu.async_copy(ones, acc.at[dbuf.at[j + _NDBUF]], sems[b],
                             add=True)
        return carry

    lax.fori_loop(0, CPT // _NDBUF - 1, body, 0)
    for b in range(_NDBUF):
        j = CPT - _NDBUF + b
        pltpu.make_async_copy(ones, acc.at[dbuf.at[j]], sems[b]).wait()

    plsc.subcore_barrier()
    pltpu.sync_copy(acc.at[pl.ds(sid * SLICE, SLICE)],
                    out_hbm.at[cid, pl.ds(sid * SLICE, SLICE)])


def _dinv_body(p_ref, o_ref):
    deg = p_ref[0:1, :] + p_ref[1:2, :]
    o_ref[...] = jnp.where(deg > 0, lax.rsqrt(jnp.maximum(deg, 1e-12)), 0.0)


def _dinv_call(degp):
    return pl.pallas_call(
        _dinv_body,
        out_shape=jax.ShapeDtypeStruct((1, NPAD), _F32),
    )(degp)




@functools.partial(
    pl.kernel, mesh=_MESH, compiler_params=_SC_PARAMS,
    out_type=jax.ShapeDtypeStruct((NC, NPAD, HID), _F32),
    scratch_types=[
        pltpu.VMEM_SHARED((NPAD, HID), _F32),
        pltpu.VMEM((SLICE, HID), _F32),
        pltpu.VMEM((CPT, CH2), jnp.int32),
        pltpu.VMEM((CPT, CH2), jnp.int32),
        pltpu.VMEM((NBUF, CH2, HID), _F32),
    ] + [pltpu.SemaphoreType.DMA] * (2 * NBUF),
)
def _agg_kernel(gd_hbm, src_hbm, dst_hbm, out_hbm,
                acc, zbuf, sbuf, dbuf, rows, *sems):
    gsem = sems[:NBUF]
    ssem = sems[NBUF:]
    cid = lax.axis_index("c")
    sid = lax.axis_index("s")
    wid = cid * NS + sid

    def zb(i, carry):
        zbuf[i, :] = jnp.zeros((HID,), _F32)
        return carry

    lax.fori_loop(0, SLICE, zb, 0)
    pltpu.sync_copy(zbuf, acc.at[pl.ds(sid * SLICE, SLICE), :])
    pltpu.sync_copy(src_hbm.at[pl.ds(wid * CPT, CPT), :], sbuf)
    pltpu.sync_copy(dst_hbm.at[pl.ds(wid * CPT, CPT), :], dbuf)
    plsc.subcore_barrier()

    for b in range(NBUF):
        pltpu.async_copy(gd_hbm.at[sbuf.at[b]], rows.at[b], gsem[b])

    def group(g, carry):
        for b in range(NBUF):
            j = g * NBUF + b
            pltpu.make_async_copy(gd_hbm.at[sbuf.at[j]],
                                  rows.at[b], gsem[b]).wait()
            pltpu.async_copy(rows.at[b], acc.at[dbuf.at[j]],
                             ssem[b], add=True)
            pltpu.make_async_copy(rows.at[b], acc.at[dbuf.at[j]],
                                  ssem[b]).wait()
            pltpu.async_copy(gd_hbm.at[sbuf.at[j + NBUF]],
                             rows.at[b], gsem[b])
        return carry

    lax.fori_loop(0, NGRP - 1, group, 0)
    for b in range(NBUF):
        j = (NGRP - 1) * NBUF + b
        pltpu.make_async_copy(gd_hbm.at[sbuf.at[j]], rows.at[b],
                              gsem[b]).wait()
        pltpu.async_copy(rows.at[b], acc.at[dbuf.at[j]], ssem[b], add=True)
        pltpu.make_async_copy(rows.at[b], acc.at[dbuf.at[j]], ssem[b]).wait()

    plsc.subcore_barrier()
    pltpu.sync_copy(acc.at[pl.ds(sid * SLICE, SLICE), :],
                    out_hbm.at[cid, pl.ds(sid * SLICE, SLICE), :])


def _gd1_body(x_ref, w_ref, dc_ref, o_ref):
    g = jnp.dot(x_ref[...], w_ref[...])
    o_ref[...] = dc_ref[...] * g


def _gd1_call(x, W1, dinvcol):
    return pl.pallas_call(
        _gd1_body,
        out_shape=jax.ShapeDtypeStruct((N_NODES, HID), _F32),
    )(x, W1, dinvcol)


def _layer_body(up_ref, dc_ref, b_ref, w_ref, o_ref):
    u = up_ref[0, :N_NODES, :] + up_ref[1, :N_NODES, :]
    h = dc_ref[...] * u + b_ref[...]
    g = jnp.dot(h, w_ref[...])
    o_ref[...] = dc_ref[...] * g


def _layer_call(up, dinvcol, b, W):
    return pl.pallas_call(
        _layer_body,
        out_shape=jax.ShapeDtypeStruct((N_NODES, HID), _F32),
    )(up, dinvcol, b, W)


def _head_body(up_ref, dc_ref, b_ref, wl_ref, bl_ref, o_ref):
    u = up_ref[0, :N_NODES, :] + up_ref[1, :N_NODES, :]
    h = dc_ref[...] * u + b_ref[...]
    pooled = jnp.mean(h, axis=0, keepdims=True)
    pb = pooled.astype(jnp.bfloat16).astype(_F32)
    wb = wl_ref[...].astype(jnp.bfloat16).astype(_F32)
    o_ref[...] = jnp.sum(pb * wb, axis=1, keepdims=True) + bl_ref[...]


def _head_call(up, dinvcol, b3, Wlr, blr):
    return pl.pallas_call(
        _head_body,
        out_shape=jax.ShapeDtypeStruct((1, 1), _F32),
    )(up, dinvcol, b3, Wlr, blr)


def kernel(x, edge_index, edge_attr, W1, b1, W2, b2, W3, b3, Wl, bl):
    del edge_attr
    esrc = edge_index[0]
    edst = edge_index[1]
    npad_e = NEPAD - N_EDGES
    esrc2 = jnp.concatenate(
        [esrc, jnp.zeros((npad_e,), jnp.int32)]).reshape(NW * CPT, CH2)
    edst2 = jnp.concatenate(
        [edst, jnp.full((npad_e,), NPAD - 1, jnp.int32)]).reshape(NW * CPT, CH2)
    degp = _deg_kernel(edst2)
    dinv = _dinv_call(degp)
    dinvcol = dinv[0, :N_NODES].reshape(N_NODES, 1)

    gd = _gd1_call(x, W1, dinvcol)
    up = _agg_kernel(gd, esrc2, edst2)
    gd = _layer_call(up, dinvcol, b1.reshape(1, HID), W2)
    up = _agg_kernel(gd, esrc2, edst2)
    gd = _layer_call(up, dinvcol, b2.reshape(1, HID), W3)
    up = _agg_kernel(gd, esrc2, edst2)
    return _head_call(up, dinvcol, b3.reshape(1, HID), Wl.reshape(1, HID),
                      bl.reshape(1, 1))

# --- scband reference (transcript-rebuilt; emitter-appended) ---
"""Pipeline reference for scband-simple-gnn-60327110640120 (READ-ONLY COPY).

The authoritative reference and input builder live on the scoring server;
editing this copy changes nothing except your own understanding.
"""

import jax, jax.numpy as jnp
import numpy as np

N_NODES = 10000
N_EDGES = 320000
D_FEAT = 128
D_EDGE = 4
HID = 16


def _glorot(key, shape):
    fan_in, fan_out = shape
    limit = (6.0 / (fan_in + fan_out)) ** 0.5
    return jax.random.uniform(key, shape, minval=-limit, maxval=limit, dtype=jnp.float32)


def setup_inputs(seed: int = 0) -> dict:
    key = jax.random.key(seed)
    ks = jax.random.split(key, 12)
    x = jax.random.normal(ks[0], (N_NODES, D_FEAT), dtype=jnp.float32)
    edge_index = jax.random.randint(ks[1], (2, N_EDGES), 0, N_NODES, dtype=jnp.int32)
    edge_attr = jax.random.normal(ks[2], (N_EDGES, D_EDGE), dtype=jnp.float32)
    W1 = _glorot(ks[3], (D_FEAT, HID)); b1 = jnp.zeros((HID,), dtype=jnp.float32)
    W2 = _glorot(ks[4], (HID, HID));   b2 = jnp.zeros((HID,), dtype=jnp.float32)
    W3 = _glorot(ks[5], (HID, HID));   b3 = jnp.zeros((HID,), dtype=jnp.float32)
    Wl = _glorot(ks[6], (HID, 1));     bl = jnp.zeros((1,), dtype=jnp.float32)
    return {"x": x, "edge_index": edge_index, "edge_attr": edge_attr,
            "W1": W1, "b1": b1, "W2": W2, "b2": b2, "W3": W3, "b3": b3,
            "Wl": Wl, "bl": bl}


def reference(x, edge_index, edge_attr, W1, b1, W2, b2, W3, b3, Wl, bl):
    # SimpleGNN with 3 GCNConv layers (add_self_loops=False). Since edge_attr
    # has dim 4 (!= 1), GCNConv is called WITHOUT edge_weight (edge_attr unused).
    src = edge_index[0]
    dst = edge_index[1]
    n = x.shape[0]
    # gcn_norm with edge_weight=1, no self loops: deg computed over dst (col)
    deg = jax.ops.segment_sum(jnp.ones_like(src, dtype=x.dtype), dst, num_segments=n)
    dinv = jnp.where(deg > 0, jax.lax.rsqrt(jnp.maximum(deg, 1e-12)), 0.0)
    norm = dinv[src] * dinv[dst]

    def gcn_layer(h, W, b):
        h = h @ W
        msg = h[src] * norm[:, None]
        agg = jax.ops.segment_sum(msg, dst, num_segments=n)
        return agg + b

    h = gcn_layer(x, W1, b1)
    h = gcn_layer(h, W2, b2)
    h = gcn_layer(h, W3, b3)
    # global_mean_pool(x, None): single graph -> mean over all nodes -> [1, HID]
    pooled = jnp.mean(h, axis=0, keepdims=True)
    out = pooled @ Wl + bl
    return out

if __name__ == "__main__":
    import jax
    _d = setup_inputs()
    print(jax.jit(kernel)(*tuple(_d.values())))

</pallas_src>

<mosaic_0001>
#map = affine_map<(d0, d1) -> (0, 0)>
module attributes {stable_mosaic.version = 14 : i64} {
  func.func @_deg_kernel(%arg0: i32, %arg1: i32, %arg2: memref<2560x128xi32, #tpu.memory_space<hbm>>, %arg3: memref<2x10240xf32, #tpu.memory_space<hbm>>, %arg4: memref<10240xf32, #tpu.memory_space<vmem_shared>>, %arg5: memref<640xf32, #tpu.memory_space<vmem>>, %arg6: memref<80x128xi32, #tpu.memory_space<vmem>>, %arg7: memref<128xf32, #tpu.memory_space<vmem>>, %arg8: memref<!tpu.dma_semaphore, #tpu.memory_space<semaphore_mem>>, %arg9: memref<!tpu.dma_semaphore, #tpu.memory_space<semaphore_mem>>, %arg10: memref<!tpu.dma_semaphore, #tpu.memory_space<semaphore_mem>>, %arg11: memref<!tpu.dma_semaphore, #tpu.memory_space<semaphore_mem>>) attributes {dimension_semantics = [#tpu.dimension_semantics<core_parallel>, #tpu.dimension_semantics<subcore_parallel>], iteration_bounds = array<i64: 2, 16>, scalar_prefetch = 0 : i64, scratch_operands = 8 : i64, tpu.core_type = #tpu.core_type<sc_vector_subcore>, window_params = [{transform_indices = #map}, {transform_indices = #map}]} {
    %mul3A = arith.constant 16 : i32
    %mul3A_0 = arith.muli %arg0, %mul3A : i32
    %add3A = arith.addi %mul3A_0, %arg1 : i32
    %broadcast_in_dim3A = arith.constant 0.000000e+00 : f32
    %broadcast_in_dim3A_1 = vector.broadcast %broadcast_in_dim3A : f32 to vector<16xf32>
    %swap3A = arith.constant 0 : index
    %swap3A_2 = tpu.vector_load %arg5[%swap3A] {strides = array<i32>} : memref<640xf32, #tpu.memory_space<vmem>>, vector<16xf32>,
    tpu.vector_store %arg5[%swap3A], %broadcast_in_dim3A_1 {strides = array<i32>} : memref<640xf32, #tpu.memory_space<vmem>>, vector<16xf32>,
    %broadcast_in_dim3A_3 = arith.constant 0.000000e+00 : f32
    %broadcast_in_dim3A_4 = vector.broadcast %broadcast_in_dim3A_3 : f32 to vector<16xf32>
    %swap3A_5 = arith.constant 16 : index
    %swap3A_6 = tpu.vector_load %arg5[%swap3A_5] {strides = array<i32>} : memref<640xf32, #tpu.memory_space<vmem>>, vector<16xf32>,
    tpu.vector_store %arg5[%swap3A_5], %broadcast_in_dim3A_4 {strides = array<i32>} : memref<640xf32, #tpu.memory_space<vmem>>, vector<16xf32>,
    %broadcast_in_dim3A_7 = arith.constant 0.000000e+00 : f32
    %broadcast_in_dim3A_8 = vector.broadcast %broadcast_in_dim3A_7 : f32 to vector<16xf32>
    %swap3A_9 = arith.constant 32 : index
    %swap3A_10 = tpu.vector_load %arg5[%swap3A_9] {strides = array<i32>} : memref<640xf32, #tpu.memory_space<vmem>>, vector<16xf32>,
    tpu.vector_store %arg5[%swap3A_9], %broadcast_in_dim3A_8 {strides = array<i32>} : memref<640xf32, #tpu.memory_space<vmem>>, vector<16xf32>,
    %broadcast_in_dim3A_11 = arith.constant 0.000000e+00 : f32
    %broadcast_in_dim3A_12 = vector.broadcast %broadcast_in_dim3A_11 : f32 to vector<16xf32>
    %swap3A_13 = arith.constant 48 : index
    %swap3A_14 = tpu.vector_load %arg5[%swap3A_13] {strides = array<i32>} : memref<640xf32, #tpu.memory_space<vmem>>, vector<16xf32>,
    tpu.vector_store %arg5[%swap3A_13], %broadcast_in_dim3A_12 {strides = array<i32>} : memref<640xf32, #tpu.memory_space<vmem>>, vector<16xf32>,
    %broadcast_in_dim3A_15 = arith.constant 0.000000e+00 : f32
    %broadcast_in_dim3A_16 = vector.broadcast %broadcast_in_dim3A_15 : f32 to vector<16xf32>
    %swap3A_17 = arith.constant 64 : index
    %swap3A_18 = tpu.vector_load %arg5[%swap3A_17] {strides = array<i32>} : memref<640xf32, #tpu.memory_space<vmem>>, vector<16xf32>,
    tpu.vector_store %arg5[%swap3A_17], %broadcast_in_dim3A_16 {strides = array<i32>} : memref<640xf32, #tpu.memory_space<vmem>>, vector<16xf32>,
    %broadcast_in_dim3A_19 = arith.constant 0.000000e+00 : f32
    %broadcast_in_dim3A_20 = vector.broadcast %broadcast_in_dim3A_19 : f32 to vector<16xf32>
    %swap3A_21 = arith.constant 80 : index
    %swap3A_22 = tpu.vector_load %arg5[%swap3A_21] {strides = array<i32>} : memref<640xf32, #tpu.memory_space<vmem>>, vector<16xf32>,
    tpu.vector_store %arg5[%swap3A_21], %broadcast_in_dim3A_20 {strides = array<i32>} : memref<640xf32, #tpu.memory_space<vmem>>, vector<16xf32>,
    %broadcast_in_dim3A_23 = arith.constant 0.000000e+00 : f32
    %broadcast_in_dim3A_24 = vector.broadcast %broadcast_in_dim3A_23 : f32 to vector<16xf32>
    %swap3A_25 = arith.constant 96 : index
    %swap3A_26 = tpu.vector_load %arg5[%swap3A_25] {strides = array<i32>} : memref<640xf32, #tpu.memory_space<vmem>>, vector<16xf32>,
    tpu.vector_store %arg5[%swap3A_25], %broadcast_in_dim3A_24 {strides = array<i32>} : memref<640xf32, #tpu.memory_space<vmem>>, vector<16xf32>,
    %broadcast_in_dim3A_27 = arith.constant 0.000000e+00 : f32
    %broadcast_in_dim3A_28 = vector.broadcast %broadcast_in_dim3A_27 : f32 to vector<16xf32>
    %swap3A_29 = arith.constant 112 : index
    %swap3A_30 = tpu.vector_load %arg5[%swap3A_29] {strides = array<i32>} : memref<640xf32, #tpu.memory_space<vmem>>, vector<16xf32>,
    tpu.vector_store %arg5[%swap3A_29], %broadcast_in_dim3A_28 {strides = array<i32>} : memref<640xf32, #tpu.memory_space<vmem>>, vector<16xf32>,
    %broadcast_in_dim3A_31 = arith.constant 0.000000e+00 : f32
    %broadcast_in_dim3A_32 = vector.broadcast %broadcast_in_dim3A_31 : f32 to vector<16xf32>
    %swap3A_33 = arith.constant 128 : index
    %swap3A_34 = tpu.vector_load %arg5[%swap3A_33] {strides = array<i32>} : memref<640xf32, #tpu.memory_space<vmem>>, vector<16xf32>,
    tpu.vector_store %arg5[%swap3A_33], %broadcast_in_dim3A_32 {strides = array<i32>} : memref<640xf32, #tpu.memory_space<vmem>>, vector<16xf32>,
    %broadcast_in_dim3A_35 = arith.constant 0.000000e+00 : f32
    %broadcast_in_dim3A_36 = vector.broadcast %broadcast_in_dim3A_35 : f32 to vector<16xf32>
    %swap3A_37 = arith.constant 144 : index
    %swap3A_38 = tpu.vector_load %arg5[%swap3A_37] {strides = array<i32>} : memref<640xf32, #tpu.memory_space<vmem>>, vector<16xf32>,
    tpu.vector_store %arg5[%swap3A_37], %broadcast_in_dim3A_36 {strides = array<i32>} : memref<640xf32, #tpu.memory_space<vmem>>, vector<16xf32>,
    %broadcast_in_dim3A_39 = arith.constant 0.000000e+00 : f32
    %broadcast_in_dim3A_40 = vector.broadcast %broadcast_in_dim3A_39 : f32 to vector<16xf32>
    %swap3A_41 = arith.constant 160 : index
    %swap3A_42 = tpu.vector_load %arg5[%swap3A_41] {strides = array<i32>} : memref<640xf32, #tpu.memory_space<vmem>>, vector<16xf32>,
    tpu.vector_store %arg5[%swap3A_41], %broadcast_in_dim3A_40 {strides = array<i32>} : memref<640xf32, #tpu.memory_space<vmem>>, vector<16xf32>,
    %broadcast_in_dim3A_43 = arith.constant 0.000000e+00 : f32
    %broadcast_in_dim3A_44 = vector.broadcast %broadcast_in_dim3A_43 : f32 to vector<16xf32>
    %swap3A_45 = arith.constant 176 : index
    %swap3A_46 = tpu.vector_load %arg5[%swap3A_45] {strides = array<i32>} : memref<640xf32, #tpu.memory_space<vmem>>, vector<16xf32>,
    tpu.vector_store %arg5[%swap3A_45], %broadcast_in_dim3A_44 {strides = array<i32>} : memref<640xf32, #tpu.memory_space<vmem>>, vector<16xf32>,
    %broadcast_in_dim3A_47 = arith.constant 0.000000e+00 : f32
    %broadcast_in_dim3A_48 = vector.broadcast %broadcast_in_dim3A_47 : f32 to vector<16xf32>
    %swap3A_49 = arith.constant 192 : index
    %swap3A_50 = tpu.vector_load %arg5[%swap3A_49] {strides = array<i32>} : memref<640xf32, #tpu.memory_space<vmem>>, vector<16xf32>,
    tpu.vector_store %arg5[%swap3A_49], %broadcast_in_dim3A_48 {strides = array<i32>} : memref<640xf32, #tpu.memory_space<vmem>>, vector<16xf32>,
    %broadcast_in_dim3A_51 = arith.constant 0.000000e+00 : f32
    %broadcast_in_dim3A_52 = vector.broadcast %broadcast_in_dim3A_51 : f32 to vector<16xf32>
    %swap3A_53 = arith.constant 208 : index
    %swap3A_54 = tpu.vector_load %arg5[%swap3A_53] {strides = array<i32>} : memref<640xf32, #tpu.memory_space<vmem>>, vector<16xf32>,
    tpu.vector_store %arg5[%swap3A_53], %broadcast_in_dim3A_52 {strides = array<i32>} : memref<640xf32, #tpu.memory_space<vmem>>, vector<16xf32>,
    %broadcast_in_dim3A_55 = arith.constant 0.000000e+00 : f32
    %broadcast_in_dim3A_56 = vector.broadcast %broadcast_in_dim3A_55 : f32 to vector<16xf32>
    %swap3A_57 = arith.constant 224 : index
    %swap3A_58 = tpu.vector_load %arg5[%swap3A_57] {strides = array<i32>} : memref<640xf32, #tpu.memory_space<vmem>>, vector<16xf32>,
    tpu.vector_store %arg5[%swap3A_57], %broadcast_in_dim3A_56 {strides = array<i32>} : memref<640xf32, #tpu.memory_space<vmem>>, vector<16xf32>,
    %broadcast_in_dim3A_59 = arith.constant 0.000000e+00 : f32
    %broadcast_in_dim3A_60 = vector.broadcast %broadcast_in_dim3A_59 : f32 to vector<16xf32>
    %swap3A_61 = arith.constant 240 : index
    %swap3A_62 = tpu.vector_load %arg5[%swap3A_61] {strides = array<i32>} : memref<640xf32, #tpu.memory_space<vmem>>, vector<16xf32>,
    tpu.vector_store %arg5[%swap3A_61], %broadcast_in_dim3A_60 {strides = array<i32>} : memref<640xf32, #tpu.memory_space<vmem>>, vector<16xf32>,
    %broadcast_in_dim3A_63 = arith.constant 0.000000e+00 : f32
    %broadcast_in_dim3A_64 = vector.broadcast %broadcast_in_dim3A_63 : f32 to vector<16xf32>
    %swap3A_65 = arith.constant 256 : index
    %swap3A_66 = tpu.vector_load %arg5[%swap3A_65] {strides = array<i32>} : memref<640xf32, #tpu.memory_space<vmem>>, vector<16xf32>,
    tpu.vector_store %arg5[%swap3A_65], %broadcast_in_dim3A_64 {strides = array<i32>} : memref<640xf32, #tpu.memory_space<vmem>>, vector<16xf32>,
    %broadcast_in_dim3A_67 = arith.constant 0.000000e+00 : f32
    %broadcast_in_dim3A_68 = vector.broadcast %broadcast_in_dim3A_67 : f32 to vector<16xf32>
    %swap3A_69 = arith.constant 272 : index
    %swap3A_70 = tpu.vector_load %arg5[%swap3A_69] {strides = array<i32>} : memref<640xf32, #tpu.memory_space<vmem>>, vector<16xf32>,
    tpu.vector_store %arg5[%swap3A_69], %broadcast_in_dim3A_68 {strides = array<i32>} : memref<640xf32, #tpu.memory_space<vmem>>, vector<16xf32>,
    %broadcast_in_dim3A_71 = arith.constant 0.000000e+00 : f32
    %broadcast_in_dim3A_72 = vector.broadcast %broadcast_in_dim3A_71 : f32 to vector<16xf32>
    %swap3A_73 = arith.constant 288 : index
    %swap3A_74 = tpu.vector_load %arg5[%swap3A_73] {strides = array<i32>} : memref<640xf32, #tpu.memory_space<vmem>>, vector<16xf32>,
    tpu.vector_store %arg5[%swap3A_73], %broadcast_in_dim3A_72 {strides = array<i32>} : memref<640xf32, #tpu.memory_space<vmem>>, vector<16xf32>,
    %broadcast_in_dim3A_75 = arith.constant 0.000000e+00 : f32
    %broadcast_in_dim3A_76 = vector.broadcast %broadcast_in_dim3A_75 : f32 to vector<16xf32>
    %swap3A_77 = arith.constant 304 : index
    %swap3A_78 = tpu.vector_load %arg5[%swap3A_77] {strides = array<i32>} : memref<640xf32, #tpu.memory_space<vmem>>, vector<16xf32>,
    tpu.vector_store %arg5[%swap3A_77], %broadcast_in_dim3A_76 {strides = array<i32>} : memref<640xf32, #tpu.memory_space<vmem>>, vector<16xf32>,
    %broadcast_in_dim3A_79 = arith.constant 0.000000e+00 : f32
    %broadcast_in_dim3A_80 = vector.broadcast %broadcast_in_dim3A_79 : f32 to vector<16xf32>
    %swap3A_81 = arith.constant 320 : index
    %swap3A_82 = tpu.vector_load %arg5[%swap3A_81] {strides = array<i32>} : memref<640xf32, #tpu.memory_space<vmem>>, vector<16xf32>,
    tpu.vector_store %arg5[%swap3A_81], %broadcast_in_dim3A_80 {strides = array<i32>} : memref<640xf32, #tpu.memory_space<vmem>>, vector<16xf32>,
    %broadcast_in_dim3A_83 = arith.constant 0.000000e+00 : f32
    %broadcast_in_dim3A_84 = vector.broadcast %broadcast_in_dim3A_83 : f32 to vector<16xf32>
    %swap3A_85 = arith.constant 336 : index
    %swap3A_86 = tpu.vector_load %arg5[%swap3A_85] {strides = array<i32>} : memref<640xf32, #tpu.memory_space<vmem>>, vector<16xf32>,
    tpu.vector_store %arg5[%swap3A_85], %broadcast_in_dim3A_84 {strides = array<i32>} : memref<640xf32, #tpu.memory_space<vmem>>, vector<16xf32>,
    %broadcast_in_dim3A_87 = arith.constant 0.000000e+00 : f32
    %broadcast_in_dim3A_88 = vector.broadcast %broadcast_in_dim3A_87 : f32 to vector<16xf32>
    %swap3A_89 = arith.constant 352 : index
    %swap3A_90 = tpu.vector_load %arg5[%swap3A_89] {strides = array<i32>} : memref<640xf32, #tpu.memory_space<vmem>>, vector<16xf32>,
    tpu.vector_store %arg5[%swap3A_89], %broadcast_in_dim3A_88 {strides = array<i32>} : memref<640xf32, #tpu.memory_space<vmem>>, vector<16xf32>,
    %broadcast_in_dim3A_91 = arith.constant 0.000000e+00 : f32
    %broadcast_in_dim3A_92 = vector.broadcast %broadcast_in_dim3A_91 : f32 to vector<16xf32>
    %swap3A_93 = arith.constant 368 : index
    %swap3A_94 = tpu.vector_load %arg5[%swap3A_93] {strides = array<i32>} : memref<640xf32, #tpu.memory_space<vmem>>, vector<16xf32>,
    tpu.vector_store %arg5[%swap3A_93], %broadcast_in_dim3A_92 {strides = array<i32>} : memref<640xf32, #tpu.memory_space<vmem>>, vector<16xf32>,
    %broadcast_in_dim3A_95 = arith.constant 0.000000e+00 : f32
    %broadcast_in_dim3A_96 = vector.broadcast %broadcast_in_dim3A_95 : f32 to vector<16xf32>
    %swap3A_97 = arith.constant 384 : index
    %swap3A_98 = tpu.vector_load %arg5[%swap3A_97] {strides = array<i32>} : memref<640xf32, #tpu.memory_space<vmem>>, vector<16xf32>,
    tpu.vector_store %arg5[%swap3A_97], %broadcast_in_dim3A_96 {strides = array<i32>} : memref<640xf32, #tpu.memory_space<vmem>>, vector<16xf32>,
    %broadcast_in_dim3A_99 = arith.constant 0.000000e+00 : f32
    %broadcast_in_dim3A_100 = vector.broadcast %broadcast_in_dim3A_99 : f32 to vector<16xf32>
    %swap3A_101 = arith.constant 400 : index
    %swap3A_102 = tpu.vector_load %arg5[%swap3A_101] {strides = array<i32>} : memref<640xf32, #tpu.memory_space<vmem>>, vector<16xf32>,
    tpu.vector_store %arg5[%swap3A_101], %broadcast_in_dim3A_100 {strides = array<i32>} : memref<640xf32, #tpu.memory_space<vmem>>, vector<16xf32>,
    %broadcast_in_dim3A_103 = arith.constant 0.000000e+00 : f32
    %broadcast_in_dim3A_104 = vector.broadcast %broadcast_in_dim3A_103 : f32 to vector<16xf32>
    %swap3A_105 = arith.constant 416 : index
    %swap3A_106 = tpu.vector_load %arg5[%swap3A_105] {strides = array<i32>} : memref<640xf32, #tpu.memory_space<vmem>>, vector<16xf32>,
    tpu.vector_store %arg5[%swap3A_105], %broadcast_in_dim3A_104 {strides = array<i32>} : memref<640xf32, #tpu.memory_space<vmem>>, vector<16xf32>,
    %broadcast_in_dim3A_107 = arith.constant 0.000000e+00 : f32
    %broadcast_in_dim3A_108 = vector.broadcast %broadcast_in_dim3A_107 : f32 to vector<16xf32>
    %swap3A_109 = arith.constant 432 : index
    %swap3A_110 = tpu.vector_load %arg5[%swap3A_109] {strides = array<i32>} : memref<640xf32, #tpu.memory_space<vmem>>, vector<16xf32>,
    tpu.vector_store %arg5[%swap3A_109], %broadcast_in_dim3A_108 {strides = array<i32>} : memref<640xf32, #tpu.memory_space<vmem>>, vector<16xf32>,
    %broadcast_in_dim3A_111 = arith.constant 0.000000e+00 : f32
    %broadcast_in_dim3A_112 = vector.broadcast %broadcast_in_dim3A_111 : f32 to vector<16xf32>
    %swap3A_113 = arith.constant 448 : index
    %swap3A_114 = tpu.vector_load %arg5[%swap3A_113] {strides = array<i32>} : memref<640xf32, #tpu.memory_space<vmem>>, vector<16xf32>,
    tpu.vector_store %arg5[%swap3A_113], %broadcast_in_dim3A_112 {strides = array<i32>} : memref<640xf32, #tpu.memory_space<vmem>>, vector<16xf32>,
    %broadcast_in_dim3A_115 = arith.constant 0.000000e+00 : f32
    %broadcast_in_dim3A_116 = vector.broadcast %broadcast_in_dim3A_115 : f32 to vector<16xf32>
    %swap3A_117 = arith.constant 464 : index
    %swap3A_118 = tpu.vector_load %arg5[%swap3A_117] {strides = array<i32>} : memref<640xf32, #tpu.memory_space<vmem>>, vector<16xf32>,
    tpu.vector_store %arg5[%swap3A_117], %broadcast_in_dim3A_116 {strides = array<i32>} : memref<640xf32, #tpu.memory_space<vmem>>, vector<16xf32>,
    %broadcast_in_dim3A_119 = arith.constant 0.000000e+00 : f32
    %broadcast_in_dim3A_120 = vector.broadcast %broadcast_in_dim3A_119 : f32 to vector<16xf32>
    %swap3A_121 = arith.constant 480 : index
    %swap3A_122 = tpu.vector_load %arg5[%swap3A_121] {strides = array<i32>} : memref<640xf32, #tpu.memory_space<vmem>>, vector<16xf32>,
    tpu.vector_store %arg5[%swap3A_121], %broadcast_in_dim3A_120 {strides = array<i32>} : memref<640xf32, #tpu.memory_space<vmem>>, vector<16xf32>,
    %broadcast_in_dim3A_123 = arith.constant 0.000000e+00 : f32
    %broadcast_in_dim3A_124 = vector.broadcast %broadcast_in_dim3A_123 : f32 to vector<16xf32>
    %swap3A_125 = arith.constant 496 : index
    %swap3A_126 = tpu.vector_load %arg5[%swap3A_125] {strides = array<i32>} : memref<640xf32, #tpu.memory_space<vmem>>, vector<16xf32>,
    tpu.vector_store %arg5[%swap3A_125], %broadcast_in_dim3A_124 {strides = array<i32>} : memref<640xf32, #tpu.memory_space<vmem>>, vector<16xf32>,
    %broadcast_in_dim3A_127 = arith.constant 0.000000e+00 : f32
    %broadcast_in_dim3A_128 = vector.broadcast %broadcast_in_dim3A_127 : f32 to vector<16xf32>
    %swap3A_129 = arith.constant 512 : index
    %swap3A_130 = tpu.vector_load %arg5[%swap3A_129] {strides = array<i32>} : memref<640xf32, #tpu.memory_space<vmem>>, vector<16xf32>,
    tpu.vector_store %arg5[%swap3A_129], %broadcast_in_dim3A_128 {strides = array<i32>} : memref<640xf32, #tpu.memory_space<vmem>>, vector<16xf32>,
    %broadcast_in_dim3A_131 = arith.constant 0.000000e+00 : f32
    %broadcast_in_dim3A_132 = vector.broadcast %broadcast_in_dim3A_131 : f32 to vector<16xf32>
    %swap3A_133 = arith.constant 528 : index
    %swap3A_134 = tpu.vector_load %arg5[%swap3A_133] {strides = array<i32>} : memref<640xf32, #tpu.memory_space<vmem>>, vector<16xf32>,
    tpu.vector_store %arg5[%swap3A_133], %broadcast_in_dim3A_132 {strides = array<i32>} : memref<640xf32, #tpu.memory_space<vmem>>, vector<16xf32>,
    %broadcast_in_dim3A_135 = arith.constant 0.000000e+00 : f32
    %broadcast_in_dim3A_136 = vector.broadcast %broadcast_in_dim3A_135 : f32 to vector<16xf32>
    %swap3A_137 = arith.constant 544 : index
    %swap3A_138 = tpu.vector_load %arg5[%swap3A_137] {strides = array<i32>} : memref<640xf32, #tpu.memory_space<vmem>>, vector<16xf32>,
    tpu.vector_store %arg5[%swap3A_137], %broadcast_in_dim3A_136 {strides = array<i32>} : memref<640xf32, #tpu.memory_space<vmem>>, vector<16xf32>,
    %broadcast_in_dim3A_139 = arith.constant 0.000000e+00 : f32
    %broadcast_in_dim3A_140 = vector.broadcast %broadcast_in_dim3A_139 : f32 to vector<16xf32>
    %swap3A_141 = arith.constant 560 : index
    %swap3A_142 = tpu.vector_load %arg5[%swap3A_141] {strides = array<i32>} : memref<640xf32, #tpu.memory_space<vmem>>, vector<16xf32>,
    tpu.vector_store %arg5[%swap3A_141], %broadcast_in_dim3A_140 {strides = array<i32>} : memref<640xf32, #tpu.memory_space<vmem>>, vector<16xf32>,
    %broadcast_in_dim3A_143 = arith.constant 0.000000e+00 : f32
    %broadcast_in_dim3A_144 = vector.broadcast %broadcast_in_dim3A_143 : f32 to vector<16xf32>
    %swap3A_145 = arith.constant 576 : index
    %swap3A_146 = tpu.vector_load %arg5[%swap3A_145] {strides = array<i32>} : memref<640xf32, #tpu.memory_space<vmem>>, vector<16xf32>,
    tpu.vector_store %arg5[%swap3A_145], %broadcast_in_dim3A_144 {strides = array<i32>} : memref<640xf32, #tpu.memory_space<vmem>>, vector<16xf32>,
    %broadcast_in_dim3A_147 = arith.constant 0.000000e+00 : f32
    %broadcast_in_dim3A_148 = vector.broadcast %broadcast_in_dim3A_147 : f32 to vector<16xf32>
    %swap3A_149 = arith.constant 592 : index
    %swap3A_150 = tpu.vector_load %arg5[%swap3A_149] {strides = array<i32>} : memref<640xf32, #tpu.memory_space<vmem>>, vector<16xf32>,
    tpu.vector_store %arg5[%swap3A_149], %broadcast_in_dim3A_148 {strides = array<i32>} : memref<640xf32, #tpu.memory_space<vmem>>, vector<16xf32>,
    %broadcast_in_dim3A_151 = arith.constant 0.000000e+00 : f32
    %broadcast_in_dim3A_152 = vector.broadcast %broadcast_in_dim3A_151 : f32 to vector<16xf32>
    %swap3A_153 = arith.constant 608 : index
    %swap3A_154 = tpu.vector_load %arg5[%swap3A_153] {strides = array<i32>} : memref<640xf32, #tpu.memory_space<vmem>>, vector<16xf32>,
    tpu.vector_store %arg5[%swap3A_153], %broadcast_in_dim3A_152 {strides = array<i32>} : memref<640xf32, #tpu.memory_space<vmem>>, vector<16xf32>,
    %broadcast_in_dim3A_155 = arith.constant 0.000000e+00 : f32
    %broadcast_in_dim3A_156 = vector.broadcast %broadcast_in_dim3A_155 : f32 to vector<16xf32>
    %swap3A_157 = arith.constant 624 : index
    %swap3A_158 = tpu.vector_load %arg5[%swap3A_157] {strides = array<i32>} : memref<640xf32, #tpu.memory_space<vmem>>, vector<16xf32>,
    tpu.vector_store %arg5[%swap3A_157], %broadcast_in_dim3A_156 {strides = array<i32>} : memref<640xf32, #tpu.memory_space<vmem>>, vector<16xf32>,
    %mul3A_159 = arith.constant 640 : i32
    %mul3A_160 = arith.muli %arg1, %mul3A_159 : i32
    "tpu.region"() ({
      %run_scoped3A = tpu.sem_alloc : memref<!tpu.dma_semaphore, #tpu.memory_space<semaphore_mem>>
      %dma_start3A_251 = tpu.memref_slice %arg4[%mul3A_160] : memref<10240xf32, #tpu.memory_space<vmem_shared>> -> memref<640xf32, #tpu.memory_space<vmem_shared>>
      %dma_start3A_252 = tpu.memref_slice %arg4[%mul3A_160] : memref<10240xf32, #tpu.memory_space<vmem_shared>> -> memref<640xf32, #tpu.memory_space<vmem_shared>>
      tpu.enqueue_dma source(%arg5 : memref<640xf32, #tpu.memory_space<vmem>>) target(%dma_start3A_252 : memref<640xf32, #tpu.memory_space<vmem_shared>>) target_semaphore(%run_scoped3A : memref<!tpu.dma_semaphore, #tpu.memory_space<semaphore_mem>>)
      %dma_wait3A_253 = tpu.memref_slice %arg4[%mul3A_160] : memref<10240xf32, #tpu.memory_space<vmem_shared>> -> memref<640xf32, #tpu.memory_space<vmem_shared>>
      %dma_wait3A_254 = tpu.memref_slice %arg4[%mul3A_160] : memref<10240xf32, #tpu.memory_space<vmem_shared>> -> memref<640xf32, #tpu.memory_space<vmem_shared>>
      tpu.wait_dma2 semaphore(%run_scoped3A : memref<!tpu.dma_semaphore, #tpu.memory_space<semaphore_mem>>) src(%arg5 : memref<640xf32, #tpu.memory_space<vmem>>) dst(%dma_wait3A_254 : memref<640xf32, #tpu.memory_space<vmem_shared>>)
      tpu.yield
    }) : () -> ()
    %broadcast_in_dim3A_161 = arith.constant 1.000000e+00 : f32
    %broadcast_in_dim3A_162 = vector.broadcast %broadcast_in_dim3A_161 : f32 to vector<16xf32>
    %swap3A_163 = arith.constant 0 : index
    %swap3A_164 = tpu.vector_load %arg7[%swap3A_163] {strides = array<i32>} : memref<128xf32, #tpu.memory_space<vmem>>, vector<16xf32>,
    tpu.vector_store %arg7[%swap3A_163], %broadcast_in_dim3A_162 {strides = array<i32>} : memref<128xf32, #tpu.memory_space<vmem>>, vector<16xf32>,
    %broadcast_in_dim3A_165 = arith.constant 1.000000e+00 : f32
    %broadcast_in_dim3A_166 = vector.broadcast %broadcast_in_dim3A_165 : f32 to vector<16xf32>
    %swap3A_167 = arith.constant 16 : index
    %swap3A_168 = tpu.vector_load %arg7[%swap3A_167] {strides = array<i32>} : memref<128xf32, #tpu.memory_space<vmem>>, vector<16xf32>,
    tpu.vector_store %arg7[%swap3A_167], %broadcast_in_dim3A_166 {strides = array<i32>} : memref<128xf32, #tpu.memory_space<vmem>>, vector<16xf32>,
    %broadcast_in_dim3A_169 = arith.constant 1.000000e+00 : f32
    %broadcast_in_dim3A_170 = vector.broadcast %broadcast_in_dim3A_169 : f32 to vector<16xf32>
    %swap3A_171 = arith.constant 32 : index
    %swap3A_172 = tpu.vector_load %arg7[%swap3A_171] {strides = array<i32>} : memref<128xf32, #tpu.memory_space<vmem>>, vector<16xf32>,
    tpu.vector_store %arg7[%swap3A_171], %broadcast_in_dim3A_170 {strides = array<i32>} : memref<128xf32, #tpu.memory_space<vmem>>, vector<16xf32>,
    %broadcast_in_dim3A_173 = arith.constant 1.000000e+00 : f32
    %broadcast_in_dim3A_174 = vector.broadcast %broadcast_in_dim3A_173 : f32 to vector<16xf32>
    %swap3A_175 = arith.constant 48 : index
    %swap3A_176 = tpu.vector_load %arg7[%swap3A_175] {strides = array<i32>} : memref<128xf32, #tpu.memory_space<vmem>>, vector<16xf32>,
    tpu.vector_store %arg7[%swap3A_175], %broadcast_in_dim3A_174 {strides = array<i32>} : memref<128xf32, #tpu.memory_space<vmem>>, vector<16xf32>,
    %broadcast_in_dim3A_177 = arith.constant 1.000000e+00 : f32
    %broadcast_in_dim3A_178 = vector.broadcast %broadcast_in_dim3A_177 : f32 to vector<16xf32>
    %swap3A_179 = arith.constant 64 : index
    %swap3A_180 = tpu.vector_load %arg7[%swap3A_179] {strides = array<i32>} : memref<128xf32, #tpu.memory_space<vmem>>, vector<16xf32>,
    tpu.vector_store %arg7[%swap3A_179], %broadcast_in_dim3A_178 {strides = array<i32>} : memref<128xf32, #tpu.memory_space<vmem>>, vector<16xf32>,
    %broadcast_in_dim3A_181 = arith.constant 1.000000e+00 : f32
    %broadcast_in_dim3A_182 = vector.broadcast %broadcast_in_dim3A_181 : f32 to vector<16xf32>
    %swap3A_183 = arith.constant 80 : index
    %swap3A_184 = tpu.vector_load %arg7[%swap3A_183] {strides = array<i32>} : memref<128xf32, #tpu.memory_space<vmem>>, vector<16xf32>,
    tpu.vector_store %arg7[%swap3A_183], %broadcast_in_dim3A_182 {strides = array<i32>} : memref<128xf32, #tpu.memory_space<vmem>>, vector<16xf32>,
    %broadcast_in_dim3A_185 = arith.constant 1.000000e+00 : f32
    %broadcast_in_dim3A_186 = vector.broadcast %broadcast_in_dim3A_185 : f32 to vector<16xf32>
    %swap3A_187 = arith.constant 96 : index
    %swap3A_188 = tpu.vector_load %arg7[%swap3A_187] {strides = array<i32>} : memref<128xf32, #tpu.memory_space<vmem>>, vector<16xf32>,
    tpu.vector_store %arg7[%swap3A_187], %broadcast_in_dim3A_186 {strides = array<i32>} : memref<128xf32, #tpu.memory_space<vmem>>, vector<16xf32>,
    %broadcast_in_dim3A_189 = arith.constant 1.000000e+00 : f32
    %broadcast_in_dim3A_190 = vector.broadcast %broadcast_in_dim3A_189 : f32 to vector<16xf32>
    %swap3A_191 = arith.constant 112 : index
    %swap3A_192 = tpu.vector_load %arg7[%swap3A_191] {strides = array<i32>} : memref<128xf32, #tpu.memory_space<vmem>>, vector<16xf32>,
    tpu.vector_store %arg7[%swap3A_191], %broadcast_in_dim3A_190 {strides = array<i32>} : memref<128xf32, #tpu.memory_space<vmem>>, vector<16xf32>,
    %mul3A_193 = arith.constant 80 : i32
    %mul3A_194 = arith.muli %add3A, %mul3A_193 : i32
    "tpu.region"() ({
      %run_scoped3A = tpu.sem_alloc : memref<!tpu.dma_semaphore, #tpu.memory_space<semaphore_mem>>
      %dma_start3A_251 = arith.constant 0 : i32
      %dma_start3A_252 = tpu.memref_slice %arg2[%mul3A_194, %dma_start3A_251] : memref<2560x128xi32, #tpu.memory_space<hbm>> -> memref<80x128xi32, #tpu.memory_space<hbm>>
      %dma_start3A_253 = arith.constant 0 : i32
      %dma_start3A_254 = tpu.memref_slice %arg2[%mul3A_194, %dma_start3A_253] : memref<2560x128xi32, #tpu.memory_space<hbm>> -> memref<80x128xi32, #tpu.memory_space<hbm>>
      tpu.enqueue_dma source(%dma_start3A_254 : memref<80x128xi32, #tpu.memory_space<hbm>>) target(%arg6 : memref<80x128xi32, #tpu.memory_space<vmem>>) target_semaphore(%run_scoped3A : memref<!tpu.dma_semaphore, #tpu.memory_space<semaphore_mem>>)
      %dma_wait3A_255 = arith.constant 0 : i32
      %dma_wait3A_256 = tpu.memref_slice %arg2[%mul3A_194, %dma_wait3A_255] : memref<2560x128xi32, #tpu.memory_space<hbm>> -> memref<80x128xi32, #tpu.memory_space<hbm>>
      %dma_wait3A_257 = arith.constant 0 : i32
      %dma_wait3A_258 = tpu.memref_slice %arg2[%mul3A_194, %dma_wait3A_257] : memref<2560x128xi32, #tpu.memory_space<hbm>> -> memref<80x128xi32, #tpu.memory_space<hbm>>
      tpu.wait_dma2 semaphore(%run_scoped3A : memref<!tpu.dma_semaphore, #tpu.memory_space<semaphore_mem>>) src(%dma_wait3A_258 : memref<80x128xi32, #tpu.memory_space<hbm>>) dst(%arg6 : memref<80x128xi32, #tpu.memory_space<vmem>>)
      tpu.yield
    }) : () -> ()
    %barrier3A = arith.constant 0 : index
    tpu.barrier barrier_id(%barrier3A)
    %dma_start3A = arith.constant 0 : i32
    %dma_start3A_195 = arith.constant 0 : i32
    %dma_start3A_196 = tpu.memref_slice %arg6[%dma_start3A, %dma_start3A_195] : memref<80x128xi32, #tpu.memory_space<vmem>> -> memref<1x128xi32, #tpu.memory_space<vmem>>
    %dma_start3A_197 = tpu.memref_squeeze %dma_start3A_196 : memref<1x128xi32, #tpu.memory_space<vmem>> -> memref<128xi32, #tpu.memory_space<vmem>>
    %dma_start3A_198 = arith.constant 0 : i32
    %dma_start3A_199 = tpu.memref_slice %arg4[%dma_start3A_198] : memref<10240xf32, #tpu.memory_space<vmem_shared>> -> memref<10240xf32, #tpu.memory_space<vmem_shared>>
    tpu.enqueue_indirect_dma source(%arg7 : memref<128xf32, #tpu.memory_space<vmem>>) target(%dma_start3A_199 : memref<10240xf32, #tpu.memory_space<vmem_shared>>) offsets(%dma_start3A_197 : memref<128xi32, #tpu.memory_space<vmem>>) semaphore(%arg8 : memref<!tpu.dma_semaphore, #tpu.memory_space<semaphore_mem>>) {add = true}
    %dma_start3A_200 = arith.constant 1 : i32
    %dma_start3A_201 = arith.constant 0 : i32
    %dma_start3A_202 = tpu.memref_slice %arg6[%dma_start3A_200, %dma_start3A_201] : memref<80x128xi32, #tpu.memory_space<vmem>> -> memref<1x128xi32, #tpu.memory_space<vmem>>
    %dma_start3A_203 = tpu.memref_squeeze %dma_start3A_202 : memref<1x128xi32, #tpu.memory_space<vmem>> -> memref<128xi32, #tpu.memory_space<vmem>>
    %dma_start3A_204 = arith.constant 0 : i32
    %dma_start3A_205 = tpu.memref_slice %arg4[%dma_start3A_204] : memref<10240xf32, #tpu.memory_space<vmem_shared>> -> memref<10240xf32, #tpu.memory_space<vmem_shared>>
    tpu.enqueue_indirect_dma source(%arg7 : memref<128xf32, #tpu.memory_space<vmem>>) target(%dma_start3A_205 : memref<10240xf32, #tpu.memory_space<vmem_shared>>) offsets(%dma_start3A_203 : memref<128xi32, #tpu.memory_space<vmem>>) semaphore(%arg9 : memref<!tpu.dma_semaphore, #tpu.memory_space<semaphore_mem>>) {add = true}
    %dma_start3A_206 = arith.constant 2 : i32
    %dma_start3A_207 = arith.constant 0 : i32
    %dma_start3A_208 = tpu.memref_slice %arg6[%dma_start3A_206, %dma_start3A_207] : memref<80x128xi32, #tpu.memory_space<vmem>> -> memref<1x128xi32, #tpu.memory_space<vmem>>
    %dma_start3A_209 = tpu.memref_squeeze %dma_start3A_208 : memref<1x128xi32, #tpu.memory_space<vmem>> -> memref<128xi32, #tpu.memory_space<vmem>>
    %dma_start3A_210 = arith.constant 0 : i32
    %dma_start3A_211 = tpu.memref_slice %arg4[%dma_start3A_210] : memref<10240xf32, #tpu.memory_space<vmem_shared>> -> memref<10240xf32, #tpu.memory_space<vmem_shared>>
    tpu.enqueue_indirect_dma source(%arg7 : memref<128xf32, #tpu.memory_space<vmem>>) target(%dma_start3A_211 : memref<10240xf32, #tpu.memory_space<vmem_shared>>) offsets(%dma_start3A_209 : memref<128xi32, #tpu.memory_space<vmem>>) semaphore(%arg10 : memref<!tpu.dma_semaphore, #tpu.memory_space<semaphore_mem>>) {add = true}
    %dma_start3A_212 = arith.constant 3 : i32
    %dma_start3A_213 = arith.constant 0 : i32
    %dma_start3A_214 = tpu.memref_slice %arg6[%dma_start3A_212, %dma_start3A_213] : memref<80x128xi32, #tpu.memory_space<vmem>> -> memref<1x128xi32, #tpu.memory_space<vmem>>
    %dma_start3A_215 = tpu.memref_squeeze %dma_start3A_214 : memref<1x128xi32, #tpu.memory_space<vmem>> -> memref<128xi32, #tpu.memory_space<vmem>>
    %dma_start3A_216 = arith.constant 0 : i32
    %dma_start3A_217 = tpu.memref_slice %arg4[%dma_start3A_216] : memref<10240xf32, #tpu.memory_space<vmem_shared>> -> memref<10240xf32, #tpu.memory_space<vmem_shared>>
    tpu.enqueue_indirect_dma source(%arg7 : memref<128xf32, #tpu.memory_space<vmem>>) target(%dma_start3A_217 : memref<10240xf32, #tpu.memory_space<vmem_shared>>) offsets(%dma_start3A_215 : memref<128xi32, #tpu.memory_space<vmem>>) semaphore(%arg11 : memref<!tpu.dma_semaphore, #tpu.memory_space<semaphore_mem>>) {add = true}
    %scan3A = arith.constant 0 : i32
    %scan3A_218 = arith.constant 0 : i32
    %scan3A_219 = arith.constant 19 : i32
    %scan3A_220 = arith.addi %scan3A_218, %scan3A_219 : i32
    %scan3A_221 = arith.constant 1 : i32
    scf.for %scan3A_251 = %scan3A_218 to %scan3A_220 step %scan3A_221  : i32 {
      %mul3A_252 = arith.constant 4 : i32
      %mul3A_253 = arith.muli %scan3A_251, %mul3A_252 : i32
      %add3A_254 = arith.constant 0 : i32
      %add3A_255 = arith.addi %mul3A_253, %add3A_254 : i32
      %dma_wait3A_256 = arith.constant 0 : i32
      %dma_wait3A_257 = tpu.memref_slice %arg6[%add3A_255, %dma_wait3A_256] : memref<80x128xi32, #tpu.memory_space<vmem>> -> memref<1x128xi32, #tpu.memory_space<vmem>>
      %dma_wait3A_258 = tpu.memref_squeeze %dma_wait3A_257 : memref<1x128xi32, #tpu.memory_space<vmem>> -> memref<128xi32, #tpu.memory_space<vmem>>
      %dma_wait3A_259 = arith.constant 0 : i32
      %dma_wait3A_260 = tpu.memref_slice %arg4[%dma_wait3A_259] : memref<10240xf32, #tpu.memory_space<vmem_shared>> -> memref<10240xf32, #tpu.memory_space<vmem_shared>>
      tpu.wait_indirect_dma semaphore(%arg8 : memref<!tpu.dma_semaphore, #tpu.memory_space<semaphore_mem>>) src(%arg7 : memref<128xf32, #tpu.memory_space<vmem>>) dst(%dma_wait3A_260 : memref<10240xf32, #tpu.memory_space<vmem_shared>>)
      %add3A_261 = arith.constant 4 : i32
      %add3A_262 = arith.addi %add3A_255, %add3A_261 : i32
      %dma_start3A_263 = arith.constant 0 : i32
      %dma_start3A_264 = tpu.memref_slice %arg6[%add3A_262, %dma_start3A_263] : memref<80x128xi32, #tpu.memory_space<vmem>> -> memref<1x128xi32, #tpu.memory_space<vmem>>
      %dma_start3A_265 = tpu.memref_squeeze %dma_start3A_264 : memref<1x128xi32, #tpu.memory_space<vmem>> -> memref<128xi32, #tpu.memory_space<vmem>>
      %dma_start3A_266 = arith.constant 0 : i32
      %dma_start3A_267 = tpu.memref_slice %arg4[%dma_start3A_266] : memref<10240xf32, #tpu.memory_space<vmem_shared>> -> memref<10240xf32, #tpu.memory_space<vmem_shared>>
      tpu.enqueue_indirect_dma source(%arg7 : memref<128xf32, #tpu.memory_space<vmem>>) target(%dma_start3A_267 : memref<10240xf32, #tpu.memory_space<vmem_shared>>) offsets(%dma_start3A_265 : memref<128xi32, #tpu.memory_space<vmem>>) semaphore(%arg8 : memref<!tpu.dma_semaphore, #tpu.memory_space<semaphore_mem>>) {add = true}
      %mul3A_268 = arith.constant 4 : i32
      %mul3A_269 = arith.muli %scan3A_251, %mul3A_268 : i32
      %add3A_270 = arith.constant 1 : i32
      %add3A_271 = arith.addi %mul3A_269, %add3A_270 : i32
      %dma_wait3A_272 = arith.constant 0 : i32
      %dma_wait3A_273 = tpu.memref_slice %arg6[%add3A_271, %dma_wait3A_272] : memref<80x128xi32, #tpu.memory_space<vmem>> -> memref<1x128xi32, #tpu.memory_space<vmem>>
      %dma_wait3A_274 = tpu.memref_squeeze %dma_wait3A_273 : memref<1x128xi32, #tpu.memory_space<vmem>> -> memref<128xi32, #tpu.memory_space<vmem>>
      %dma_wait3A_275 = arith.constant 0 : i32
      %dma_wait3A_276 = tpu.memref_slice %arg4[%dma_wait3A_275] : memref<10240xf32, #tpu.memory_space<vmem_shared>> -> memref<10240xf32, #tpu.memory_space<vmem_shared>>
      tpu.wait_indirect_dma semaphore(%arg9 : memref<!tpu.dma_semaphore, #tpu.memory_space<semaphore_mem>>) src(%arg7 : memref<128xf32, #tpu.memory_space<vmem>>) dst(%dma_wait3A_276 : memref<10240xf32, #tpu.memory_space<vmem_shared>>)
      %add3A_277 = arith.constant 4 : i32
      %add3A_278 = arith.addi %add3A_271, %add3A_277 : i32
      %dma_start3A_279 = arith.constant 0 : i32
      %dma_start3A_280 = tpu.memref_slice %arg6[%add3A_278, %dma_start3A_279] : memref<80x128xi32, #tpu.memory_space<vmem>> -> memref<1x128xi32, #tpu.memory_space<vmem>>
      %dma_start3A_281 = tpu.memref_squeeze %dma_start3A_280 : memref<1x128xi32, #tpu.memory_space<vmem>> -> memref<128xi32, #tpu.memory_space<vmem>>
      %dma_start3A_282 = arith.constant 0 : i32
      %dma_start3A_283 = tpu.memref_slice %arg4[%dma_start3A_282] : memref<10240xf32, #tpu.memory_space<vmem_shared>> -> memref<10240xf32, #tpu.memory_space<vmem_shared>>
      tpu.enqueue_indirect_dma source(%arg7 : memref<128xf32, #tpu.memory_space<vmem>>) target(%dma_start3A_283 : memref<10240xf32, #tpu.memory_space<vmem_shared>>) offsets(%dma_start3A_281 : memref<128xi32, #tpu.memory_space<vmem>>) semaphore(%arg9 : memref<!tpu.dma_semaphore, #tpu.memory_space<semaphore_mem>>) {add = true}
      %mul3A_284 = arith.constant 4 : i32
      %mul3A_285 = arith.muli %scan3A_251, %mul3A_284 : i32
      %add3A_286 = arith.constant 2 : i32
      %add3A_287 = arith.addi %mul3A_285, %add3A_286 : i32
      %dma_wait3A_288 = arith.constant 0 : i32
      %dma_wait3A_289 = tpu.memref_slice %arg6[%add3A_287, %dma_wait3A_288] : memref<80x128xi32, #tpu.memory_space<vmem>> -> memref<1x128xi32, #tpu.memory_space<vmem>>
      %dma_wait3A_290 = tpu.memref_squeeze %dma_wait3A_289 : memref<1x128xi32, #tpu.memory_space<vmem>> -> memref<128xi32, #tpu.memory_space<vmem>>
      %dma_wait3A_291 = arith.constant 0 : i32
      %dma_wait3A_292 = tpu.memref_slice %arg4[%dma_wait3A_291] : memref<10240xf32, #tpu.memory_space<vmem_shared>> -> memref<10240xf32, #tpu.memory_space<vmem_shared>>
      tpu.wait_indirect_dma semaphore(%arg10 : memref<!tpu.dma_semaphore, #tpu.memory_space<semaphore_mem>>) src(%arg7 : memref<128xf32, #tpu.memory_space<vmem>>) dst(%dma_wait3A_292 : memref<10240xf32, #tpu.memory_space<vmem_shared>>)
      %add3A_293 = arith.constant 4 : i32
      %add3A_294 = arith.addi %add3A_287, %add3A_293 : i32
      %dma_start3A_295 = arith.constant 0 : i32
      %dma_start3A_296 = tpu.memref_slice %arg6[%add3A_294, %dma_start3A_295] : memref<80x128xi32, #tpu.memory_space<vmem>> -> memref<1x128xi32, #tpu.memory_space<vmem>>
      %dma_start3A_297 = tpu.memref_squeeze %dma_start3A_296 : memref<1x128xi32, #tpu.memory_space<vmem>> -> memref<128xi32, #tpu.memory_space<vmem>>
      %dma_start3A_298 = arith.constant 0 : i32
      %dma_start3A_299 = tpu.memref_slice %arg4[%dma_start3A_298] : memref<10240xf32, #tpu.memory_space<vmem_shared>> -> memref<10240xf32, #tpu.memory_space<vmem_shared>>
      tpu.enqueue_indirect_dma source(%arg7 : memref<128xf32, #tpu.memory_space<vmem>>) target(%dma_start3A_299 : memref<10240xf32, #tpu.memory_space<vmem_shared>>) offsets(%dma_start3A_297 : memref<128xi32, #tpu.memory_space<vmem>>) semaphore(%arg10 : memref<!tpu.dma_semaphore, #tpu.memory_space<semaphore_mem>>) {add = true}
      %mul3A_300 = arith.constant 4 : i32
      %mul3A_301 = arith.muli %scan3A_251, %mul3A_300 : i32
      %add3A_302 = arith.constant 3 : i32
      %add3A_303 = arith.addi %mul3A_301, %add3A_302 : i32
      %dma_wait3A_304 = arith.constant 0 : i32
      %dma_wait3A_305 = tpu.memref_slice %arg6[%add3A_303, %dma_wait3A_304] : memref<80x128xi32, #tpu.memory_space<vmem>> -> memref<1x128xi32, #tpu.memory_space<vmem>>
      %dma_wait3A_306 = tpu.memref_squeeze %dma_wait3A_305 : memref<1x128xi32, #tpu.memory_space<vmem>> -> memref<128xi32, #tpu.memory_space<vmem>>
      %dma_wait3A_307 = arith.constant 0 : i32
      %dma_wait3A_308 = tpu.memref_slice %arg4[%dma_wait3A_307] : memref<10240xf32, #tpu.memory_space<vmem_shared>> -> memref<10240xf32, #tpu.memory_space<vmem_shared>>
      tpu.wait_indirect_dma semaphore(%arg11 : memref<!tpu.dma_semaphore, #tpu.memory_space<semaphore_mem>>) src(%arg7 : memref<128xf32, #tpu.memory_space<vmem>>) dst(%dma_wait3A_308 : memref<10240xf32, #tpu.memory_space<vmem_shared>>)
      %add3A_309 = arith.constant 4 : i32
      %add3A_310 = arith.addi %add3A_303, %add3A_309 : i32
      %dma_start3A_311 = arith.constant 0 : i32
      %dma_start3A_312 = tpu.memref_slice %arg6[%add3A_310, %dma_start3A_311] : memref<80x128xi32, #tpu.memory_space<vmem>> -> memref<1x128xi32, #tpu.memory_space<vmem>>
      %dma_start3A_313 = tpu.memref_squeeze %dma_start3A_312 : memref<1x128xi32, #tpu.memory_space<vmem>> -> memref<128xi32, #tpu.memory_space<vmem>>
      %dma_start3A_314 = arith.constant 0 : i32
      %dma_start3A_315 = tpu.memref_slice %arg4[%dma_start3A_314] : memref<10240xf32, #tpu.memory_space<vmem_shared>> -> memref<10240xf32, #tpu.memory_space<vmem_shared>>
      tpu.enqueue_indirect_dma source(%arg7 : memref<128xf32, #tpu.memory_space<vmem>>) target(%dma_start3A_315 : memref<10240xf32, #tpu.memory_space<vmem_shared>>) offsets(%dma_start3A_313 : memref<128xi32, #tpu.memory_space<vmem>>) semaphore(%arg11 : memref<!tpu.dma_semaphore, #tpu.memory_space<semaphore_mem>>) {add = true}
    }
    %scan3A_222 = arith.constant 19 : i32
    %dma_wait3A = arith.constant 76 : i32
    %dma_wait3A_223 = arith.constant 0 : i32
    %dma_wait3A_224 = tpu.memref_slice %arg6[%dma_wait3A, %dma_wait3A_223] : memref<80x128xi32, #tpu.memory_space<vmem>> -> memref<1x128xi32, #tpu.memory_space<vmem>>
    %dma_wait3A_225 = tpu.memref_squeeze %dma_wait3A_224 : memref<1x128xi32, #tpu.memory_space<vmem>> -> memref<128xi32, #tpu.memory_space<vmem>>
    %dma_wait3A_226 = arith.constant 0 : i32
    %dma_wait3A_227 = tpu.memref_slice %arg4[%dma_wait3A_226] : memref<10240xf32, #tpu.memory_space<vmem_shared>> -> memref<10240xf32, #tpu.memory_space<vmem_shared>>
    tpu.wait_indirect_dma semaphore(%arg8 : memref<!tpu.dma_semaphore, #tpu.memory_space<semaphore_mem>>) src(%arg7 : memref<128xf32, #tpu.memory_space<vmem>>) dst(%dma_wait3A_227 : memref<10240xf32, #tpu.memory_space<vmem_shared>>)
    %dma_wait3A_228 = arith.constant 77 : i32
    %dma_wait3A_229 = arith.constant 0 : i32
    %dma_wait3A_230 = tpu.memref_slice %arg6[%dma_wait3A_228, %dma_wait3A_229] : memref<80x128xi32, #tpu.memory_space<vmem>> -> memref<1x128xi32, #tpu.memory_space<vmem>>
    %dma_wait3A_231 = tpu.memref_squeeze %dma_wait3A_230 : memref<1x128xi32, #tpu.memory_space<vmem>> -> memref<128xi32, #tpu.memory_space<vmem>>
    %dma_wait3A_232 = arith.constant 0 : i32
    %dma_wait3A_233 = tpu.memref_slice %arg4[%dma_wait3A_232] : memref<10240xf32, #tpu.memory_space<vmem_shared>> -> memref<10240xf32, #tpu.memory_space<vmem_shared>>
    tpu.wait_indirect_dma semaphore(%arg9 : memref<!tpu.dma_semaphore, #tpu.memory_space<semaphore_mem>>) src(%arg7 : memref<128xf32, #tpu.memory_space<vmem>>) dst(%dma_wait3A_233 : memref<10240xf32, #tpu.memory_space<vmem_shared>>)
    %dma_wait3A_234 = arith.constant 78 : i32
    %dma_wait3A_235 = arith.constant 0 : i32
    %dma_wait3A_236 = tpu.memref_slice %arg6[%dma_wait3A_234, %dma_wait3A_235] : memref<80x128xi32, #tpu.memory_space<vmem>> -> memref<1x128xi32, #tpu.memory_space<vmem>>
    %dma_wait3A_237 = tpu.memref_squeeze %dma_wait3A_236 : memref<1x128xi32, #tpu.memory_space<vmem>> -> memref<128xi32, #tpu.memory_space<vmem>>
    %dma_wait3A_238 = arith.constant 0 : i32
    %dma_wait3A_239 = tpu.memref_slice %arg4[%dma_wait3A_238] : memref<10240xf32, #tpu.memory_space<vmem_shared>> -> memref<10240xf32, #tpu.memory_space<vmem_shared>>
    tpu.wait_indirect_dma semaphore(%arg10 : memref<!tpu.dma_semaphore, #tpu.memory_space<semaphore_mem>>) src(%arg7 : memref<128xf32, #tpu.memory_space<vmem>>) dst(%dma_wait3A_239 : memref<10240xf32, #tpu.memory_space<vmem_shared>>)
    %dma_wait3A_240 = arith.constant 79 : i32
    %dma_wait3A_241 = arith.constant 0 : i32
    %dma_wait3A_242 = tpu.memref_slice %arg6[%dma_wait3A_240, %dma_wait3A_241] : memref<80x128xi32, #tpu.memory_space<vmem>> -> memref<1x128xi32, #tpu.memory_space<vmem>>
    %dma_wait3A_243 = tpu.memref_squeeze %dma_wait3A_242 : memref<1x128xi32, #tpu.memory_space<vmem>> -> memref<128xi32, #tpu.memory_space<vmem>>
    %dma_wait3A_244 = arith.constant 0 : i32
    %dma_wait3A_245 = tpu.memref_slice %arg4[%dma_wait3A_244] : memref<10240xf32, #tpu.memory_space<vmem_shared>> -> memref<10240xf32, #tpu.memory_space<vmem_shared>>
    tpu.wait_indirect_dma semaphore(%arg11 : memref<!tpu.dma_semaphore, #tpu.memory_space<semaphore_mem>>) src(%arg7 : memref<128xf32, #tpu.memory_space<vmem>>) dst(%dma_wait3A_245 : memref<10240xf32, #tpu.memory_space<vmem_shared>>)
    %barrier3A_246 = arith.constant 0 : index
    tpu.barrier barrier_id(%barrier3A_246)
    %mul3A_247 = arith.constant 640 : i32
    %mul3A_248 = arith.muli %arg1, %mul3A_247 : i32
    %mul3A_249 = arith.constant 640 : i32
    %mul3A_250 = arith.muli %arg1, %mul3A_249 : i32
    "tpu.region"() ({
      %run_scoped3A = tpu.sem_alloc : memref<!tpu.dma_semaphore, #tpu.memory_space<semaphore_mem>>
      %dma_start3A_251 = tpu.memref_slice %arg3[%arg0, %mul3A_250] : memref<2x10240xf32, #tpu.memory_space<hbm>> -> memref<1x640xf32, #tpu.memory_space<hbm>>
      %dma_start3A_252 = tpu.memref_squeeze %dma_start3A_251 : memref<1x640xf32, #tpu.memory_space<hbm>> -> memref<640xf32, #tpu.memory_space<hbm>>
      %dma_start3A_253 = tpu.memref_slice %arg4[%mul3A_248] : memref<10240xf32, #tpu.memory_space<vmem_shared>> -> memref<640xf32, #tpu.memory_space<vmem_shared>>
      tpu.enqueue_dma source(%dma_start3A_253 : memref<640xf32, #tpu.memory_space<vmem_shared>>) target(%dma_start3A_252 : memref<640xf32, #tpu.memory_space<hbm>>) target_semaphore(%run_scoped3A : memref<!tpu.dma_semaphore, #tpu.memory_space<semaphore_mem>>)
      %dma_wait3A_254 = tpu.memref_slice %arg3[%arg0, %mul3A_250] : memref<2x10240xf32, #tpu.memory_space<hbm>> -> memref<1x640xf32, #tpu.memory_space<hbm>>
      %dma_wait3A_255 = tpu.memref_squeeze %dma_wait3A_254 : memref<1x640xf32, #tpu.memory_space<hbm>> -> memref<640xf32, #tpu.memory_space<hbm>>
      %dma_wait3A_256 = tpu.memref_slice %arg4[%mul3A_248] : memref<10240xf32, #tpu.memory_space<vmem_shared>> -> memref<640xf32, #tpu.memory_space<vmem_shared>>
      tpu.wait_dma2 semaphore(%run_scoped3A : memref<!tpu.dma_semaphore, #tpu.memory_space<semaphore_mem>>) src(%dma_wait3A_256 : memref<640xf32, #tpu.memory_space<vmem_shared>>) dst(%dma_wait3A_255 : memref<640xf32, #tpu.memory_space<hbm>>)
      tpu.yield
    }) : () -> ()
    return
  }
}

#map = affine_map<(d0, d1) -> (0, 0)>
#map1 = affine_map<(d0, d1) -> (0, 0, 0)>
module attributes {stable_mosaic.version = 14 : i64} {
  func.func @_agg_kernel(%arg0: i32, %arg1: i32, %arg2: memref<10000x16xf32, #tpu.memory_space<hbm>>, %arg3: memref<2560x128xi32, #tpu.memory_space<hbm>>, %arg4: memref<2560x128xi32, #tpu.memory_space<hbm>>, %arg5: memref<2x10240x16xf32, #tpu.memory_space<hbm>>, %arg6: memref<10240x16xf32, #tpu.memory_space<vmem_shared>>, %arg7: memref<640x16xf32, #tpu.memory_space<vmem>>, %arg8: memref<80x128xi32, #tpu.memory_space<vmem>>, %arg9: memref<80x128xi32, #tpu.memory_space<vmem>>, %arg10: memref<4x128x16xf32, #tpu.memory_space<vmem>>, %arg11: memref<!tpu.dma_semaphore, #tpu.memory_space<semaphore_mem>>, %arg12: memref<!tpu.dma_semaphore, #tpu.memory_space<semaphore_mem>>, %arg13: memref<!tpu.dma_semaphore, #tpu.memory_space<semaphore_mem>>, %arg14: memref<!tpu.dma_semaphore, #tpu.memory_space<semaphore_mem>>, %arg15: memref<!tpu.dma_semaphore, #tpu.memory_space<semaphore_mem>>, %arg16: memref<!tpu.dma_semaphore, #tpu.memory_space<semaphore_mem>>, %arg17: memref<!tpu.dma_semaphore, #tpu.memory_space<semaphore_mem>>, %arg18: memref<!tpu.dma_semaphore, #tpu.memory_space<semaphore_mem>>) attributes {dimension_semantics = [#tpu.dimension_semantics<core_parallel>, #tpu.dimension_semantics<subcore_parallel>], iteration_bounds = array<i64: 2, 16>, scalar_prefetch = 0 : i64, scratch_operands = 13 : i64, tpu.core_type = #tpu.core_type<sc_vector_subcore>, window_params = [{transform_indices = #map}, {transform_indices = #map}, {transform_indices = #map}, {transform_indices = #map1}]} {
    %mul3A = arith.constant 16 : i32
    %mul3A_0 = arith.muli %arg0, %mul3A : i32
    %add3A = arith.addi %mul3A_0, %arg1 : i32
    %scan3A = arith.constant 0 : i32
    %scan3A_1 = arith.constant 0 : i32
    %scan3A_2 = arith.constant 640 : i32
    %scan3A_3 = arith.addi %scan3A_1, %scan3A_2 : i32
    %scan3A_4 = arith.constant 1 : i32
    scf.for %scan3A_213 = %scan3A_1 to %scan3A_3 step %scan3A_4  : i32 {
      %broadcast_in_dim3A = arith.constant 0.000000e+00 : f32
      %broadcast_in_dim3A_214 = vector.broadcast %broadcast_in_dim3A : f32 to vector<16xf32>
      %swap3A = arith.index_cast %scan3A_213 : i32 to index
      %swap3A_215 = arith.constant 0 : index
      %swap3A_216 = tpu.vector_load %arg7[%swap3A, %swap3A_215] {strides = array<i32>} : memref<640x16xf32, #tpu.memory_space<vmem>>, vector<16xf32>,
      tpu.vector_store %arg7[%swap3A, %swap3A_215], %broadcast_in_dim3A_214 {strides = array<i32>} : memref<640x16xf32, #tpu.memory_space<vmem>>, vector<16xf32>,
    }
    %scan3A_5 = arith.constant 640 : i32
    %mul3A_6 = arith.constant 640 : i32
    %mul3A_7 = arith.muli %arg1, %mul3A_6 : i32
    "tpu.region"() ({
      %run_scoped3A = tpu.sem_alloc : memref<!tpu.dma_semaphore, #tpu.memory_space<semaphore_mem>>
      %dma_start3A_213 = arith.constant 0 : i32
      %dma_start3A_214 = tpu.memref_slice %arg6[%mul3A_7, %dma_start3A_213] : memref<10240x16xf32, #tpu.memory_space<vmem_shared>> -> memref<640x16xf32, #tpu.memory_space<vmem_shared>>
      %dma_start3A_215 = arith.constant 0 : i32
      %dma_start3A_216 = tpu.memref_slice %arg6[%mul3A_7, %dma_start3A_215] : memref<10240x16xf32, #tpu.memory_space<vmem_shared>> -> memref<640x16xf32, #tpu.memory_space<vmem_shared>>
      tpu.enqueue_dma source(%arg7 : memref<640x16xf32, #tpu.memory_space<vmem>>) target(%dma_start3A_216 : memref<640x16xf32, #tpu.memory_space<vmem_shared>>) target_semaphore(%run_scoped3A : memref<!tpu.dma_semaphore, #tpu.memory_space<semaphore_mem>>)
      %dma_wait3A_217 = arith.constant 0 : i32
      %dma_wait3A_218 = tpu.memref_slice %arg6[%mul3A_7, %dma_wait3A_217] : memref<10240x16xf32, #tpu.memory_space<vmem_shared>> -> memref<640x16xf32, #tpu.memory_space<vmem_shared>>
      %dma_wait3A_219 = arith.constant 0 : i32
      %dma_wait3A_220 = tpu.memref_slice %arg6[%mul3A_7, %dma_wait3A_219] : memref<10240x16xf32, #tpu.memory_space<vmem_shared>> -> memref<640x16xf32, #tpu.memory_space<vmem_shared>>
      tpu.wait_dma2 semaphore(%run_scoped3A : memref<!tpu.dma_semaphore, #tpu.memory_space<semaphore_mem>>) src(%arg7 : memref<640x16xf32, #tpu.memory_space<vmem>>) dst(%dma_wait3A_220 : memref<640x16xf32, #tpu.memory_space<vmem_shared>>)
      tpu.yield
    }) : () -> ()
    %mul3A_8 = arith.constant 80 : i32
    %mul3A_9 = arith.muli %add3A, %mul3A_8 : i32
    "tpu.region"() ({
      %run_scoped3A = tpu.sem_alloc : memref<!tpu.dma_semaphore, #tpu.memory_space<semaphore_mem>>
      %dma_start3A_213 = arith.constant 0 : i32
      %dma_start3A_214 = tpu.memref_slice %arg3[%mul3A_9, %dma_start3A_213] : memref<2560x128xi32, #tpu.memory_space<hbm>> -> memref<80x128xi32, #tpu.memory_space<hbm>>
      %dma_start3A_215 = arith.constant 0 : i32
      %dma_start3A_216 = tpu.memref_slice %arg3[%mul3A_9, %dma_start3A_215] : memref<2560x128xi32, #tpu.memory_space<hbm>> -> memref<80x128xi32, #tpu.memory_space<hbm>>
      tpu.enqueue_dma source(%dma_start3A_216 : memref<80x128xi32, #tpu.memory_space<hbm>>) target(%arg8 : memref<80x128xi32, #tpu.memory_space<vmem>>) target_semaphore(%run_scoped3A : memref<!tpu.dma_semaphore, #tpu.memory_space<semaphore_mem>>)
      %dma_wait3A_217 = arith.constant 0 : i32
      %dma_wait3A_218 = tpu.memref_slice %arg3[%mul3A_9, %dma_wait3A_217] : memref<2560x128xi32, #tpu.memory_space<hbm>> -> memref<80x128xi32, #tpu.memory_space<hbm>>
      %dma_wait3A_219 = arith.constant 0 : i32
      %dma_wait3A_220 = tpu.memref_slice %arg3[%mul3A_9, %dma_wait3A_219] : memref<2560x128xi32, #tpu.memory_space<hbm>> -> memref<80x128xi32, #tpu.memory_space<hbm>>
      tpu.wait_dma2 semaphore(%run_scoped3A : memref<!tpu.dma_semaphore, #tpu.memory_space<semaphore_mem>>) src(%dma_wait3A_220 : memref<80x128xi32, #tpu.memory_space<hbm>>) dst(%arg8 : memref<80x128xi32, #tpu.memory_space<vmem>>)
      tpu.yield
    }) : () -> ()
    %mul3A_10 = arith.constant 80 : i32
    %mul3A_11 = arith.muli %add3A, %mul3A_10 : i32
    "tpu.region"() ({
      %run_scoped3A = tpu.sem_alloc : memref<!tpu.dma_semaphore, #tpu.memory_space<semaphore_mem>>
      %dma_start3A_213 = arith.constant 0 : i32
      %dma_start3A_214 = tpu.memref_slice %arg4[%mul3A_11, %dma_start3A_213] : memref<2560x128xi32, #tpu.memory_space<hbm>> -> memref<80x128xi32, #tpu.memory_space<hbm>>
      %dma_start3A_215 = arith.constant 0 : i32
      %dma_start3A_216 = tpu.memref_slice %arg4[%mul3A_11, %dma_start3A_215] : memref<2560x128xi32, #tpu.memory_space<hbm>> -> memref<80x128xi32, #tpu.memory_space<hbm>>
      tpu.enqueue_dma source(%dma_start3A_216 : memref<80x128xi32, #tpu.memory_space<hbm>>) target(%arg9 : memref<80x128xi32, #tpu.memory_space<vmem>>) target_semaphore(%run_scoped3A : memref<!tpu.dma_semaphore, #tpu.memory_space<semaphore_mem>>)
      %dma_wait3A_217 = arith.constant 0 : i32
      %dma_wait3A_218 = tpu.memref_slice %arg4[%mul3A_11, %dma_wait3A_217] : memref<2560x128xi32, #tpu.memory_space<hbm>> -> memref<80x128xi32, #tpu.memory_space<hbm>>
      %dma_wait3A_219 = arith.constant 0 : i32
      %dma_wait3A_220 = tpu.memref_slice %arg4[%mul3A_11, %dma_wait3A_219] : memref<2560x128xi32, #tpu.memory_space<hbm>> -> memref<80x128xi32, #tpu.memory_space<hbm>>
      tpu.wait_dma2 semaphore(%run_scoped3A : memref<!tpu.dma_semaphore, #tpu.memory_space<semaphore_mem>>) src(%dma_wait3A_220 : memref<80x128xi32, #tpu.memory_space<hbm>>) dst(%arg9 : memref<80x128xi32, #tpu.memory_space<vmem>>)
      tpu.yield
    }) : () -> ()
    %barrier3A = arith.constant 0 : index
    tpu.barrier barrier_id(%barrier3A)
    %dma_start3A = arith.constant 0 : i32
    %dma_start3A_12 = arith.constant 0 : i32
    %dma_start3A_13 = arith.constant 0 : i32
    %dma_start3A_14 = arith.constant 0 : i32
    %dma_start3A_15 = tpu.memref_slice %arg10[%dma_start3A_12, %dma_start3A_13, %dma_start3A_14] : memref<4x128x16xf32, #tpu.memory_space<vmem>> -> memref<1x128x16xf32, #tpu.memory_space<vmem>>
    %dma_start3A_16 = tpu.memref_squeeze %dma_start3A_15 : memref<1x128x16xf32, #tpu.memory_space<vmem>> -> memref<128x16xf32, #tpu.memory_space<vmem>>
    %dma_start3A_17 = arith.constant 0 : i32
    %dma_start3A_18 = tpu.memref_slice %arg8[%dma_start3A, %dma_start3A_17] : memref<80x128xi32, #tpu.memory_space<vmem>> -> memref<1x128xi32, #tpu.memory_space<vmem>>
    %dma_start3A_19 = tpu.memref_squeeze %dma_start3A_18 : memref<1x128xi32, #tpu.memory_space<vmem>> -> memref<128xi32, #tpu.memory_space<vmem>>
    %dma_start3A_20 = arith.constant 0 : i32
    %dma_start3A_21 = arith.constant 0 : i32
    %dma_start3A_22 = tpu.memref_slice %arg2[%dma_start3A_20, %dma_start3A_21] : memref<10000x16xf32, #tpu.memory_space<hbm>> -> memref<10000x16xf32, #tpu.memory_space<hbm>>
    tpu.enqueue_indirect_dma source(%dma_start3A_22 : memref<10000x16xf32, #tpu.memory_space<hbm>>) target(%dma_start3A_16 : memref<128x16xf32, #tpu.memory_space<vmem>>) offsets(%dma_start3A_19 : memref<128xi32, #tpu.memory_space<vmem>>) semaphore(%arg11 : memref<!tpu.dma_semaphore, #tpu.memory_space<semaphore_mem>>)
    %dma_start3A_23 = arith.constant 1 : i32
    %dma_start3A_24 = arith.constant 1 : i32
    %dma_start3A_25 = arith.constant 0 : i32
    %dma_start3A_26 = arith.constant 0 : i32
    %dma_start3A_27 = tpu.memref_slice %arg10[%dma_start3A_24, %dma_start3A_25, %dma_start3A_26] : memref<4x128x16xf32, #tpu.memory_space<vmem>> -> memref<1x128x16xf32, #tpu.memory_space<vmem>>
    %dma_start3A_28 = tpu.memref_squeeze %dma_start3A_27 : memref<1x128x16xf32, #tpu.memory_space<vmem>> -> memref<128x16xf32, #tpu.memory_space<vmem>>
    %dma_start3A_29 = arith.constant 0 : i32
    %dma_start3A_30 = tpu.memref_slice %arg8[%dma_start3A_23, %dma_start3A_29] : memref<80x128xi32, #tpu.memory_space<vmem>> -> memref<1x128xi32, #tpu.memory_space<vmem>>
    %dma_start3A_31 = tpu.memref_squeeze %dma_start3A_30 : memref<1x128xi32, #tpu.memory_space<vmem>> -> memref<128xi32, #tpu.memory_space<vmem>>
    %dma_start3A_32 = arith.constant 0 : i32
    %dma_start3A_33 = arith.constant 0 : i32
    %dma_start3A_34 = tpu.memref_slice %arg2[%dma_start3A_32, %dma_start3A_33] : memref<10000x16xf32, #tpu.memory_space<hbm>> -> memref<10000x16xf32, #tpu.memory_space<hbm>>
    tpu.enqueue_indirect_dma source(%dma_start3A_34 : memref<10000x16xf32, #tpu.memory_space<hbm>>) target(%dma_start3A_28 : memref<128x16xf32, #tpu.memory_space<vmem>>) offsets(%dma_start3A_31 : memref<128xi32, #tpu.memory_space<vmem>>) semaphore(%arg12 : memref<!tpu.dma_semaphore, #tpu.memory_space<semaphore_mem>>)
    %dma_start3A_35 = arith.constant 2 : i32
    %dma_start3A_36 = arith.constant 2 : i32
    %dma_start3A_37 = arith.constant 0 : i32
    %dma_start3A_38 = arith.constant 0 : i32
    %dma_start3A_39 = tpu.memref_slice %arg10[%dma_start3A_36, %dma_start3A_37, %dma_start3A_38] : memref<4x128x16xf32, #tpu.memory_space<vmem>> -> memref<1x128x16xf32, #tpu.memory_space<vmem>>
    %dma_start3A_40 = tpu.memref_squeeze %dma_start3A_39 : memref<1x128x16xf32, #tpu.memory_space<vmem>> -> memref<128x16xf32, #tpu.memory_space<vmem>>
    %dma_start3A_41 = arith.constant 0 : i32
    %dma_start3A_42 = tpu.memref_slice %arg8[%dma_start3A_35, %dma_start3A_41] : memref<80x128xi32, #tpu.memory_space<vmem>> -> memref<1x128xi32, #tpu.memory_space<vmem>>
    %dma_start3A_43 = tpu.memref_squeeze %dma_start3A_42 : memref<1x128xi32, #tpu.memory_space<vmem>> -> memref<128xi32, #tpu.memory_space<vmem>>
    %dma_start3A_44 = arith.constant 0 : i32
    %dma_start3A_45 = arith.constant 0 : i32
    %dma_start3A_46 = tpu.memref_slice %arg2[%dma_start3A_44, %dma_start3A_45] : memref<10000x16xf32, #tpu.memory_space<hbm>> -> memref<10000x16xf32, #tpu.memory_space<hbm>>
    tpu.enqueue_indirect_dma source(%dma_start3A_46 : memref<10000x16xf32, #tpu.memory_space<hbm>>) target(%dma_start3A_40 : memref<128x16xf32, #tpu.memory_space<vmem>>) offsets(%dma_start3A_43 : memref<128xi32, #tpu.memory_space<vmem>>) semaphore(%arg13 : memref<!tpu.dma_semaphore, #tpu.memory_space<semaphore_mem>>)
    %dma_start3A_47 = arith.constant 3 : i32
    %dma_start3A_48 = arith.constant 3 : i32
    %dma_start3A_49 = arith.constant 0 : i32
    %dma_start3A_50 = arith.constant 0 : i32
    %dma_start3A_51 = tpu.memref_slice %arg10[%dma_start3A_48, %dma_start3A_49, %dma_start3A_50] : memref<4x128x16xf32, #tpu.memory_space<vmem>> -> memref<1x128x16xf32, #tpu.memory_space<vmem>>
    %dma_start3A_52 = tpu.memref_squeeze %dma_start3A_51 : memref<1x128x16xf32, #tpu.memory_space<vmem>> -> memref<128x16xf32, #tpu.memory_space<vmem>>
    %dma_start3A_53 = arith.constant 0 : i32
    %dma_start3A_54 = tpu.memref_slice %arg8[%dma_start3A_47, %dma_start3A_53] : memref<80x128xi32, #tpu.memory_space<vmem>> -> memref<1x128xi32, #tpu.memory_space<vmem>>
    %dma_start3A_55 = tpu.memref_squeeze %dma_start3A_54 : memref<1x128xi32, #tpu.memory_space<vmem>> -> memref<128xi32, #tpu.memory_space<vmem>>
    %dma_start3A_56 = arith.constant 0 : i32
    %dma_start3A_57 = arith.constant 0 : i32
    %dma_start3A_58 = tpu.memref_slice %arg2[%dma_start3A_56, %dma_start3A_57] : memref<10000x16xf32, #tpu.memory_space<hbm>> -> memref<10000x16xf32, #tpu.memory_space<hbm>>
    tpu.enqueue_indirect_dma source(%dma_start3A_58 : memref<10000x16xf32, #tpu.memory_space<hbm>>) target(%dma_start3A_52 : memref<128x16xf32, #tpu.memory_space<vmem>>) offsets(%dma_start3A_55 : memref<128xi32, #tpu.memory_space<vmem>>) semaphore(%arg14 : memref<!tpu.dma_semaphore, #tpu.memory_space<semaphore_mem>>)
    %scan3A_59 = arith.constant 0 : i32
    %scan3A_60 = arith.constant 0 : i32
    %scan3A_61 = arith.constant 19 : i32
    %scan3A_62 = arith.addi %scan3A_60, %scan3A_61 : i32
    %scan3A_63 = arith.constant 1 : i32
    scf.for %scan3A_213 = %scan3A_60 to %scan3A_62 step %scan3A_63  : i32 {
      %mul3A_214 = arith.constant 4 : i32
      %mul3A_215 = arith.muli %scan3A_213, %mul3A_214 : i32
      %add3A_216 = arith.constant 0 : i32
      %add3A_217 = arith.addi %mul3A_215, %add3A_216 : i32
      %dma_wait3A_218 = arith.constant 0 : i32
      %dma_wait3A_219 = arith.constant 0 : i32
      %dma_wait3A_220 = arith.constant 0 : i32
      %dma_wait3A_221 = tpu.memref_slice %arg10[%dma_wait3A_218, %dma_wait3A_219, %dma_wait3A_220] : memref<4x128x16xf32, #tpu.memory_space<vmem>> -> memref<1x128x16xf32, #tpu.memory_space<vmem>>
      %dma_wait3A_222 = tpu.memref_squeeze %dma_wait3A_221 : memref<1x128x16xf32, #tpu.memory_space<vmem>> -> memref<128x16xf32, #tpu.memory_space<vmem>>
      %dma_wait3A_223 = arith.constant 0 : i32
      %dma_wait3A_224 = tpu.memref_slice %arg8[%add3A_217, %dma_wait3A_223] : memref<80x128xi32, #tpu.memory_space<vmem>> -> memref<1x128xi32, #tpu.memory_space<vmem>>
      %dma_wait3A_225 = tpu.memref_squeeze %dma_wait3A_224 : memref<1x128xi32, #tpu.memory_space<vmem>> -> memref<128xi32, #tpu.memory_space<vmem>>
      %dma_wait3A_226 = arith.constant 0 : i32
      %dma_wait3A_227 = arith.constant 0 : i32
      %dma_wait3A_228 = tpu.memref_slice %arg2[%dma_wait3A_226, %dma_wait3A_227] : memref<10000x16xf32, #tpu.memory_space<hbm>> -> memref<10000x16xf32, #tpu.memory_space<hbm>>
      tpu.wait_indirect_dma semaphore(%arg11 : memref<!tpu.dma_semaphore, #tpu.memory_space<semaphore_mem>>) src(%dma_wait3A_228 : memref<10000x16xf32, #tpu.memory_space<hbm>>) dst(%dma_wait3A_222 : memref<128x16xf32, #tpu.memory_space<vmem>>)
      %dma_start3A_229 = arith.constant 0 : i32
      %dma_start3A_230 = arith.constant 0 : i32
      %dma_start3A_231 = arith.constant 0 : i32
      %dma_start3A_232 = tpu.memref_slice %arg10[%dma_start3A_229, %dma_start3A_230, %dma_start3A_231] : memref<4x128x16xf32, #tpu.memory_space<vmem>> -> memref<1x128x16xf32, #tpu.memory_space<vmem>>
      %dma_start3A_233 = tpu.memref_squeeze %dma_start3A_232 : memref<1x128x16xf32, #tpu.memory_space<vmem>> -> memref<128x16xf32, #tpu.memory_space<vmem>>
      %dma_start3A_234 = arith.constant 0 : i32
      %dma_start3A_235 = tpu.memref_slice %arg9[%add3A_217, %dma_start3A_234] : memref<80x128xi32, #tpu.memory_space<vmem>> -> memref<1x128xi32, #tpu.memory_space<vmem>>
      %dma_start3A_236 = tpu.memref_squeeze %dma_start3A_235 : memref<1x128xi32, #tpu.memory_space<vmem>> -> memref<128xi32, #tpu.memory_space<vmem>>
      %dma_start3A_237 = arith.constant 0 : i32
      %dma_start3A_238 = arith.constant 0 : i32
      %dma_start3A_239 = tpu.memref_slice %arg6[%dma_start3A_237, %dma_start3A_238] : memref<10240x16xf32, #tpu.memory_space<vmem_shared>> -> memref<10240x16xf32, #tpu.memory_space<vmem_shared>>
      tpu.enqueue_indirect_dma source(%dma_start3A_233 : memref<128x16xf32, #tpu.memory_space<vmem>>) target(%dma_start3A_239 : memref<10240x16xf32, #tpu.memory_space<vmem_shared>>) offsets(%dma_start3A_236 : memref<128xi32, #tpu.memory_space<vmem>>) semaphore(%arg15 : memref<!tpu.dma_semaphore, #tpu.memory_space<semaphore_mem>>) {add = true}
      %dma_wait3A_240 = arith.constant 0 : i32
      %dma_wait3A_241 = arith.constant 0 : i32
      %dma_wait3A_242 = arith.constant 0 : i32
      %dma_wait3A_243 = tpu.memref_slice %arg10[%dma_wait3A_240, %dma_wait3A_241, %dma_wait3A_242] : memref<4x128x16xf32, #tpu.memory_space<vmem>> -> memref<1x128x16xf32, #tpu.memory_space<vmem>>
      %dma_wait3A_244 = tpu.memref_squeeze %dma_wait3A_243 : memref<1x128x16xf32, #tpu.memory_space<vmem>> -> memref<128x16xf32, #tpu.memory_space<vmem>>
      %dma_wait3A_245 = arith.constant 0 : i32
      %dma_wait3A_246 = tpu.memref_slice %arg9[%add3A_217, %dma_wait3A_245] : memref<80x128xi32, #tpu.memory_space<vmem>> -> memref<1x128xi32, #tpu.memory_space<vmem>>
      %dma_wait3A_247 = tpu.memref_squeeze %dma_wait3A_246 : memref<1x128xi32, #tpu.memory_space<vmem>> -> memref<128xi32, #tpu.memory_space<vmem>>
      %dma_wait3A_248 = arith.constant 0 : i32
      %dma_wait3A_249 = arith.constant 0 : i32
      %dma_wait3A_250 = tpu.memref_slice %arg6[%dma_wait3A_248, %dma_wait3A_249] : memref<10240x16xf32, #tpu.memory_space<vmem_shared>> -> memref<10240x16xf32, #tpu.memory_space<vmem_shared>>
      tpu.wait_indirect_dma semaphore(%arg15 : memref<!tpu.dma_semaphore, #tpu.memory_space<semaphore_mem>>) src(%dma_wait3A_244 : memref<128x16xf32, #tpu.memory_space<vmem>>) dst(%dma_wait3A_250 : memref<10240x16xf32, #tpu.memory_space<vmem_shared>>)
      %add3A_251 = arith.constant 4 : i32
      %add3A_252 = arith.addi %add3A_217, %add3A_251 : i32
      %dma_start3A_253 = arith.constant 0 : i32
      %dma_start3A_254 = arith.constant 0 : i32
      %dma_start3A_255 = arith.constant 0 : i32
      %dma_start3A_256 = tpu.memref_slice %arg10[%dma_start3A_253, %dma_start3A_254, %dma_start3A_255] : memref<4x128x16xf32, #tpu.memory_space<vmem>> -> memref<1x128x16xf32, #tpu.memory_space<vmem>>
      %dma_start3A_257 = tpu.memref_squeeze %dma_start3A_256 : memref<1x128x16xf32, #tpu.memory_space<vmem>> -> memref<128x16xf32, #tpu.memory_space<vmem>>
      %dma_start3A_258 = arith.constant 0 : i32
      %dma_start3A_259 = tpu.memref_slice %arg8[%add3A_252, %dma_start3A_258] : memref<80x128xi32, #tpu.memory_space<vmem>> -> memref<1x128xi32, #tpu.memory_space<vmem>>
      %dma_start3A_260 = tpu.memref_squeeze %dma_start3A_259 : memref<1x128xi32, #tpu.memory_space<vmem>> -> memref<128xi32, #tpu.memory_space<vmem>>
      %dma_start3A_261 = arith.constant 0 : i32
      %dma_start3A_262 = arith.constant 0 : i32
      %dma_start3A_263 = tpu.memref_slice %arg2[%dma_start3A_261, %dma_start3A_262] : memref<10000x16xf32, #tpu.memory_space<hbm>> -> memref<10000x16xf32, #tpu.memory_space<hbm>>
      tpu.enqueue_indirect_dma source(%dma_start3A_263 : memref<10000x16xf32, #tpu.memory_space<hbm>>) target(%dma_start3A_257 : memref<128x16xf32, #tpu.memory_space<vmem>>) offsets(%dma_start3A_260 : memref<128xi32, #tpu.memory_space<vmem>>) semaphore(%arg11 : memref<!tpu.dma_semaphore, #tpu.memory_space<semaphore_mem>>)
      %mul3A_264 = arith.constant 4 : i32
      %mul3A_265 = arith.muli %scan3A_213, %mul3A_264 : i32
      %add3A_266 = arith.constant 1 : i32
      %add3A_267 = arith.addi %mul3A_265, %add3A_266 : i32
      %dma_wait3A_268 = arith.constant 1 : i32
      %dma_wait3A_269 = arith.constant 0 : i32
      %dma_wait3A_270 = arith.constant 0 : i32
      %dma_wait3A_271 = tpu.memref_slice %arg10[%dma_wait3A_268, %dma_wait3A_269, %dma_wait3A_270] : memref<4x128x16xf32, #tpu.memory_space<vmem>> -> memref<1x128x16xf32, #tpu.memory_space<vmem>>
      %dma_wait3A_272 = tpu.memref_squeeze %dma_wait3A_271 : memref<1x128x16xf32, #tpu.memory_space<vmem>> -> memref<128x16xf32, #tpu.memory_space<vmem>>
      %dma_wait3A_273 = arith.constant 0 : i32
      %dma_wait3A_274 = tpu.memref_slice %arg8[%add3A_267, %dma_wait3A_273] : memref<80x128xi32, #tpu.memory_space<vmem>> -> memref<1x128xi32, #tpu.memory_space<vmem>>
      %dma_wait3A_275 = tpu.memref_squeeze %dma_wait3A_274 : memref<1x128xi32, #tpu.memory_space<vmem>> -> memref<128xi32, #tpu.memory_space<vmem>>
      %dma_wait3A_276 = arith.constant 0 : i32
      %dma_wait3A_277 = arith.constant 0 : i32
      %dma_wait3A_278 = tpu.memref_slice %arg2[%dma_wait3A_276, %dma_wait3A_277] : memref<10000x16xf32, #tpu.memory_space<hbm>> -> memref<10000x16xf32, #tpu.memory_space<hbm>>
      tpu.wait_indirect_dma semaphore(%arg12 : memref<!tpu.dma_semaphore, #tpu.memory_space<semaphore_mem>>) src(%dma_wait3A_278 : memref<10000x16xf32, #tpu.memory_space<hbm>>) dst(%dma_wait3A_272 : memref<128x16xf32, #tpu.memory_space<vmem>>)
      %dma_start3A_279 = arith.constant 1 : i32
      %dma_start3A_280 = arith.constant 0 : i32
      %dma_start3A_281 = arith.constant 0 : i32
      %dma_start3A_282 = tpu.memref_slice %arg10[%dma_start3A_279, %dma_start3A_280, %dma_start3A_281] : memref<4x128x16xf32, #tpu.memory_space<vmem>> -> memref<1x128x16xf32, #tpu.memory_space<vmem>>
      %dma_start3A_283 = tpu.memref_squeeze %dma_start3A_282 : memref<1x128x16xf32, #tpu.memory_space<vmem>> -> memref<128x16xf32, #tpu.memory_space<vmem>>
      %dma_start3A_284 = arith.constant 0 : i32
      %dma_start3A_285 = tpu.memref_slice %arg9[%add3A_267, %dma_start3A_284] : memref<80x128xi32, #tpu.memory_space<vmem>> -> memref<1x128xi32, #tpu.memory_space<vmem>>
      %dma_start3A_286 = tpu.memref_squeeze %dma_start3A_285 : memref<1x128xi32, #tpu.memory_space<vmem>> -> memref<128xi32, #tpu.memory_space<vmem>>
      %dma_start3A_287 = arith.constant 0 : i32
      %dma_start3A_288 = arith.constant 0 : i32
      %dma_start3A_289 = tpu.memref_slice %arg6[%dma_start3A_287, %dma_start3A_288] : memref<10240x16xf32, #tpu.memory_space<vmem_shared>> -> memref<10240x16xf32, #tpu.memory_space<vmem_shared>>
      tpu.enqueue_indirect_dma source(%dma_start3A_283 : memref<128x16xf32, #tpu.memory_space<vmem>>) target(%dma_start3A_289 : memref<10240x16xf32, #tpu.memory_space<vmem_shared>>) offsets(%dma_start3A_286 : memref<128xi32, #tpu.memory_space<vmem>>) semaphore(%arg16 : memref<!tpu.dma_semaphore, #tpu.memory_space<semaphore_mem>>) {add = true}
      %dma_wait3A_290 = arith.constant 1 : i32
      %dma_wait3A_291 = arith.constant 0 : i32
      %dma_wait3A_292 = arith.constant 0 : i32
      %dma_wait3A_293 = tpu.memref_slice %arg10[%dma_wait3A_290, %dma_wait3A_291, %dma_wait3A_292] : memref<4x128x16xf32, #tpu.memory_space<vmem>> -> memref<1x128x16xf32, #tpu.memory_space<vmem>>
      %dma_wait3A_294 = tpu.memref_squeeze %dma_wait3A_293 : memref<1x128x16xf32, #tpu.memory_space<vmem>> -> memref<128x16xf32, #tpu.memory_space<vmem>>
      %dma_wait3A_295 = arith.constant 0 : i32
      %dma_wait3A_296 = tpu.memref_slice %arg9[%add3A_267, %dma_wait3A_295] : memref<80x128xi32, #tpu.memory_space<vmem>> -> memref<1x128xi32, #tpu.memory_space<vmem>>
      %dma_wait3A_297 = tpu.memref_squeeze %dma_wait3A_296 : memref<1x128xi32, #tpu.memory_space<vmem>> -> memref<128xi32, #tpu.memory_space<vmem>>
      %dma_wait3A_298 = arith.constant 0 : i32
      %dma_wait3A_299 = arith.constant 0 : i32
      %dma_wait3A_300 = tpu.memref_slice %arg6[%dma_wait3A_298, %dma_wait3A_299] : memref<10240x16xf32, #tpu.memory_space<vmem_shared>> -> memref<10240x16xf32, #tpu.memory_space<vmem_shared>>
      tpu.wait_indirect_dma semaphore(%arg16 : memref<!tpu.dma_semaphore, #tpu.memory_space<semaphore_mem>>) src(%dma_wait3A_294 : memref<128x16xf32, #tpu.memory_space<vmem>>) dst(%dma_wait3A_300 : memref<10240x16xf32, #tpu.memory_space<vmem_shared>>)
      %add3A_301 = arith.constant 4 : i32
      %add3A_302 = arith.addi %add3A_267, %add3A_301 : i32
      %dma_start3A_303 = arith.constant 1 : i32
      %dma_start3A_304 = arith.constant 0 : i32
      %dma_start3A_305 = arith.constant 0 : i32
      %dma_start3A_306 = tpu.memref_slice %arg10[%dma_start3A_303, %dma_start3A_304, %dma_start3A_305] : memref<4x128x16xf32, #tpu.memory_space<vmem>> -> memref<1x128x16xf32, #tpu.memory_space<vmem>>
      %dma_start3A_307 = tpu.memref_squeeze %dma_start3A_306 : memref<1x128x16xf32, #tpu.memory_space<vmem>> -> memref<128x16xf32, #tpu.memory_space<vmem>>
      %dma_start3A_308 = arith.constant 0 : i32
      %dma_start3A_309 = tpu.memref_slice %arg8[%add3A_302, %dma_start3A_308] : memref<80x128xi32, #tpu.memory_space<vmem>> -> memref<1x128xi32, #tpu.memory_space<vmem>>
      %dma_start3A_310 = tpu.memref_squeeze %dma_start3A_309 : memref<1x128xi32, #tpu.memory_space<vmem>> -> memref<128xi32, #tpu.memory_space<vmem>>
      %dma_start3A_311 = arith.constant 0 : i32
      %dma_start3A_312 = arith.constant 0 : i32
      %dma_start3A_313 = tpu.memref_slice %arg2[%dma_start3A_311, %dma_start3A_312] : memref<10000x16xf32, #tpu.memory_space<hbm>> -> memref<10000x16xf32, #tpu.memory_space<hbm>>
      tpu.enqueue_indirect_dma source(%dma_start3A_313 : memref<10000x16xf32, #tpu.memory_space<hbm>>) target(%dma_start3A_307 : memref<128x16xf32, #tpu.memory_space<vmem>>) offsets(%dma_start3A_310 : memref<128xi32, #tpu.memory_space<vmem>>) semaphore(%arg12 : memref<!tpu.dma_semaphore, #tpu.memory_space<semaphore_mem>>)
      %mul3A_314 = arith.constant 4 : i32
      %mul3A_315 = arith.muli %scan3A_213, %mul3A_314 : i32
      %add3A_316 = arith.constant 2 : i32
      %add3A_317 = arith.addi %mul3A_315, %add3A_316 : i32
      %dma_wait3A_318 = arith.constant 2 : i32
      %dma_wait3A_319 = arith.constant 0 : i32
      %dma_wait3A_320 = arith.constant 0 : i32
      %dma_wait3A_321 = tpu.memref_slice %arg10[%dma_wait3A_318, %dma_wait3A_319, %dma_wait3A_320] : memref<4x128x16xf32, #tpu.memory_space<vmem>> -> memref<1x128x16xf32, #tpu.memory_space<vmem>>
      %dma_wait3A_322 = tpu.memref_squeeze %dma_wait3A_321 : memref<1x128x16xf32, #tpu.memory_space<vmem>> -> memref<128x16xf32, #tpu.memory_space<vmem>>
      %dma_wait3A_323 = arith.constant 0 : i32
      %dma_wait3A_324 = tpu.memref_slice %arg8[%add3A_317, %dma_wait3A_323] : memref<80x128xi32, #tpu.memory_space<vmem>> -> memref<1x128xi32, #tpu.memory_space<vmem>>
      %dma_wait3A_325 = tpu.memref_squeeze %dma_wait3A_324 : memref<1x128xi32, #tpu.memory_space<vmem>> -> memref<128xi32, #tpu.memory_space<vmem>>
      %dma_wait3A_326 = arith.constant 0 : i32
      %dma_wait3A_327 = arith.constant 0 : i32
      %dma_wait3A_328 = tpu.memref_slice %arg2[%dma_wait3A_326, %dma_wait3A_327] : memref<10000x16xf32, #tpu.memory_space<hbm>> -> memref<10000x16xf32, #tpu.memory_space<hbm>>
      tpu.wait_indirect_dma semaphore(%arg13 : memref<!tpu.dma_semaphore, #tpu.memory_space<semaphore_mem>>) src(%dma_wait3A_328 : memref<10000x16xf32, #tpu.memory_space<hbm>>) dst(%dma_wait3A_322 : memref<128x16xf32, #tpu.memory_space<vmem>>)
      %dma_start3A_329 = arith.constant 2 : i32
      %dma_start3A_330 = arith.constant 0 : i32
      %dma_start3A_331 = arith.constant 0 : i32
      %dma_start3A_332 = tpu.memref_slice %arg10[%dma_start3A_329, %dma_start3A_330, %dma_start3A_331] : memref<4x128x16xf32, #tpu.memory_space<vmem>> -> memref<1x128x16xf32, #tpu.memory_space<vmem>>
      %dma_start3A_333 = tpu.memref_squeeze %dma_start3A_332 : memref<1x128x16xf32, #tpu.memory_space<vmem>> -> memref<128x16xf32, #tpu.memory_space<vmem>>
      %dma_start3A_334 = arith.constant 0 : i32
      %dma_start3A_335 = tpu.memref_slice %arg9[%add3A_317, %dma_start3A_334] : memref<80x128xi32, #tpu.memory_space<vmem>> -> memref<1x128xi32, #tpu.memory_space<vmem>>
      %dma_start3A_336 = tpu.memref_squeeze %dma_start3A_335 : memref<1x128xi32, #tpu.memory_space<vmem>> -> memref<128xi32, #tpu.memory_space<vmem>>
      %dma_start3A_337 = arith.constant 0 : i32
      %dma_start3A_338 = arith.constant 0 : i32
      %dma_start3A_339 = tpu.memref_slice %arg6[%dma_start3A_337, %dma_start3A_338] : memref<10240x16xf32, #tpu.memory_space<vmem_shared>> -> memref<10240x16xf32, #tpu.memory_space<vmem_shared>>
      tpu.enqueue_indirect_dma source(%dma_start3A_333 : memref<128x16xf32, #tpu.memory_space<vmem>>) target(%dma_start3A_339 : memref<10240x16xf32, #tpu.memory_space<vmem_shared>>) offsets(%dma_start3A_336 : memref<128xi32, #tpu.memory_space<vmem>>) semaphore(%arg17 : memref<!tpu.dma_semaphore, #tpu.memory_space<semaphore_mem>>) {add = true}
      %dma_wait3A_340 = arith.constant 2 : i32
      %dma_wait3A_341 = arith.constant 0 : i32
      %dma_wait3A_342 = arith.constant 0 : i32
      %dma_wait3A_343 = tpu.memref_slice %arg10[%dma_wait3A_340, %dma_wait3A_341, %dma_wait3A_342] : memref<4x128x16xf32, #tpu.memory_space<vmem>> -> memref<1x128x16xf32, #tpu.memory_space<vmem>>
      %dma_wait3A_344 = tpu.memref_squeeze %dma_wait3A_343 : memref<1x128x16xf32, #tpu.memory_space<vmem>> -> memref<128x16xf32, #tpu.memory_space<vmem>>
      %dma_wait3A_345 = arith.constant 0 : i32
      %dma_wait3A_346 = tpu.memref_slice %arg9[%add3A_317, %dma_wait3A_345] : memref<80x128xi32, #tpu.memory_space<vmem>> -> memref<1x128xi32, #tpu.memory_space<vmem>>
      %dma_wait3A_347 = tpu.memref_squeeze %dma_wait3A_346 : memref<1x128xi32, #tpu.memory_space<vmem>> -> memref<128xi32, #tpu.memory_space<vmem>>
      %dma_wait3A_348 = arith.constant 0 : i32
      %dma_wait3A_349 = arith.constant 0 : i32
      %dma_wait3A_350 = tpu.memref_slice %arg6[%dma_wait3A_348, %dma_wait3A_349] : memref<10240x16xf32, #tpu.memory_space<vmem_shared>> -> memref<10240x16xf32, #tpu.memory_space<vmem_shared>>
      tpu.wait_indirect_dma semaphore(%arg17 : memref<!tpu.dma_semaphore, #tpu.memory_space<semaphore_mem>>) src(%dma_wait3A_344 : memref<128x16xf32, #tpu.memory_space<vmem>>) dst(%dma_wait3A_350 : memref<10240x16xf32, #tpu.memory_space<vmem_shared>>)
      %add3A_351 = arith.constant 4 : i32
      %add3A_352 = arith.addi %add3A_317, %add3A_351 : i32
      %dma_start3A_353 = arith.constant 2 : i32
      %dma_start3A_354 = arith.constant 0 : i32
      %dma_start3A_355 = arith.constant 0 : i32
      %dma_start3A_356 = tpu.memref_slice %arg10[%dma_start3A_353, %dma_start3A_354, %dma_start3A_355] : memref<4x128x16xf32, #tpu.memory_space<vmem>> -> memref<1x128x16xf32, #tpu.memory_space<vmem>>
      %dma_start3A_357 = tpu.memref_squeeze %dma_start3A_356 : memref<1x128x16xf32, #tpu.memory_space<vmem>> -> memref<128x16xf32, #tpu.memory_space<vmem>>
      %dma_start3A_358 = arith.constant 0 : i32
      %dma_start3A_359 = tpu.memref_slice %arg8[%add3A_352, %dma_start3A_358] : memref<80x128xi32, #tpu.memory_space<vmem>> -> memref<1x128xi32, #tpu.memory_space<vmem>>
      %dma_start3A_360 = tpu.memref_squeeze %dma_start3A_359 : memref<1x128xi32, #tpu.memory_space<vmem>> -> memref<128xi32, #tpu.memory_space<vmem>>
      %dma_start3A_361 = arith.constant 0 : i32
      %dma_start3A_362 = arith.constant 0 : i32
      %dma_start3A_363 = tpu.memref_slice %arg2[%dma_start3A_361, %dma_start3A_362] : memref<10000x16xf32, #tpu.memory_space<hbm>> -> memref<10000x16xf32, #tpu.memory_space<hbm>>
      tpu.enqueue_indirect_dma source(%dma_start3A_363 : memref<10000x16xf32, #tpu.memory_space<hbm>>) target(%dma_start3A_357 : memref<128x16xf32, #tpu.memory_space<vmem>>) offsets(%dma_start3A_360 : memref<128xi32, #tpu.memory_space<vmem>>) semaphore(%arg13 : memref<!tpu.dma_semaphore, #tpu.memory_space<semaphore_mem>>)
      %mul3A_364 = arith.constant 4 : i32
      %mul3A_365 = arith.muli %scan3A_213, %mul3A_364 : i32
      %add3A_366 = arith.constant 3 : i32
      %add3A_367 = arith.addi %mul3A_365, %add3A_366 : i32
      %dma_wait3A_368 = arith.constant 3 : i32
      %dma_wait3A_369 = arith.constant 0 : i32
      %dma_wait3A_370 = arith.constant 0 : i32
      %dma_wait3A_371 = tpu.memref_slice %arg10[%dma_wait3A_368, %dma_wait3A_369, %dma_wait3A_370] : memref<4x128x16xf32, #tpu.memory_space<vmem>> -> memref<1x128x16xf32, #tpu.memory_space<vmem>>
      %dma_wait3A_372 = tpu.memref_squeeze %dma_wait3A_371 : memref<1x128x16xf32, #tpu.memory_space<vmem>> -> memref<128x16xf32, #tpu.memory_space<vmem>>
      %dma_wait3A_373 = arith.constant 0 : i32
      %dma_wait3A_374 = tpu.memref_slice %arg8[%add3A_367, %dma_wait3A_373] : memref<80x128xi32, #tpu.memory_space<vmem>> -> memref<1x128xi32, #tpu.memory_space<vmem>>
      %dma_wait3A_375 = tpu.memref_squeeze %dma_wait3A_374 : memref<1x128xi32, #tpu.memory_space<vmem>> -> memref<128xi32, #tpu.memory_space<vmem>>
      %dma_wait3A_376 = arith.constant 0 : i32
      %dma_wait3A_377 = arith.constant 0 : i32
      %dma_wait3A_378 = tpu.memref_slice %arg2[%dma_wait3A_376, %dma_wait3A_377] : memref<10000x16xf32, #tpu.memory_space<hbm>> -> memref<10000x16xf32, #tpu.memory_space<hbm>>
      tpu.wait_indirect_dma semaphore(%arg14 : memref<!tpu.dma_semaphore, #tpu.memory_space<semaphore_mem>>) src(%dma_wait3A_378 : memref<10000x16xf32, #tpu.memory_space<hbm>>) dst(%dma_wait3A_372 : memref<128x16xf32, #tpu.memory_space<vmem>>)
      %dma_start3A_379 = arith.constant 3 : i32
      %dma_start3A_380 = arith.constant 0 : i32
      %dma_start3A_381 = arith.constant 0 : i32
      %dma_start3A_382 = tpu.memref_slice %arg10[%dma_start3A_379, %dma_start3A_380, %dma_start3A_381] : memref<4x128x16xf32, #tpu.memory_space<vmem>> -> memref<1x128x16xf32, #tpu.memory_space<vmem>>
      %dma_start3A_383 = tpu.memref_squeeze %dma_start3A_382 : memref<1x128x16xf32, #tpu.memory_space<vmem>> -> memref<128x16xf32, #tpu.memory_space<vmem>>
      %dma_start3A_384 = arith.constant 0 : i32
      %dma_start3A_385 = tpu.memref_slice %arg9[%add3A_367, %dma_start3A_384] : memref<80x128xi32, #tpu.memory_space<vmem>> -> memref<1x128xi32, #tpu.memory_space<vmem>>
      %dma_start3A_386 = tpu.memref_squeeze %dma_start3A_385 : memref<1x128xi32, #tpu.memory_space<vmem>> -> memref<128xi32, #tpu.memory_space<vmem>>
      %dma_start3A_387 = arith.constant 0 : i32
      %dma_start3A_388 = arith.constant 0 : i32
      %dma_start3A_389 = tpu.memref_slice %arg6[%dma_start3A_387, %dma_start3A_388] : memref<10240x16xf32, #tpu.memory_space<vmem_shared>> -> memref<10240x16xf32, #tpu.memory_space<vmem_shared>>
      tpu.enqueue_indirect_dma source(%dma_start3A_383 : memref<128x16xf32, #tpu.memory_space<vmem>>) target(%dma_start3A_389 : memref<10240x16xf32, #tpu.memory_space<vmem_shared>>) offsets(%dma_start3A_386 : memref<128xi32, #tpu.memory_space<vmem>>) semaphore(%arg18 : memref<!tpu.dma_semaphore, #tpu.memory_space<semaphore_mem>>) {add = true}
      %dma_wait3A_390 = arith.constant 3 : i32
      %dma_wait3A_391 = arith.constant 0 : i32
      %dma_wait3A_392 = arith.constant 0 : i32
      %dma_wait3A_393 = tpu.memref_slice %arg10[%dma_wait3A_390, %dma_wait3A_391, %dma_wait3A_392] : memref<4x128x16xf32, #tpu.memory_space<vmem>> -> memref<1x128x16xf32, #tpu.memory_space<vmem>>
      %dma_wait3A_394 = tpu.memref_squeeze %dma_wait3A_393 : memref<1x128x16xf32, #tpu.memory_space<vmem>> -> memref<128x16xf32, #tpu.memory_space<vmem>>
      %dma_wait3A_395 = arith.constant 0 : i32
      %dma_wait3A_396 = tpu.memref_slice %arg9[%add3A_367, %dma_wait3A_395] : memref<80x128xi32, #tpu.memory_space<vmem>> -> memref<1x128xi32, #tpu.memory_space<vmem>>
      %dma_wait3A_397 = tpu.memref_squeeze %dma_wait3A_396 : memref<1x128xi32, #tpu.memory_space<vmem>> -> memref<128xi32, #tpu.memory_space<vmem>>
      %dma_wait3A_398 = arith.constant 0 : i32
      %dma_wait3A_399 = arith.constant 0 : i32
      %dma_wait3A_400 = tpu.memref_slice %arg6[%dma_wait3A_398, %dma_wait3A_399] : memref<10240x16xf32, #tpu.memory_space<vmem_shared>> -> memref<10240x16xf32, #tpu.memory_space<vmem_shared>>
      tpu.wait_indirect_dma semaphore(%arg18 : memref<!tpu.dma_semaphore, #tpu.memory_space<semaphore_mem>>) src(%dma_wait3A_394 : memref<128x16xf32, #tpu.memory_space<vmem>>) dst(%dma_wait3A_400 : memref<10240x16xf32, #tpu.memory_space<vmem_shared>>)
      %add3A_401 = arith.constant 4 : i32
      %add3A_402 = arith.addi %add3A_367, %add3A_401 : i32
      %dma_start3A_403 = arith.constant 3 : i32
      %dma_start3A_404 = arith.constant 0 : i32
      %dma_start3A_405 = arith.constant 0 : i32
      %dma_start3A_406 = tpu.memref_slice %arg10[%dma_start3A_403, %dma_start3A_404, %dma_start3A_405] : memref<4x128x16xf32, #tpu.memory_space<vmem>> -> memref<1x128x16xf32, #tpu.memory_space<vmem>>
      %dma_start3A_407 = tpu.memref_squeeze %dma_start3A_406 : memref<1x128x16xf32, #tpu.memory_space<vmem>> -> memref<128x16xf32, #tpu.memory_space<vmem>>
      %dma_start3A_408 = arith.constant 0 : i32
      %dma_start3A_409 = tpu.memref_slice %arg8[%add3A_402, %dma_start3A_408] : memref<80x128xi32, #tpu.memory_space<vmem>> -> memref<1x128xi32, #tpu.memory_space<vmem>>
      %dma_start3A_410 = tpu.memref_squeeze %dma_start3A_409 : memref<1x128xi32, #tpu.memory_space<vmem>> -> memref<128xi32, #tpu.memory_space<vmem>>
      %dma_start3A_411 = arith.constant 0 : i32
      %dma_start3A_412 = arith.constant 0 : i32
      %dma_start3A_413 = tpu.memref_slice %arg2[%dma_start3A_411, %dma_start3A_412] : memref<10000x16xf32, #tpu.memory_space<hbm>> -> memref<10000x16xf32, #tpu.memory_space<hbm>>
      tpu.enqueue_indirect_dma source(%dma_start3A_413 : memref<10000x16xf32, #tpu.memory_space<hbm>>) target(%dma_start3A_407 : memref<128x16xf32, #tpu.memory_space<vmem>>) offsets(%dma_start3A_410 : memref<128xi32, #tpu.memory_space<vmem>>) semaphore(%arg14 : memref<!tpu.dma_semaphore, #tpu.memory_space<semaphore_mem>>)
    }
    %scan3A_64 = arith.constant 19 : i32
    %dma_wait3A = arith.constant 76 : i32
    %dma_wait3A_65 = arith.constant 0 : i32
    %dma_wait3A_66 = arith.constant 0 : i32
    %dma_wait3A_67 = arith.constant 0 : i32
    %dma_wait3A_68 = tpu.memref_slice %arg10[%dma_wait3A_65, %dma_wait3A_66, %dma_wait3A_67] : memref<4x128x16xf32, #tpu.memory_space<vmem>> -> memref<1x128x16xf32, #tpu.memory_space<vmem>>
    %dma_wait3A_69 = tpu.memref_squeeze %dma_wait3A_68 : memref<1x128x16xf32, #tpu.memory_space<vmem>> -> memref<128x16xf32, #tpu.memory_space<vmem>>
    %dma_wait3A_70 = arith.constant 0 : i32
    %dma_wait3A_71 = tpu.memref_slice %arg8[%dma_wait3A, %dma_wait3A_70] : memref<80x128xi32, #tpu.memory_space<vmem>> -> memref<1x128xi32, #tpu.memory_space<vmem>>
    %dma_wait3A_72 = tpu.memref_squeeze %dma_wait3A_71 : memref<1x128xi32, #tpu.memory_space<vmem>> -> memref<128xi32, #tpu.memory_space<vmem>>
    %dma_wait3A_73 = arith.constant 0 : i32
    %dma_wait3A_74 = arith.constant 0 : i32
    %dma_wait3A_75 = tpu.memref_slice %arg2[%dma_wait3A_73, %dma_wait3A_74] : memref<10000x16xf32, #tpu.memory_space<hbm>> -> memref<10000x16xf32, #tpu.memory_space<hbm>>
    tpu.wait_indirect_dma semaphore(%arg11 : memref<!tpu.dma_semaphore, #tpu.memory_space<semaphore_mem>>) src(%dma_wait3A_75 : memref<10000x16xf32, #tpu.memory_space<hbm>>) dst(%dma_wait3A_69 : memref<128x16xf32, #tpu.memory_space<vmem>>)
    %dma_start3A_76 = arith.constant 0 : i32
    %dma_start3A_77 = arith.constant 76 : i32
    %dma_start3A_78 = arith.constant 0 : i32
    %dma_start3A_79 = arith.constant 0 : i32
    %dma_start3A_80 = tpu.memref_slice %arg10[%dma_start3A_76, %dma_start3A_78, %dma_start3A_79] : memref<4x128x16xf32, #tpu.memory_space<vmem>> -> memref<1x128x16xf32, #tpu.memory_space<vmem>>
    %dma_start3A_81 = tpu.memref_squeeze %dma_start3A_80 : memref<1x128x16xf32, #tpu.memory_space<vmem>> -> memref<128x16xf32, #tpu.memory_space<vmem>>
    %dma_start3A_82 = arith.constant 0 : i32
    %dma_start3A_83 = tpu.memref_slice %arg9[%dma_start3A_77, %dma_start3A_82] : memref<80x128xi32, #tpu.memory_space<vmem>> -> memref<1x128xi32, #tpu.memory_space<vmem>>
    %dma_start3A_84 = tpu.memref_squeeze %dma_start3A_83 : memref<1x128xi32, #tpu.memory_space<vmem>> -> memref<128xi32, #tpu.memory_space<vmem>>
    %dma_start3A_85 = arith.constant 0 : i32
    %dma_start3A_86 = arith.constant 0 : i32
    %dma_start3A_87 = tpu.memref_slice %arg6[%dma_start3A_85, %dma_start3A_86] : memref<10240x16xf32, #tpu.memory_space<vmem_shared>> -> memref<10240x16xf32, #tpu.memory_space<vmem_shared>>
    tpu.enqueue_indirect_dma source(%dma_start3A_81 : memref<128x16xf32, #tpu.memory_space<vmem>>) target(%dma_start3A_87 : memref<10240x16xf32, #tpu.memory_space<vmem_shared>>) offsets(%dma_start3A_84 : memref<128xi32, #tpu.memory_space<vmem>>) semaphore(%arg15 : memref<!tpu.dma_semaphore, #tpu.memory_space<semaphore_mem>>) {add = true}
    %dma_wait3A_88 = arith.constant 0 : i32
    %dma_wait3A_89 = arith.constant 76 : i32
    %dma_wait3A_90 = arith.constant 0 : i32
    %dma_wait3A_91 = arith.constant 0 : i32
    %dma_wait3A_92 = tpu.memref_slice %arg10[%dma_wait3A_88, %dma_wait3A_90, %dma_wait3A_91] : memref<4x128x16xf32, #tpu.memory_space<vmem>> -> memref<1x128x16xf32, #tpu.memory_space<vmem>>
    %dma_wait3A_93 = tpu.memref_squeeze %dma_wait3A_92 : memref<1x128x16xf32, #tpu.memory_space<vmem>> -> memref<128x16xf32, #tpu.memory_space<vmem>>
    %dma_wait3A_94 = arith.constant 0 : i32
    %dma_wait3A_95 = tpu.memref_slice %arg9[%dma_wait3A_89, %dma_wait3A_94] : memref<80x128xi32, #tpu.memory_space<vmem>> -> memref<1x128xi32, #tpu.memory_space<vmem>>
    %dma_wait3A_96 = tpu.memref_squeeze %dma_wait3A_95 : memref<1x128xi32, #tpu.memory_space<vmem>> -> memref<128xi32, #tpu.memory_space<vmem>>
    %dma_wait3A_97 = arith.constant 0 : i32
    %dma_wait3A_98 = arith.constant 0 : i32
    %dma_wait3A_99 = tpu.memref_slice %arg6[%dma_wait3A_97, %dma_wait3A_98] : memref<10240x16xf32, #tpu.memory_space<vmem_shared>> -> memref<10240x16xf32, #tpu.memory_space<vmem_shared>>
    tpu.wait_indirect_dma semaphore(%arg15 : memref<!tpu.dma_semaphore, #tpu.memory_space<semaphore_mem>>) src(%dma_wait3A_93 : memref<128x16xf32, #tpu.memory_space<vmem>>) dst(%dma_wait3A_99 : memref<10240x16xf32, #tpu.memory_space<vmem_shared>>)
    %dma_wait3A_100 = arith.constant 77 : i32
    %dma_wait3A_101 = arith.constant 1 : i32
    %dma_wait3A_102 = arith.constant 0 : i32
    %dma_wait3A_103 = arith.constant 0 : i32
    %dma_wait3A_104 = tpu.memref_slice %arg10[%dma_wait3A_101, %dma_wait3A_102, %dma_wait3A_103] : memref<4x128x16xf32, #tpu.memory_space<vmem>> -> memref<1x128x16xf32, #tpu.memory_space<vmem>>
    %dma_wait3A_105 = tpu.memref_squeeze %dma_wait3A_104 : memref<1x128x16xf32, #tpu.memory_space<vmem>> -> memref<128x16xf32, #tpu.memory_space<vmem>>
    %dma_wait3A_106 = arith.constant 0 : i32
    %dma_wait3A_107 = tpu.memref_slice %arg8[%dma_wait3A_100, %dma_wait3A_106] : memref<80x128xi32, #tpu.memory_space<vmem>> -> memref<1x128xi32, #tpu.memory_space<vmem>>
    %dma_wait3A_108 = tpu.memref_squeeze %dma_wait3A_107 : memref<1x128xi32, #tpu.memory_space<vmem>> -> memref<128xi32, #tpu.memory_space<vmem>>
    %dma_wait3A_109 = arith.constant 0 : i32
    %dma_wait3A_110 = arith.constant 0 : i32
    %dma_wait3A_111 = tpu.memref_slice %arg2[%dma_wait3A_109, %dma_wait3A_110] : memref<10000x16xf32, #tpu.memory_space<hbm>> -> memref<10000x16xf32, #tpu.memory_space<hbm>>
    tpu.wait_indirect_dma semaphore(%arg12 : memref<!tpu.dma_semaphore, #tpu.memory_space<semaphore_mem>>) src(%dma_wait3A_111 : memref<10000x16xf32, #tpu.memory_space<hbm>>) dst(%dma_wait3A_105 : memref<128x16xf32, #tpu.memory_space<vmem>>)
    %dma_start3A_112 = arith.constant 1 : i32
    %dma_start3A_113 = arith.constant 77 : i32
    %dma_start3A_114 = arith.constant 0 : i32
    %dma_start3A_115 = arith.constant 0 : i32
    %dma_start3A_116 = tpu.memref_slice %arg10[%dma_start3A_112, %dma_start3A_114, %dma_start3A_115] : memref<4x128x16xf32, #tpu.memory_space<vmem>> -> memref<1x128x16xf32, #tpu.memory_space<vmem>>
    %dma_start3A_117 = tpu.memref_squeeze %dma_start3A_116 : memref<1x128x16xf32, #tpu.memory_space<vmem>> -> memref<128x16xf32, #tpu.memory_space<vmem>>
    %dma_start3A_118 = arith.constant 0 : i32
    %dma_start3A_119 = tpu.memref_slice %arg9[%dma_start3A_113, %dma_start3A_118] : memref<80x128xi32, #tpu.memory_space<vmem>> -> memref<1x128xi32, #tpu.memory_space<vmem>>
    %dma_start3A_120 = tpu.memref_squeeze %dma_start3A_119 : memref<1x128xi32, #tpu.memory_space<vmem>> -> memref<128xi32, #tpu.memory_space<vmem>>
    %dma_start3A_121 = arith.constant 0 : i32
    %dma_start3A_122 = arith.constant 0 : i32
    %dma_start3A_123 = tpu.memref_slice %arg6[%dma_start3A_121, %dma_start3A_122] : memref<10240x16xf32, #tpu.memory_space<vmem_shared>> -> memref<10240x16xf32, #tpu.memory_space<vmem_shared>>
    tpu.enqueue_indirect_dma source(%dma_start3A_117 : memref<128x16xf32, #tpu.memory_space<vmem>>) target(%dma_start3A_123 : memref<10240x16xf32, #tpu.memory_space<vmem_shared>>) offsets(%dma_start3A_120 : memref<128xi32, #tpu.memory_space<vmem>>) semaphore(%arg16 : memref<!tpu.dma_semaphore, #tpu.memory_space<semaphore_mem>>) {add = true}
    %dma_wait3A_124 = arith.constant 1 : i32
    %dma_wait3A_125 = arith.constant 77 : i32
    %dma_wait3A_126 = arith.constant 0 : i32
    %dma_wait3A_127 = arith.constant 0 : i32
    %dma_wait3A_128 = tpu.memref_slice %arg10[%dma_wait3A_124, %dma_wait3A_126, %dma_wait3A_127] : memref<4x128x16xf32, #tpu.memory_space<vmem>> -> memref<1x128x16xf32, #tpu.memory_space<vmem>>
    %dma_wait3A_129 = tpu.memref_squeeze %dma_wait3A_128 : memref<1x128x16xf32, #tpu.memory_space<vmem>> -> memref<128x16xf32, #tpu.memory_space<vmem>>
    %dma_wait3A_130 = arith.constant 0 : i32
    %dma_wait3A_131 = tpu.memref_slice %arg9[%dma_wait3A_125, %dma_wait3A_130] : memref<80x128xi32, #tpu.memory_space<vmem>> -> memref<1x128xi32, #tpu.memory_space<vmem>>
    %dma_wait3A_132 = tpu.memref_squeeze %dma_wait3A_131 : memref<1x128xi32, #tpu.memory_space<vmem>> -> memref<128xi32, #tpu.memory_space<vmem>>
    %dma_wait3A_133 = arith.constant 0 : i32
    %dma_wait3A_134 = arith.constant 0 : i32
    %dma_wait3A_135 = tpu.memref_slice %arg6[%dma_wait3A_133, %dma_wait3A_134] : memref<10240x16xf32, #tpu.memory_space<vmem_shared>> -> memref<10240x16xf32, #tpu.memory_space<vmem_shared>>
    tpu.wait_indirect_dma semaphore(%arg16 : memref<!tpu.dma_semaphore, #tpu.memory_space<semaphore_mem>>) src(%dma_wait3A_129 : memref<128x16xf32, #tpu.memory_space<vmem>>) dst(%dma_wait3A_135 : memref<10240x16xf32, #tpu.memory_space<vmem_shared>>)
    %dma_wait3A_136 = arith.constant 78 : i32
    %dma_wait3A_137 = arith.constant 2 : i32
    %dma_wait3A_138 = arith.constant 0 : i32
    %dma_wait3A_139 = arith.constant 0 : i32
    %dma_wait3A_140 = tpu.memref_slice %arg10[%dma_wait3A_137, %dma_wait3A_138, %dma_wait3A_139] : memref<4x128x16xf32, #tpu.memory_space<vmem>> -> memref<1x128x16xf32, #tpu.memory_space<vmem>>
    %dma_wait3A_141 = tpu.memref_squeeze %dma_wait3A_140 : memref<1x128x16xf32, #tpu.memory_space<vmem>> -> memref<128x16xf32, #tpu.memory_space<vmem>>
    %dma_wait3A_142 = arith.constant 0 : i32
    %dma_wait3A_143 = tpu.memref_slice %arg8[%dma_wait3A_136, %dma_wait3A_142] : memref<80x128xi32, #tpu.memory_space<vmem>> -> memref<1x128xi32, #tpu.memory_space<vmem>>
    %dma_wait3A_144 = tpu.memref_squeeze %dma_wait3A_143 : memref<1x128xi32, #tpu.memory_space<vmem>> -> memref<128xi32, #tpu.memory_space<vmem>>
    %dma_wait3A_145 = arith.constant 0 : i32
    %dma_wait3A_146 = arith.constant 0 : i32
    %dma_wait3A_147 = tpu.memref_slice %arg2[%dma_wait3A_145, %dma_wait3A_146] : memref<10000x16xf32, #tpu.memory_space<hbm>> -> memref<10000x16xf32, #tpu.memory_space<hbm>>
    tpu.wait_indirect_dma semaphore(%arg13 : memref<!tpu.dma_semaphore, #tpu.memory_space<semaphore_mem>>) src(%dma_wait3A_147 : memref<10000x16xf32, #tpu.memory_space<hbm>>) dst(%dma_wait3A_141 : memref<128x16xf32, #tpu.memory_space<vmem>>)
    %dma_start3A_148 = arith.constant 2 : i32
    %dma_start3A_149 = arith.constant 78 : i32
    %dma_start3A_150 = arith.constant 0 : i32
    %dma_start3A_151 = arith.constant 0 : i32
    %dma_start3A_152 = tpu.memref_slice %arg10[%dma_start3A_148, %dma_start3A_150, %dma_start3A_151] : memref<4x128x16xf32, #tpu.memory_space<vmem>> -> memref<1x128x16xf32, #tpu.memory_space<vmem>>
    %dma_start3A_153 = tpu.memref_squeeze %dma_start3A_152 : memref<1x128x16xf32, #tpu.memory_space<vmem>> -> memref<128x16xf32, #tpu.memory_space<vmem>>
    %dma_start3A_154 = arith.constant 0 : i32
    %dma_start3A_155 = tpu.memref_slice %arg9[%dma_start3A_149, %dma_start3A_154] : memref<80x128xi32, #tpu.memory_space<vmem>> -> memref<1x128xi32, #tpu.memory_space<vmem>>
    %dma_start3A_156 = tpu.memref_squeeze %dma_start3A_155 : memref<1x128xi32, #tpu.memory_space<vmem>> -> memref<128xi32, #tpu.memory_space<vmem>>
    %dma_start3A_157 = arith.constant 0 : i32
    %dma_start3A_158 = arith.constant 0 : i32
    %dma_start3A_159 = tpu.memref_slice %arg6[%dma_start3A_157, %dma_start3A_158] : memref<10240x16xf32, #tpu.memory_space<vmem_shared>> -> memref<10240x16xf32, #tpu.memory_space<vmem_shared>>
    tpu.enqueue_indirect_dma source(%dma_start3A_153 : memref<128x16xf32, #tpu.memory_space<vmem>>) target(%dma_start3A_159 : memref<10240x16xf32, #tpu.memory_space<vmem_shared>>) offsets(%dma_start3A_156 : memref<128xi32, #tpu.memory_space<vmem>>) semaphore(%arg17 : memref<!tpu.dma_semaphore, #tpu.memory_space<semaphore_mem>>) {add = true}
    %dma_wait3A_160 = arith.constant 2 : i32
    %dma_wait3A_161 = arith.constant 78 : i32
    %dma_wait3A_162 = arith.constant 0 : i32
    %dma_wait3A_163 = arith.constant 0 : i32
    %dma_wait3A_164 = tpu.memref_slice %arg10[%dma_wait3A_160, %dma_wait3A_162, %dma_wait3A_163] : memref<4x128x16xf32, #tpu.memory_space<vmem>> -> memref<1x128x16xf32, #tpu.memory_space<vmem>>
    %dma_wait3A_165 = tpu.memref_squeeze %dma_wait3A_164 : memref<1x128x16xf32, #tpu.memory_space<vmem>> -> memref<128x16xf32, #tpu.memory_space<vmem>>
    %dma_wait3A_166 = arith.constant 0 : i32
    %dma_wait3A_167 = tpu.memref_slice %arg9[%dma_wait3A_161, %dma_wait3A_166] : memref<80x128xi32, #tpu.memory_space<vmem>> -> memref<1x128xi32, #tpu.memory_space<vmem>>
    %dma_wait3A_168 = tpu.memref_squeeze %dma_wait3A_167 : memref<1x128xi32, #tpu.memory_space<vmem>> -> memref<128xi32, #tpu.memory_space<vmem>>
    %dma_wait3A_169 = arith.constant 0 : i32
    %dma_wait3A_170 = arith.constant 0 : i32
    %dma_wait3A_171 = tpu.memref_slice %arg6[%dma_wait3A_169, %dma_wait3A_170] : memref<10240x16xf32, #tpu.memory_space<vmem_shared>> -> memref<10240x16xf32, #tpu.memory_space<vmem_shared>>
    tpu.wait_indirect_dma semaphore(%arg17 : memref<!tpu.dma_semaphore, #tpu.memory_space<semaphore_mem>>) src(%dma_wait3A_165 : memref<128x16xf32, #tpu.memory_space<vmem>>) dst(%dma_wait3A_171 : memref<10240x16xf32, #tpu.memory_space<vmem_shared>>)
    %dma_wait3A_172 = arith.constant 79 : i32
    %dma_wait3A_173 = arith.constant 3 : i32
    %dma_wait3A_174 = arith.constant 0 : i32
    %dma_wait3A_175 = arith.constant 0 : i32
    %dma_wait3A_176 = tpu.memref_slice %arg10[%dma_wait3A_173, %dma_wait3A_174, %dma_wait3A_175] : memref<4x128x16xf32, #tpu.memory_space<vmem>> -> memref<1x128x16xf32, #tpu.memory_space<vmem>>
    %dma_wait3A_177 = tpu.memref_squeeze %dma_wait3A_176 : memref<1x128x16xf32, #tpu.memory_space<vmem>> -> memref<128x16xf32, #tpu.memory_space<vmem>>
    %dma_wait3A_178 = arith.constant 0 : i32
    %dma_wait3A_179 = tpu.memref_slice %arg8[%dma_wait3A_172, %dma_wait3A_178] : memref<80x128xi32, #tpu.memory_space<vmem>> -> memref<1x128xi32, #tpu.memory_space<vmem>>
    %dma_wait3A_180 = tpu.memref_squeeze %dma_wait3A_179 : memref<1x128xi32, #tpu.memory_space<vmem>> -> memref<128xi32, #tpu.memory_space<vmem>>
    %dma_wait3A_181 = arith.constant 0 : i32
    %dma_wait3A_182 = arith.constant 0 : i32
    %dma_wait3A_183 = tpu.memref_slice %arg2[%dma_wait3A_181, %dma_wait3A_182] : memref<10000x16xf32, #tpu.memory_space<hbm>> -> memref<10000x16xf32, #tpu.memory_space<hbm>>
    tpu.wait_indirect_dma semaphore(%arg14 : memref<!tpu.dma_semaphore, #tpu.memory_space<semaphore_mem>>) src(%dma_wait3A_183 : memref<10000x16xf32, #tpu.memory_space<hbm>>) dst(%dma_wait3A_177 : memref<128x16xf32, #tpu.memory_space<vmem>>)
    %dma_start3A_184 = arith.constant 3 : i32
    %dma_start3A_185 = arith.constant 79 : i32
    %dma_start3A_186 = arith.constant 0 : i32
    %dma_start3A_187 = arith.constant 0 : i32
    %dma_start3A_188 = tpu.memref_slice %arg10[%dma_start3A_184, %dma_start3A_186, %dma_start3A_187] : memref<4x128x16xf32, #tpu.memory_space<vmem>> -> memref<1x128x16xf32, #tpu.memory_space<vmem>>
    %dma_start3A_189 = tpu.memref_squeeze %dma_start3A_188 : memref<1x128x16xf32, #tpu.memory_space<vmem>> -> memref<128x16xf32, #tpu.memory_space<vmem>>
    %dma_start3A_190 = arith.constant 0 : i32
    %dma_start3A_191 = tpu.memref_slice %arg9[%dma_start3A_185, %dma_start3A_190] : memref<80x128xi32, #tpu.memory_space<vmem>> -> memref<1x128xi32, #tpu.memory_space<vmem>>
    %dma_start3A_192 = tpu.memref_squeeze %dma_start3A_191 : memref<1x128xi32, #tpu.memory_space<vmem>> -> memref<128xi32, #tpu.memory_space<vmem>>
    %dma_start3A_193 = arith.constant 0 : i32
    %dma_start3A_194 = arith.constant 0 : i32
    %dma_start3A_195 = tpu.memref_slice %arg6[%dma_start3A_193, %dma_start3A_194] : memref<10240x16xf32, #tpu.memory_space<vmem_shared>> -> memref<10240x16xf32, #tpu.memory_space<vmem_shared>>
    tpu.enqueue_indirect_dma source(%dma_start3A_189 : memref<128x16xf32, #tpu.memory_space<vmem>>) target(%dma_start3A_195 : memref<10240x16xf32, #tpu.memory_space<vmem_shared>>) offsets(%dma_start3A_192 : memref<128xi32, #tpu.memory_space<vmem>>) semaphore(%arg18 : memref<!tpu.dma_semaphore, #tpu.memory_space<semaphore_mem>>) {add = true}
    %dma_wait3A_196 = arith.constant 3 : i32
    %dma_wait3A_197 = arith.constant 79 : i32
    %dma_wait3A_198 = arith.constant 0 : i32
    %dma_wait3A_199 = arith.constant 0 : i32
    %dma_wait3A_200 = tpu.memref_slice %arg10[%dma_wait3A_196, %dma_wait3A_198, %dma_wait3A_199] : memref<4x128x16xf32, #tpu.memory_space<vmem>> -> memref<1x128x16xf32, #tpu.memory_space<vmem>>
    %dma_wait3A_201 = tpu.memref_squeeze %dma_wait3A_200 : memref<1x128x16xf32, #tpu.memory_space<vmem>> -> memref<128x16xf32, #tpu.memory_space<vmem>>
    %dma_wait3A_202 = arith.constant 0 : i32
    %dma_wait3A_203 = tpu.memref_slice %arg9[%dma_wait3A_197, %dma_wait3A_202] : memref<80x128xi32, #tpu.memory_space<vmem>> -> memref<1x128xi32, #tpu.memory_space<vmem>>
    %dma_wait3A_204 = tpu.memref_squeeze %dma_wait3A_203 : memref<1x128xi32, #tpu.memory_space<vmem>> -> memref<128xi32, #tpu.memory_space<vmem>>
    %dma_wait3A_205 = arith.constant 0 : i32
    %dma_wait3A_206 = arith.constant 0 : i32
    %dma_wait3A_207 = tpu.memref_slice %arg6[%dma_wait3A_205, %dma_wait3A_206] : memref<10240x16xf32, #tpu.memory_space<vmem_shared>> -> memref<10240x16xf32, #tpu.memory_space<vmem_shared>>
    tpu.wait_indirect_dma semaphore(%arg18 : memref<!tpu.dma_semaphore, #tpu.memory_space<semaphore_mem>>) src(%dma_wait3A_201 : memref<128x16xf32, #tpu.memory_space<vmem>>) dst(%dma_wait3A_207 : memref<10240x16xf32, #tpu.memory_space<vmem_shared>>)
    %barrier3A_208 = arith.constant 0 : index
    tpu.barrier barrier_id(%barrier3A_208)
    %mul3A_209 = arith.constant 640 : i32
    %mul3A_210 = arith.muli %arg1, %mul3A_209 : i32
    %mul3A_211 = arith.constant 640 : i32
    %mul3A_212 = arith.muli %arg1, %mul3A_211 : i32
    "tpu.region"() ({
      %run_scoped3A = tpu.sem_alloc : memref<!tpu.dma_semaphore, #tpu.memory_space<semaphore_mem>>
      %dma_start3A_213 = arith.constant 0 : i32
      %dma_start3A_214 = tpu.memref_slice %arg5[%arg0, %mul3A_212, %dma_start3A_213] : memref<2x10240x16xf32, #tpu.memory_space<hbm>> -> memref<1x640x16xf32, #tpu.memory_space<hbm>>
      %dma_start3A_215 = tpu.memref_squeeze %dma_start3A_214 : memref<1x640x16xf32, #tpu.memory_space<hbm>> -> memref<640x16xf32, #tpu.memory_space<hbm>>
      %dma_start3A_216 = arith.constant 0 : i32
      %dma_start3A_217 = tpu.memref_slice %arg6[%mul3A_210, %dma_start3A_216] : memref<10240x16xf32, #tpu.memory_space<vmem_shared>> -> memref<640x16xf32, #tpu.memory_space<vmem_shared>>
      tpu.enqueue_dma source(%dma_start3A_217 : memref<640x16xf32, #tpu.memory_space<vmem_shared>>) target(%dma_start3A_215 : memref<640x16xf32, #tpu.memory_space<hbm>>) target_semaphore(%run_scoped3A : memref<!tpu.dma_semaphore, #tpu.memory_space<semaphore_mem>>)
      %dma_wait3A_218 = arith.constant 0 : i32
      %dma_wait3A_219 = tpu.memref_slice %arg5[%arg0, %mul3A_212, %dma_wait3A_218] : memref<2x10240x16xf32, #tpu.memory_space<hbm>> -> memref<1x640x16xf32, #tpu.memory_space<hbm>>
      %dma_wait3A_220 = tpu.memref_squeeze %dma_wait3A_219 : memref<1x640x16xf32, #tpu.memory_space<hbm>> -> memref<640x16xf32, #tpu.memory_space<hbm>>
      %dma_wait3A_221 = arith.constant 0 : i32
      %dma_wait3A_222 = tpu.memref_slice %arg6[%mul3A_210, %dma_wait3A_221] : memref<10240x16xf32, #tpu.memory_space<vmem_shared>> -> memref<640x16xf32, #tpu.memory_space<vmem_shared>>
      tpu.wait_dma2 semaphore(%run_scoped3A : memref<!tpu.dma_semaphore, #tpu.memory_space<semaphore_mem>>) src(%dma_wait3A_222 : memref<640x16xf32, #tpu.memory_space<vmem_shared>>) dst(%dma_wait3A_220 : memref<640x16xf32, #tpu.memory_space<hbm>>)
      tpu.yield
    }) : () -> ()
    return
  }
}

#map = affine_map<(d0, d1) -> (0, 0)>
#map1 = affine_map<(d0, d1) -> (0, 0, 0)>
module attributes {stable_mosaic.version = 14 : i64} {
  func.func @_agg_kernel(%arg0: i32, %arg1: i32, %arg2: memref<10000x16xf32, #tpu.memory_space<hbm>>, %arg3: memref<2560x128xi32, #tpu.memory_space<hbm>>, %arg4: memref<2560x128xi32, #tpu.memory_space<hbm>>, %arg5: memref<2x10240x16xf32, #tpu.memory_space<hbm>>, %arg6: memref<10240x16xf32, #tpu.memory_space<vmem_shared>>, %arg7: memref<640x16xf32, #tpu.memory_space<vmem>>, %arg8: memref<80x128xi32, #tpu.memory_space<vmem>>, %arg9: memref<80x128xi32, #tpu.memory_space<vmem>>, %arg10: memref<4x128x16xf32, #tpu.memory_space<vmem>>, %arg11: memref<!tpu.dma_semaphore, #tpu.memory_space<semaphore_mem>>, %arg12: memref<!tpu.dma_semaphore, #tpu.memory_space<semaphore_mem>>, %arg13: memref<!tpu.dma_semaphore, #tpu.memory_space<semaphore_mem>>, %arg14: memref<!tpu.dma_semaphore, #tpu.memory_space<semaphore_mem>>, %arg15: memref<!tpu.dma_semaphore, #tpu.memory_space<semaphore_mem>>, %arg16: memref<!tpu.dma_semaphore, #tpu.memory_space<semaphore_mem>>, %arg17: memref<!tpu.dma_semaphore, #tpu.memory_space<semaphore_mem>>, %arg18: memref<!tpu.dma_semaphore, #tpu.memory_space<semaphore_mem>>) attributes {dimension_semantics = [#tpu.dimension_semantics<core_parallel>, #tpu.dimension_semantics<subcore_parallel>], iteration_bounds = array<i64: 2, 16>, scalar_prefetch = 0 : i64, scratch_operands = 13 : i64, tpu.core_type = #tpu.core_type<sc_vector_subcore>, window_params = [{transform_indices = #map}, {transform_indices = #map}, {transform_indices = #map}, {transform_indices = #map1}]} {
    %mul3A = arith.constant 16 : i32
    %mul3A_0 = arith.muli %arg0, %mul3A : i32
    %add3A = arith.addi %mul3A_0, %arg1 : i32
    %scan3A = arith.constant 0 : i32
    %scan3A_1 = arith.constant 0 : i32
    %scan3A_2 = arith.constant 640 : i32
    %scan3A_3 = arith.addi %scan3A_1, %scan3A_2 : i32
    %scan3A_4 = arith.constant 1 : i32
    scf.for %scan3A_213 = %scan3A_1 to %scan3A_3 step %scan3A_4  : i32 {
      %broadcast_in_dim3A = arith.constant 0.000000e+00 : f32
      %broadcast_in_dim3A_214 = vector.broadcast %broadcast_in_dim3A : f32 to vector<16xf32>
      %swap3A = arith.index_cast %scan3A_213 : i32 to index
      %swap3A_215 = arith.constant 0 : index
      %swap3A_216 = tpu.vector_load %arg7[%swap3A, %swap3A_215] {strides = array<i32>} : memref<640x16xf32, #tpu.memory_space<vmem>>, vector<16xf32>,
      tpu.vector_store %arg7[%swap3A, %swap3A_215], %broadcast_in_dim3A_214 {strides = array<i32>} : memref<640x16xf32, #tpu.memory_space<vmem>>, vector<16xf32>,
    }
    %scan3A_5 = arith.constant 640 : i32
    %mul3A_6 = arith.constant 640 : i32
    %mul3A_7 = arith.muli %arg1, %mul3A_6 : i32
    "tpu.region"() ({
      %run_scoped3A = tpu.sem_alloc : memref<!tpu.dma_semaphore, #tpu.memory_space<semaphore_mem>>
      %dma_start3A_213 = arith.constant 0 : i32
      %dma_start3A_214 = tpu.memref_slice %arg6[%mul3A_7, %dma_start3A_213] : memref<10240x16xf32, #tpu.memory_space<vmem_shared>> -> memref<640x16xf32, #tpu.memory_space<vmem_shared>>
      %dma_start3A_215 = arith.constant 0 : i32
      %dma_start3A_216 = tpu.memref_slice %arg6[%mul3A_7, %dma_start3A_215] : memref<10240x16xf32, #tpu.memory_space<vmem_shared>> -> memref<640x16xf32, #tpu.memory_space<vmem_shared>>
      tpu.enqueue_dma source(%arg7 : memref<640x16xf32, #tpu.memory_space<vmem>>) target(%dma_start3A_216 : memref<640x16xf32, #tpu.memory_space<vmem_shared>>) target_semaphore(%run_scoped3A : memref<!tpu.dma_semaphore, #tpu.memory_space<semaphore_mem>>)
      %dma_wait3A_217 = arith.constant 0 : i32
      %dma_wait3A_218 = tpu.memref_slice %arg6[%mul3A_7, %dma_wait3A_217] : memref<10240x16xf32, #tpu.memory_space<vmem_shared>> -> memref<640x16xf32, #tpu.memory_space<vmem_shared>>
      %dma_wait3A_219 = arith.constant 0 : i32
      %dma_wait3A_220 = tpu.memref_slice %arg6[%mul3A_7, %dma_wait3A_219] : memref<10240x16xf32, #tpu.memory_space<vmem_shared>> -> memref<640x16xf32, #tpu.memory_space<vmem_shared>>
      tpu.wait_dma2 semaphore(%run_scoped3A : memref<!tpu.dma_semaphore, #tpu.memory_space<semaphore_mem>>) src(%arg7 : memref<640x16xf32, #tpu.memory_space<vmem>>) dst(%dma_wait3A_220 : memref<640x16xf32, #tpu.memory_space<vmem_shared>>)
      tpu.yield
    }) : () -> ()
    %mul3A_8 = arith.constant 80 : i32
    %mul3A_9 = arith.muli %add3A, %mul3A_8 : i32
    "tpu.region"() ({
      %run_scoped3A = tpu.sem_alloc : memref<!tpu.dma_semaphore, #tpu.memory_space<semaphore_mem>>
      %dma_start3A_213 = arith.constant 0 : i32
      %dma_start3A_214 = tpu.memref_slice %arg3[%mul3A_9, %dma_start3A_213] : memref<2560x128xi32, #tpu.memory_space<hbm>> -> memref<80x128xi32, #tpu.memory_space<hbm>>
      %dma_start3A_215 = arith.constant 0 : i32
      %dma_start3A_216 = tpu.memref_slice %arg3[%mul3A_9, %dma_start3A_215] : memref<2560x128xi32, #tpu.memory_space<hbm>> -> memref<80x128xi32, #tpu.memory_space<hbm>>
      tpu.enqueue_dma source(%dma_start3A_216 : memref<80x128xi32, #tpu.memory_space<hbm>>) target(%arg8 : memref<80x128xi32, #tpu.memory_space<vmem>>) target_semaphore(%run_scoped3A : memref<!tpu.dma_semaphore, #tpu.memory_space<semaphore_mem>>)
      %dma_wait3A_217 = arith.constant 0 : i32
      %dma_wait3A_218 = tpu.memref_slice %arg3[%mul3A_9, %dma_wait3A_217] : memref<2560x128xi32, #tpu.memory_space<hbm>> -> memref<80x128xi32, #tpu.memory_space<hbm>>
      %dma_wait3A_219 = arith.constant 0 : i32
      %dma_wait3A_220 = tpu.memref_slice %arg3[%mul3A_9, %dma_wait3A_219] : memref<2560x128xi32, #tpu.memory_space<hbm>> -> memref<80x128xi32, #tpu.memory_space<hbm>>
      tpu.wait_dma2 semaphore(%run_scoped3A : memref<!tpu.dma_semaphore, #tpu.memory_space<semaphore_mem>>) src(%dma_wait3A_220 : memref<80x128xi32, #tpu.memory_space<hbm>>) dst(%arg8 : memref<80x128xi32, #tpu.memory_space<vmem>>)
      tpu.yield
    }) : () -> ()
    %mul3A_10 = arith.constant 80 : i32
    %mul3A_11 = arith.muli %add3A, %mul3A_10 : i32
    "tpu.region"() ({
      %run_scoped3A = tpu.sem_alloc : memref<!tpu.dma_semaphore, #tpu.memory_space<semaphore_mem>>
      %dma_start3A_213 = arith.constant 0 : i32
      %dma_start3A_214 = tpu.memref_slice %arg4[%mul3A_11, %dma_start3A_213] : memref<2560x128xi32, #tpu.memory_space<hbm>> -> memref<80x128xi32, #tpu.memory_space<hbm>>
      %dma_start3A_215 = arith.constant 0 : i32
      %dma_start3A_216 = tpu.memref_slice %arg4[%mul3A_11, %dma_start3A_215] : memref<2560x128xi32, #tpu.memory_space<hbm>> -> memref<80x128xi32, #tpu.memory_space<hbm>>
      tpu.enqueue_dma source(%dma_start3A_216 : memref<80x128xi32, #tpu.memory_space<hbm>>) target(%arg9 : memref<80x128xi32, #tpu.memory_space<vmem>>) target_semaphore(%run_scoped3A : memref<!tpu.dma_semaphore, #tpu.memory_space<semaphore_mem>>)
      %dma_wait3A_217 = arith.constant 0 : i32
      %dma_wait3A_218 = tpu.memref_slice %arg4[%mul3A_11, %dma_wait3A_217] : memref<2560x128xi32, #tpu.memory_space<hbm>> -> memref<80x128xi32, #tpu.memory_space<hbm>>
      %dma_wait3A_219 = arith.constant 0 : i32
      %dma_wait3A_220 = tpu.memref_slice %arg4[%mul3A_11, %dma_wait3A_219] : memref<2560x128xi32, #tpu.memory_space<hbm>> -> memref<80x128xi32, #tpu.memory_space<hbm>>
      tpu.wait_dma2 semaphore(%run_scoped3A : memref<!tpu.dma_semaphore, #tpu.memory_space<semaphore_mem>>) src(%dma_wait3A_220 : memref<80x128xi32, #tpu.memory_space<hbm>>) dst(%arg9 : memref<80x128xi32, #tpu.memory_space<vmem>>)
      tpu.yield
    }) : () -> ()
    %barrier3A = arith.constant 0 : index
    tpu.barrier barrier_id(%barrier3A)
    %dma_start3A = arith.constant 0 : i32
    %dma_start3A_12 = arith.constant 0 : i32
    %dma_start3A_13 = arith.constant 0 : i32
    %dma_start3A_14 = arith.constant 0 : i32
    %dma_start3A_15 = tpu.memref_slice %arg10[%dma_start3A_12, %dma_start3A_13, %dma_start3A_14] : memref<4x128x16xf32, #tpu.memory_space<vmem>> -> memref<1x128x16xf32, #tpu.memory_space<vmem>>
    %dma_start3A_16 = tpu.memref_squeeze %dma_start3A_15 : memref<1x128x16xf32, #tpu.memory_space<vmem>> -> memref<128x16xf32, #tpu.memory_space<vmem>>
    %dma_start3A_17 = arith.constant 0 : i32
    %dma_start3A_18 = tpu.memref_slice %arg8[%dma_start3A, %dma_start3A_17] : memref<80x128xi32, #tpu.memory_space<vmem>> -> memref<1x128xi32, #tpu.memory_space<vmem>>
    %dma_start3A_19 = tpu.memref_squeeze %dma_start3A_18 : memref<1x128xi32, #tpu.memory_space<vmem>> -> memref<128xi32, #tpu.memory_space<vmem>>
    %dma_start3A_20 = arith.constant 0 : i32
    %dma_start3A_21 = arith.constant 0 : i32
    %dma_start3A_22 = tpu.memref_slice %arg2[%dma_start3A_20, %dma_start3A_21] : memref<10000x16xf32, #tpu.memory_space<hbm>> -> memref<10000x16xf32, #tpu.memory_space<hbm>>
    tpu.enqueue_indirect_dma source(%dma_start3A_22 : memref<10000x16xf32, #tpu.memory_space<hbm>>) target(%dma_start3A_16 : memref<128x16xf32, #tpu.memory_space<vmem>>) offsets(%dma_start3A_19 : memref<128xi32, #tpu.memory_space<vmem>>) semaphore(%arg11 : memref<!tpu.dma_semaphore, #tpu.memory_space<semaphore_mem>>)
    %dma_start3A_23 = arith.constant 1 : i32
    %dma_start3A_24 = arith.constant 1 : i32
    %dma_start3A_25 = arith.constant 0 : i32
    %dma_start3A_26 = arith.constant 0 : i32
    %dma_start3A_27 = tpu.memref_slice %arg10[%dma_start3A_24, %dma_start3A_25, %dma_start3A_26] : memref<4x128x16xf32, #tpu.memory_space<vmem>> -> memref<1x128x16xf32, #tpu.memory_space<vmem>>
    %dma_start3A_28 = tpu.memref_squeeze %dma_start3A_27 : memref<1x128x16xf32, #tpu.memory_space<vmem>> -> memref<128x16xf32, #tpu.memory_space<vmem>>
    %dma_start3A_29 = arith.constant 0 : i32
    %dma_start3A_30 = tpu.memref_slice %arg8[%dma_start3A_23, %dma_start3A_29] : memref<80x128xi32, #tpu.memory_space<vmem>> -> memref<1x128xi32, #tpu.memory_space<vmem>>
    %dma_start3A_31 = tpu.memref_squeeze %dma_start3A_30 : memref<1x128xi32, #tpu.memory_space<vmem>> -> memref<128xi32, #tpu.memory_space<vmem>>
    %dma_start3A_32 = arith.constant 0 : i32
    %dma_start3A_33 = arith.constant 0 : i32
    %dma_start3A_34 = tpu.memref_slice %arg2[%dma_start3A_32, %dma_start3A_33] : memref<10000x16xf32, #tpu.memory_space<hbm>> -> memref<10000x16xf32, #tpu.memory_space<hbm>>
    tpu.enqueue_indirect_dma source(%dma_start3A_34 : memref<10000x16xf32, #tpu.memory_space<hbm>>) target(%dma_start3A_28 : memref<128x16xf32, #tpu.memory_space<vmem>>) offsets(%dma_start3A_31 : memref<128xi32, #tpu.memory_space<vmem>>) semaphore(%arg12 : memref<!tpu.dma_semaphore, #tpu.memory_space<semaphore_mem>>)
    %dma_start3A_35 = arith.constant 2 : i32
    %dma_start3A_36 = arith.constant 2 : i32
    %dma_start3A_37 = arith.constant 0 : i32
    %dma_start3A_38 = arith.constant 0 : i32
    %dma_start3A_39 = tpu.memref_slice %arg10[%dma_start3A_36, %dma_start3A_37, %dma_start3A_38] : memref<4x128x16xf32, #tpu.memory_space<vmem>> -> memref<1x128x16xf32, #tpu.memory_space<vmem>>
    %dma_start3A_40 = tpu.memref_squeeze %dma_start3A_39 : memref<1x128x16xf32, #tpu.memory_space<vmem>> -> memref<128x16xf32, #tpu.memory_space<vmem>>
    %dma_start3A_41 = arith.constant 0 : i32
    %dma_start3A_42 = tpu.memref_slice %arg8[%dma_start3A_35, %dma_start3A_41] : memref<80x128xi32, #tpu.memory_space<vmem>> -> memref<1x128xi32, #tpu.memory_space<vmem>>
    %dma_start3A_43 = tpu.memref_squeeze %dma_start3A_42 : memref<1x128xi32, #tpu.memory_space<vmem>> -> memref<128xi32, #tpu.memory_space<vmem>>
    %dma_start3A_44 = arith.constant 0 : i32
    %dma_start3A_45 = arith.constant 0 : i32
    %dma_start3A_46 = tpu.memref_slice %arg2[%dma_start3A_44, %dma_start3A_45] : memref<10000x16xf32, #tpu.memory_space<hbm>> -> memref<10000x16xf32, #tpu.memory_space<hbm>>
    tpu.enqueue_indirect_dma source(%dma_start3A_46 : memref<10000x16xf32, #tpu.memory_space<hbm>>) target(%dma_start3A_40 : memref<128x16xf32, #tpu.memory_space<vmem>>) offsets(%dma_start3A_43 : memref<128xi32, #tpu.memory_space<vmem>>) semaphore(%arg13 : memref<!tpu.dma_semaphore, #tpu.memory_space<semaphore_mem>>)
    %dma_start3A_47 = arith.constant 3 : i32
    %dma_start3A_48 = arith.constant 3 : i32
    %dma_start3A_49 = arith.constant 0 : i32
    %dma_start3A_50 = arith.constant 0 : i32
    %dma_start3A_51 = tpu.memref_slice %arg10[%dma_start3A_48, %dma_start3A_49, %dma_start3A_50] : memref<4x128x16xf32, #tpu.memory_space<vmem>> -> memref<1x128x16xf32, #tpu.memory_space<vmem>>
    %dma_start3A_52 = tpu.memref_squeeze %dma_start3A_51 : memref<1x128x16xf32, #tpu.memory_space<vmem>> -> memref<128x16xf32, #tpu.memory_space<vmem>>
    %dma_start3A_53 = arith.constant 0 : i32
    %dma_start3A_54 = tpu.memref_slice %arg8[%dma_start3A_47, %dma_start3A_53] : memref<80x128xi32, #tpu.memory_space<vmem>> -> memref<1x128xi32, #tpu.memory_space<vmem>>
    %dma_start3A_55 = tpu.memref_squeeze %dma_start3A_54 : memref<1x128xi32, #tpu.memory_space<vmem>> -> memref<128xi32, #tpu.memory_space<vmem>>
    %dma_start3A_56 = arith.constant 0 : i32
    %dma_start3A_57 = arith.constant 0 : i32
    %dma_start3A_58 = tpu.memref_slice %arg2[%dma_start3A_56, %dma_start3A_57] : memref<10000x16xf32, #tpu.memory_space<hbm>> -> memref<10000x16xf32, #tpu.memory_space<hbm>>
    tpu.enqueue_indirect_dma source(%dma_start3A_58 : memref<10000x16xf32, #tpu.memory_space<hbm>>) target(%dma_start3A_52 : memref<128x16xf32, #tpu.memory_space<vmem>>) offsets(%dma_start3A_55 : memref<128xi32, #tpu.memory_space<vmem>>) semaphore(%arg14 : memref<!tpu.dma_semaphore, #tpu.memory_space<semaphore_mem>>)
    %scan3A_59 = arith.constant 0 : i32
    %scan3A_60 = arith.constant 0 : i32
    %scan3A_61 = arith.constant 19 : i32
    %scan3A_62 = arith.addi %scan3A_60, %scan3A_61 : i32
    %scan3A_63 = arith.constant 1 : i32
    scf.for %scan3A_213 = %scan3A_60 to %scan3A_62 step %scan3A_63  : i32 {
      %mul3A_214 = arith.constant 4 : i32
      %mul3A_215 = arith.muli %scan3A_213, %mul3A_214 : i32
      %add3A_216 = arith.constant 0 : i32
      %add3A_217 = arith.addi %mul3A_215, %add3A_216 : i32
      %dma_wait3A_218 = arith.constant 0 : i32
      %dma_wait3A_219 = arith.constant 0 : i32
      %dma_wait3A_220 = arith.constant 0 : i32
      %dma_wait3A_221 = tpu.memref_slice %arg10[%dma_wait3A_218, %dma_wait3A_219, %dma_wait3A_220] : memref<4x128x16xf32, #tpu.memory_space<vmem>> -> memref<1x128x16xf32, #tpu.memory_space<vmem>>
      %dma_wait3A_222 = tpu.memref_squeeze %dma_wait3A_221 : memref<1x128x16xf32, #tpu.memory_space<vmem>> -> memref<128x16xf32, #tpu.memory_space<vmem>>
      %dma_wait3A_223 = arith.constant 0 : i32
      %dma_wait3A_224 = tpu.memref_slice %arg8[%add3A_217, %dma_wait3A_223] : memref<80x128xi32, #tpu.memory_space<vmem>> -> memref<1x128xi32, #tpu.memory_space<vmem>>
      %dma_wait3A_225 = tpu.memref_squeeze %dma_wait3A_224 : memref<1x128xi32, #tpu.memory_space<vmem>> -> memref<128xi32, #tpu.memory_space<vmem>>
      %dma_wait3A_226 = arith.constant 0 : i32
      %dma_wait3A_227 = arith.constant 0 : i32
      %dma_wait3A_228 = tpu.memref_slice %arg2[%dma_wait3A_226, %dma_wait3A_227] : memref<10000x16xf32, #tpu.memory_space<hbm>> -> memref<10000x16xf32, #tpu.memory_space<hbm>>
      tpu.wait_indirect_dma semaphore(%arg11 : memref<!tpu.dma_semaphore, #tpu.memory_space<semaphore_mem>>) src(%dma_wait3A_228 : memref<10000x16xf32, #tpu.memory_space<hbm>>) dst(%dma_wait3A_222 : memref<128x16xf32, #tpu.memory_space<vmem>>)
      %dma_start3A_229 = arith.constant 0 : i32
      %dma_start3A_230 = arith.constant 0 : i32
      %dma_start3A_231 = arith.constant 0 : i32
      %dma_start3A_232 = tpu.memref_slice %arg10[%dma_start3A_229, %dma_start3A_230, %dma_start3A_231] : memref<4x128x16xf32, #tpu.memory_space<vmem>> -> memref<1x128x16xf32, #tpu.memory_space<vmem>>
      %dma_start3A_233 = tpu.memref_squeeze %dma_start3A_232 : memref<1x128x16xf32, #tpu.memory_space<vmem>> -> memref<128x16xf32, #tpu.memory_space<vmem>>
      %dma_start3A_234 = arith.constant 0 : i32
      %dma_start3A_235 = tpu.memref_slice %arg9[%add3A_217, %dma_start3A_234] : memref<80x128xi32, #tpu.memory_space<vmem>> -> memref<1x128xi32, #tpu.memory_space<vmem>>
      %dma_start3A_236 = tpu.memref_squeeze %dma_start3A_235 : memref<1x128xi32, #tpu.memory_space<vmem>> -> memref<128xi32, #tpu.memory_space<vmem>>
      %dma_start3A_237 = arith.constant 0 : i32
      %dma_start3A_238 = arith.constant 0 : i32
      %dma_start3A_239 = tpu.memref_slice %arg6[%dma_start3A_237, %dma_start3A_238] : memref<10240x16xf32, #tpu.memory_space<vmem_shared>> -> memref<10240x16xf32, #tpu.memory_space<vmem_shared>>
      tpu.enqueue_indirect_dma source(%dma_start3A_233 : memref<128x16xf32, #tpu.memory_space<vmem>>) target(%dma_start3A_239 : memref<10240x16xf32, #tpu.memory_space<vmem_shared>>) offsets(%dma_start3A_236 : memref<128xi32, #tpu.memory_space<vmem>>) semaphore(%arg15 : memref<!tpu.dma_semaphore, #tpu.memory_space<semaphore_mem>>) {add = true}
      %dma_wait3A_240 = arith.constant 0 : i32
      %dma_wait3A_241 = arith.constant 0 : i32
      %dma_wait3A_242 = arith.constant 0 : i32
      %dma_wait3A_243 = tpu.memref_slice %arg10[%dma_wait3A_240, %dma_wait3A_241, %dma_wait3A_242] : memref<4x128x16xf32, #tpu.memory_space<vmem>> -> memref<1x128x16xf32, #tpu.memory_space<vmem>>
      %dma_wait3A_244 = tpu.memref_squeeze %dma_wait3A_243 : memref<1x128x16xf32, #tpu.memory_space<vmem>> -> memref<128x16xf32, #tpu.memory_space<vmem>>
      %dma_wait3A_245 = arith.constant 0 : i32
      %dma_wait3A_246 = tpu.memref_slice %arg9[%add3A_217, %dma_wait3A_245] : memref<80x128xi32, #tpu.memory_space<vmem>> -> memref<1x128xi32, #tpu.memory_space<vmem>>
      %dma_wait3A_247 = tpu.memref_squeeze %dma_wait3A_246 : memref<1x128xi32, #tpu.memory_space<vmem>> -> memref<128xi32, #tpu.memory_space<vmem>>
      %dma_wait3A_248 = arith.constant 0 : i32
      %dma_wait3A_249 = arith.constant 0 : i32
      %dma_wait3A_250 = tpu.memref_slice %arg6[%dma_wait3A_248, %dma_wait3A_249] : memref<10240x16xf32, #tpu.memory_space<vmem_shared>> -> memref<10240x16xf32, #tpu.memory_space<vmem_shared>>
      tpu.wait_indirect_dma semaphore(%arg15 : memref<!tpu.dma_semaphore, #tpu.memory_space<semaphore_mem>>) src(%dma_wait3A_244 : memref<128x16xf32, #tpu.memory_space<vmem>>) dst(%dma_wait3A_250 : memref<10240x16xf32, #tpu.memory_space<vmem_shared>>)
      %add3A_251 = arith.constant 4 : i32
      %add3A_252 = arith.addi %add3A_217, %add3A_251 : i32
      %dma_start3A_253 = arith.constant 0 : i32
      %dma_start3A_254 = arith.constant 0 : i32
      %dma_start3A_255 = arith.constant 0 : i32
      %dma_start3A_256 = tpu.memref_slice %arg10[%dma_start3A_253, %dma_start3A_254, %dma_start3A_255] : memref<4x128x16xf32, #tpu.memory_space<vmem>> -> memref<1x128x16xf32, #tpu.memory_space<vmem>>
      %dma_start3A_257 = tpu.memref_squeeze %dma_start3A_256 : memref<1x128x16xf32, #tpu.memory_space<vmem>> -> memref<128x16xf32, #tpu.memory_space<vmem>>
      %dma_start3A_258 = arith.constant 0 : i32
      %dma_start3A_259 = tpu.memref_slice %arg8[%add3A_252, %dma_start3A_258] : memref<80x128xi32, #tpu.memory_space<vmem>> -> memref<1x128xi32, #tpu.memory_space<vmem>>
      %dma_start3A_260 = tpu.memref_squeeze %dma_start3A_259 : memref<1x128xi32, #tpu.memory_space<vmem>> -> memref<128xi32, #tpu.memory_space<vmem>>
      %dma_start3A_261 = arith.constant 0 : i32
      %dma_start3A_262 = arith.constant 0 : i32
      %dma_start3A_263 = tpu.memref_slice %arg2[%dma_start3A_261, %dma_start3A_262] : memref<10000x16xf32, #tpu.memory_space<hbm>> -> memref<10000x16xf32, #tpu.memory_space<hbm>>
      tpu.enqueue_indirect_dma source(%dma_start3A_263 : memref<10000x16xf32, #tpu.memory_space<hbm>>) target(%dma_start3A_257 : memref<128x16xf32, #tpu.memory_space<vmem>>) offsets(%dma_start3A_260 : memref<128xi32, #tpu.memory_space<vmem>>) semaphore(%arg11 : memref<!tpu.dma_semaphore, #tpu.memory_space<semaphore_mem>>)
      %mul3A_264 = arith.constant 4 : i32
      %mul3A_265 = arith.muli %scan3A_213, %mul3A_264 : i32
      %add3A_266 = arith.constant 1 : i32
      %add3A_267 = arith.addi %mul3A_265, %add3A_266 : i32
      %dma_wait3A_268 = arith.constant 1 : i32
      %dma_wait3A_269 = arith.constant 0 : i32
      %dma_wait3A_270 = arith.constant 0 : i32
      %dma_wait3A_271 = tpu.memref_slice %arg10[%dma_wait3A_268, %dma_wait3A_269, %dma_wait3A_270] : memref<4x128x16xf32, #tpu.memory_space<vmem>> -> memref<1x128x16xf32, #tpu.memory_space<vmem>>
      %dma_wait3A_272 = tpu.memref_squeeze %dma_wait3A_271 : memref<1x128x16xf32, #tpu.memory_space<vmem>> -> memref<128x16xf32, #tpu.memory_space<vmem>>
      %dma_wait3A_273 = arith.constant 0 : i32
      %dma_wait3A_274 = tpu.memref_slice %arg8[%add3A_267, %dma_wait3A_273] : memref<80x128xi32, #tpu.memory_space<vmem>> -> memref<1x128xi32, #tpu.memory_space<vmem>>
      %dma_wait3A_275 = tpu.memref_squeeze %dma_wait3A_274 : memref<1x128xi32, #tpu.memory_space<vmem>> -> memref<128xi32, #tpu.memory_space<vmem>>
      %dma_wait3A_276 = arith.constant 0 : i32
      %dma_wait3A_277 = arith.constant 0 : i32
      %dma_wait3A_278 = tpu.memref_slice %arg2[%dma_wait3A_276, %dma_wait3A_277] : memref<10000x16xf32, #tpu.memory_space<hbm>> -> memref<10000x16xf32, #tpu.memory_space<hbm>>
      tpu.wait_indirect_dma semaphore(%arg12 : memref<!tpu.dma_semaphore, #tpu.memory_space<semaphore_mem>>) src(%dma_wait3A_278 : memref<10000x16xf32, #tpu.memory_space<hbm>>) dst(%dma_wait3A_272 : memref<128x16xf32, #tpu.memory_space<vmem>>)
      %dma_start3A_279 = arith.constant 1 : i32
      %dma_start3A_280 = arith.constant 0 : i32
      %dma_start3A_281 = arith.constant 0 : i32
      %dma_start3A_282 = tpu.memref_slice %arg10[%dma_start3A_279, %dma_start3A_280, %dma_start3A_281] : memref<4x128x16xf32, #tpu.memory_space<vmem>> -> memref<1x128x16xf32, #tpu.memory_space<vmem>>
      %dma_start3A_283 = tpu.memref_squeeze %dma_start3A_282 : memref<1x128x16xf32, #tpu.memory_space<vmem>> -> memref<128x16xf32, #tpu.memory_space<vmem>>
      %dma_start3A_284 = arith.constant 0 : i32
      %dma_start3A_285 = tpu.memref_slice %arg9[%add3A_267, %dma_start3A_284] : memref<80x128xi32, #tpu.memory_space<vmem>> -> memref<1x128xi32, #tpu.memory_space<vmem>>
      %dma_start3A_286 = tpu.memref_squeeze %dma_start3A_285 : memref<1x128xi32, #tpu.memory_space<vmem>> -> memref<128xi32, #tpu.memory_space<vmem>>
      %dma_start3A_287 = arith.constant 0 : i32
      %dma_start3A_288 = arith.constant 0 : i32
      %dma_start3A_289 = tpu.memref_slice %arg6[%dma_start3A_287, %dma_start3A_288] : memref<10240x16xf32, #tpu.memory_space<vmem_shared>> -> memref<10240x16xf32, #tpu.memory_space<vmem_shared>>
      tpu.enqueue_indirect_dma source(%dma_start3A_283 : memref<128x16xf32, #tpu.memory_space<vmem>>) target(%dma_start3A_289 : memref<10240x16xf32, #tpu.memory_space<vmem_shared>>) offsets(%dma_start3A_286 : memref<128xi32, #tpu.memory_space<vmem>>) semaphore(%arg16 : memref<!tpu.dma_semaphore, #tpu.memory_space<semaphore_mem>>) {add = true}
      %dma_wait3A_290 = arith.constant 1 : i32
      %dma_wait3A_291 = arith.constant 0 : i32
      %dma_wait3A_292 = arith.constant 0 : i32
      %dma_wait3A_293 = tpu.memref_slice %arg10[%dma_wait3A_290, %dma_wait3A_291, %dma_wait3A_292] : memref<4x128x16xf32, #tpu.memory_space<vmem>> -> memref<1x128x16xf32, #tpu.memory_space<vmem>>
      %dma_wait3A_294 = tpu.memref_squeeze %dma_wait3A_293 : memref<1x128x16xf32, #tpu.memory_space<vmem>> -> memref<128x16xf32, #tpu.memory_space<vmem>>
      %dma_wait3A_295 = arith.constant 0 : i32
      %dma_wait3A_296 = tpu.memref_slice %arg9[%add3A_267, %dma_wait3A_295] : memref<80x128xi32, #tpu.memory_space<vmem>> -> memref<1x128xi32, #tpu.memory_space<vmem>>
      %dma_wait3A_297 = tpu.memref_squeeze %dma_wait3A_296 : memref<1x128xi32, #tpu.memory_space<vmem>> -> memref<128xi32, #tpu.memory_space<vmem>>
      %dma_wait3A_298 = arith.constant 0 : i32
      %dma_wait3A_299 = arith.constant 0 : i32
      %dma_wait3A_300 = tpu.memref_slice %arg6[%dma_wait3A_298, %dma_wait3A_299] : memref<10240x16xf32, #tpu.memory_space<vmem_shared>> -> memref<10240x16xf32, #tpu.memory_space<vmem_shared>>
      tpu.wait_indirect_dma semaphore(%arg16 : memref<!tpu.dma_semaphore, #tpu.memory_space<semaphore_mem>>) src(%dma_wait3A_294 : memref<128x16xf32, #tpu.memory_space<vmem>>) dst(%dma_wait3A_300 : memref<10240x16xf32, #tpu.memory_space<vmem_shared>>)
      %add3A_301 = arith.constant 4 : i32
      %add3A_302 = arith.addi %add3A_267, %add3A_301 : i32
      %dma_start3A_303 = arith.constant 1 : i32
      %dma_start3A_304 = arith.constant 0 : i32
      %dma_start3A_305 = arith.constant 0 : i32
      %dma_start3A_306 = tpu.memref_slice %arg10[%dma_start3A_303, %dma_start3A_304, %dma_start3A_305] : memref<4x128x16xf32, #tpu.memory_space<vmem>> -> memref<1x128x16xf32, #tpu.memory_space<vmem>>
      %dma_start3A_307 = tpu.memref_squeeze %dma_start3A_306 : memref<1x128x16xf32, #tpu.memory_space<vmem>> -> memref<128x16xf32, #tpu.memory_space<vmem>>
      %dma_start3A_308 = arith.constant 0 : i32
      %dma_start3A_309 = tpu.memref_slice %arg8[%add3A_302, %dma_start3A_308] : memref<80x128xi32, #tpu.memory_space<vmem>> -> memref<1x128xi32, #tpu.memory_space<vmem>>
      %dma_start3A_310 = tpu.memref_squeeze %dma_start3A_309 : memref<1x128xi32, #tpu.memory_space<vmem>> -> memref<128xi32, #tpu.memory_space<vmem>>
      %dma_start3A_311 = arith.constant 0 : i32
      %dma_start3A_312 = arith.constant 0 : i32
      %dma_start3A_313 = tpu.memref_slice %arg2[%dma_start3A_311, %dma_start3A_312] : memref<10000x16xf32, #tpu.memory_space<hbm>> -> memref<10000x16xf32, #tpu.memory_space<hbm>>
      tpu.enqueue_indirect_dma source(%dma_start3A_313 : memref<10000x16xf32, #tpu.memory_space<hbm>>) target(%dma_start3A_307 : memref<128x16xf32, #tpu.memory_space<vmem>>) offsets(%dma_start3A_310 : memref<128xi32, #tpu.memory_space<vmem>>) semaphore(%arg12 : memref<!tpu.dma_semaphore, #tpu.memory_space<semaphore_mem>>)
      %mul3A_314 = arith.constant 4 : i32
      %mul3A_315 = arith.muli %scan3A_213, %mul3A_314 : i32
      %add3A_316 = arith.constant 2 : i32
      %add3A_317 = arith.addi %mul3A_315, %add3A_316 : i32
      %dma_wait3A_318 = arith.constant 2 : i32
      %dma_wait3A_319 = arith.constant 0 : i32
      %dma_wait3A_320 = arith.constant 0 : i32
      %dma_wait3A_321 = tpu.memref_slice %arg10[%dma_wait3A_318, %dma_wait3A_319, %dma_wait3A_320] : memref<4x128x16xf32, #tpu.memory_space<vmem>> -> memref<1x128x16xf32, #tpu.memory_space<vmem>>
      %dma_wait3A_322 = tpu.memref_squeeze %dma_wait3A_321 : memref<1x128x16xf32, #tpu.memory_space<vmem>> -> memref<128x16xf32, #tpu.memory_space<vmem>>
      %dma_wait3A_323 = arith.constant 0 : i32
      %dma_wait3A_324 = tpu.memref_slice %arg8[%add3A_317, %dma_wait3A_323] : memref<80x128xi32, #tpu.memory_space<vmem>> -> memref<1x128xi32, #tpu.memory_space<vmem>>
      %dma_wait3A_325 = tpu.memref_squeeze %dma_wait3A_324 : memref<1x128xi32, #tpu.memory_space<vmem>> -> memref<128xi32, #tpu.memory_space<vmem>>
      %dma_wait3A_326 = arith.constant 0 : i32
      %dma_wait3A_327 = arith.constant 0 : i32
      %dma_wait3A_328 = tpu.memref_slice %arg2[%dma_wait3A_326, %dma_wait3A_327] : memref<10000x16xf32, #tpu.memory_space<hbm>> -> memref<10000x16xf32, #tpu.memory_space<hbm>>
      tpu.wait_indirect_dma semaphore(%arg13 : memref<!tpu.dma_semaphore, #tpu.memory_space<semaphore_mem>>) src(%dma_wait3A_328 : memref<10000x16xf32, #tpu.memory_space<hbm>>) dst(%dma_wait3A_322 : memref<128x16xf32, #tpu.memory_space<vmem>>)
      %dma_start3A_329 = arith.constant 2 : i32
      %dma_start3A_330 = arith.constant 0 : i32
      %dma_start3A_331 = arith.constant 0 : i32
      %dma_start3A_332 = tpu.memref_slice %arg10[%dma_start3A_329, %dma_start3A_330, %dma_start3A_331] : memref<4x128x16xf32, #tpu.memory_space<vmem>> -> memref<1x128x16xf32, #tpu.memory_space<vmem>>
      %dma_start3A_333 = tpu.memref_squeeze %dma_start3A_332 : memref<1x128x16xf32, #tpu.memory_space<vmem>> -> memref<128x16xf32, #tpu.memory_space<vmem>>
      %dma_start3A_334 = arith.constant 0 : i32
      %dma_start3A_335 = tpu.memref_slice %arg9[%add3A_317, %dma_start3A_334] : memref<80x128xi32, #tpu.memory_space<vmem>> -> memref<1x128xi32, #tpu.memory_space<vmem>>
      %dma_start3A_336 = tpu.memref_squeeze %dma_start3A_335 : memref<1x128xi32, #tpu.memory_space<vmem>> -> memref<128xi32, #tpu.memory_space<vmem>>
      %dma_start3A_337 = arith.constant 0 : i32
      %dma_start3A_338 = arith.constant 0 : i32
      %dma_start3A_339 = tpu.memref_slice %arg6[%dma_start3A_337, %dma_start3A_338] : memref<10240x16xf32, #tpu.memory_space<vmem_shared>> -> memref<10240x16xf32, #tpu.memory_space<vmem_shared>>
      tpu.enqueue_indirect_dma source(%dma_start3A_333 : memref<128x16xf32, #tpu.memory_space<vmem>>) target(%dma_start3A_339 : memref<10240x16xf32, #tpu.memory_space<vmem_shared>>) offsets(%dma_start3A_336 : memref<128xi32, #tpu.memory_space<vmem>>) semaphore(%arg17 : memref<!tpu.dma_semaphore, #tpu.memory_space<semaphore_mem>>) {add = true}
      %dma_wait3A_340 = arith.constant 2 : i32
      %dma_wait3A_341 = arith.constant 0 : i32
      %dma_wait3A_342 = arith.constant 0 : i32
      %dma_wait3A_343 = tpu.memref_slice %arg10[%dma_wait3A_340, %dma_wait3A_341, %dma_wait3A_342] : memref<4x128x16xf32, #tpu.memory_space<vmem>> -> memref<1x128x16xf32, #tpu.memory_space<vmem>>
      %dma_wait3A_344 = tpu.memref_squeeze %dma_wait3A_343 : memref<1x128x16xf32, #tpu.memory_space<vmem>> -> memref<128x16xf32, #tpu.memory_space<vmem>>
      %dma_wait3A_345 = arith.constant 0 : i32
      %dma_wait3A_346 = tpu.memref_slice %arg9[%add3A_317, %dma_wait3A_345] : memref<80x128xi32, #tpu.memory_space<vmem>> -> memref<1x128xi32, #tpu.memory_space<vmem>>
      %dma_wait3A_347 = tpu.memref_squeeze %dma_wait3A_346 : memref<1x128xi32, #tpu.memory_space<vmem>> -> memref<128xi32, #tpu.memory_space<vmem>>
      %dma_wait3A_348 = arith.constant 0 : i32
      %dma_wait3A_349 = arith.constant 0 : i32
      %dma_wait3A_350 = tpu.memref_slice %arg6[%dma_wait3A_348, %dma_wait3A_349] : memref<10240x16xf32, #tpu.memory_space<vmem_shared>> -> memref<10240x16xf32, #tpu.memory_space<vmem_shared>>
      tpu.wait_indirect_dma semaphore(%arg17 : memref<!tpu.dma_semaphore, #tpu.memory_space<semaphore_mem>>) src(%dma_wait3A_344 : memref<128x16xf32, #tpu.memory_space<vmem>>) dst(%dma_wait3A_350 : memref<10240x16xf32, #tpu.memory_space<vmem_shared>>)
      %add3A_351 = arith.constant 4 : i32
      %add3A_352 = arith.addi %add3A_317, %add3A_351 : i32
      %dma_start3A_353 = arith.constant 2 : i32
      %dma_start3A_354 = arith.constant 0 : i32
      %dma_start3A_355 = arith.constant 0 : i32
      %dma_start3A_356 = tpu.memref_slice %arg10[%dma_start3A_353, %dma_start3A_354, %dma_start3A_355] : memref<4x128x16xf32, #tpu.memory_space<vmem>> -> memref<1x128x16xf32, #tpu.memory_space<vmem>>
      %dma_start3A_357 = tpu.memref_squeeze %dma_start3A_356 : memref<1x128x16xf32, #tpu.memory_space<vmem>> -> memref<128x16xf32, #tpu.memory_space<vmem>>
      %dma_start3A_358 = arith.constant 0 : i32
      %dma_start3A_359 = tpu.memref_slice %arg8[%add3A_352, %dma_start3A_358] : memref<80x128xi32, #tpu.memory_space<vmem>> -> memref<1x128xi32, #tpu.memory_space<vmem>>
      %dma_start3A_360 = tpu.memref_squeeze %dma_start3A_359 : memref<1x128xi32, #tpu.memory_space<vmem>> -> memref<128xi32, #tpu.memory_space<vmem>>
      %dma_start3A_361 = arith.constant 0 : i32
      %dma_start3A_362 = arith.constant 0 : i32
      %dma_start3A_363 = tpu.memref_slice %arg2[%dma_start3A_361, %dma_start3A_362] : memref<10000x16xf32, #tpu.memory_space<hbm>> -> memref<10000x16xf32, #tpu.memory_space<hbm>>
      tpu.enqueue_indirect_dma source(%dma_start3A_363 : memref<10000x16xf32, #tpu.memory_space<hbm>>) target(%dma_start3A_357 : memref<128x16xf32, #tpu.memory_space<vmem>>) offsets(%dma_start3A_360 : memref<128xi32, #tpu.memory_space<vmem>>) semaphore(%arg13 : memref<!tpu.dma_semaphore, #tpu.memory_space<semaphore_mem>>)
      %mul3A_364 = arith.constant 4 : i32
      %mul3A_365 = arith.muli %scan3A_213, %mul3A_364 : i32
      %add3A_366 = arith.constant 3 : i32
      %add3A_367 = arith.addi %mul3A_365, %add3A_366 : i32
      %dma_wait3A_368 = arith.constant 3 : i32
      %dma_wait3A_369 = arith.constant 0 : i32
      %dma_wait3A_370 = arith.constant 0 : i32
      %dma_wait3A_371 = tpu.memref_slice %arg10[%dma_wait3A_368, %dma_wait3A_369, %dma_wait3A_370] : memref<4x128x16xf32, #tpu.memory_space<vmem>> -> memref<1x128x16xf32, #tpu.memory_space<vmem>>
      %dma_wait3A_372 = tpu.memref_squeeze %dma_wait3A_371 : memref<1x128x16xf32, #tpu.memory_space<vmem>> -> memref<128x16xf32, #tpu.memory_space<vmem>>
      %dma_wait3A_373 = arith.constant 0 : i32
      %dma_wait3A_374 = tpu.memref_slice %arg8[%add3A_367, %dma_wait3A_373] : memref<80x128xi32, #tpu.memory_space<vmem>> -> memref<1x128xi32, #tpu.memory_space<vmem>>
      %dma_wait3A_375 = tpu.memref_squeeze %dma_wait3A_374 : memref<1x128xi32, #tpu.memory_space<vmem>> -> memref<128xi32, #tpu.memory_space<vmem>>
      %dma_wait3A_376 = arith.constant 0 : i32
      %dma_wait3A_377 = arith.constant 0 : i32
      %dma_wait3A_378 = tpu.memref_slice %arg2[%dma_wait3A_376, %dma_wait3A_377] : memref<10000x16xf32, #tpu.memory_space<hbm>> -> memref<10000x16xf32, #tpu.memory_space<hbm>>
      tpu.wait_indirect_dma semaphore(%arg14 : memref<!tpu.dma_semaphore, #tpu.memory_space<semaphore_mem>>) src(%dma_wait3A_378 : memref<10000x16xf32, #tpu.memory_space<hbm>>) dst(%dma_wait3A_372 : memref<128x16xf32, #tpu.memory_space<vmem>>)
      %dma_start3A_379 = arith.constant 3 : i32
      %dma_start3A_380 = arith.constant 0 : i32
      %dma_start3A_381 = arith.constant 0 : i32
      %dma_start3A_382 = tpu.memref_slice %arg10[%dma_start3A_379, %dma_start3A_380, %dma_start3A_381] : memref<4x128x16xf32, #tpu.memory_space<vmem>> -> memref<1x128x16xf32, #tpu.memory_space<vmem>>
      %dma_start3A_383 = tpu.memref_squeeze %dma_start3A_382 : memref<1x128x16xf32, #tpu.memory_space<vmem>> -> memref<128x16xf32, #tpu.memory_space<vmem>>
      %dma_start3A_384 = arith.constant 0 : i32
      %dma_start3A_385 = tpu.memref_slice %arg9[%add3A_367, %dma_start3A_384] : memref<80x128xi32, #tpu.memory_space<vmem>> -> memref<1x128xi32, #tpu.memory_space<vmem>>
      %dma_start3A_386 = tpu.memref_squeeze %dma_start3A_385 : memref<1x128xi32, #tpu.memory_space<vmem>> -> memref<128xi32, #tpu.memory_space<vmem>>
      %dma_start3A_387 = arith.constant 0 : i32
      %dma_start3A_388 = arith.constant 0 : i32
      %dma_start3A_389 = tpu.memref_slice %arg6[%dma_start3A_387, %dma_start3A_388] : memref<10240x16xf32, #tpu.memory_space<vmem_shared>> -> memref<10240x16xf32, #tpu.memory_space<vmem_shared>>
      tpu.enqueue_indirect_dma source(%dma_start3A_383 : memref<128x16xf32, #tpu.memory_space<vmem>>) target(%dma_start3A_389 : memref<10240x16xf32, #tpu.memory_space<vmem_shared>>) offsets(%dma_start3A_386 : memref<128xi32, #tpu.memory_space<vmem>>) semaphore(%arg18 : memref<!tpu.dma_semaphore, #tpu.memory_space<semaphore_mem>>) {add = true}
      %dma_wait3A_390 = arith.constant 3 : i32
      %dma_wait3A_391 = arith.constant 0 : i32
      %dma_wait3A_392 = arith.constant 0 : i32
      %dma_wait3A_393 = tpu.memref_slice %arg10[%dma_wait3A_390, %dma_wait3A_391, %dma_wait3A_392] : memref<4x128x16xf32, #tpu.memory_space<vmem>> -> memref<1x128x16xf32, #tpu.memory_space<vmem>>
      %dma_wait3A_394 = tpu.memref_squeeze %dma_wait3A_393 : memref<1x128x16xf32, #tpu.memory_space<vmem>> -> memref<128x16xf32, #tpu.memory_space<vmem>>
      %dma_wait3A_395 = arith.constant 0 : i32
      %dma_wait3A_396 = tpu.memref_slice %arg9[%add3A_367, %dma_wait3A_395] : memref<80x128xi32, #tpu.memory_space<vmem>> -> memref<1x128xi32, #tpu.memory_space<vmem>>
      %dma_wait3A_397 = tpu.memref_squeeze %dma_wait3A_396 : memref<1x128xi32, #tpu.memory_space<vmem>> -> memref<128xi32, #tpu.memory_space<vmem>>
      %dma_wait3A_398 = arith.constant 0 : i32
      %dma_wait3A_399 = arith.constant 0 : i32
      %dma_wait3A_400 = tpu.memref_slice %arg6[%dma_wait3A_398, %dma_wait3A_399] : memref<10240x16xf32, #tpu.memory_space<vmem_shared>> -> memref<10240x16xf32, #tpu.memory_space<vmem_shared>>
      tpu.wait_indirect_dma semaphore(%arg18 : memref<!tpu.dma_semaphore, #tpu.memory_space<semaphore_mem>>) src(%dma_wait3A_394 : memref<128x16xf32, #tpu.memory_space<vmem>>) dst(%dma_wait3A_400 : memref<10240x16xf32, #tpu.memory_space<vmem_shared>>)
      %add3A_401 = arith.constant 4 : i32
      %add3A_402 = arith.addi %add3A_367, %add3A_401 : i32
      %dma_start3A_403 = arith.constant 3 : i32
      %dma_start3A_404 = arith.constant 0 : i32
      %dma_start3A_405 = arith.constant 0 : i32
      %dma_start3A_406 = tpu.memref_slice %arg10[%dma_start3A_403, %dma_start3A_404, %dma_start3A_405] : memref<4x128x16xf32, #tpu.memory_space<vmem>> -> memref<1x128x16xf32, #tpu.memory_space<vmem>>
      %dma_start3A_407 = tpu.memref_squeeze %dma_start3A_406 : memref<1x128x16xf32, #tpu.memory_space<vmem>> -> memref<128x16xf32, #tpu.memory_space<vmem>>
      %dma_start3A_408 = arith.constant 0 : i32
      %dma_start3A_409 = tpu.memref_slice %arg8[%add3A_402, %dma_start3A_408] : memref<80x128xi32, #tpu.memory_space<vmem>> -> memref<1x128xi32, #tpu.memory_space<vmem>>
      %dma_start3A_410 = tpu.memref_squeeze %dma_start3A_409 : memref<1x128xi32, #tpu.memory_space<vmem>> -> memref<128xi32, #tpu.memory_space<vmem>>
      %dma_start3A_411 = arith.constant 0 : i32
      %dma_start3A_412 = arith.constant 0 : i32
      %dma_start3A_413 = tpu.memref_slice %arg2[%dma_start3A_411, %dma_start3A_412] : memref<10000x16xf32, #tpu.memory_space<hbm>> -> memref<10000x16xf32, #tpu.memory_space<hbm>>
      tpu.enqueue_indirect_dma source(%dma_start3A_413 : memref<10000x16xf32, #tpu.memory_space<hbm>>) target(%dma_start3A_407 : memref<128x16xf32, #tpu.memory_space<vmem>>) offsets(%dma_start3A_410 : memref<128xi32, #tpu.memory_space<vmem>>) semaphore(%arg14 : memref<!tpu.dma_semaphore, #tpu.memory_space<semaphore_mem>>)
    }
    %scan3A_64 = arith.constant 19 : i32
    %dma_wait3A = arith.constant 76 : i32
    %dma_wait3A_65 = arith.constant 0 : i32
    %dma_wait3A_66 = arith.constant 0 : i32
    %dma_wait3A_67 = arith.constant 0 : i32
    %dma_wait3A_68 = tpu.memref_slice %arg10[%dma_wait3A_65, %dma_wait3A_66, %dma_wait3A_67] : memref<4x128x16xf32, #tpu.memory_space<vmem>> -> memref<1x128x16xf32, #tpu.memory_space<vmem>>
    %dma_wait3A_69 = tpu.memref_squeeze %dma_wait3A_68 : memref<1x128x16xf32, #tpu.memory_space<vmem>> -> memref<128x16xf32, #tpu.memory_space<vmem>>
    %dma_wait3A_70 = arith.constant 0 : i32
    %dma_wait3A_71 = tpu.memref_slice %arg8[%dma_wait3A, %dma_wait3A_70] : memref<80x128xi32, #tpu.memory_space<vmem>> -> memref<1x128xi32, #tpu.memory_space<vmem>>
    %dma_wait3A_72 = tpu.memref_squeeze %dma_wait3A_71 : memref<1x128xi32, #tpu.memory_space<vmem>> -> memref<128xi32, #tpu.memory_space<vmem>>
    %dma_wait3A_73 = arith.constant 0 : i32
    %dma_wait3A_74 = arith.constant 0 : i32
    %dma_wait3A_75 = tpu.memref_slice %arg2[%dma_wait3A_73, %dma_wait3A_74] : memref<10000x16xf32, #tpu.memory_space<hbm>> -> memref<10000x16xf32, #tpu.memory_space<hbm>>
    tpu.wait_indirect_dma semaphore(%arg11 : memref<!tpu.dma_semaphore, #tpu.memory_space<semaphore_mem>>) src(%dma_wait3A_75 : memref<10000x16xf32, #tpu.memory_space<hbm>>) dst(%dma_wait3A_69 : memref<128x16xf32, #tpu.memory_space<vmem>>)
    %dma_start3A_76 = arith.constant 0 : i32
    %dma_start3A_77 = arith.constant 76 : i32
    %dma_start3A_78 = arith.constant 0 : i32
    %dma_start3A_79 = arith.constant 0 : i32
    %dma_start3A_80 = tpu.memref_slice %arg10[%dma_start3A_76, %dma_start3A_78, %dma_start3A_79] : memref<4x128x16xf32, #tpu.memory_space<vmem>> -> memref<1x128x16xf32, #tpu.memory_space<vmem>>
    %dma_start3A_81 = tpu.memref_squeeze %dma_start3A_80 : memref<1x128x16xf32, #tpu.memory_space<vmem>> -> memref<128x16xf32, #tpu.memory_space<vmem>>
    %dma_start3A_82 = arith.constant 0 : i32
    %dma_start3A_83 = tpu.memref_slice %arg9[%dma_start3A_77, %dma_start3A_82] : memref<80x128xi32, #tpu.memory_space<vmem>> -> memref<1x128xi32, #tpu.memory_space<vmem>>
    %dma_start3A_84 = tpu.memref_squeeze %dma_start3A_83 : memref<1x128xi32, #tpu.memory_space<vmem>> -> memref<128xi32, #tpu.memory_space<vmem>>
    %dma_start3A_85 = arith.constant 0 : i32
    %dma_start3A_86 = arith.constant 0 : i32
    %dma_start3A_87 = tpu.memref_slice %arg6[%dma_start3A_85, %dma_start3A_86] : memref<10240x16xf32, #tpu.memory_space<vmem_shared>> -> memref<10240x16xf32, #tpu.memory_space<vmem_shared>>
    tpu.enqueue_indirect_dma source(%dma_start3A_81 : memref<128x16xf32, #tpu.memory_space<vmem>>) target(%dma_start3A_87 : memref<10240x16xf32, #tpu.memory_space<vmem_shared>>) offsets(%dma_start3A_84 : memref<128xi32, #tpu.memory_space<vmem>>) semaphore(%arg15 : memref<!tpu.dma_semaphore, #tpu.memory_space<semaphore_mem>>) {add = true}
    %dma_wait3A_88 = arith.constant 0 : i32
    %dma_wait3A_89 = arith.constant 76 : i32
    %dma_wait3A_90 = arith.constant 0 : i32
    %dma_wait3A_91 = arith.constant 0 : i32
    %dma_wait3A_92 = tpu.memref_slice %arg10[%dma_wait3A_88, %dma_wait3A_90, %dma_wait3A_91] : memref<4x128x16xf32, #tpu.memory_space<vmem>> -> memref<1x128x16xf32, #tpu.memory_space<vmem>>
    %dma_wait3A_93 = tpu.memref_squeeze %dma_wait3A_92 : memref<1x128x16xf32, #tpu.memory_space<vmem>> -> memref<128x16xf32, #tpu.memory_space<vmem>>
    %dma_wait3A_94 = arith.constant 0 : i32
    %dma_wait3A_95 = tpu.memref_slice %arg9[%dma_wait3A_89, %dma_wait3A_94] : memref<80x128xi32, #tpu.memory_space<vmem>> -> memref<1x128xi32, #tpu.memory_space<vmem>>
    %dma_wait3A_96 = tpu.memref_squeeze %dma_wait3A_95 : memref<1x128xi32, #tpu.memory_space<vmem>> -> memref<128xi32, #tpu.memory_space<vmem>>
    %dma_wait3A_97 = arith.constant 0 : i32
    %dma_wait3A_98 = arith.constant 0 : i32
    %dma_wait3A_99 = tpu.memref_slice %arg6[%dma_wait3A_97, %dma_wait3A_98] : memref<10240x16xf32, #tpu.memory_space<vmem_shared>> -> memref<10240x16xf32, #tpu.memory_space<vmem_shared>>
    tpu.wait_indirect_dma semaphore(%arg15 : memref<!tpu.dma_semaphore, #tpu.memory_space<semaphore_mem>>) src(%dma_wait3A_93 : memref<128x16xf32, #tpu.memory_space<vmem>>) dst(%dma_wait3A_99 : memref<10240x16xf32, #tpu.memory_space<vmem_shared>>)
    %dma_wait3A_100 = arith.constant 77 : i32
    %dma_wait3A_101 = arith.constant 1 : i32
    %dma_wait3A_102 = arith.constant 0 : i32
    %dma_wait3A_103 = arith.constant 0 : i32
    %dma_wait3A_104 = tpu.memref_slice %arg10[%dma_wait3A_101, %dma_wait3A_102, %dma_wait3A_103] : memref<4x128x16xf32, #tpu.memory_space<vmem>> -> memref<1x128x16xf32, #tpu.memory_space<vmem>>
    %dma_wait3A_105 = tpu.memref_squeeze %dma_wait3A_104 : memref<1x128x16xf32, #tpu.memory_space<vmem>> -> memref<128x16xf32, #tpu.memory_space<vmem>>
    %dma_wait3A_106 = arith.constant 0 : i32
    %dma_wait3A_107 = tpu.memref_slice %arg8[%dma_wait3A_100, %dma_wait3A_106] : memref<80x128xi32, #tpu.memory_space<vmem>> -> memref<1x128xi32, #tpu.memory_space<vmem>>
    %dma_wait3A_108 = tpu.memref_squeeze %dma_wait3A_107 : memref<1x128xi32, #tpu.memory_space<vmem>> -> memref<128xi32, #tpu.memory_space<vmem>>
    %dma_wait3A_109 = arith.constant 0 : i32
    %dma_wait3A_110 = arith.constant 0 : i32
    %dma_wait3A_111 = tpu.memref_slice %arg2[%dma_wait3A_109, %dma_wait3A_110] : memref<10000x16xf32, #tpu.memory_space<hbm>> -> memref<10000x16xf32, #tpu.memory_space<hbm>>
    tpu.wait_indirect_dma semaphore(%arg12 : memref<!tpu.dma_semaphore, #tpu.memory_space<semaphore_mem>>) src(%dma_wait3A_111 : memref<10000x16xf32, #tpu.memory_space<hbm>>) dst(%dma_wait3A_105 : memref<128x16xf32, #tpu.memory_space<vmem>>)
    %dma_start3A_112 = arith.constant 1 : i32
    %dma_start3A_113 = arith.constant 77 : i32
    %dma_start3A_114 = arith.constant 0 : i32
    %dma_start3A_115 = arith.constant 0 : i32
    %dma_start3A_116 = tpu.memref_slice %arg10[%dma_start3A_112, %dma_start3A_114, %dma_start3A_115] : memref<4x128x16xf32, #tpu.memory_space<vmem>> -> memref<1x128x16xf32, #tpu.memory_space<vmem>>
    %dma_start3A_117 = tpu.memref_squeeze %dma_start3A_116 : memref<1x128x16xf32, #tpu.memory_space<vmem>> -> memref<128x16xf32, #tpu.memory_space<vmem>>
    %dma_start3A_118 = arith.constant 0 : i32
    %dma_start3A_119 = tpu.memref_slice %arg9[%dma_start3A_113, %dma_start3A_118] : memref<80x128xi32, #tpu.memory_space<vmem>> -> memref<1x128xi32, #tpu.memory_space<vmem>>
    %dma_start3A_120 = tpu.memref_squeeze %dma_start3A_119 : memref<1x128xi32, #tpu.memory_space<vmem>> -> memref<128xi32, #tpu.memory_space<vmem>>
    %dma_start3A_121 = arith.constant 0 : i32
    %dma_start3A_122 = arith.constant 0 : i32
    %dma_start3A_123 = tpu.memref_slice %arg6[%dma_start3A_121, %dma_start3A_122] : memref<10240x16xf32, #tpu.memory_space<vmem_shared>> -> memref<10240x16xf32, #tpu.memory_space<vmem_shared>>
    tpu.enqueue_indirect_dma source(%dma_start3A_117 : memref<128x16xf32, #tpu.memory_space<vmem>>) target(%dma_start3A_123 : memref<10240x16xf32, #tpu.memory_space<vmem_shared>>) offsets(%dma_start3A_120 : memref<128xi32, #tpu.memory_space<vmem>>) semaphore(%arg16 : memref<!tpu.dma_semaphore, #tpu.memory_space<semaphore_mem>>) {add = true}
    %dma_wait3A_124 = arith.constant 1 : i32
    %dma_wait3A_125 = arith.constant 77 : i32
    %dma_wait3A_126 = arith.constant 0 : i32
    %dma_wait3A_127 = arith.constant 0 : i32
    %dma_wait3A_128 = tpu.memref_slice %arg10[%dma_wait3A_124, %dma_wait3A_126, %dma_wait3A_127] : memref<4x128x16xf32, #tpu.memory_space<vmem>> -> memref<1x128x16xf32, #tpu.memory_space<vmem>>
    %dma_wait3A_129 = tpu.memref_squeeze %dma_wait3A_128 : memref<1x128x16xf32, #tpu.memory_space<vmem>> -> memref<128x16xf32, #tpu.memory_space<vmem>>
    %dma_wait3A_130 = arith.constant 0 : i32
    %dma_wait3A_131 = tpu.memref_slice %arg9[%dma_wait3A_125, %dma_wait3A_130] : memref<80x128xi32, #tpu.memory_space<vmem>> -> memref<1x128xi32, #tpu.memory_space<vmem>>
    %dma_wait3A_132 = tpu.memref_squeeze %dma_wait3A_131 : memref<1x128xi32, #tpu.memory_space<vmem>> -> memref<128xi32, #tpu.memory_space<vmem>>
    %dma_wait3A_133 = arith.constant 0 : i32
    %dma_wait3A_134 = arith.constant 0 : i32
    %dma_wait3A_135 = tpu.memref_slice %arg6[%dma_wait3A_133, %dma_wait3A_134] : memref<10240x16xf32, #tpu.memory_space<vmem_shared>> -> memref<10240x16xf32, #tpu.memory_space<vmem_shared>>
    tpu.wait_indirect_dma semaphore(%arg16 : memref<!tpu.dma_semaphore, #tpu.memory_space<semaphore_mem>>) src(%dma_wait3A_129 : memref<128x16xf32, #tpu.memory_space<vmem>>) dst(%dma_wait3A_135 : memref<10240x16xf32, #tpu.memory_space<vmem_shared>>)
    %dma_wait3A_136 = arith.constant 78 : i32
    %dma_wait3A_137 = arith.constant 2 : i32
    %dma_wait3A_138 = arith.constant 0 : i32
    %dma_wait3A_139 = arith.constant 0 : i32
    %dma_wait3A_140 = tpu.memref_slice %arg10[%dma_wait3A_137, %dma_wait3A_138, %dma_wait3A_139] : memref<4x128x16xf32, #tpu.memory_space<vmem>> -> memref<1x128x16xf32, #tpu.memory_space<vmem>>
    %dma_wait3A_141 = tpu.memref_squeeze %dma_wait3A_140 : memref<1x128x16xf32, #tpu.memory_space<vmem>> -> memref<128x16xf32, #tpu.memory_space<vmem>>
    %dma_wait3A_142 = arith.constant 0 : i32
    %dma_wait3A_143 = tpu.memref_slice %arg8[%dma_wait3A_136, %dma_wait3A_142] : memref<80x128xi32, #tpu.memory_space<vmem>> -> memref<1x128xi32, #tpu.memory_space<vmem>>
    %dma_wait3A_144 = tpu.memref_squeeze %dma_wait3A_143 : memref<1x128xi32, #tpu.memory_space<vmem>> -> memref<128xi32, #tpu.memory_space<vmem>>
    %dma_wait3A_145 = arith.constant 0 : i32
    %dma_wait3A_146 = arith.constant 0 : i32
    %dma_wait3A_147 = tpu.memref_slice %arg2[%dma_wait3A_145, %dma_wait3A_146] : memref<10000x16xf32, #tpu.memory_space<hbm>> -> memref<10000x16xf32, #tpu.memory_space<hbm>>
    tpu.wait_indirect_dma semaphore(%arg13 : memref<!tpu.dma_semaphore, #tpu.memory_space<semaphore_mem>>) src(%dma_wait3A_147 : memref<10000x16xf32, #tpu.memory_space<hbm>>) dst(%dma_wait3A_141 : memref<128x16xf32, #tpu.memory_space<vmem>>)
    %dma_start3A_148 = arith.constant 2 : i32
    %dma_start3A_149 = arith.constant 78 : i32
    %dma_start3A_150 = arith.constant 0 : i32
    %dma_start3A_151 = arith.constant 0 : i32
    %dma_start3A_152 = tpu.memref_slice %arg10[%dma_start3A_148, %dma_start3A_150, %dma_start3A_151] : memref<4x128x16xf32, #tpu.memory_space<vmem>> -> memref<1x128x16xf32, #tpu.memory_space<vmem>>
    %dma_start3A_153 = tpu.memref_squeeze %dma_start3A_152 : memref<1x128x16xf32, #tpu.memory_space<vmem>> -> memref<128x16xf32, #tpu.memory_space<vmem>>
    %dma_start3A_154 = arith.constant 0 : i32
    %dma_start3A_155 = tpu.memref_slice %arg9[%dma_start3A_149, %dma_start3A_154] : memref<80x128xi32, #tpu.memory_space<vmem>> -> memref<1x128xi32, #tpu.memory_space<vmem>>
    %dma_start3A_156 = tpu.memref_squeeze %dma_start3A_155 : memref<1x128xi32, #tpu.memory_space<vmem>> -> memref<128xi32, #tpu.memory_space<vmem>>
    %dma_start3A_157 = arith.constant 0 : i32
    %dma_start3A_158 = arith.constant 0 : i32
    %dma_start3A_159 = tpu.memref_slice %arg6[%dma_start3A_157, %dma_start3A_158] : memref<10240x16xf32, #tpu.memory_space<vmem_shared>> -> memref<10240x16xf32, #tpu.memory_space<vmem_shared>>
    tpu.enqueue_indirect_dma source(%dma_start3A_153 : memref<128x16xf32, #tpu.memory_space<vmem>>) target(%dma_start3A_159 : memref<10240x16xf32, #tpu.memory_space<vmem_shared>>) offsets(%dma_start3A_156 : memref<128xi32, #tpu.memory_space<vmem>>) semaphore(%arg17 : memref<!tpu.dma_semaphore, #tpu.memory_space<semaphore_mem>>) {add = true}
    %dma_wait3A_160 = arith.constant 2 : i32
    %dma_wait3A_161 = arith.constant 78 : i32
    %dma_wait3A_162 = arith.constant 0 : i32
    %dma_wait3A_163 = arith.constant 0 : i32
    %dma_wait3A_164 = tpu.memref_slice %arg10[%dma_wait3A_160, %dma_wait3A_162, %dma_wait3A_163] : memref<4x128x16xf32, #tpu.memory_space<vmem>> -> memref<1x128x16xf32, #tpu.memory_space<vmem>>
    %dma_wait3A_165 = tpu.memref_squeeze %dma_wait3A_164 : memref<1x128x16xf32, #tpu.memory_space<vmem>> -> memref<128x16xf32, #tpu.memory_space<vmem>>
    %dma_wait3A_166 = arith.constant 0 : i32
    %dma_wait3A_167 = tpu.memref_slice %arg9[%dma_wait3A_161, %dma_wait3A_166] : memref<80x128xi32, #tpu.memory_space<vmem>> -> memref<1x128xi32, #tpu.memory_space<vmem>>
    %dma_wait3A_168 = tpu.memref_squeeze %dma_wait3A_167 : memref<1x128xi32, #tpu.memory_space<vmem>> -> memref<128xi32, #tpu.memory_space<vmem>>
    %dma_wait3A_169 = arith.constant 0 : i32
    %dma_wait3A_170 = arith.constant 0 : i32
    %dma_wait3A_171 = tpu.memref_slice %arg6[%dma_wait3A_169, %dma_wait3A_170] : memref<10240x16xf32, #tpu.memory_space<vmem_shared>> -> memref<10240x16xf32, #tpu.memory_space<vmem_shared>>
    tpu.wait_indirect_dma semaphore(%arg17 : memref<!tpu.dma_semaphore, #tpu.memory_space<semaphore_mem>>) src(%dma_wait3A_165 : memref<128x16xf32, #tpu.memory_space<vmem>>) dst(%dma_wait3A_171 : memref<10240x16xf32, #tpu.memory_space<vmem_shared>>)
    %dma_wait3A_172 = arith.constant 79 : i32
    %dma_wait3A_173 = arith.constant 3 : i32
    %dma_wait3A_174 = arith.constant 0 : i32
    %dma_wait3A_175 = arith.constant 0 : i32
    %dma_wait3A_176 = tpu.memref_slice %arg10[%dma_wait3A_173, %dma_wait3A_174, %dma_wait3A_175] : memref<4x128x16xf32, #tpu.memory_space<vmem>> -> memref<1x128x16xf32, #tpu.memory_space<vmem>>
    %dma_wait3A_177 = tpu.memref_squeeze %dma_wait3A_176 : memref<1x128x16xf32, #tpu.memory_space<vmem>> -> memref<128x16xf32, #tpu.memory_space<vmem>>
    %dma_wait3A_178 = arith.constant 0 : i32
    %dma_wait3A_179 = tpu.memref_slice %arg8[%dma_wait3A_172, %dma_wait3A_178] : memref<80x128xi32, #tpu.memory_space<vmem>> -> memref<1x128xi32, #tpu.memory_space<vmem>>
    %dma_wait3A_180 = tpu.memref_squeeze %dma_wait3A_179 : memref<1x128xi32, #tpu.memory_space<vmem>> -> memref<128xi32, #tpu.memory_space<vmem>>
    %dma_wait3A_181 = arith.constant 0 : i32
    %dma_wait3A_182 = arith.constant 0 : i32
    %dma_wait3A_183 = tpu.memref_slice %arg2[%dma_wait3A_181, %dma_wait3A_182] : memref<10000x16xf32, #tpu.memory_space<hbm>> -> memref<10000x16xf32, #tpu.memory_space<hbm>>
    tpu.wait_indirect_dma semaphore(%arg14 : memref<!tpu.dma_semaphore, #tpu.memory_space<semaphore_mem>>) src(%dma_wait3A_183 : memref<10000x16xf32, #tpu.memory_space<hbm>>) dst(%dma_wait3A_177 : memref<128x16xf32, #tpu.memory_space<vmem>>)
    %dma_start3A_184 = arith.constant 3 : i32
    %dma_start3A_185 = arith.constant 79 : i32
    %dma_start3A_186 = arith.constant 0 : i32
    %dma_start3A_187 = arith.constant 0 : i32
    %dma_start3A_188 = tpu.memref_slice %arg10[%dma_start3A_184, %dma_start3A_186, %dma_start3A_187] : memref<4x128x16xf32, #tpu.memory_space<vmem>> -> memref<1x128x16xf32, #tpu.memory_space<vmem>>
    %dma_start3A_189 = tpu.memref_squeeze %dma_start3A_188 : memref<1x128x16xf32, #tpu.memory_space<vmem>> -> memref<128x16xf32, #tpu.memory_space<vmem>>
    %dma_start3A_190 = arith.constant 0 : i32
    %dma_start3A_191 = tpu.memref_slice %arg9[%dma_start3A_185, %dma_start3A_190] : memref<80x128xi32, #tpu.memory_space<vmem>> -> memref<1x128xi32, #tpu.memory_space<vmem>>
    %dma_start3A_192 = tpu.memref_squeeze %dma_start3A_191 : memref<1x128xi32, #tpu.memory_space<vmem>> -> memref<128xi32, #tpu.memory_space<vmem>>
    %dma_start3A_193 = arith.constant 0 : i32
    %dma_start3A_194 = arith.constant 0 : i32
    %dma_start3A_195 = tpu.memref_slice %arg6[%dma_start3A_193, %dma_start3A_194] : memref<10240x16xf32, #tpu.memory_space<vmem_shared>> -> memref<10240x16xf32, #tpu.memory_space<vmem_shared>>
    tpu.enqueue_indirect_dma source(%dma_start3A_189 : memref<128x16xf32, #tpu.memory_space<vmem>>) target(%dma_start3A_195 : memref<10240x16xf32, #tpu.memory_space<vmem_shared>>) offsets(%dma_start3A_192 : memref<128xi32, #tpu.memory_space<vmem>>) semaphore(%arg18 : memref<!tpu.dma_semaphore, #tpu.memory_space<semaphore_mem>>) {add = true}
    %dma_wait3A_196 = arith.constant 3 : i32
    %dma_wait3A_197 = arith.constant 79 : i32
    %dma_wait3A_198 = arith.constant 0 : i32
    %dma_wait3A_199 = arith.constant 0 : i32
    %dma_wait3A_200 = tpu.memref_slice %arg10[%dma_wait3A_196, %dma_wait3A_198, %dma_wait3A_199] : memref<4x128x16xf32, #tpu.memory_space<vmem>> -> memref<1x128x16xf32, #tpu.memory_space<vmem>>
    %dma_wait3A_201 = tpu.memref_squeeze %dma_wait3A_200 : memref<1x128x16xf32, #tpu.memory_space<vmem>> -> memref<128x16xf32, #tpu.memory_space<vmem>>
    %dma_wait3A_202 = arith.constant 0 : i32
    %dma_wait3A_203 = tpu.memref_slice %arg9[%dma_wait3A_197, %dma_wait3A_202] : memref<80x128xi32, #tpu.memory_space<vmem>> -> memref<1x128xi32, #tpu.memory_space<vmem>>
    %dma_wait3A_204 = tpu.memref_squeeze %dma_wait3A_203 : memref<1x128xi32, #tpu.memory_space<vmem>> -> memref<128xi32, #tpu.memory_space<vmem>>
    %dma_wait3A_205 = arith.constant 0 : i32
    %dma_wait3A_206 = arith.constant 0 : i32
    %dma_wait3A_207 = tpu.memref_slice %arg6[%dma_wait3A_205, %dma_wait3A_206] : memref<10240x16xf32, #tpu.memory_space<vmem_shared>> -> memref<10240x16xf32, #tpu.memory_space<vmem_shared>>
    tpu.wait_indirect_dma semaphore(%arg18 : memref<!tpu.dma_semaphore, #tpu.memory_space<semaphore_mem>>) src(%dma_wait3A_201 : memref<128x16xf32, #tpu.memory_space<vmem>>) dst(%dma_wait3A_207 : memref<10240x16xf32, #tpu.memory_space<vmem_shared>>)
    %barrier3A_208 = arith.constant 0 : index
    tpu.barrier barrier_id(%barrier3A_208)
    %mul3A_209 = arith.constant 640 : i32
    %mul3A_210 = arith.muli %arg1, %mul3A_209 : i32
    %mul3A_211 = arith.constant 640 : i32
    %mul3A_212 = arith.muli %arg1, %mul3A_211 : i32
    "tpu.region"() ({
      %run_scoped3A = tpu.sem_alloc : memref<!tpu.dma_semaphore, #tpu.memory_space<semaphore_mem>>
      %dma_start3A_213 = arith.constant 0 : i32
      %dma_start3A_214 = tpu.memref_slice %arg5[%arg0, %mul3A_212, %dma_start3A_213] : memref<2x10240x16xf32, #tpu.memory_space<hbm>> -> memref<1x640x16xf32, #tpu.memory_space<hbm>>
      %dma_start3A_215 = tpu.memref_squeeze %dma_start3A_214 : memref<1x640x16xf32, #tpu.memory_space<hbm>> -> memref<640x16xf32, #tpu.memory_space<hbm>>
      %dma_start3A_216 = arith.constant 0 : i32
      %dma_start3A_217 = tpu.memref_slice %arg6[%mul3A_210, %dma_start3A_216] : memref<10240x16xf32, #tpu.memory_space<vmem_shared>> -> memref<640x16xf32, #tpu.memory_space<vmem_shared>>
      tpu.enqueue_dma source(%dma_start3A_217 : memref<640x16xf32, #tpu.memory_space<vmem_shared>>) target(%dma_start3A_215 : memref<640x16xf32, #tpu.memory_space<hbm>>) target_semaphore(%run_scoped3A : memref<!tpu.dma_semaphore, #tpu.memory_space<semaphore_mem>>)
      %dma_wait3A_218 = arith.constant 0 : i32
      %dma_wait3A_219 = tpu.memref_slice %arg5[%arg0, %mul3A_212, %dma_wait3A_218] : memref<2x10240x16xf32, #tpu.memory_space<hbm>> -> memref<1x640x16xf32, #tpu.memory_space<hbm>>
      %dma_wait3A_220 = tpu.memref_squeeze %dma_wait3A_219 : memref<1x640x16xf32, #tpu.memory_space<hbm>> -> memref<640x16xf32, #tpu.memory_space<hbm>>
      %dma_wait3A_221 = arith.constant 0 : i32
      %dma_wait3A_222 = tpu.memref_slice %arg6[%mul3A_210, %dma_wait3A_221] : memref<10240x16xf32, #tpu.memory_space<vmem_shared>> -> memref<640x16xf32, #tpu.memory_space<vmem_shared>>
      tpu.wait_dma2 semaphore(%run_scoped3A : memref<!tpu.dma_semaphore, #tpu.memory_space<semaphore_mem>>) src(%dma_wait3A_222 : memref<640x16xf32, #tpu.memory_space<vmem_shared>>) dst(%dma_wait3A_220 : memref<640x16xf32, #tpu.memory_space<hbm>>)
      tpu.yield
    }) : () -> ()
    return
  }
}

#map = affine_map<(d0, d1) -> (0, 0)>
#map1 = affine_map<(d0, d1) -> (0, 0, 0)>
module attributes {stable_mosaic.version = 14 : i64} {
  func.func @_agg_kernel(%arg0: i32, %arg1: i32, %arg2: memref<10000x16xf32, #tpu.memory_space<hbm>>, %arg3: memref<2560x128xi32, #tpu.memory_space<hbm>>, %arg4: memref<2560x128xi32, #tpu.memory_space<hbm>>, %arg5: memref<2x10240x16xf32, #tpu.memory_space<hbm>>, %arg6: memref<10240x16xf32, #tpu.memory_space<vmem_shared>>, %arg7: memref<640x16xf32, #tpu.memory_space<vmem>>, %arg8: memref<80x128xi32, #tpu.memory_space<vmem>>, %arg9: memref<80x128xi32, #tpu.memory_space<vmem>>, %arg10: memref<4x128x16xf32, #tpu.memory_space<vmem>>, %arg11: memref<!tpu.dma_semaphore, #tpu.memory_space<semaphore_mem>>, %arg12: memref<!tpu.dma_semaphore, #tpu.memory_space<semaphore_mem>>, %arg13: memref<!tpu.dma_semaphore, #tpu.memory_space<semaphore_mem>>, %arg14: memref<!tpu.dma_semaphore, #tpu.memory_space<semaphore_mem>>, %arg15: memref<!tpu.dma_semaphore, #tpu.memory_space<semaphore_mem>>, %arg16: memref<!tpu.dma_semaphore, #tpu.memory_space<semaphore_mem>>, %arg17: memref<!tpu.dma_semaphore, #tpu.memory_space<semaphore_mem>>, %arg18: memref<!tpu.dma_semaphore, #tpu.memory_space<semaphore_mem>>) attributes {dimension_semantics = [#tpu.dimension_semantics<core_parallel>, #tpu.dimension_semantics<subcore_parallel>], iteration_bounds = array<i64: 2, 16>, scalar_prefetch = 0 : i64, scratch_operands = 13 : i64, tpu.core_type = #tpu.core_type<sc_vector_subcore>, window_params = [{transform_indices = #map}, {transform_indices = #map}, {transform_indices = #map}, {transform_indices = #map1}]} {
    %mul3A = arith.constant 16 : i32
    %mul3A_0 = arith.muli %arg0, %mul3A : i32
    %add3A = arith.addi %mul3A_0, %arg1 : i32
    %scan3A = arith.constant 0 : i32
    %scan3A_1 = arith.constant 0 : i32
    %scan3A_2 = arith.constant 640 : i32
    %scan3A_3 = arith.addi %scan3A_1, %scan3A_2 : i32
    %scan3A_4 = arith.constant 1 : i32
    scf.for %scan3A_213 = %scan3A_1 to %scan3A_3 step %scan3A_4  : i32 {
      %broadcast_in_dim3A = arith.constant 0.000000e+00 : f32
      %broadcast_in_dim3A_214 = vector.broadcast %broadcast_in_dim3A : f32 to vector<16xf32>
      %swap3A = arith.index_cast %scan3A_213 : i32 to index
      %swap3A_215 = arith.constant 0 : index
      %swap3A_216 = tpu.vector_load %arg7[%swap3A, %swap3A_215] {strides = array<i32>} : memref<640x16xf32, #tpu.memory_space<vmem>>, vector<16xf32>,
      tpu.vector_store %arg7[%swap3A, %swap3A_215], %broadcast_in_dim3A_214 {strides = array<i32>} : memref<640x16xf32, #tpu.memory_space<vmem>>, vector<16xf32>,
    }
    %scan3A_5 = arith.constant 640 : i32
    %mul3A_6 = arith.constant 640 : i32
    %mul3A_7 = arith.muli %arg1, %mul3A_6 : i32
    "tpu.region"() ({
      %run_scoped3A = tpu.sem_alloc : memref<!tpu.dma_semaphore, #tpu.memory_space<semaphore_mem>>
      %dma_start3A_213 = arith.constant 0 : i32
      %dma_start3A_214 = tpu.memref_slice %arg6[%mul3A_7, %dma_start3A_213] : memref<10240x16xf32, #tpu.memory_space<vmem_shared>> -> memref<640x16xf32, #tpu.memory_space<vmem_shared>>
      %dma_start3A_215 = arith.constant 0 : i32
      %dma_start3A_216 = tpu.memref_slice %arg6[%mul3A_7, %dma_start3A_215] : memref<10240x16xf32, #tpu.memory_space<vmem_shared>> -> memref<640x16xf32, #tpu.memory_space<vmem_shared>>
      tpu.enqueue_dma source(%arg7 : memref<640x16xf32, #tpu.memory_space<vmem>>) target(%dma_start3A_216 : memref<640x16xf32, #tpu.memory_space<vmem_shared>>) target_semaphore(%run_scoped3A : memref<!tpu.dma_semaphore, #tpu.memory_space<semaphore_mem>>)
      %dma_wait3A_217 = arith.constant 0 : i32
      %dma_wait3A_218 = tpu.memref_slice %arg6[%mul3A_7, %dma_wait3A_217] : memref<10240x16xf32, #tpu.memory_space<vmem_shared>> -> memref<640x16xf32, #tpu.memory_space<vmem_shared>>
      %dma_wait3A_219 = arith.constant 0 : i32
      %dma_wait3A_220 = tpu.memref_slice %arg6[%mul3A_7, %dma_wait3A_219] : memref<10240x16xf32, #tpu.memory_space<vmem_shared>> -> memref<640x16xf32, #tpu.memory_space<vmem_shared>>
      tpu.wait_dma2 semaphore(%run_scoped3A : memref<!tpu.dma_semaphore, #tpu.memory_space<semaphore_mem>>) src(%arg7 : memref<640x16xf32, #tpu.memory_space<vmem>>) dst(%dma_wait3A_220 : memref<640x16xf32, #tpu.memory_space<vmem_shared>>)
      tpu.yield
    }) : () -> ()
    %mul3A_8 = arith.constant 80 : i32
    %mul3A_9 = arith.muli %add3A, %mul3A_8 : i32
    "tpu.region"() ({
      %run_scoped3A = tpu.sem_alloc : memref<!tpu.dma_semaphore, #tpu.memory_space<semaphore_mem>>
      %dma_start3A_213 = arith.constant 0 : i32
      %dma_start3A_214 = tpu.memref_slice %arg3[%mul3A_9, %dma_start3A_213] : memref<2560x128xi32, #tpu.memory_space<hbm>> -> memref<80x128xi32, #tpu.memory_space<hbm>>
      %dma_start3A_215 = arith.constant 0 : i32
      %dma_start3A_216 = tpu.memref_slice %arg3[%mul3A_9, %dma_start3A_215] : memref<2560x128xi32, #tpu.memory_space<hbm>> -> memref<80x128xi32, #tpu.memory_space<hbm>>
      tpu.enqueue_dma source(%dma_start3A_216 : memref<80x128xi32, #tpu.memory_space<hbm>>) target(%arg8 : memref<80x128xi32, #tpu.memory_space<vmem>>) target_semaphore(%run_scoped3A : memref<!tpu.dma_semaphore, #tpu.memory_space<semaphore_mem>>)
      %dma_wait3A_217 = arith.constant 0 : i32
      %dma_wait3A_218 = tpu.memref_slice %arg3[%mul3A_9, %dma_wait3A_217] : memref<2560x128xi32, #tpu.memory_space<hbm>> -> memref<80x128xi32, #tpu.memory_space<hbm>>
      %dma_wait3A_219 = arith.constant 0 : i32
      %dma_wait3A_220 = tpu.memref_slice %arg3[%mul3A_9, %dma_wait3A_219] : memref<2560x128xi32, #tpu.memory_space<hbm>> -> memref<80x128xi32, #tpu.memory_space<hbm>>
      tpu.wait_dma2 semaphore(%run_scoped3A : memref<!tpu.dma_semaphore, #tpu.memory_space<semaphore_mem>>) src(%dma_wait3A_220 : memref<80x128xi32, #tpu.memory_space<hbm>>) dst(%arg8 : memref<80x128xi32, #tpu.memory_space<vmem>>)
      tpu.yield
    }) : () -> ()
    %mul3A_10 = arith.constant 80 : i32
    %mul3A_11 = arith.muli %add3A, %mul3A_10 : i32
    "tpu.region"() ({
      %run_scoped3A = tpu.sem_alloc : memref<!tpu.dma_semaphore, #tpu.memory_space<semaphore_mem>>
      %dma_start3A_213 = arith.constant 0 : i32
      %dma_start3A_214 = tpu.memref_slice %arg4[%mul3A_11, %dma_start3A_213] : memref<2560x128xi32, #tpu.memory_space<hbm>> -> memref<80x128xi32, #tpu.memory_space<hbm>>
      %dma_start3A_215 = arith.constant 0 : i32
      %dma_start3A_216 = tpu.memref_slice %arg4[%mul3A_11, %dma_start3A_215] : memref<2560x128xi32, #tpu.memory_space<hbm>> -> memref<80x128xi32, #tpu.memory_space<hbm>>
      tpu.enqueue_dma source(%dma_start3A_216 : memref<80x128xi32, #tpu.memory_space<hbm>>) target(%arg9 : memref<80x128xi32, #tpu.memory_space<vmem>>) target_semaphore(%run_scoped3A : memref<!tpu.dma_semaphore, #tpu.memory_space<semaphore_mem>>)
      %dma_wait3A_217 = arith.constant 0 : i32
      %dma_wait3A_218 = tpu.memref_slice %arg4[%mul3A_11, %dma_wait3A_217] : memref<2560x128xi32, #tpu.memory_space<hbm>> -> memref<80x128xi32, #tpu.memory_space<hbm>>
      %dma_wait3A_219 = arith.constant 0 : i32
      %dma_wait3A_220 = tpu.memref_slice %arg4[%mul3A_11, %dma_wait3A_219] : memref<2560x128xi32, #tpu.memory_space<hbm>> -> memref<80x128xi32, #tpu.memory_space<hbm>>
      tpu.wait_dma2 semaphore(%run_scoped3A : memref<!tpu.dma_semaphore, #tpu.memory_space<semaphore_mem>>) src(%dma_wait3A_220 : memref<80x128xi32, #tpu.memory_space<hbm>>) dst(%arg9 : memref<80x128xi32, #tpu.memory_space<vmem>>)
      tpu.yield
    }) : () -> ()
    %barrier3A = arith.constant 0 : index
    tpu.barrier barrier_id(%barrier3A)
    %dma_start3A = arith.constant 0 : i32
    %dma_start3A_12 = arith.constant 0 : i32
    %dma_start3A_13 = arith.constant 0 : i32
    %dma_start3A_14 = arith.constant 0 : i32
    %dma_start3A_15 = tpu.memref_slice %arg10[%dma_start3A_12, %dma_start3A_13, %dma_start3A_14] : memref<4x128x16xf32, #tpu.memory_space<vmem>> -> memref<1x128x16xf32, #tpu.memory_space<vmem>>
    %dma_start3A_16 = tpu.memref_squeeze %dma_start3A_15 : memref<1x128x16xf32, #tpu.memory_space<vmem>> -> memref<128x16xf32, #tpu.memory_space<vmem>>
    %dma_start3A_17 = arith.constant 0 : i32
    %dma_start3A_18 = tpu.memref_slice %arg8[%dma_start3A, %dma_start3A_17] : memref<80x128xi32, #tpu.memory_space<vmem>> -> memref<1x128xi32, #tpu.memory_space<vmem>>
    %dma_start3A_19 = tpu.memref_squeeze %dma_start3A_18 : memref<1x128xi32, #tpu.memory_space<vmem>> -> memref<128xi32, #tpu.memory_space<vmem>>
    %dma_start3A_20 = arith.constant 0 : i32
    %dma_start3A_21 = arith.constant 0 : i32
    %dma_start3A_22 = tpu.memref_slice %arg2[%dma_start3A_20, %dma_start3A_21] : memref<10000x16xf32, #tpu.memory_space<hbm>> -> memref<10000x16xf32, #tpu.memory_space<hbm>>
    tpu.enqueue_indirect_dma source(%dma_start3A_22 : memref<10000x16xf32, #tpu.memory_space<hbm>>) target(%dma_start3A_16 : memref<128x16xf32, #tpu.memory_space<vmem>>) offsets(%dma_start3A_19 : memref<128xi32, #tpu.memory_space<vmem>>) semaphore(%arg11 : memref<!tpu.dma_semaphore, #tpu.memory_space<semaphore_mem>>)
    %dma_start3A_23 = arith.constant 1 : i32
    %dma_start3A_24 = arith.constant 1 : i32
    %dma_start3A_25 = arith.constant 0 : i32
    %dma_start3A_26 = arith.constant 0 : i32
    %dma_start3A_27 = tpu.memref_slice %arg10[%dma_start3A_24, %dma_start3A_25, %dma_start3A_26] : memref<4x128x16xf32, #tpu.memory_space<vmem>> -> memref<1x128x16xf32, #tpu.memory_space<vmem>>
    %dma_start3A_28 = tpu.memref_squeeze %dma_start3A_27 : memref<1x128x16xf32, #tpu.memory_space<vmem>> -> memref<128x16xf32, #tpu.memory_space<vmem>>
    %dma_start3A_29 = arith.constant 0 : i32
    %dma_start3A_30 = tpu.memref_slice %arg8[%dma_start3A_23, %dma_start3A_29] : memref<80x128xi32, #tpu.memory_space<vmem>> -> memref<1x128xi32, #tpu.memory_space<vmem>>
    %dma_start3A_31 = tpu.memref_squeeze %dma_start3A_30 : memref<1x128xi32, #tpu.memory_space<vmem>> -> memref<128xi32, #tpu.memory_space<vmem>>
    %dma_start3A_32 = arith.constant 0 : i32
    %dma_start3A_33 = arith.constant 0 : i32
    %dma_start3A_34 = tpu.memref_slice %arg2[%dma_start3A_32, %dma_start3A_33] : memref<10000x16xf32, #tpu.memory_space<hbm>> -> memref<10000x16xf32, #tpu.memory_space<hbm>>
    tpu.enqueue_indirect_dma source(%dma_start3A_34 : memref<10000x16xf32, #tpu.memory_space<hbm>>) target(%dma_start3A_28 : memref<128x16xf32, #tpu.memory_space<vmem>>) offsets(%dma_start3A_31 : memref<128xi32, #tpu.memory_space<vmem>>) semaphore(%arg12 : memref<!tpu.dma_semaphore, #tpu.memory_space<semaphore_mem>>)
    %dma_start3A_35 = arith.constant 2 : i32
    %dma_start3A_36 = arith.constant 2 : i32
    %dma_start3A_37 = arith.constant 0 : i32
    %dma_start3A_38 = arith.constant 0 : i32
    %dma_start3A_39 = tpu.memref_slice %arg10[%dma_start3A_36, %dma_start3A_37, %dma_start3A_38] : memref<4x128x16xf32, #tpu.memory_space<vmem>> -> memref<1x128x16xf32, #tpu.memory_space<vmem>>
    %dma_start3A_40 = tpu.memref_squeeze %dma_start3A_39 : memref<1x128x16xf32, #tpu.memory_space<vmem>> -> memref<128x16xf32, #tpu.memory_space<vmem>>
    %dma_start3A_41 = arith.constant 0 : i32
    %dma_start3A_42 = tpu.memref_slice %arg8[%dma_start3A_35, %dma_start3A_41] : memref<80x128xi32, #tpu.memory_space<vmem>> -> memref<1x128xi32, #tpu.memory_space<vmem>>
    %dma_start3A_43 = tpu.memref_squeeze %dma_start3A_42 : memref<1x128xi32, #tpu.memory_space<vmem>> -> memref<128xi32, #tpu.memory_space<vmem>>
    %dma_start3A_44 = arith.constant 0 : i32
    %dma_start3A_45 = arith.constant 0 : i32
    %dma_start3A_46 = tpu.memref_slice %arg2[%dma_start3A_44, %dma_start3A_45] : memref<10000x16xf32, #tpu.memory_space<hbm>> -> memref<10000x16xf32, #tpu.memory_space<hbm>>
    tpu.enqueue_indirect_dma source(%dma_start3A_46 : memref<10000x16xf32, #tpu.memory_space<hbm>>) target(%dma_start3A_40 : memref<128x16xf32, #tpu.memory_space<vmem>>) offsets(%dma_start3A_43 : memref<128xi32, #tpu.memory_space<vmem>>) semaphore(%arg13 : memref<!tpu.dma_semaphore, #tpu.memory_space<semaphore_mem>>)
    %dma_start3A_47 = arith.constant 3 : i32
    %dma_start3A_48 = arith.constant 3 : i32
    %dma_start3A_49 = arith.constant 0 : i32
    %dma_start3A_50 = arith.constant 0 : i32
    %dma_start3A_51 = tpu.memref_slice %arg10[%dma_start3A_48, %dma_start3A_49, %dma_start3A_50] : memref<4x128x16xf32, #tpu.memory_space<vmem>> -> memref<1x128x16xf32, #tpu.memory_space<vmem>>
    %dma_start3A_52 = tpu.memref_squeeze %dma_start3A_51 : memref<1x128x16xf32, #tpu.memory_space<vmem>> -> memref<128x16xf32, #tpu.memory_space<vmem>>
    %dma_start3A_53 = arith.constant 0 : i32
    %dma_start3A_54 = tpu.memref_slice %arg8[%dma_start3A_47, %dma_start3A_53] : memref<80x128xi32, #tpu.memory_space<vmem>> -> memref<1x128xi32, #tpu.memory_space<vmem>>
    %dma_start3A_55 = tpu.memref_squeeze %dma_start3A_54 : memref<1x128xi32, #tpu.memory_space<vmem>> -> memref<128xi32, #tpu.memory_space<vmem>>
    %dma_start3A_56 = arith.constant 0 : i32
    %dma_start3A_57 = arith.constant 0 : i32
    %dma_start3A_58 = tpu.memref_slice %arg2[%dma_start3A_56, %dma_start3A_57] : memref<10000x16xf32, #tpu.memory_space<hbm>> -> memref<10000x16xf32, #tpu.memory_space<hbm>>
    tpu.enqueue_indirect_dma source(%dma_start3A_58 : memref<10000x16xf32, #tpu.memory_space<hbm>>) target(%dma_start3A_52 : memref<128x16xf32, #tpu.memory_space<vmem>>) offsets(%dma_start3A_55 : memref<128xi32, #tpu.memory_space<vmem>>) semaphore(%arg14 : memref<!tpu.dma_semaphore, #tpu.memory_space<semaphore_mem>>)
    %scan3A_59 = arith.constant 0 : i32
    %scan3A_60 = arith.constant 0 : i32
    %scan3A_61 = arith.constant 19 : i32
    %scan3A_62 = arith.addi %scan3A_60, %scan3A_61 : i32
    %scan3A_63 = arith.constant 1 : i32
    scf.for %scan3A_213 = %scan3A_60 to %scan3A_62 step %scan3A_63  : i32 {
      %mul3A_214 = arith.constant 4 : i32
      %mul3A_215 = arith.muli %scan3A_213, %mul3A_214 : i32
      %add3A_216 = arith.constant 0 : i32
      %add3A_217 = arith.addi %mul3A_215, %add3A_216 : i32
      %dma_wait3A_218 = arith.constant 0 : i32
      %dma_wait3A_219 = arith.constant 0 : i32
      %dma_wait3A_220 = arith.constant 0 : i32
      %dma_wait3A_221 = tpu.memref_slice %arg10[%dma_wait3A_218, %dma_wait3A_219, %dma_wait3A_220] : memref<4x128x16xf32, #tpu.memory_space<vmem>> -> memref<1x128x16xf32, #tpu.memory_space<vmem>>
      %dma_wait3A_222 = tpu.memref_squeeze %dma_wait3A_221 : memref<1x128x16xf32, #tpu.memory_space<vmem>> -> memref<128x16xf32, #tpu.memory_space<vmem>>
      %dma_wait3A_223 = arith.constant 0 : i32
      %dma_wait3A_224 = tpu.memref_slice %arg8[%add3A_217, %dma_wait3A_223] : memref<80x128xi32, #tpu.memory_space<vmem>> -> memref<1x128xi32, #tpu.memory_space<vmem>>
      %dma_wait3A_225 = tpu.memref_squeeze %dma_wait3A_224 : memref<1x128xi32, #tpu.memory_space<vmem>> -> memref<128xi32, #tpu.memory_space<vmem>>
      %dma_wait3A_226 = arith.constant 0 : i32
      %dma_wait3A_227 = arith.constant 0 : i32
      %dma_wait3A_228 = tpu.memref_slice %arg2[%dma_wait3A_226, %dma_wait3A_227] : memref<10000x16xf32, #tpu.memory_space<hbm>> -> memref<10000x16xf32, #tpu.memory_space<hbm>>
      tpu.wait_indirect_dma semaphore(%arg11 : memref<!tpu.dma_semaphore, #tpu.memory_space<semaphore_mem>>) src(%dma_wait3A_228 : memref<10000x16xf32, #tpu.memory_space<hbm>>) dst(%dma_wait3A_222 : memref<128x16xf32, #tpu.memory_space<vmem>>)
      %dma_start3A_229 = arith.constant 0 : i32
      %dma_start3A_230 = arith.constant 0 : i32
      %dma_start3A_231 = arith.constant 0 : i32
      %dma_start3A_232 = tpu.memref_slice %arg10[%dma_start3A_229, %dma_start3A_230, %dma_start3A_231] : memref<4x128x16xf32, #tpu.memory_space<vmem>> -> memref<1x128x16xf32, #tpu.memory_space<vmem>>
      %dma_start3A_233 = tpu.memref_squeeze %dma_start3A_232 : memref<1x128x16xf32, #tpu.memory_space<vmem>> -> memref<128x16xf32, #tpu.memory_space<vmem>>
      %dma_start3A_234 = arith.constant 0 : i32
      %dma_start3A_235 = tpu.memref_slice %arg9[%add3A_217, %dma_start3A_234] : memref<80x128xi32, #tpu.memory_space<vmem>> -> memref<1x128xi32, #tpu.memory_space<vmem>>
      %dma_start3A_236 = tpu.memref_squeeze %dma_start3A_235 : memref<1x128xi32, #tpu.memory_space<vmem>> -> memref<128xi32, #tpu.memory_space<vmem>>
      %dma_start3A_237 = arith.constant 0 : i32
      %dma_start3A_238 = arith.constant 0 : i32
      %dma_start3A_239 = tpu.memref_slice %arg6[%dma_start3A_237, %dma_start3A_238] : memref<10240x16xf32, #tpu.memory_space<vmem_shared>> -> memref<10240x16xf32, #tpu.memory_space<vmem_shared>>
      tpu.enqueue_indirect_dma source(%dma_start3A_233 : memref<128x16xf32, #tpu.memory_space<vmem>>) target(%dma_start3A_239 : memref<10240x16xf32, #tpu.memory_space<vmem_shared>>) offsets(%dma_start3A_236 : memref<128xi32, #tpu.memory_space<vmem>>) semaphore(%arg15 : memref<!tpu.dma_semaphore, #tpu.memory_space<semaphore_mem>>) {add = true}
      %dma_wait3A_240 = arith.constant 0 : i32
      %dma_wait3A_241 = arith.constant 0 : i32
      %dma_wait3A_242 = arith.constant 0 : i32
      %dma_wait3A_243 = tpu.memref_slice %arg10[%dma_wait3A_240, %dma_wait3A_241, %dma_wait3A_242] : memref<4x128x16xf32, #tpu.memory_space<vmem>> -> memref<1x128x16xf32, #tpu.memory_space<vmem>>
      %dma_wait3A_244 = tpu.memref_squeeze %dma_wait3A_243 : memref<1x128x16xf32, #tpu.memory_space<vmem>> -> memref<128x16xf32, #tpu.memory_space<vmem>>
      %dma_wait3A_245 = arith.constant 0 : i32
      %dma_wait3A_246 = tpu.memref_slice %arg9[%add3A_217, %dma_wait3A_245] : memref<80x128xi32, #tpu.memory_space<vmem>> -> memref<1x128xi32, #tpu.memory_space<vmem>>
      %dma_wait3A_247 = tpu.memref_squeeze %dma_wait3A_246 : memref<1x128xi32, #tpu.memory_space<vmem>> -> memref<128xi32, #tpu.memory_space<vmem>>
      %dma_wait3A_248 = arith.constant 0 : i32
      %dma_wait3A_249 = arith.constant 0 : i32
      %dma_wait3A_250 = tpu.memref_slice %arg6[%dma_wait3A_248, %dma_wait3A_249] : memref<10240x16xf32, #tpu.memory_space<vmem_shared>> -> memref<10240x16xf32, #tpu.memory_space<vmem_shared>>
      tpu.wait_indirect_dma semaphore(%arg15 : memref<!tpu.dma_semaphore, #tpu.memory_space<semaphore_mem>>) src(%dma_wait3A_244 : memref<128x16xf32, #tpu.memory_space<vmem>>) dst(%dma_wait3A_250 : memref<10240x16xf32, #tpu.memory_space<vmem_shared>>)
      %add3A_251 = arith.constant 4 : i32
      %add3A_252 = arith.addi %add3A_217, %add3A_251 : i32
      %dma_start3A_253 = arith.constant 0 : i32
      %dma_start3A_254 = arith.constant 0 : i32
      %dma_start3A_255 = arith.constant 0 : i32
      %dma_start3A_256 = tpu.memref_slice %arg10[%dma_start3A_253, %dma_start3A_254, %dma_start3A_255] : memref<4x128x16xf32, #tpu.memory_space<vmem>> -> memref<1x128x16xf32, #tpu.memory_space<vmem>>
      %dma_start3A_257 = tpu.memref_squeeze %dma_start3A_256 : memref<1x128x16xf32, #tpu.memory_space<vmem>> -> memref<128x16xf32, #tpu.memory_space<vmem>>
      %dma_start3A_258 = arith.constant 0 : i32
      %dma_start3A_259 = tpu.memref_slice %arg8[%add3A_252, %dma_start3A_258] : memref<80x128xi32, #tpu.memory_space<vmem>> -> memref<1x128xi32, #tpu.memory_space<vmem>>
      %dma_start3A_260 = tpu.memref_squeeze %dma_start3A_259 : memref<1x128xi32, #tpu.memory_space<vmem>> -> memref<128xi32, #tpu.memory_space<vmem>>
      %dma_start3A_261 = arith.constant 0 : i32
      %dma_start3A_262 = arith.constant 0 : i32
      %dma_start3A_263 = tpu.memref_slice %arg2[%dma_start3A_261, %dma_start3A_262] : memref<10000x16xf32, #tpu.memory_space<hbm>> -> memref<10000x16xf32, #tpu.memory_space<hbm>>
      tpu.enqueue_indirect_dma source(%dma_start3A_263 : memref<10000x16xf32, #tpu.memory_space<hbm>>) target(%dma_start3A_257 : memref<128x16xf32, #tpu.memory_space<vmem>>) offsets(%dma_start3A_260 : memref<128xi32, #tpu.memory_space<vmem>>) semaphore(%arg11 : memref<!tpu.dma_semaphore, #tpu.memory_space<semaphore_mem>>)
      %mul3A_264 = arith.constant 4 : i32
      %mul3A_265 = arith.muli %scan3A_213, %mul3A_264 : i32
      %add3A_266 = arith.constant 1 : i32
      %add3A_267 = arith.addi %mul3A_265, %add3A_266 : i32
      %dma_wait3A_268 = arith.constant 1 : i32
      %dma_wait3A_269 = arith.constant 0 : i32
      %dma_wait3A_270 = arith.constant 0 : i32
      %dma_wait3A_271 = tpu.memref_slice %arg10[%dma_wait3A_268, %dma_wait3A_269, %dma_wait3A_270] : memref<4x128x16xf32, #tpu.memory_space<vmem>> -> memref<1x128x16xf32, #tpu.memory_space<vmem>>
      %dma_wait3A_272 = tpu.memref_squeeze %dma_wait3A_271 : memref<1x128x16xf32, #tpu.memory_space<vmem>> -> memref<128x16xf32, #tpu.memory_space<vmem>>
      %dma_wait3A_273 = arith.constant 0 : i32
      %dma_wait3A_274 = tpu.memref_slice %arg8[%add3A_267, %dma_wait3A_273] : memref<80x128xi32, #tpu.memory_space<vmem>> -> memref<1x128xi32, #tpu.memory_space<vmem>>
      %dma_wait3A_275 = tpu.memref_squeeze %dma_wait3A_274 : memref<1x128xi32, #tpu.memory_space<vmem>> -> memref<128xi32, #tpu.memory_space<vmem>>
      %dma_wait3A_276 = arith.constant 0 : i32
      %dma_wait3A_277 = arith.constant 0 : i32
      %dma_wait3A_278 = tpu.memref_slice %arg2[%dma_wait3A_276, %dma_wait3A_277] : memref<10000x16xf32, #tpu.memory_space<hbm>> -> memref<10000x16xf32, #tpu.memory_space<hbm>>
      tpu.wait_indirect_dma semaphore(%arg12 : memref<!tpu.dma_semaphore, #tpu.memory_space<semaphore_mem>>) src(%dma_wait3A_278 : memref<10000x16xf32, #tpu.memory_space<hbm>>) dst(%dma_wait3A_272 : memref<128x16xf32, #tpu.memory_space<vmem>>)
      %dma_start3A_279 = arith.constant 1 : i32
      %dma_start3A_280 = arith.constant 0 : i32
      %dma_start3A_281 = arith.constant 0 : i32
      %dma_start3A_282 = tpu.memref_slice %arg10[%dma_start3A_279, %dma_start3A_280, %dma_start3A_281] : memref<4x128x16xf32, #tpu.memory_space<vmem>> -> memref<1x128x16xf32, #tpu.memory_space<vmem>>
      %dma_start3A_283 = tpu.memref_squeeze %dma_start3A_282 : memref<1x128x16xf32, #tpu.memory_space<vmem>> -> memref<128x16xf32, #tpu.memory_space<vmem>>
      %dma_start3A_284 = arith.constant 0 : i32
      %dma_start3A_285 = tpu.memref_slice %arg9[%add3A_267, %dma_start3A_284] : memref<80x128xi32, #tpu.memory_space<vmem>> -> memref<1x128xi32, #tpu.memory_space<vmem>>
      %dma_start3A_286 = tpu.memref_squeeze %dma_start3A_285 : memref<1x128xi32, #tpu.memory_space<vmem>> -> memref<128xi32, #tpu.memory_space<vmem>>
      %dma_start3A_287 = arith.constant 0 : i32
      %dma_start3A_288 = arith.constant 0 : i32
      %dma_start3A_289 = tpu.memref_slice %arg6[%dma_start3A_287, %dma_start3A_288] : memref<10240x16xf32, #tpu.memory_space<vmem_shared>> -> memref<10240x16xf32, #tpu.memory_space<vmem_shared>>
      tpu.enqueue_indirect_dma source(%dma_start3A_283 : memref<128x16xf32, #tpu.memory_space<vmem>>) target(%dma_start3A_289 : memref<10240x16xf32, #tpu.memory_space<vmem_shared>>) offsets(%dma_start3A_286 : memref<128xi32, #tpu.memory_space<vmem>>) semaphore(%arg16 : memref<!tpu.dma_semaphore, #tpu.memory_space<semaphore_mem>>) {add = true}
      %dma_wait3A_290 = arith.constant 1 : i32
      %dma_wait3A_291 = arith.constant 0 : i32
      %dma_wait3A_292 = arith.constant 0 : i32
      %dma_wait3A_293 = tpu.memref_slice %arg10[%dma_wait3A_290, %dma_wait3A_291, %dma_wait3A_292] : memref<4x128x16xf32, #tpu.memory_space<vmem>> -> memref<1x128x16xf32, #tpu.memory_space<vmem>>
      %dma_wait3A_294 = tpu.memref_squeeze %dma_wait3A_293 : memref<1x128x16xf32, #tpu.memory_space<vmem>> -> memref<128x16xf32, #tpu.memory_space<vmem>>
      %dma_wait3A_295 = arith.constant 0 : i32
      %dma_wait3A_296 = tpu.memref_slice %arg9[%add3A_267, %dma_wait3A_295] : memref<80x128xi32, #tpu.memory_space<vmem>> -> memref<1x128xi32, #tpu.memory_space<vmem>>
      %dma_wait3A_297 = tpu.memref_squeeze %dma_wait3A_296 : memref<1x128xi32, #tpu.memory_space<vmem>> -> memref<128xi32, #tpu.memory_space<vmem>>
      %dma_wait3A_298 = arith.constant 0 : i32
      %dma_wait3A_299 = arith.constant 0 : i32
      %dma_wait3A_300 = tpu.memref_slice %arg6[%dma_wait3A_298, %dma_wait3A_299] : memref<10240x16xf32, #tpu.memory_space<vmem_shared>> -> memref<10240x16xf32, #tpu.memory_space<vmem_shared>>
      tpu.wait_indirect_dma semaphore(%arg16 : memref<!tpu.dma_semaphore, #tpu.memory_space<semaphore_mem>>) src(%dma_wait3A_294 : memref<128x16xf32, #tpu.memory_space<vmem>>) dst(%dma_wait3A_300 : memref<10240x16xf32, #tpu.memory_space<vmem_shared>>)
      %add3A_301 = arith.constant 4 : i32
      %add3A_302 = arith.addi %add3A_267, %add3A_301 : i32
      %dma_start3A_303 = arith.constant 1 : i32
      %dma_start3A_304 = arith.constant 0 : i32
      %dma_start3A_305 = arith.constant 0 : i32
      %dma_start3A_306 = tpu.memref_slice %arg10[%dma_start3A_303, %dma_start3A_304, %dma_start3A_305] : memref<4x128x16xf32, #tpu.memory_space<vmem>> -> memref<1x128x16xf32, #tpu.memory_space<vmem>>
      %dma_start3A_307 = tpu.memref_squeeze %dma_start3A_306 : memref<1x128x16xf32, #tpu.memory_space<vmem>> -> memref<128x16xf32, #tpu.memory_space<vmem>>
      %dma_start3A_308 = arith.constant 0 : i32
      %dma_start3A_309 = tpu.memref_slice %arg8[%add3A_302, %dma_start3A_308] : memref<80x128xi32, #tpu.memory_space<vmem>> -> memref<1x128xi32, #tpu.memory_space<vmem>>
      %dma_start3A_310 = tpu.memref_squeeze %dma_start3A_309 : memref<1x128xi32, #tpu.memory_space<vmem>> -> memref<128xi32, #tpu.memory_space<vmem>>
      %dma_start3A_311 = arith.constant 0 : i32
      %dma_start3A_312 = arith.constant 0 : i32
      %dma_start3A_313 = tpu.memref_slice %arg2[%dma_start3A_311, %dma_start3A_312] : memref<10000x16xf32, #tpu.memory_space<hbm>> -> memref<10000x16xf32, #tpu.memory_space<hbm>>
      tpu.enqueue_indirect_dma source(%dma_start3A_313 : memref<10000x16xf32, #tpu.memory_space<hbm>>) target(%dma_start3A_307 : memref<128x16xf32, #tpu.memory_space<vmem>>) offsets(%dma_start3A_310 : memref<128xi32, #tpu.memory_space<vmem>>) semaphore(%arg12 : memref<!tpu.dma_semaphore, #tpu.memory_space<semaphore_mem>>)
      %mul3A_314 = arith.constant 4 : i32
      %mul3A_315 = arith.muli %scan3A_213, %mul3A_314 : i32
      %add3A_316 = arith.constant 2 : i32
      %add3A_317 = arith.addi %mul3A_315, %add3A_316 : i32
      %dma_wait3A_318 = arith.constant 2 : i32
      %dma_wait3A_319 = arith.constant 0 : i32
      %dma_wait3A_320 = arith.constant 0 : i32
      %dma_wait3A_321 = tpu.memref_slice %arg10[%dma_wait3A_318, %dma_wait3A_319, %dma_wait3A_320] : memref<4x128x16xf32, #tpu.memory_space<vmem>> -> memref<1x128x16xf32, #tpu.memory_space<vmem>>
      %dma_wait3A_322 = tpu.memref_squeeze %dma_wait3A_321 : memref<1x128x16xf32, #tpu.memory_space<vmem>> -> memref<128x16xf32, #tpu.memory_space<vmem>>
      %dma_wait3A_323 = arith.constant 0 : i32
      %dma_wait3A_324 = tpu.memref_slice %arg8[%add3A_317, %dma_wait3A_323] : memref<80x128xi32, #tpu.memory_space<vmem>> -> memref<1x128xi32, #tpu.memory_space<vmem>>
      %dma_wait3A_325 = tpu.memref_squeeze %dma_wait3A_324 : memref<1x128xi32, #tpu.memory_space<vmem>> -> memref<128xi32, #tpu.memory_space<vmem>>
      %dma_wait3A_326 = arith.constant 0 : i32
      %dma_wait3A_327 = arith.constant 0 : i32
      %dma_wait3A_328 = tpu.memref_slice %arg2[%dma_wait3A_326, %dma_wait3A_327] : memref<10000x16xf32, #tpu.memory_space<hbm>> -> memref<10000x16xf32, #tpu.memory_space<hbm>>
      tpu.wait_indirect_dma semaphore(%arg13 : memref<!tpu.dma_semaphore, #tpu.memory_space<semaphore_mem>>) src(%dma_wait3A_328 : memref<10000x16xf32, #tpu.memory_space<hbm>>) dst(%dma_wait3A_322 : memref<128x16xf32, #tpu.memory_space<vmem>>)
      %dma_start3A_329 = arith.constant 2 : i32
      %dma_start3A_330 = arith.constant 0 : i32
      %dma_start3A_331 = arith.constant 0 : i32
      %dma_start3A_332 = tpu.memref_slice %arg10[%dma_start3A_329, %dma_start3A_330, %dma_start3A_331] : memref<4x128x16xf32, #tpu.memory_space<vmem>> -> memref<1x128x16xf32, #tpu.memory_space<vmem>>
      %dma_start3A_333 = tpu.memref_squeeze %dma_start3A_332 : memref<1x128x16xf32, #tpu.memory_space<vmem>> -> memref<128x16xf32, #tpu.memory_space<vmem>>
      %dma_start3A_334 = arith.constant 0 : i32
      %dma_start3A_335 = tpu.memref_slice %arg9[%add3A_317, %dma_start3A_334] : memref<80x128xi32, #tpu.memory_space<vmem>> -> memref<1x128xi32, #tpu.memory_space<vmem>>
      %dma_start3A_336 = tpu.memref_squeeze %dma_start3A_335 : memref<1x128xi32, #tpu.memory_space<vmem>> -> memref<128xi32, #tpu.memory_space<vmem>>
      %dma_start3A_337 = arith.constant 0 : i32
      %dma_start3A_338 = arith.constant 0 : i32
      %dma_start3A_339 = tpu.memref_slice %arg6[%dma_start3A_337, %dma_start3A_338] : memref<10240x16xf32, #tpu.memory_space<vmem_shared>> -> memref<10240x16xf32, #tpu.memory_space<vmem_shared>>
      tpu.enqueue_indirect_dma source(%dma_start3A_333 : memref<128x16xf32, #tpu.memory_space<vmem>>) target(%dma_start3A_339 : memref<10240x16xf32, #tpu.memory_space<vmem_shared>>) offsets(%dma_start3A_336 : memref<128xi32, #tpu.memory_space<vmem>>) semaphore(%arg17 : memref<!tpu.dma_semaphore, #tpu.memory_space<semaphore_mem>>) {add = true}
      %dma_wait3A_340 = arith.constant 2 : i32
      %dma_wait3A_341 = arith.constant 0 : i32
      %dma_wait3A_342 = arith.constant 0 : i32
      %dma_wait3A_343 = tpu.memref_slice %arg10[%dma_wait3A_340, %dma_wait3A_341, %dma_wait3A_342] : memref<4x128x16xf32, #tpu.memory_space<vmem>> -> memref<1x128x16xf32, #tpu.memory_space<vmem>>
      %dma_wait3A_344 = tpu.memref_squeeze %dma_wait3A_343 : memref<1x128x16xf32, #tpu.memory_space<vmem>> -> memref<128x16xf32, #tpu.memory_space<vmem>>
      %dma_wait3A_345 = arith.constant 0 : i32
      %dma_wait3A_346 = tpu.memref_slice %arg9[%add3A_317, %dma_wait3A_345] : memref<80x128xi32, #tpu.memory_space<vmem>> -> memref<1x128xi32, #tpu.memory_space<vmem>>
      %dma_wait3A_347 = tpu.memref_squeeze %dma_wait3A_346 : memref<1x128xi32, #tpu.memory_space<vmem>> -> memref<128xi32, #tpu.memory_space<vmem>>
      %dma_wait3A_348 = arith.constant 0 : i32
      %dma_wait3A_349 = arith.constant 0 : i32
      %dma_wait3A_350 = tpu.memref_slice %arg6[%dma_wait3A_348, %dma_wait3A_349] : memref<10240x16xf32, #tpu.memory_space<vmem_shared>> -> memref<10240x16xf32, #tpu.memory_space<vmem_shared>>
      tpu.wait_indirect_dma semaphore(%arg17 : memref<!tpu.dma_semaphore, #tpu.memory_space<semaphore_mem>>) src(%dma_wait3A_344 : memref<128x16xf32, #tpu.memory_space<vmem>>) dst(%dma_wait3A_350 : memref<10240x16xf32, #tpu.memory_space<vmem_shared>>)
      %add3A_351 = arith.constant 4 : i32
      %add3A_352 = arith.addi %add3A_317, %add3A_351 : i32
      %dma_start3A_353 = arith.constant 2 : i32
      %dma_start3A_354 = arith.constant 0 : i32
      %dma_start3A_355 = arith.constant 0 : i32
      %dma_start3A_356 = tpu.memref_slice %arg10[%dma_start3A_353, %dma_start3A_354, %dma_start3A_355] : memref<4x128x16xf32, #tpu.memory_space<vmem>> -> memref<1x128x16xf32, #tpu.memory_space<vmem>>
      %dma_start3A_357 = tpu.memref_squeeze %dma_start3A_356 : memref<1x128x16xf32, #tpu.memory_space<vmem>> -> memref<128x16xf32, #tpu.memory_space<vmem>>
      %dma_start3A_358 = arith.constant 0 : i32
      %dma_start3A_359 = tpu.memref_slice %arg8[%add3A_352, %dma_start3A_358] : memref<80x128xi32, #tpu.memory_space<vmem>> -> memref<1x128xi32, #tpu.memory_space<vmem>>
      %dma_start3A_360 = tpu.memref_squeeze %dma_start3A_359 : memref<1x128xi32, #tpu.memory_space<vmem>> -> memref<128xi32, #tpu.memory_space<vmem>>
      %dma_start3A_361 = arith.constant 0 : i32
      %dma_start3A_362 = arith.constant 0 : i32
      %dma_start3A_363 = tpu.memref_slice %arg2[%dma_start3A_361, %dma_start3A_362] : memref<10000x16xf32, #tpu.memory_space<hbm>> -> memref<10000x16xf32, #tpu.memory_space<hbm>>
      tpu.enqueue_indirect_dma source(%dma_start3A_363 : memref<10000x16xf32, #tpu.memory_space<hbm>>) target(%dma_start3A_357 : memref<128x16xf32, #tpu.memory_space<vmem>>) offsets(%dma_start3A_360 : memref<128xi32, #tpu.memory_space<vmem>>) semaphore(%arg13 : memref<!tpu.dma_semaphore, #tpu.memory_space<semaphore_mem>>)
      %mul3A_364 = arith.constant 4 : i32
      %mul3A_365 = arith.muli %scan3A_213, %mul3A_364 : i32
      %add3A_366 = arith.constant 3 : i32
      %add3A_367 = arith.addi %mul3A_365, %add3A_366 : i32
      %dma_wait3A_368 = arith.constant 3 : i32
      %dma_wait3A_369 = arith.constant 0 : i32
      %dma_wait3A_370 = arith.constant 0 : i32
      %dma_wait3A_371 = tpu.memref_slice %arg10[%dma_wait3A_368, %dma_wait3A_369, %dma_wait3A_370] : memref<4x128x16xf32, #tpu.memory_space<vmem>> -> memref<1x128x16xf32, #tpu.memory_space<vmem>>
      %dma_wait3A_372 = tpu.memref_squeeze %dma_wait3A_371 : memref<1x128x16xf32, #tpu.memory_space<vmem>> -> memref<128x16xf32, #tpu.memory_space<vmem>>
      %dma_wait3A_373 = arith.constant 0 : i32
      %dma_wait3A_374 = tpu.memref_slice %arg8[%add3A_367, %dma_wait3A_373] : memref<80x128xi32, #tpu.memory_space<vmem>> -> memref<1x128xi32, #tpu.memory_space<vmem>>
      %dma_wait3A_375 = tpu.memref_squeeze %dma_wait3A_374 : memref<1x128xi32, #tpu.memory_space<vmem>> -> memref<128xi32, #tpu.memory_space<vmem>>
      %dma_wait3A_376 = arith.constant 0 : i32
      %dma_wait3A_377 = arith.constant 0 : i32
      %dma_wait3A_378 = tpu.memref_slice %arg2[%dma_wait3A_376, %dma_wait3A_377] : memref<10000x16xf32, #tpu.memory_space<hbm>> -> memref<10000x16xf32, #tpu.memory_space<hbm>>
      tpu.wait_indirect_dma semaphore(%arg14 : memref<!tpu.dma_semaphore, #tpu.memory_space<semaphore_mem>>) src(%dma_wait3A_378 : memref<10000x16xf32, #tpu.memory_space<hbm>>) dst(%dma_wait3A_372 : memref<128x16xf32, #tpu.memory_space<vmem>>)
      %dma_start3A_379 = arith.constant 3 : i32
      %dma_start3A_380 = arith.constant 0 : i32
      %dma_start3A_381 = arith.constant 0 : i32
      %dma_start3A_382 = tpu.memref_slice %arg10[%dma_start3A_379, %dma_start3A_380, %dma_start3A_381] : memref<4x128x16xf32, #tpu.memory_space<vmem>> -> memref<1x128x16xf32, #tpu.memory_space<vmem>>
      %dma_start3A_383 = tpu.memref_squeeze %dma_start3A_382 : memref<1x128x16xf32, #tpu.memory_space<vmem>> -> memref<128x16xf32, #tpu.memory_space<vmem>>
      %dma_start3A_384 = arith.constant 0 : i32
      %dma_start3A_385 = tpu.memref_slice %arg9[%add3A_367, %dma_start3A_384] : memref<80x128xi32, #tpu.memory_space<vmem>> -> memref<1x128xi32, #tpu.memory_space<vmem>>
      %dma_start3A_386 = tpu.memref_squeeze %dma_start3A_385 : memref<1x128xi32, #tpu.memory_space<vmem>> -> memref<128xi32, #tpu.memory_space<vmem>>
      %dma_start3A_387 = arith.constant 0 : i32
      %dma_start3A_388 = arith.constant 0 : i32
      %dma_start3A_389 = tpu.memref_slice %arg6[%dma_start3A_387, %dma_start3A_388] : memref<10240x16xf32, #tpu.memory_space<vmem_shared>> -> memref<10240x16xf32, #tpu.memory_space<vmem_shared>>
      tpu.enqueue_indirect_dma source(%dma_start3A_383 : memref<128x16xf32, #tpu.memory_space<vmem>>) target(%dma_start3A_389 : memref<10240x16xf32, #tpu.memory_space<vmem_shared>>) offsets(%dma_start3A_386 : memref<128xi32, #tpu.memory_space<vmem>>) semaphore(%arg18 : memref<!tpu.dma_semaphore, #tpu.memory_space<semaphore_mem>>) {add = true}
      %dma_wait3A_390 = arith.constant 3 : i32
      %dma_wait3A_391 = arith.constant 0 : i32
      %dma_wait3A_392 = arith.constant 0 : i32
      %dma_wait3A_393 = tpu.memref_slice %arg10[%dma_wait3A_390, %dma_wait3A_391, %dma_wait3A_392] : memref<4x128x16xf32, #tpu.memory_space<vmem>> -> memref<1x128x16xf32, #tpu.memory_space<vmem>>
      %dma_wait3A_394 = tpu.memref_squeeze %dma_wait3A_393 : memref<1x128x16xf32, #tpu.memory_space<vmem>> -> memref<128x16xf32, #tpu.memory_space<vmem>>
      %dma_wait3A_395 = arith.constant 0 : i32
      %dma_wait3A_396 = tpu.memref_slice %arg9[%add3A_367, %dma_wait3A_395] : memref<80x128xi32, #tpu.memory_space<vmem>> -> memref<1x128xi32, #tpu.memory_space<vmem>>
      %dma_wait3A_397 = tpu.memref_squeeze %dma_wait3A_396 : memref<1x128xi32, #tpu.memory_space<vmem>> -> memref<128xi32, #tpu.memory_space<vmem>>
      %dma_wait3A_398 = arith.constant 0 : i32
      %dma_wait3A_399 = arith.constant 0 : i32
      %dma_wait3A_400 = tpu.memref_slice %arg6[%dma_wait3A_398, %dma_wait3A_399] : memref<10240x16xf32, #tpu.memory_space<vmem_shared>> -> memref<10240x16xf32, #tpu.memory_space<vmem_shared>>
      tpu.wait_indirect_dma semaphore(%arg18 : memref<!tpu.dma_semaphore, #tpu.memory_space<semaphore_mem>>) src(%dma_wait3A_394 : memref<128x16xf32, #tpu.memory_space<vmem>>) dst(%dma_wait3A_400 : memref<10240x16xf32, #tpu.memory_space<vmem_shared>>)
      %add3A_401 = arith.constant 4 : i32
      %add3A_402 = arith.addi %add3A_367, %add3A_401 : i32
      %dma_start3A_403 = arith.constant 3 : i32
      %dma_start3A_404 = arith.constant 0 : i32
      %dma_start3A_405 = arith.constant 0 : i32
      %dma_start3A_406 = tpu.memref_slice %arg10[%dma_start3A_403, %dma_start3A_404, %dma_start3A_405] : memref<4x128x16xf32, #tpu.memory_space<vmem>> -> memref<1x128x16xf32, #tpu.memory_space<vmem>>
      %dma_start3A_407 = tpu.memref_squeeze %dma_start3A_406 : memref<1x128x16xf32, #tpu.memory_space<vmem>> -> memref<128x16xf32, #tpu.memory_space<vmem>>
      %dma_start3A_408 = arith.constant 0 : i32
      %dma_start3A_409 = tpu.memref_slice %arg8[%add3A_402, %dma_start3A_408] : memref<80x128xi32, #tpu.memory_space<vmem>> -> memref<1x128xi32, #tpu.memory_space<vmem>>
      %dma_start3A_410 = tpu.memref_squeeze %dma_start3A_409 : memref<1x128xi32, #tpu.memory_space<vmem>> -> memref<128xi32, #tpu.memory_space<vmem>>
      %dma_start3A_411 = arith.constant 0 : i32
      %dma_start3A_412 = arith.constant 0 : i32
      %dma_start3A_413 = tpu.memref_slice %arg2[%dma_start3A_411, %dma_start3A_412] : memref<10000x16xf32, #tpu.memory_space<hbm>> -> memref<10000x16xf32, #tpu.memory_space<hbm>>
      tpu.enqueue_indirect_dma source(%dma_start3A_413 : memref<10000x16xf32, #tpu.memory_space<hbm>>) target(%dma_start3A_407 : memref<128x16xf32, #tpu.memory_space<vmem>>) offsets(%dma_start3A_410 : memref<128xi32, #tpu.memory_space<vmem>>) semaphore(%arg14 : memref<!tpu.dma_semaphore, #tpu.memory_space<semaphore_mem>>)
    }
    %scan3A_64 = arith.constant 19 : i32
    %dma_wait3A = arith.constant 76 : i32
    %dma_wait3A_65 = arith.constant 0 : i32
    %dma_wait3A_66 = arith.constant 0 : i32
    %dma_wait3A_67 = arith.constant 0 : i32
    %dma_wait3A_68 = tpu.memref_slice %arg10[%dma_wait3A_65, %dma_wait3A_66, %dma_wait3A_67] : memref<4x128x16xf32, #tpu.memory_space<vmem>> -> memref<1x128x16xf32, #tpu.memory_space<vmem>>
    %dma_wait3A_69 = tpu.memref_squeeze %dma_wait3A_68 : memref<1x128x16xf32, #tpu.memory_space<vmem>> -> memref<128x16xf32, #tpu.memory_space<vmem>>
    %dma_wait3A_70 = arith.constant 0 : i32
    %dma_wait3A_71 = tpu.memref_slice %arg8[%dma_wait3A, %dma_wait3A_70] : memref<80x128xi32, #tpu.memory_space<vmem>> -> memref<1x128xi32, #tpu.memory_space<vmem>>
    %dma_wait3A_72 = tpu.memref_squeeze %dma_wait3A_71 : memref<1x128xi32, #tpu.memory_space<vmem>> -> memref<128xi32, #tpu.memory_space<vmem>>
    %dma_wait3A_73 = arith.constant 0 : i32
    %dma_wait3A_74 = arith.constant 0 : i32
    %dma_wait3A_75 = tpu.memref_slice %arg2[%dma_wait3A_73, %dma_wait3A_74] : memref<10000x16xf32, #tpu.memory_space<hbm>> -> memref<10000x16xf32, #tpu.memory_space<hbm>>
    tpu.wait_indirect_dma semaphore(%arg11 : memref<!tpu.dma_semaphore, #tpu.memory_space<semaphore_mem>>) src(%dma_wait3A_75 : memref<10000x16xf32, #tpu.memory_space<hbm>>) dst(%dma_wait3A_69 : memref<128x16xf32, #tpu.memory_space<vmem>>)
    %dma_start3A_76 = arith.constant 0 : i32
    %dma_start3A_77 = arith.constant 76 : i32
    %dma_start3A_78 = arith.constant 0 : i32
    %dma_start3A_79 = arith.constant 0 : i32
    %dma_start3A_80 = tpu.memref_slice %arg10[%dma_start3A_76, %dma_start3A_78, %dma_start3A_79] : memref<4x128x16xf32, #tpu.memory_space<vmem>> -> memref<1x128x16xf32, #tpu.memory_space<vmem>>
    %dma_start3A_81 = tpu.memref_squeeze %dma_start3A_80 : memref<1x128x16xf32, #tpu.memory_space<vmem>> -> memref<128x16xf32, #tpu.memory_space<vmem>>
    %dma_start3A_82 = arith.constant 0 : i32
    %dma_start3A_83 = tpu.memref_slice %arg9[%dma_start3A_77, %dma_start3A_82] : memref<80x128xi32, #tpu.memory_space<vmem>> -> memref<1x128xi32, #tpu.memory_space<vmem>>
    %dma_start3A_84 = tpu.memref_squeeze %dma_start3A_83 : memref<1x128xi32, #tpu.memory_space<vmem>> -> memref<128xi32, #tpu.memory_space<vmem>>
    %dma_start3A_85 = arith.constant 0 : i32
    %dma_start3A_86 = arith.constant 0 : i32
    %dma_start3A_87 = tpu.memref_slice %arg6[%dma_start3A_85, %dma_start3A_86] : memref<10240x16xf32, #tpu.memory_space<vmem_shared>> -> memref<10240x16xf32, #tpu.memory_space<vmem_shared>>
    tpu.enqueue_indirect_dma source(%dma_start3A_81 : memref<128x16xf32, #tpu.memory_space<vmem>>) target(%dma_start3A_87 : memref<10240x16xf32, #tpu.memory_space<vmem_shared>>) offsets(%dma_start3A_84 : memref<128xi32, #tpu.memory_space<vmem>>) semaphore(%arg15 : memref<!tpu.dma_semaphore, #tpu.memory_space<semaphore_mem>>) {add = true}
    %dma_wait3A_88 = arith.constant 0 : i32
    %dma_wait3A_89 = arith.constant 76 : i32
    %dma_wait3A_90 = arith.constant 0 : i32
    %dma_wait3A_91 = arith.constant 0 : i32
    %dma_wait3A_92 = tpu.memref_slice %arg10[%dma_wait3A_88, %dma_wait3A_90, %dma_wait3A_91] : memref<4x128x16xf32, #tpu.memory_space<vmem>> -> memref<1x128x16xf32, #tpu.memory_space<vmem>>
    %dma_wait3A_93 = tpu.memref_squeeze %dma_wait3A_92 : memref<1x128x16xf32, #tpu.memory_space<vmem>> -> memref<128x16xf32, #tpu.memory_space<vmem>>
    %dma_wait3A_94 = arith.constant 0 : i32
    %dma_wait3A_95 = tpu.memref_slice %arg9[%dma_wait3A_89, %dma_wait3A_94] : memref<80x128xi32, #tpu.memory_space<vmem>> -> memref<1x128xi32, #tpu.memory_space<vmem>>
    %dma_wait3A_96 = tpu.memref_squeeze %dma_wait3A_95 : memref<1x128xi32, #tpu.memory_space<vmem>> -> memref<128xi32, #tpu.memory_space<vmem>>
    %dma_wait3A_97 = arith.constant 0 : i32
    %dma_wait3A_98 = arith.constant 0 : i32
    %dma_wait3A_99 = tpu.memref_slice %arg6[%dma_wait3A_97, %dma_wait3A_98] : memref<10240x16xf32, #tpu.memory_space<vmem_shared>> -> memref<10240x16xf32, #tpu.memory_space<vmem_shared>>
    tpu.wait_indirect_dma semaphore(%arg15 : memref<!tpu.dma_semaphore, #tpu.memory_space<semaphore_mem>>) src(%dma_wait3A_93 : memref<128x16xf32, #tpu.memory_space<vmem>>) dst(%dma_wait3A_99 : memref<10240x16xf32, #tpu.memory_space<vmem_shared>>)
    %dma_wait3A_100 = arith.constant 77 : i32
    %dma_wait3A_101 = arith.constant 1 : i32
    %dma_wait3A_102 = arith.constant 0 : i32
    %dma_wait3A_103 = arith.constant 0 : i32
    %dma_wait3A_104 = tpu.memref_slice %arg10[%dma_wait3A_101, %dma_wait3A_102, %dma_wait3A_103] : memref<4x128x16xf32, #tpu.memory_space<vmem>> -> memref<1x128x16xf32, #tpu.memory_space<vmem>>
    %dma_wait3A_105 = tpu.memref_squeeze %dma_wait3A_104 : memref<1x128x16xf32, #tpu.memory_space<vmem>> -> memref<128x16xf32, #tpu.memory_space<vmem>>
    %dma_wait3A_106 = arith.constant 0 : i32
    %dma_wait3A_107 = tpu.memref_slice %arg8[%dma_wait3A_100, %dma_wait3A_106] : memref<80x128xi32, #tpu.memory_space<vmem>> -> memref<1x128xi32, #tpu.memory_space<vmem>>
    %dma_wait3A_108 = tpu.memref_squeeze %dma_wait3A_107 : memref<1x128xi32, #tpu.memory_space<vmem>> -> memref<128xi32, #tpu.memory_space<vmem>>
    %dma_wait3A_109 = arith.constant 0 : i32
    %dma_wait3A_110 = arith.constant 0 : i32
    %dma_wait3A_111 = tpu.memref_slice %arg2[%dma_wait3A_109, %dma_wait3A_110] : memref<10000x16xf32, #tpu.memory_space<hbm>> -> memref<10000x16xf32, #tpu.memory_space<hbm>>
    tpu.wait_indirect_dma semaphore(%arg12 : memref<!tpu.dma_semaphore, #tpu.memory_space<semaphore_mem>>) src(%dma_wait3A_111 : memref<10000x16xf32, #tpu.memory_space<hbm>>) dst(%dma_wait3A_105 : memref<128x16xf32, #tpu.memory_space<vmem>>)
    %dma_start3A_112 = arith.constant 1 : i32
    %dma_start3A_113 = arith.constant 77 : i32
    %dma_start3A_114 = arith.constant 0 : i32
    %dma_start3A_115 = arith.constant 0 : i32
    %dma_start3A_116 = tpu.memref_slice %arg10[%dma_start3A_112, %dma_start3A_114, %dma_start3A_115] : memref<4x128x16xf32, #tpu.memory_space<vmem>> -> memref<1x128x16xf32, #tpu.memory_space<vmem>>
    %dma_start3A_117 = tpu.memref_squeeze %dma_start3A_116 : memref<1x128x16xf32, #tpu.memory_space<vmem>> -> memref<128x16xf32, #tpu.memory_space<vmem>>
    %dma_start3A_118 = arith.constant 0 : i32
    %dma_start3A_119 = tpu.memref_slice %arg9[%dma_start3A_113, %dma_start3A_118] : memref<80x128xi32, #tpu.memory_space<vmem>> -> memref<1x128xi32, #tpu.memory_space<vmem>>
    %dma_start3A_120 = tpu.memref_squeeze %dma_start3A_119 : memref<1x128xi32, #tpu.memory_space<vmem>> -> memref<128xi32, #tpu.memory_space<vmem>>
    %dma_start3A_121 = arith.constant 0 : i32
    %dma_start3A_122 = arith.constant 0 : i32
    %dma_start3A_123 = tpu.memref_slice %arg6[%dma_start3A_121, %dma_start3A_122] : memref<10240x16xf32, #tpu.memory_space<vmem_shared>> -> memref<10240x16xf32, #tpu.memory_space<vmem_shared>>
    tpu.enqueue_indirect_dma source(%dma_start3A_117 : memref<128x16xf32, #tpu.memory_space<vmem>>) target(%dma_start3A_123 : memref<10240x16xf32, #tpu.memory_space<vmem_shared>>) offsets(%dma_start3A_120 : memref<128xi32, #tpu.memory_space<vmem>>) semaphore(%arg16 : memref<!tpu.dma_semaphore, #tpu.memory_space<semaphore_mem>>) {add = true}
    %dma_wait3A_124 = arith.constant 1 : i32
    %dma_wait3A_125 = arith.constant 77 : i32
    %dma_wait3A_126 = arith.constant 0 : i32
    %dma_wait3A_127 = arith.constant 0 : i32
    %dma_wait3A_128 = tpu.memref_slice %arg10[%dma_wait3A_124, %dma_wait3A_126, %dma_wait3A_127] : memref<4x128x16xf32, #tpu.memory_space<vmem>> -> memref<1x128x16xf32, #tpu.memory_space<vmem>>
    %dma_wait3A_129 = tpu.memref_squeeze %dma_wait3A_128 : memref<1x128x16xf32, #tpu.memory_space<vmem>> -> memref<128x16xf32, #tpu.memory_space<vmem>>
    %dma_wait3A_130 = arith.constant 0 : i32
    %dma_wait3A_131 = tpu.memref_slice %arg9[%dma_wait3A_125, %dma_wait3A_130] : memref<80x128xi32, #tpu.memory_space<vmem>> -> memref<1x128xi32, #tpu.memory_space<vmem>>
    %dma_wait3A_132 = tpu.memref_squeeze %dma_wait3A_131 : memref<1x128xi32, #tpu.memory_space<vmem>> -> memref<128xi32, #tpu.memory_space<vmem>>
    %dma_wait3A_133 = arith.constant 0 : i32
    %dma_wait3A_134 = arith.constant 0 : i32
    %dma_wait3A_135 = tpu.memref_slice %arg6[%dma_wait3A_133, %dma_wait3A_134] : memref<10240x16xf32, #tpu.memory_space<vmem_shared>> -> memref<10240x16xf32, #tpu.memory_space<vmem_shared>>
    tpu.wait_indirect_dma semaphore(%arg16 : memref<!tpu.dma_semaphore, #tpu.memory_space<semaphore_mem>>) src(%dma_wait3A_129 : memref<128x16xf32, #tpu.memory_space<vmem>>) dst(%dma_wait3A_135 : memref<10240x16xf32, #tpu.memory_space<vmem_shared>>)
    %dma_wait3A_136 = arith.constant 78 : i32
    %dma_wait3A_137 = arith.constant 2 : i32
    %dma_wait3A_138 = arith.constant 0 : i32
    %dma_wait3A_139 = arith.constant 0 : i32
    %dma_wait3A_140 = tpu.memref_slice %arg10[%dma_wait3A_137, %dma_wait3A_138, %dma_wait3A_139] : memref<4x128x16xf32, #tpu.memory_space<vmem>> -> memref<1x128x16xf32, #tpu.memory_space<vmem>>
    %dma_wait3A_141 = tpu.memref_squeeze %dma_wait3A_140 : memref<1x128x16xf32, #tpu.memory_space<vmem>> -> memref<128x16xf32, #tpu.memory_space<vmem>>
    %dma_wait3A_142 = arith.constant 0 : i32
    %dma_wait3A_143 = tpu.memref_slice %arg8[%dma_wait3A_136, %dma_wait3A_142] : memref<80x128xi32, #tpu.memory_space<vmem>> -> memref<1x128xi32, #tpu.memory_space<vmem>>
    %dma_wait3A_144 = tpu.memref_squeeze %dma_wait3A_143 : memref<1x128xi32, #tpu.memory_space<vmem>> -> memref<128xi32, #tpu.memory_space<vmem>>
    %dma_wait3A_145 = arith.constant 0 : i32
    %dma_wait3A_146 = arith.constant 0 : i32
    %dma_wait3A_147 = tpu.memref_slice %arg2[%dma_wait3A_145, %dma_wait3A_146] : memref<10000x16xf32, #tpu.memory_space<hbm>> -> memref<10000x16xf32, #tpu.memory_space<hbm>>
    tpu.wait_indirect_dma semaphore(%arg13 : memref<!tpu.dma_semaphore, #tpu.memory_space<semaphore_mem>>) src(%dma_wait3A_147 : memref<10000x16xf32, #tpu.memory_space<hbm>>) dst(%dma_wait3A_141 : memref<128x16xf32, #tpu.memory_space<vmem>>)
    %dma_start3A_148 = arith.constant 2 : i32
    %dma_start3A_149 = arith.constant 78 : i32
    %dma_start3A_150 = arith.constant 0 : i32
    %dma_start3A_151 = arith.constant 0 : i32
    %dma_start3A_152 = tpu.memref_slice %arg10[%dma_start3A_148, %dma_start3A_150, %dma_start3A_151] : memref<4x128x16xf32, #tpu.memory_space<vmem>> -> memref<1x128x16xf32, #tpu.memory_space<vmem>>
    %dma_start3A_153 = tpu.memref_squeeze %dma_start3A_152 : memref<1x128x16xf32, #tpu.memory_space<vmem>> -> memref<128x16xf32, #tpu.memory_space<vmem>>
    %dma_start3A_154 = arith.constant 0 : i32
    %dma_start3A_155 = tpu.memref_slice %arg9[%dma_start3A_149, %dma_start3A_154] : memref<80x128xi32, #tpu.memory_space<vmem>> -> memref<1x128xi32, #tpu.memory_space<vmem>>
    %dma_start3A_156 = tpu.memref_squeeze %dma_start3A_155 : memref<1x128xi32, #tpu.memory_space<vmem>> -> memref<128xi32, #tpu.memory_space<vmem>>
    %dma_start3A_157 = arith.constant 0 : i32
    %dma_start3A_158 = arith.constant 0 : i32
    %dma_start3A_159 = tpu.memref_slice %arg6[%dma_start3A_157, %dma_start3A_158] : memref<10240x16xf32, #tpu.memory_space<vmem_shared>> -> memref<10240x16xf32, #tpu.memory_space<vmem_shared>>
    tpu.enqueue_indirect_dma source(%dma_start3A_153 : memref<128x16xf32, #tpu.memory_space<vmem>>) target(%dma_start3A_159 : memref<10240x16xf32, #tpu.memory_space<vmem_shared>>) offsets(%dma_start3A_156 : memref<128xi32, #tpu.memory_space<vmem>>) semaphore(%arg17 : memref<!tpu.dma_semaphore, #tpu.memory_space<semaphore_mem>>) {add = true}
    %dma_wait3A_160 = arith.constant 2 : i32
    %dma_wait3A_161 = arith.constant 78 : i32
    %dma_wait3A_162 = arith.constant 0 : i32
    %dma_wait3A_163 = arith.constant 0 : i32
    %dma_wait3A_164 = tpu.memref_slice %arg10[%dma_wait3A_160, %dma_wait3A_162, %dma_wait3A_163] : memref<4x128x16xf32, #tpu.memory_space<vmem>> -> memref<1x128x16xf32, #tpu.memory_space<vmem>>
    %dma_wait3A_165 = tpu.memref_squeeze %dma_wait3A_164 : memref<1x128x16xf32, #tpu.memory_space<vmem>> -> memref<128x16xf32, #tpu.memory_space<vmem>>
    %dma_wait3A_166 = arith.constant 0 : i32
    %dma_wait3A_167 = tpu.memref_slice %arg9[%dma_wait3A_161, %dma_wait3A_166] : memref<80x128xi32, #tpu.memory_space<vmem>> -> memref<1x128xi32, #tpu.memory_space<vmem>>
    %dma_wait3A_168 = tpu.memref_squeeze %dma_wait3A_167 : memref<1x128xi32, #tpu.memory_space<vmem>> -> memref<128xi32, #tpu.memory_space<vmem>>
    %dma_wait3A_169 = arith.constant 0 : i32
    %dma_wait3A_170 = arith.constant 0 : i32
    %dma_wait3A_171 = tpu.memref_slice %arg6[%dma_wait3A_169, %dma_wait3A_170] : memref<10240x16xf32, #tpu.memory_space<vmem_shared>> -> memref<10240x16xf32, #tpu.memory_space<vmem_shared>>
    tpu.wait_indirect_dma semaphore(%arg17 : memref<!tpu.dma_semaphore, #tpu.memory_space<semaphore_mem>>) src(%dma_wait3A_165 : memref<128x16xf32, #tpu.memory_space<vmem>>) dst(%dma_wait3A_171 : memref<10240x16xf32, #tpu.memory_space<vmem_shared>>)
    %dma_wait3A_172 = arith.constant 79 : i32
    %dma_wait3A_173 = arith.constant 3 : i32
    %dma_wait3A_174 = arith.constant 0 : i32
    %dma_wait3A_175 = arith.constant 0 : i32
    %dma_wait3A_176 = tpu.memref_slice %arg10[%dma_wait3A_173, %dma_wait3A_174, %dma_wait3A_175] : memref<4x128x16xf32, #tpu.memory_space<vmem>> -> memref<1x128x16xf32, #tpu.memory_space<vmem>>
    %dma_wait3A_177 = tpu.memref_squeeze %dma_wait3A_176 : memref<1x128x16xf32, #tpu.memory_space<vmem>> -> memref<128x16xf32, #tpu.memory_space<vmem>>
    %dma_wait3A_178 = arith.constant 0 : i32
    %dma_wait3A_179 = tpu.memref_slice %arg8[%dma_wait3A_172, %dma_wait3A_178] : memref<80x128xi32, #tpu.memory_space<vmem>> -> memref<1x128xi32, #tpu.memory_space<vmem>>
    %dma_wait3A_180 = tpu.memref_squeeze %dma_wait3A_179 : memref<1x128xi32, #tpu.memory_space<vmem>> -> memref<128xi32, #tpu.memory_space<vmem>>
    %dma_wait3A_181 = arith.constant 0 : i32
    %dma_wait3A_182 = arith.constant 0 : i32
    %dma_wait3A_183 = tpu.memref_slice %arg2[%dma_wait3A_181, %dma_wait3A_182] : memref<10000x16xf32, #tpu.memory_space<hbm>> -> memref<10000x16xf32, #tpu.memory_space<hbm>>
    tpu.wait_indirect_dma semaphore(%arg14 : memref<!tpu.dma_semaphore, #tpu.memory_space<semaphore_mem>>) src(%dma_wait3A_183 : memref<10000x16xf32, #tpu.memory_space<hbm>>) dst(%dma_wait3A_177 : memref<128x16xf32, #tpu.memory_space<vmem>>)
    %dma_start3A_184 = arith.constant 3 : i32
    %dma_start3A_185 = arith.constant 79 : i32
    %dma_start3A_186 = arith.constant 0 : i32
    %dma_start3A_187 = arith.constant 0 : i32
    %dma_start3A_188 = tpu.memref_slice %arg10[%dma_start3A_184, %dma_start3A_186, %dma_start3A_187] : memref<4x128x16xf32, #tpu.memory_space<vmem>> -> memref<1x128x16xf32, #tpu.memory_space<vmem>>
    %dma_start3A_189 = tpu.memref_squeeze %dma_start3A_188 : memref<1x128x16xf32, #tpu.memory_space<vmem>> -> memref<128x16xf32, #tpu.memory_space<vmem>>
    %dma_start3A_190 = arith.constant 0 : i32
    %dma_start3A_191 = tpu.memref_slice %arg9[%dma_start3A_185, %dma_start3A_190] : memref<80x128xi32, #tpu.memory_space<vmem>> -> memref<1x128xi32, #tpu.memory_space<vmem>>
    %dma_start3A_192 = tpu.memref_squeeze %dma_start3A_191 : memref<1x128xi32, #tpu.memory_space<vmem>> -> memref<128xi32, #tpu.memory_space<vmem>>
    %dma_start3A_193 = arith.constant 0 : i32
    %dma_start3A_194 = arith.constant 0 : i32
    %dma_start3A_195 = tpu.memref_slice %arg6[%dma_start3A_193, %dma_start3A_194] : memref<10240x16xf32, #tpu.memory_space<vmem_shared>> -> memref<10240x16xf32, #tpu.memory_space<vmem_shared>>
    tpu.enqueue_indirect_dma source(%dma_start3A_189 : memref<128x16xf32, #tpu.memory_space<vmem>>) target(%dma_start3A_195 : memref<10240x16xf32, #tpu.memory_space<vmem_shared>>) offsets(%dma_start3A_192 : memref<128xi32, #tpu.memory_space<vmem>>) semaphore(%arg18 : memref<!tpu.dma_semaphore, #tpu.memory_space<semaphore_mem>>) {add = true}
    %dma_wait3A_196 = arith.constant 3 : i32
    %dma_wait3A_197 = arith.constant 79 : i32
    %dma_wait3A_198 = arith.constant 0 : i32
    %dma_wait3A_199 = arith.constant 0 : i32
    %dma_wait3A_200 = tpu.memref_slice %arg10[%dma_wait3A_196, %dma_wait3A_198, %dma_wait3A_199] : memref<4x128x16xf32, #tpu.memory_space<vmem>> -> memref<1x128x16xf32, #tpu.memory_space<vmem>>
    %dma_wait3A_201 = tpu.memref_squeeze %dma_wait3A_200 : memref<1x128x16xf32, #tpu.memory_space<vmem>> -> memref<128x16xf32, #tpu.memory_space<vmem>>
    %dma_wait3A_202 = arith.constant 0 : i32
    %dma_wait3A_203 = tpu.memref_slice %arg9[%dma_wait3A_197, %dma_wait3A_202] : memref<80x128xi32, #tpu.memory_space<vmem>> -> memref<1x128xi32, #tpu.memory_space<vmem>>
    %dma_wait3A_204 = tpu.memref_squeeze %dma_wait3A_203 : memref<1x128xi32, #tpu.memory_space<vmem>> -> memref<128xi32, #tpu.memory_space<vmem>>
    %dma_wait3A_205 = arith.constant 0 : i32
    %dma_wait3A_206 = arith.constant 0 : i32
    %dma_wait3A_207 = tpu.memref_slice %arg6[%dma_wait3A_205, %dma_wait3A_206] : memref<10240x16xf32, #tpu.memory_space<vmem_shared>> -> memref<10240x16xf32, #tpu.memory_space<vmem_shared>>
    tpu.wait_indirect_dma semaphore(%arg18 : memref<!tpu.dma_semaphore, #tpu.memory_space<semaphore_mem>>) src(%dma_wait3A_201 : memref<128x16xf32, #tpu.memory_space<vmem>>) dst(%dma_wait3A_207 : memref<10240x16xf32, #tpu.memory_space<vmem_shared>>)
    %barrier3A_208 = arith.constant 0 : index
    tpu.barrier barrier_id(%barrier3A_208)
    %mul3A_209 = arith.constant 640 : i32
    %mul3A_210 = arith.muli %arg1, %mul3A_209 : i32
    %mul3A_211 = arith.constant 640 : i32
    %mul3A_212 = arith.muli %arg1, %mul3A_211 : i32
    "tpu.region"() ({
      %run_scoped3A = tpu.sem_alloc : memref<!tpu.dma_semaphore, #tpu.memory_space<semaphore_mem>>
      %dma_start3A_213 = arith.constant 0 : i32
      %dma_start3A_214 = tpu.memref_slice %arg5[%arg0, %mul3A_212, %dma_start3A_213] : memref<2x10240x16xf32, #tpu.memory_space<hbm>> -> memref<1x640x16xf32, #tpu.memory_space<hbm>>
      %dma_start3A_215 = tpu.memref_squeeze %dma_start3A_214 : memref<1x640x16xf32, #tpu.memory_space<hbm>> -> memref<640x16xf32, #tpu.memory_space<hbm>>
      %dma_start3A_216 = arith.constant 0 : i32
      %dma_start3A_217 = tpu.memref_slice %arg6[%mul3A_210, %dma_start3A_216] : memref<10240x16xf32, #tpu.memory_space<vmem_shared>> -> memref<640x16xf32, #tpu.memory_space<vmem_shared>>
      tpu.enqueue_dma source(%dma_start3A_217 : memref<640x16xf32, #tpu.memory_space<vmem_shared>>) target(%dma_start3A_215 : memref<640x16xf32, #tpu.memory_space<hbm>>) target_semaphore(%run_scoped3A : memref<!tpu.dma_semaphore, #tpu.memory_space<semaphore_mem>>)
      %dma_wait3A_218 = arith.constant 0 : i32
      %dma_wait3A_219 = tpu.memref_slice %arg5[%arg0, %mul3A_212, %dma_wait3A_218] : memref<2x10240x16xf32, #tpu.memory_space<hbm>> -> memref<1x640x16xf32, #tpu.memory_space<hbm>>
      %dma_wait3A_220 = tpu.memref_squeeze %dma_wait3A_219 : memref<1x640x16xf32, #tpu.memory_space<hbm>> -> memref<640x16xf32, #tpu.memory_space<hbm>>
      %dma_wait3A_221 = arith.constant 0 : i32
      %dma_wait3A_222 = tpu.memref_slice %arg6[%mul3A_210, %dma_wait3A_221] : memref<10240x16xf32, #tpu.memory_space<vmem_shared>> -> memref<640x16xf32, #tpu.memory_space<vmem_shared>>
      tpu.wait_dma2 semaphore(%run_scoped3A : memref<!tpu.dma_semaphore, #tpu.memory_space<semaphore_mem>>) src(%dma_wait3A_222 : memref<640x16xf32, #tpu.memory_space<vmem_shared>>) dst(%dma_wait3A_220 : memref<640x16xf32, #tpu.memory_space<hbm>>)
      tpu.yield
    }) : () -> ()
    return
  }
}

module attributes {stable_mosaic.version = 14 : i64} {
  func.func @_dinv_body(%arg0: memref<2x10240xf32, #tpu.memory_space<vmem>>, %arg1: memref<1x10240xf32, #tpu.memory_space<vmem>>) attributes {dimension_semantics = [], scalar_prefetch = 0 : i64, scratch_operands = 0 : i64, tpu.core_type = #tpu.core_type<tc>} {
    %get3A = arith.constant 0 : index
    %get3A_0 = arith.constant 0 : index
    %get3A_1 = vector.load %arg0[%get3A, %get3A_0] : memref<2x10240xf32, #tpu.memory_space<vmem>>, vector<1x10240xf32>
    %get3A_2 = arith.constant 1 : index
    %get3A_3 = arith.constant 0 : index
    %get3A_4 = vector.load %arg0[%get3A_2, %get3A_3] : memref<2x10240xf32, #tpu.memory_space<vmem>>, vector<1x10240xf32>
    %add3A = arith.addf %get3A_1, %get3A_4 : vector<1x10240xf32>
    %gt3A = arith.constant 0.000000e+00 : f32
    %gt3A_5 = vector.broadcast %gt3A : f32 to vector<1x10240xf32>
    %gt3A_6 = arith.cmpf ogt, %add3A, %gt3A_5 : vector<1x10240xf32>
    %max3A = arith.constant 9.99999996E-13 : f32
    %max3A_7 = vector.broadcast %max3A : f32 to vector<1x10240xf32>
    %max3A_8 = arith.maximumf %add3A, %max3A_7 : vector<1x10240xf32>
    %rsqrt3A = math.rsqrt %max3A_8 : vector<1x10240xf32>
    %jit3A = arith.constant 0.000000e+00 : f32
    %broadcast_in_dim3A = vector.broadcast %jit3A : f32 to vector<1x10240xf32>
    %select_n3A = arith.select %gt3A_6, %rsqrt3A, %broadcast_in_dim3A : vector<1x10240xi1>, vector<1x10240xf32>
    %swap3A = arith.constant 0 : index
    %swap3A_9 = arith.constant 0 : index
    %swap3A_10 = vector.load %arg1[%swap3A, %swap3A_9] : memref<1x10240xf32, #tpu.memory_space<vmem>>, vector<1x10240xf32>
    tpu.vector_store %arg1[%swap3A, %swap3A_9], %select_n3A {strides = array<i32>} : memref<1x10240xf32, #tpu.memory_space<vmem>>, vector<1x10240xf32>,
    return
  }
}

module attributes {stable_mosaic.version = 14 : i64} {
  func.func @_gd1_body(%arg0: memref<10000x128xf32, #tpu.memory_space<vmem>>, %arg1: memref<128x16xf32, #tpu.memory_space<vmem>>, %arg2: memref<10000x1xf32, #tpu.memory_space<vmem>>, %arg3: memref<10000x16xf32, #tpu.memory_space<vmem>>) attributes {dimension_semantics = [], scalar_prefetch = 0 : i64, scratch_operands = 0 : i64, tpu.core_type = #tpu.core_type<tc>} {
    %get3A = arith.constant 0 : index
    %get3A_0 = arith.constant 0 : index
    %get3A_1 = vector.load %arg0[%get3A, %get3A_0] : memref<10000x128xf32, #tpu.memory_space<vmem>>, vector<10000x128xf32>
    %get3A_2 = arith.constant 0 : index
    %get3A_3 = arith.constant 0 : index
    %get3A_4 = vector.load %arg1[%get3A_2, %get3A_3] : memref<128x16xf32, #tpu.memory_space<vmem>>, vector<128x16xf32>
    %dot_general3A = arith.constant dense<0.000000e+00> : vector<10000x16xf32>
    %dot_general3A_5 = tpu.matmul %get3A_1, %get3A_4, %dot_general3A {dimension_numbers = #tpu.dot_dimension_numbers<[1], [0], [0], [1], [0, 0, 1, 1], [], []>, transpose_lhs_hint = false} : vector<10000x128xf32>, vector<128x16xf32>, vector<10000x16xf32> -> vector<10000x16xf32>
    %get3A_6 = arith.constant 0 : index
    %get3A_7 = arith.constant 0 : index
    %get3A_8 = vector.load %arg2[%get3A_6, %get3A_7] : memref<10000x1xf32, #tpu.memory_space<vmem>>, vector<10000x1xf32>
    %mul3A = vector.broadcast %get3A_8 : vector<10000x1xf32> to vector<10000x16xf32>
    %mul3A_9 = arith.mulf %mul3A, %dot_general3A_5 : vector<10000x16xf32>
    %swap3A = arith.constant 0 : index
    %swap3A_10 = arith.constant 0 : index
    %swap3A_11 = vector.load %arg3[%swap3A, %swap3A_10] : memref<10000x16xf32, #tpu.memory_space<vmem>>, vector<10000x16xf32>
    tpu.vector_store %arg3[%swap3A, %swap3A_10], %mul3A_9 {strides = array<i32>} : memref<10000x16xf32, #tpu.memory_space<vmem>>, vector<10000x16xf32>,
    return
  }
}

module attributes {stable_mosaic.version = 14 : i64} {
  func.func @_layer_body(%arg0: memref<2x10240x16xf32, #tpu.memory_space<vmem>>, %arg1: memref<10000x1xf32, #tpu.memory_space<vmem>>, %arg2: memref<1x16xf32, #tpu.memory_space<vmem>>, %arg3: memref<16x16xf32, #tpu.memory_space<vmem>>, %arg4: memref<10000x16xf32, #tpu.memory_space<vmem>>) attributes {dimension_semantics = [], scalar_prefetch = 0 : i64, scratch_operands = 0 : i64, tpu.core_type = #tpu.core_type<tc>} {
    %get3A = arith.constant 0 : index
    %get3A_0 = arith.constant 0 : index
    %get3A_1 = arith.constant 0 : index
    %get3A_2 = vector.load %arg0[%get3A, %get3A_0, %get3A_1] : memref<2x10240x16xf32, #tpu.memory_space<vmem>>, vector<1x10000x16xf32>
    %get3A_3 = vector.shape_cast %get3A_2 : vector<1x10000x16xf32> to vector<10000x16xf32>
    %get3A_4 = arith.constant 1 : index
    %get3A_5 = arith.constant 0 : index
    %get3A_6 = arith.constant 0 : index
    %get3A_7 = vector.load %arg0[%get3A_4, %get3A_5, %get3A_6] : memref<2x10240x16xf32, #tpu.memory_space<vmem>>, vector<1x10000x16xf32>
    %get3A_8 = vector.shape_cast %get3A_7 : vector<1x10000x16xf32> to vector<10000x16xf32>
    %add3A = arith.addf %get3A_3, %get3A_8 : vector<10000x16xf32>
    %get3A_9 = arith.constant 0 : index
    %get3A_10 = arith.constant 0 : index
    %get3A_11 = vector.load %arg1[%get3A_9, %get3A_10] : memref<10000x1xf32, #tpu.memory_space<vmem>>, vector<10000x1xf32>
    %mul3A = vector.broadcast %get3A_11 : vector<10000x1xf32> to vector<10000x16xf32>
    %mul3A_12 = arith.mulf %mul3A, %add3A : vector<10000x16xf32>
    %get3A_13 = arith.constant 0 : index
    %get3A_14 = arith.constant 0 : index
    %get3A_15 = vector.load %arg2[%get3A_13, %get3A_14] : memref<1x16xf32, #tpu.memory_space<vmem>>, vector<1x16xf32>
    %add3A_16 = vector.broadcast %get3A_15 : vector<1x16xf32> to vector<10000x16xf32>
    %add3A_17 = arith.addf %mul3A_12, %add3A_16 : vector<10000x16xf32>
    %get3A_18 = arith.constant 0 : index
    %get3A_19 = arith.constant 0 : index
    %get3A_20 = vector.load %arg3[%get3A_18, %get3A_19] : memref<16x16xf32, #tpu.memory_space<vmem>>, vector<16x16xf32>
    %dot_general3A = arith.constant dense<0.000000e+00> : vector<10000x16xf32>
    %dot_general3A_21 = tpu.matmul %add3A_17, %get3A_20, %dot_general3A {dimension_numbers = #tpu.dot_dimension_numbers<[1], [0], [0], [1], [0, 0, 1, 1], [], []>, transpose_lhs_hint = false} : vector<10000x16xf32>, vector<16x16xf32>, vector<10000x16xf32> -> vector<10000x16xf32>
    %get3A_22 = arith.constant 0 : index
    %get3A_23 = arith.constant 0 : index
    %get3A_24 = vector.load %arg1[%get3A_22, %get3A_23] : memref<10000x1xf32, #tpu.memory_space<vmem>>, vector<10000x1xf32>
    %mul3A_25 = vector.broadcast %get3A_24 : vector<10000x1xf32> to vector<10000x16xf32>
    %mul3A_26 = arith.mulf %mul3A_25, %dot_general3A_21 : vector<10000x16xf32>
    %swap3A = arith.constant 0 : index
    %swap3A_27 = arith.constant 0 : index
    %swap3A_28 = vector.load %arg4[%swap3A, %swap3A_27] : memref<10000x16xf32, #tpu.memory_space<vmem>>, vector<10000x16xf32>
    tpu.vector_store %arg4[%swap3A, %swap3A_27], %mul3A_26 {strides = array<i32>} : memref<10000x16xf32, #tpu.memory_space<vmem>>, vector<10000x16xf32>,
    return
  }
}

module attributes {stable_mosaic.version = 14 : i64} {
  func.func @_head_body(%arg0: memref<2x10240x16xf32, #tpu.memory_space<vmem>>, %arg1: memref<10000x1xf32, #tpu.memory_space<vmem>>, %arg2: memref<1x16xf32, #tpu.memory_space<vmem>>, %arg3: memref<1x16xf32, #tpu.memory_space<vmem>>, %arg4: memref<1x1xf32, #tpu.memory_space<vmem>>, %arg5: memref<1x1xf32, #tpu.memory_space<vmem>>) attributes {dimension_semantics = [], scalar_prefetch = 0 : i64, scratch_operands = 0 : i64, tpu.core_type = #tpu.core_type<tc>} {
    %get3A = arith.constant 0 : index
    %get3A_0 = arith.constant 0 : index
    %get3A_1 = arith.constant 0 : index
    %get3A_2 = vector.load %arg0[%get3A, %get3A_0, %get3A_1] : memref<2x10240x16xf32, #tpu.memory_space<vmem>>, vector<1x10000x16xf32>
    %get3A_3 = vector.shape_cast %get3A_2 : vector<1x10000x16xf32> to vector<10000x16xf32>
    %get3A_4 = arith.constant 1 : index
    %get3A_5 = arith.constant 0 : index
    %get3A_6 = arith.constant 0 : index
    %get3A_7 = vector.load %arg0[%get3A_4, %get3A_5, %get3A_6] : memref<2x10240x16xf32, #tpu.memory_space<vmem>>, vector<1x10000x16xf32>
    %get3A_8 = vector.shape_cast %get3A_7 : vector<1x10000x16xf32> to vector<10000x16xf32>
    %add3A = arith.addf %get3A_3, %get3A_8 : vector<10000x16xf32>
    %get3A_9 = arith.constant 0 : index
    %get3A_10 = arith.constant 0 : index
    %get3A_11 = vector.load %arg1[%get3A_9, %get3A_10] : memref<10000x1xf32, #tpu.memory_space<vmem>>, vector<10000x1xf32>
    %mul3A = vector.broadcast %get3A_11 : vector<10000x1xf32> to vector<10000x16xf32>
    %mul3A_12 = arith.mulf %mul3A, %add3A : vector<10000x16xf32>
    %get3A_13 = arith.constant 0 : index
    %get3A_14 = arith.constant 0 : index
    %get3A_15 = vector.load %arg2[%get3A_13, %get3A_14] : memref<1x16xf32, #tpu.memory_space<vmem>>, vector<1x16xf32>
    %add3A_16 = vector.broadcast %get3A_15 : vector<1x16xf32> to vector<10000x16xf32>
    %add3A_17 = arith.addf %mul3A_12, %add3A_16 : vector<10000x16xf32>
    %reduce_sum3A = arith.constant dense<0.000000e+00> : vector<16xf32>
    %reduce_sum3A_18 = vector.multi_reduction <add>, %add3A_17, %reduce_sum3A [0] : vector<10000x16xf32> to vector<16xf32>
    %broadcast_in_dim3A = vector.shape_cast %reduce_sum3A_18 : vector<16xf32> to vector<1x16xf32>
    %div3A = arith.constant 1.000000e+04 : f32
    %div3A_19 = vector.broadcast %div3A : f32 to vector<1x16xf32>
    %div3A_20 = arith.divf %broadcast_in_dim3A, %div3A_19 : vector<1x16xf32>
    %convert_element_type3A = arith.truncf %div3A_20 : vector<1x16xf32> to vector<1x16xbf16>
    %convert_element_type3A_21 = arith.extf %convert_element_type3A : vector<1x16xbf16> to vector<1x16xf32>
    %get3A_22 = arith.constant 0 : index
    %get3A_23 = arith.constant 0 : index
    %get3A_24 = vector.load %arg3[%get3A_22, %get3A_23] : memref<1x16xf32, #tpu.memory_space<vmem>>, vector<1x16xf32>
    %convert_element_type3A_25 = arith.truncf %get3A_24 : vector<1x16xf32> to vector<1x16xbf16>
    %convert_element_type3A_26 = arith.extf %convert_element_type3A_25 : vector<1x16xbf16> to vector<1x16xf32>
    %mul3A_27 = arith.mulf %convert_element_type3A_21, %convert_element_type3A_26 : vector<1x16xf32>
    %reduce_sum3A_28 = arith.constant dense<0.000000e+00> : vector<1xf32>
    %reduce_sum3A_29 = vector.multi_reduction <add>, %mul3A_27, %reduce_sum3A_28 [1] : vector<1x16xf32> to vector<1xf32>
    %broadcast_in_dim3A_30 = vector.shape_cast %reduce_sum3A_29 : vector<1xf32> to vector<1x1xf32>
    %get3A_31 = arith.constant 0 : index
    %get3A_32 = arith.constant 0 : index
    %get3A_33 = vector.load %arg4[%get3A_31, %get3A_32] : memref<1x1xf32, #tpu.memory_space<vmem>>, vector<1x1xf32>
    %add3A_34 = arith.addf %broadcast_in_dim3A_30, %get3A_33 : vector<1x1xf32>
    %swap3A = arith.constant 0 : index
    %swap3A_35 = arith.constant 0 : index
    %swap3A_36 = vector.load %arg5[%swap3A, %swap3A_35] : memref<1x1xf32, #tpu.memory_space<vmem>>, vector<1x1xf32>
    tpu.vector_store %arg5[%swap3A, %swap3A_35], %add3A_34 {strides = array<i32>} : memref<1x1xf32, #tpu.memory_space<vmem>>, vector<1x1xf32>,
    return
  }
}

</mosaic_0001>

<sc_bundles>
// kernel: kernel.11.cloned.1.call-start
scs
__scs_entry_jumppad:
0x0: {  	(pc) =	sbr.rel $0x88, $3  }
0x1: {  	(tag) =	ssettag $0x0;
	lr =	simm.s32 $0x1  }
0x2: {  	[smem:$0x3F97] =	sst lr;
	_ =	strace $0xD0000000  }
0x3: {  	_ = 	snop  }
0x4: {  	_ = 	snop  }
0x5: {  	_ = 	snop  }
0x6: {  	_ = 	snop  }
0x7: {  	_ = 	snop  }
__scs_overlays_trampoline_lowered:
0x8: {  	[smem:$0x3FA6] =	sst s0  }
0x9: {  	[smem:$0x3FA7] =	sst s1  }
0xa: {  	[smem:$0x3FA8] =	sst s2  }
0xb: {  	[smem:$0x3FA9] =	sst s3  }
0xc: {  	[smem:$0x3FAA] =	sst s4  }
0xd: {  	[smem:$0x3FAB] =	sst s5  }
0xe: {  	[smem:$0x3FAC] =	sst s6  }
0xf: {  	[smem:$0x3FAD] =	sst s7  }
0x10: {  	[smem:$0x3FAE] =	sst s8  }
0x11: {  	[smem:$0x3FAF] =	sst s9;
	s0 =	simm.s32 @!p0 $0x0  }
0x12: {  	s1 =	sld [smem:$0x3F95];
	s0 =	simm.s32 @p0 $0x1  }
0x13: {  	[smem:$0x3FB0] =	sst s0;
	s0 =	simm.s32 @!p1 $0x0  }
0x14: {  	s2 =	sld [smem:$0x3F94];
	s0 =	simm.s32 @p1 $0x1  }
0x15: {  	[smem:$0x3FB1] =	sst s0;
	s0 =	simm.s32 @!p2 $0x0  }
0x16: {  	s3 =	sld [smem:$0x3FDB];
	s0 =	simm.s32 @p2 $0x1  }
0x17: {  	s4 =	simm.s32 $0x1BF5;
	[smem:$0x3FB3] =	sst s0  }
0x18: {  	s0 =	sld [smem:$0x3F96];
	_ =	swait.ge [sflag:s4], $0x0  }
0x19: {  	s7 =	sld [smem:$0x3F97]  }
0x1a: {  	s8 =	sadd.s32 $0xFFFFE003, lr  }
0x1b: {  	s9 =	sadd.s32 $0xFFFFFEF7, lr;
	s5 =	simm.s32 $0xFFFFFFFF;
	p2 =	slt.u32 s8, $0xFFFFF086  }
0x1c: {  	p1 =	slt.u32 s9, $0xF7A;
	s5 =	simm.s32 @!p2 $0x0  }
0x1d: {  	s5 =	simm.s32 @p1 $0x1;
	p0 =	seq.s32 s7, s2  }
0x1e: {  	s7 =	smul.u32 @!p0 $0xF7A, s2;
	p2 =	seq.s32 @!p0 s5, $0x0  }
0x1f: {  	s9 =	smul.u32 $0xF7A, s1;
	s8 =	simm.s32 @!p0 $0x1BF5;
	p2 =	por !p2, p0  }
0x20: {  	[sflag:s8] =	ssyncset.s32 @!p0 $0xFFFFF086;
	s6 =	sadd.s32 @!p0 s3, s7;
	s7 =	simm.s32 @!p0 $0x108  }
0x21: {  	s3 =	sadd.s32 s3, s9;
	s6 =	sadd.s32 @!p0 $0x88, s6;
	s7 =	simm.s32 @p2 $0x1082  }
0x22: {  	[simem:s7], [sflag:s8] =	dma.local @!p0 [hbm:s6], $0xF7A  }
0x23: {  	s9 =	sor.u32 $0xD0000000, s2;
	s6 =	simm.s32 $0x108;
	_ =	swait.ge @!p0 [sflag:s8], $0x0  }
0x24: {  	s3 =	sadd.s32 $0x88, s3;
	s6 =	simm.s32 @!p1 $0x1082;
	[sflag:s4] =	ssyncset.s32 $0xFFFFF086  }
0x25: {  	[simem:s6], [sflag:s4] =	dma.local [hbm:s3], $0xF7A  }
0x26: {  	[smem:$0x3F97] =	sst s1;
	(tag) =	ssettag s2;
	_ =	strace s9  }
0x27: {  	s1 =	sld [smem:$0x3FA7]  }
0x28: {  	s2 =	sld [smem:$0x3FA8]  }
0x29: {  	s4 =	sld [smem:$0x3FAA]  }
0x2a: {  	p0 =	seq.s32 s5, $0x0;
	s5 =	sld [smem:$0x3FAB]  }
0x2b: {  	s6 =	sld [smem:$0x3FAC]  }
0x2c: {  	s7 =	sld [smem:$0x3FAD]  }
0x2d: {  	s3 =	simm.s32 $0x108;
	s8 =	sld [smem:$0x3FAE]  }
0x2e: {  	s3 =	simm.s32 @!p0 $0x1082;
	s9 =	sld [smem:$0x3FAF]  }
0x2f: {  	lr =	sadd.s32 s0, s3;
	s0 =	sld [smem:$0x3FA6]  }
0x30: {  	s3 =	sld [smem:$0x3FA9]  }
0x31: {  	[smem:$0x3FB2] =	sst s10  }
0x32: {  	s10 =	sld [smem:$0x3FB0];
	_ =	sdelay $0x3  }
0x33: {  	p0 =	seq.s32 s10, $0x1;
	s10 =	sld [smem:$0x3FB2];
	_ =	sdelay $0x3  }
0x34: {  	[smem:$0x3FB2] =	sst s10  }
0x35: {  	s10 =	sld [smem:$0x3FB1];
	_ =	sdelay $0x3  }
0x36: {  	p1 =	seq.s32 s10, $0x1;
	s10 =	sld [smem:$0x3FB2];
	_ =	sdelay $0x3  }
0x37: {  	[smem:$0x3FB2] =	sst s10  }
0x38: {  	s10 =	sld [smem:$0x3FB3]  }
0x39: {  	_ = 	snop;
	(pc) =	sbr.ind lr, $3  }
0x3a: {  	_ = 	snop  }
0x3b: {  	_ = 	snop  }
0x3c: {  	p2 =	seq.s32 s10, $0x1;
	s10 =	sld [smem:$0x3FB2]  }
0x3d: {  	_ =	shalt  }
0x3e: {  	_ =	shalt  }
0x3f: {  	_ =	shalt  }
0x40: {  	_ =	shalt  }
0x41: {  	_ =	shalt  }
0x42: {  	_ =	shalt  }
0x43: {  	_ =	shalt  }
0x44: {  	_ =	shalt  }
0x45: {  	_ =	shalt  }
0x46: {  	_ =	shalt  }
0x47: {  	_ =	shalt  }
0x48: {  	_ =	shalt  }
0x49: {  	_ =	shalt  }
0x4a: {  	_ =	shalt  }
0x4b: {  	_ =	shalt  }
0x4c: {  	_ =	shalt  }
0x4d: {  	_ =	shalt  }
0x4e: {  	_ =	shalt  }
0x4f: {  	_ =	shalt  }
0x50: {  	_ =	shalt  }
0x51: {  	_ =	shalt  }
0x52: {  	_ =	shalt  }
0x53: {  	_ =	shalt  }
0x54: {  	_ =	shalt  }
0x55: {  	_ =	shalt  }
0x56: {  	_ =	shalt  }
0x57: {  	_ =	shalt  }
0x58: {  	_ =	shalt  }
0x59: {  	_ =	shalt  }
0x5a: {  	_ =	shalt  }
0x5b: {  	_ =	shalt  }
0x5c: {  	_ =	shalt  }
0x5d: {  	_ =	shalt  }
0x5e: {  	_ =	shalt  }
0x5f: {  	_ =	shalt  }
0x60: {  	_ =	shalt  }
0x61: {  	_ =	shalt  }
0x62: {  	_ =	shalt  }
0x63: {  	_ =	shalt  }
0x64: {  	_ =	shalt  }
0x65: {  	_ =	shalt  }
0x66: {  	_ =	shalt  }
0x67: {  	_ =	shalt  }
0x68: {  	_ =	shalt  }
0x69: {  	_ =	shalt  }
0x6a: {  	_ =	shalt  }
0x6b: {  	_ =	shalt  }
0x6c: {  	_ =	shalt  }
0x6d: {  	_ =	shalt  }
0x6e: {  	_ =	shalt  }
0x6f: {  	_ =	shalt  }
0x70: {  	_ =	shalt  }
0x71: {  	_ =	shalt  }
0x72: {  	_ =	shalt  }
0x73: {  	_ =	shalt  }
0x74: {  	_ =	shalt  }
0x75: {  	_ =	shalt  }
0x76: {  	_ =	shalt  }
0x77: {  	_ =	shalt  }
0x78: {  	_ =	shalt  }
0x79: {  	_ =	shalt  }
0x7a: {  	_ =	shalt  }
0x7b: {  	_ =	shalt  }
0x7c: {  	_ =	shalt  }
0x7d: {  	_ =	shalt  }
0x7e: {  	_ =	shalt  }
0x7f: {  	_ =	shalt  }
0x80: {  	_ =	shalt  }
0x81: {  	_ =	shalt  }
0x82: {  	_ =	shalt  }
0x83: {  	_ =	shalt  }
0x84: {  	_ =	shalt  }
0x85: {  	_ =	shalt  }
0x86: {  	_ =	shalt  }
0x87: {  	_ =	shalt  }
.Lfunc_end0:
.L_simem_size_0:
called_computation_lowered:
.L_overlay_start_0:
0x88: {  	s2 =	sld [smem:$0x3FD9]  }
0x89: {  	s3 =	sld [smem:$0x3FFE];
	_ =	sdelay $0x1  }
0x8a: {  	s1 =	srdreg.scid  }
0x8b: {  	s0 =	sand.u32 $0x1, s1  }
0x8c: {  	s16 =	sshll.u32 s0, $0xA;
	s2 =	sadd.s32 s3, s2  }
0x8d: {  	s2 =	sadd.s32 s2, s16  }
0x8e: {  	[smem:$0x3FBE] =	sst s2  }
0x8f: {  	_ = 	snop  }
0x90: {  	(tm) =	ssettm $0x1  }
0x91: {  	s17 =	sld [smem:$0x3FFB];
	_ =	sdelay $0x3  }
0x92: {  	_ =	strace s17  }
0x93: {  	s2 =	sld [smem:$0x3FFC];
	_ =	sdelay $0x3  }
0x94: {  	_ =	strace s2  }
0x95: {  	s2 =	sld [smem:$0x3FFD];
	_ =	sdelay $0x3  }
0x96: {  	_ =	strace s2  }
0x97: {  	_ =	strace $0x8FFFFFFF  }
0x98: {  	s18 =	sld [smem:$0x3FDB];
	_ =	sdelay $0x1  }
0x99: {  	s19 =	simm.s32 $_scs_section_size  }
0x9a: {  	s4 =	simm.s32 $_size__tile_overlayer_lowered;
	s5 =	simm.s32 $_tile_overlayer_lowered  }
0x9b: {  	s22 =	simm.s32 $0x1BFF;
	s21 =	sshll.u32 s5, $0x1;
	s2 =	sadd.s32 s19, s18  }
0x9c: {  	s6 =	simm.s32 $0x0;
	s20 =	sshll.u32 s4, $0x1;
	s4 =	sadd.s32 s21, s2  }
0x9d: {  	[timem:s6], [sflag:s22] =	dma.local [hbm:s4], s20  }
0x9e: {  	_ =	swait.ge [sflag:s22], s20  }
0x9f: {  	s3 =	ssub.s32 $0x0, s20;
	[sflag:s22] =	ssyncset.done $0x0  }
0xa0: {  	[sflag:s22] =	ssyncadd.s32 s3;
	_ =	sdelay $0x1  }
0xa1: {  	s23 =	simm.s32 $0x1B8B  }
0xa2: {  	_ =	swait.ge [sflag:s23], $0x1  }
0xa3: {  	[sflag:s23] =	ssyncset.done $0x0  }
0xa4: {  	s25 =	simm.s32 $0x1B8E;
	s24 =	sld [smem:$0x3FFE];
	[sflag:s23] =	ssyncadd.s32 $0xFFFFFFFF  }
0xa5: {  	s26 =	simm.s32 $execute0_lowered;
	[smem:$0x3FD2] =	sst s25  }
0xa6: {  	s4 =	sshll.u32 s26, $0x1;
	_ =	strace $0x80000046;
	[dreg:$0x1] =	wrdreg $0xFFFFFFFF  }
0xa7: {  	s28 =	simm.s32 $_size_execute0_lowered;
	s2 =	sadd.s32 s2, s4;
	[dreg:$0x0] =	wrdreg $0x0  }
0xa8: {  	s4 =	sshll.u32 s28, $0x1;
	[dreg:$0x2] =	wrdreg s2  }
0xa9: {  	[dreg:$0x3] =	wrdreg s4  }
0xaa: {  	[dreg:$0x4] =	wrdreg $0xC0  }
0xab: {  	_ =	task [dreg:s6], $0x5FFFF  }
0xac: {  	[dreg:$0x1] =	wrdreg $0xFFFFFFFF  }
0xad: {  	[dreg:$0x0] =	wrdreg $0x60  }
0xae: {  	[dreg:$0x2] =	wrdreg s24  }
0xaf: {  	[dreg:$0x3] =	wrdreg $0x0  }
0xb0: {  	[dreg:$0x4] =	wrdreg $0x9  }
0xb1: {  	_ =	task.clear_ibuf [dreg:s6], $0x5FFFF;
	_ =	strace $0x90000046  }
0xb2: {  	s29 =	simm.s32 $0x9;
	_ =	strace $0x80000048  }
0xb3: {  	_ =	swait.ge [sflag:s29], $0x1  }
0xb4: {  	[sflag:s29] =	ssyncadd.s32 $0xFFFFFFFF  }
0xb5: {  	_ =	strace $0x90000048  }
0xb6: {  	_ =	sfence  }
0xb7: {  	s30 =	sld [smem:$0x0];
	_ =	sdelay $0x2  }
0xb8: {  	s31 =	sshll.u32 s1, $0xD;
	s1 =	sshrl.u32 s1, $0x2  }
0xb9: {  	s3 =	sand.u32 $0x4000, s31;
	s1 =	sadd.s32 s1, s30  }
0xba: {  	s0 =	sor.u32 s3, s0;
	s1 =	sshll.u32 s1, $0x11  }
0xbb: {  	s0 =	sor.u32 s1, s0  }
0xbc: {  	s0 =	sadd.s32 $0x8F2B, s0  }
0xbd: {  	[sflag:s0] =	ssyncadd.remote.s32 $0x1  }
0xbe: {  	_ =	sfence.sel $0xFFFF  }
0xbf: {  	[dreg:$0x0] =	wrdreg $0xFFFFFFFF;
	(pc) =	sbr.abs _section_cstart, $3  }
0xc0: {  	[dreg:$0x1] =	wrdreg $0xFFFFFFFF  }
0xc1: {  	_ =	task.clear_ibuf [dreg:s6], $0x2FFFF;
	_ =	strace $0x9FFFFFFF  }
0xc2: {  	(tm) =	ssettm $0x7FFFFFFF  }
0xc3: {  	_ =	shalt  }
tec
execute0_lowered:
.L_overlay_start_1:
0x0: {  	(tag) =	ssettag $0x1  }
0x1: {  	s1 =	srdreg.scid;
	s4 =	rddreg [dreg:$0x0]  }
0x2: {  	s0 =	stileid.u32;
	s2 =	rddreg [dreg:$0x1];
	s3 =	simm.s32 $0x0  }
0x3: {  	s10 =	simm.s32 $0x500;
	s11 =	simm.s32 $0x80;
	s12 =	simm.s32 $0x2D00  }
0x4: {  	s13 =	simm.s32 $0x580;
	s14 =	simm.s32 $0x600;
	s15 =	simm.s32 $0x680  }
0x5: {  	s16 =	simm.s32 $0x1;
	s17 =	simm.s32 $0x2;
	s18 =	simm.s32 $0x3  }
0x6: {  	s19 =	simm.s32 $0x4;
	s5 =	sand.u32 $0x1, s1;
	s1 =	rddreg [dreg:$0x2]  }
0x7: {  	s22 =	simm.s32 $0x0;
	s6 =	smul.u32 $0x280, s0;
	[smem:$0x7FF] =	sst s3  }
0x8: {  	s20 =	sshll.u32 s0, $0x6;
	s7 =	sshll.u32 s5, $0x4;
	s8 =	smul.u32 $0x2800, s5  }
0x9: {  	_ =	strace $0x80000047;
	s5 =	ssub.s32 $0x2, s5;
	s7 =	sor.u32 s0, s7  }
0xa: {  	s31 =	sshrl.u32 s5, $0x1;
	s7 =	smul.u32 $0x500, s7;
	s8 =	sadd.s32 s6, s8  }
0xb: {  	s20 =	sor.u32 $0x1C05, s20;
	s9 =	ssub.s32 s5, s31;
	s8 =	sshrl.u32 s8, $0x3  }
0xc: {  	s7 =	sadd.s32 s7, s4;
	s8 =	sadd.s32 s8, s4;
	s4 =	sadd.s32 s6, s2  }
0xd: {  	s5 =	sadd.s32 $0x1E00, s7;
	s6 =	sadd.s32 $0xBE00, s8;
	s7 =	smax.u32 s9, $0x1  }
0xe: {  	v0 =	vimm.f32 $0.0e+00;
	v1 =	vimm.f32 $1.000000000e+00;
	s8 =	simm.s32 $0x280;
	s9 =	simm.s32 $0x5;
	s21 =	sshrl.u32 s4, $0x3  }
.LBB2_1:
0xf: {  	[tilespmem:$0x280] =	vst v0  }
0x10: {  	[tilespmem:$0x290] =	vst v0  }
0x11: {  	[tilespmem:$0x2A0] =	vst v0  }
0x12: {  	[tilespmem:$0x2B0] =	vst v0  }
0x13: {  	[tilespmem:$0x2C0] =	vst v0  }
0x14: {  	[tilespmem:$0x2D0] =	vst v0  }
0x15: {  	[tilespmem:$0x2E0] =	vst v0  }
0x16: {  	[tilespmem:$0x2F0] =	vst v0  }
0x17: {  	[tilespmem:$0x300] =	vst v0  }
0x18: {  	[tilespmem:$0x310] =	vst v0  }
0x19: {  	[tilespmem:$0x320] =	vst v0  }
0x1a: {  	[tilespmem:$0x330] =	vst v0  }
0x1b: {  	[tilespmem:$0x340] =	vst v0  }
0x1c: {  	[tilespmem:$0x350] =	vst v0  }
0x1d: {  	[tilespmem:$0x360] =	vst v0  }
0x1e: {  	[tilespmem:$0x370] =	vst v0  }
0x1f: {  	[tilespmem:$0x380] =	vst v0  }
0x20: {  	[tilespmem:$0x390] =	vst v0  }
0x21: {  	[tilespmem:$0x3A0] =	vst v0  }
0x22: {  	[tilespmem:$0x3B0] =	vst v0  }
0x23: {  	[tilespmem:$0x3C0] =	vst v0  }
0x24: {  	[tilespmem:$0x3D0] =	vst v0  }
0x25: {  	[tilespmem:$0x3E0] =	vst v0  }
0x26: {  	[tilespmem:$0x3F0] =	vst v0  }
0x27: {  	[tilespmem:$0x400] =	vst v0  }
0x28: {  	[tilespmem:$0x410] =	vst v0  }
0x29: {  	[tilespmem:$0x420] =	vst v0  }
0x2a: {  	[tilespmem:$0x430] =	vst v0  }
0x2b: {  	[tilespmem:$0x440] =	vst v0  }
0x2c: {  	[tilespmem:$0x450] =	vst v0  }
0x2d: {  	[tilespmem:$0x460] =	vst v0  }
0x2e: {  	[tilespmem:$0x470] =	vst v0  }
0x2f: {  	[tilespmem:$0x480] =	vst v0  }
0x30: {  	[tilespmem:$0x490] =	vst v0  }
0x31: {  	[tilespmem:$0x4A0] =	vst v0  }
0x32: {  	[tilespmem:$0x4B0] =	vst v0  }
0x33: {  	[tilespmem:$0x4C0] =	vst v0  }
0x34: {  	[tilespmem:$0x4D0] =	vst v0  }
0x35: {  	[tilespmem:$0x4E0] =	vst v0  }
0x36: {  	[tilespmem:$0x4F0] =	vst v0  }
0x37: {  	[spmem:s4] =	stream.linear.scatter [tilespmem:s8], [sflag:$0x5], $0x280, $0x38;
	[tilespmem:$0x2D80] =	vst v63  }
0x38: {  	_ =	swait.ge [sflag:s9], $0x280  }
0x39: {  	[sflag:s9] =	ssyncset.done $0x0  }
0x3a: {  	[sflag:s9] =	ssyncadd.s32 $0xFFFFFD80  }
0x3b: {  	[tilespmem:$0x2D00] =	vst v1  }
0x3c: {  	[tilespmem:$0x2D10] =	vst v1  }
0x3d: {  	[tilespmem:$0x2D20] =	vst v1  }
0x3e: {  	[tilespmem:$0x2D30] =	vst v1  }
0x3f: {  	[tilespmem:$0x2D40] =	vst v1  }
0x40: {  	[tilespmem:$0x2D50] =	vst v1  }
0x41: {  	[tilespmem:$0x2D60] =	vst v1  }
0x42: {  	[tilespmem:$0x2D70] =	vst v1  }
0x43: {  	[tilespmem:s10], [sflag:$0x5] =	stream.linear.gather [hbm4b:s5+s3], $0x2800, $0x38;
	[tilespmem:$0x2D80] =	vst v63  }
0x44: {  	_ =	swait.ge [sflag:s9], $0x2800  }
0x45: {  	[sflag:s9] =	ssyncset.done $0x0  }
0x46: {  	[sflag:s9] =	ssyncadd.s32 $0xFFFFD800  }
0x47: {  	[bflag:$0x0] =	sbarrier.arrive $0xFFFF  }
0x48: {  	[spmem:s2] =	stream.indirect.scatter.add.f32 [tilespmem:s12], [sflag:$0x1], $0x1, s10, s11, $0xb8;
	[tilespmem:$0x2D80] =	vst v63  }
0x49: {  	_ = 	snop  }
0x4a: {  	[spmem:s2] =	stream.indirect.scatter.add.f32 [tilespmem:s12], [sflag:$0x2], $0x1, s13, s11, $0xb8;
	[tilespmem:$0x2D80] =	vst v63  }
0x4b: {  	_ = 	snop  }
0x4c: {  	[spmem:s2] =	stream.indirect.scatter.add.f32 [tilespmem:s12], [sflag:$0x3], $0x1, s14, s11, $0xb8;
	[tilespmem:$0x2D80] =	vst v63  }
0x4d: {  	_ = 	snop  }
0x4e: {  	[spmem:s2] =	stream.indirect.scatter.add.f32 [tilespmem:s12], [sflag:$0x4], $0x1, s15, s11, $0xb8;
	[tilespmem:$0x2D80] =	vst v63  }
0x4f: {  	_ =	swait.ge [sflag:s16], $0x80  }
0x50: {  	[sflag:s16] =	ssyncset.done $0x0  }
0x51: {  	s23 =	simm.s32 $0x700;
	[sflag:s16] =	ssyncadd.s32 $0xFFFFFF80  }
0x52: {  	[spmem:s2] =	stream.indirect.scatter.add.f32 [tilespmem:s12], [sflag:$0x1], $0x1, s23, s11, $0xb8;
	[tilespmem:$0x2D80] =	vst v63  }
0x53: {  	_ =	swait.ge [sflag:s17], $0x80  }
0x54: {  	[sflag:s17] =	ssyncset.done $0x0  }
0x55: {  	s30 =	simm.s32 $0x780;
	[sflag:s17] =	ssyncadd.s32 $0xFFFFFF80  }
0x56: {  	[spmem:s2] =	stream.indirect.scatter.add.f32 [tilespmem:s12], [sflag:$0x2], $0x1, s30, s11, $0xb8;
	[tilespmem:$0x2D80] =	vst v63  }
0x57: {  	_ =	swait.ge [sflag:s18], $0x80  }
0x58: {  	[sflag:s18] =	ssyncset.done $0x0  }
0x59: {  	s31 =	simm.s32 $0x800;
	[sflag:s18] =	ssyncadd.s32 $0xFFFFFF80  }
0x5a: {  	[spmem:s2] =	stream.indirect.scatter.add.f32 [tilespmem:s12], [sflag:$0x3], $0x1, s31, s11, $0xb8;
	[tilespmem:$0x2D80] =	vst v63  }
0x5b: {  	_ =	swait.ge [sflag:s19], $0x80  }
0x5c: {  	[sflag:s19] =	ssyncset.done $0x0  }
0x5d: {  	s24 =	simm.s32 $0x880;
	s23 =	simm.s32 $0xFFFF7000;
	[sflag:s19] =	ssyncadd.s32 $0xFFFFFF80  }
.LBB2_2:
0x5e: {  	[spmem:s2] =	stream.indirect.scatter.add.f32 [tilespmem:s12], [sflag:$0x4], $0x1, s24, s11, $0xb8;
	[tilespmem:$0x2D80] =	vst v63  }
0x5f: {  	s24 =	smov.u32 s23  }
0x60: {  	p0 =	sne.s32 s23, $0xFFFFF800;
	s23 =	sadd.s32 $0x800, s23;
	_ =	swait.ge [sflag:s16], $0x80  }
0x61: {  	s24 =	sshra.s32 s24, $0x2;
	[sflag:s16] =	ssyncset.done $0x0  }
0x62: {  	s25 =	sadd.s32 $0x2D00, s24;
	[sflag:s16] =	ssyncadd.s32 $0xFFFFFF80  }
0x63: {  	[spmem:s2] =	stream.indirect.scatter.add.f32 [tilespmem:s12], [sflag:$0x1], $0x1, s25, s11, $0xb8;
	[tilespmem:$0x2D80] =	vst v63  }
0x64: {  	_ =	swait.ge [sflag:s17], $0x80  }
0x65: {  	[sflag:s17] =	ssyncset.done $0x0  }
0x66: {  	s25 =	sadd.s32 $0x2D80, s24;
	[sflag:s17] =	ssyncadd.s32 $0xFFFFFF80  }
0x67: {  	[spmem:s2] =	stream.indirect.scatter.add.f32 [tilespmem:s12], [sflag:$0x2], $0x1, s25, s11, $0xb8;
	[tilespmem:$0x2D80] =	vst v63  }
0x68: {  	_ =	swait.ge [sflag:s18], $0x80  }
0x69: {  	[sflag:s18] =	ssyncset.done $0x0  }
.Ltmp0:
0x6a: {  	s25 =	sadd.s32 $0x2E00, s24;
	[sflag:s18] =	ssyncadd.s32 $0xFFFFFF80;
	(pc) =	sbr.rel @p0 .LBB2_2-.Ltmp0, $4  }
0x6b: {  	[spmem:s2] =	stream.indirect.scatter.add.f32 [tilespmem:s12], [sflag:$0x3], $0x1, s25, s11, $0xb8;
	[tilespmem:$0x2D80] =	vst v63  }
0x6c: {  	_ =	swait.ge [sflag:s19], $0x80  }
0x6d: {  	[sflag:s19] =	ssyncset.done $0x0  }
0x6e: {  	s24 =	sadd.s32 $0x2E80, s24;
	[sflag:s19] =	ssyncadd.s32 $0xFFFFFF80  }
0x6f: {  	[spmem:s2] =	stream.indirect.scatter.add.f32 [tilespmem:s12], [sflag:$0x4], $0x1, s24, s11, $0xb8;
	[tilespmem:$0x2D80] =	vst v63  }
0x70: {  	_ =	swait.ge [sflag:s16], $0x80  }
0x71: {  	[sflag:s16] =	ssyncset.done $0x0  }
0x72: {  	[sflag:s16] =	ssyncadd.s32 $0xFFFFFF80  }
0x73: {  	_ =	swait.ge [sflag:s17], $0x80  }
0x74: {  	[sflag:s17] =	ssyncset.done $0x0  }
0x75: {  	[sflag:s17] =	ssyncadd.s32 $0xFFFFFF80  }
0x76: {  	_ =	swait.ge [sflag:s18], $0x80  }
0x77: {  	[sflag:s18] =	ssyncset.done $0x0  }
0x78: {  	[sflag:s18] =	ssyncadd.s32 $0xFFFFFF80  }
0x79: {  	_ =	swait.ge [sflag:s19], $0x80  }
0x7a: {  	s22 =	sadd.s32 $0x1, s22;
	[sflag:s19] =	ssyncset.done $0x0  }
0x7b: {  	p0 =	sne.s32 s22, s7;
	[sflag:s19] =	ssyncadd.s32 $0xFFFFFF80  }
.Ltmp1:
0x7c: {  	[bflag:$0x0] =	sbarrier.arrive $0xFFFF;
	(pc) =	sbr.rel @p0 .LBB2_1-.Ltmp1, $4  }
0x7d: {  	[hbm:s6], [sflag:s20] =	dma.local [spmem:s21], $0x50  }
0x7e: {  	_ =	swait.ge [sflag:s9], $0x50  }
0x7f: {  	[sflag:s9] =	ssyncset.done $0x0  }
0x80: {  	[sflag:s9] =	ssyncadd.s32 $0xFFFFFFB0  }
0x81: {  	_ =	sfence.sel $0x180000  }
0x82: {  	[bflag:$0x0] =	sbarrier.arrive $0xFFFF  }
0x83: {  	p0 =	sne.s32 s0, $0x0;
	_ =	strace $0x90000047  }
0x84: {  	s0 =	sadd.s32 @!p0 $0x100000, s1;
	[bflag:$0x2] =	sbarrier.arrive $0xFFFF  }
0x85: {  	[sflag:s0] =	ssyncadd.tile.s32 @!p0 $0x1;
	_ =	shalt  }
.Lfunc_end2:
_tile_overlayer_lowered:
.L_overlay_start_2:
0x86: {  	(tag) =	ssettag $0x2  }
0x87: {  	s0 =	rddreg [dreg:$0x0];
	s2 =	stileid.u32  }
0x88: {  	s1 =	rddreg [dreg:$0x1];
	p0 =	sne.s32 s2, $0x0  }
0x89: {  	s3 =	rddreg [dreg:$0x2];
	[bflag:$0x3] =	sbarrier.arrive $0xFFFF;
	s2 =	simm.s32 @!p0 $0x1C05  }
0x8a: {  	[timem:s3], [sflag:s2] =	dma.local @!p0 [hbm:s0], s1  }
0x8b: {  	s0 =	simm.s32 @!p0 $0x5  }
0x8c: {  	_ =	swait.ge @!p0 [sflag:s0], s1  }
0x8d: {  	s1 =	ssub.s32 @!p0 $0x0, s1;
	[sflag:s0] =	ssyncset.done @!p0 $0x0  }
0x8e: {  	[sflag:s0] =	ssyncadd.s32 @!p0 s1  }
0x8f: {  	[bflag:$0x3] =	sbarrier.arrive $0xFFFF  }
0x90: {  	_ =	shalt  }

// kernel: kernel.14.cloned.1.call-start
scs
__scs_entry_jumppad:
0x0: {  	(pc) =	sbr.rel $0x88, $3  }
0x1: {  	(tag) =	ssettag $0x0;
	lr =	simm.s32 $0x1  }
0x2: {  	[smem:$0x3F97] =	sst lr;
	_ =	strace $0xD0000000  }
0x3: {  	_ = 	snop  }
0x4: {  	_ = 	snop  }
0x5: {  	_ = 	snop  }
0x6: {  	_ = 	snop  }
0x7: {  	_ = 	snop  }
__scs_overlays_trampoline_lowered:
0x8: {  	[smem:$0x3FA6] =	sst s0  }
0x9: {  	[smem:$0x3FA7] =	sst s1  }
0xa: {  	[smem:$0x3FA8] =	sst s2  }
0xb: {  	[smem:$0x3FA9] =	sst s3  }
0xc: {  	[smem:$0x3FAA] =	sst s4  }
0xd: {  	[smem:$0x3FAB] =	sst s5  }
0xe: {  	[smem:$0x3FAC] =	sst s6  }
0xf: {  	[smem:$0x3FAD] =	sst s7  }
0x10: {  	[smem:$0x3FAE] =	sst s8  }
0x11: {  	[smem:$0x3FAF] =	sst s9;
	s0 =	simm.s32 @!p0 $0x0  }
0x12: {  	s1 =	sld [smem:$0x3F95];
	s0 =	simm.s32 @p0 $0x1  }
0x13: {  	[smem:$0x3FB0] =	sst s0;
	s0 =	simm.s32 @!p1 $0x0  }
0x14: {  	s2 =	sld [smem:$0x3F94];
	s0 =	simm.s32 @p1 $0x1  }
0x15: {  	[smem:$0x3FB1] =	sst s0;
	s0 =	simm.s32 @!p2 $0x0  }
0x16: {  	s3 =	sld [smem:$0x3FDB];
	s0 =	simm.s32 @p2 $0x1  }
0x17: {  	s4 =	simm.s32 $0x1BF5;
	[smem:$0x3FB3] =	sst s0  }
0x18: {  	s0 =	sld [smem:$0x3F96];
	_ =	swait.ge [sflag:s4], $0x0  }
0x19: {  	s7 =	sld [smem:$0x3F97]  }
0x1a: {  	s8 =	sadd.s32 $0xFFFFE003, lr  }
0x1b: {  	s9 =	sadd.s32 $0xFFFFFEF7, lr;
	s5 =	simm.s32 $0xFFFFFFFF;
	p2 =	slt.u32 s8, $0xFFFFF086  }
0x1c: {  	p1 =	slt.u32 s9, $0xF7A;
	s5 =	simm.s32 @!p2 $0x0  }
0x1d: {  	s5 =	simm.s32 @p1 $0x1;
	p0 =	seq.s32 s7, s2  }
0x1e: {  	s7 =	smul.u32 @!p0 $0xF7A, s2;
	p2 =	seq.s32 @!p0 s5, $0x0  }
0x1f: {  	s9 =	smul.u32 $0xF7A, s1;
	s8 =	simm.s32 @!p0 $0x1BF5;
	p2 =	por !p2, p0  }
0x20: {  	[sflag:s8] =	ssyncset.s32 @!p0 $0xFFFFF086;
	s6 =	sadd.s32 @!p0 s3, s7;
	s7 =	simm.s32 @!p0 $0x108  }
0x21: {  	s3 =	sadd.s32 s3, s9;
	s6 =	sadd.s32 @!p0 $0x88, s6;
	s7 =	simm.s32 @p2 $0x1082  }
0x22: {  	[simem:s7], [sflag:s8] =	dma.local @!p0 [hbm:s6], $0xF7A  }
0x23: {  	s9 =	sor.u32 $0xD0000000, s2;
	s6 =	simm.s32 $0x108;
	_ =	swait.ge @!p0 [sflag:s8], $0x0  }
0x24: {  	s3 =	sadd.s32 $0x88, s3;
	s6 =	simm.s32 @!p1 $0x1082;
	[sflag:s4] =	ssyncset.s32 $0xFFFFF086  }
0x25: {  	[simem:s6], [sflag:s4] =	dma.local [hbm:s3], $0xF7A  }
0x26: {  	[smem:$0x3F97] =	sst s1;
	(tag) =	ssettag s2;
	_ =	strace s9  }
0x27: {  	s1 =	sld [smem:$0x3FA7]  }
0x28: {  	s2 =	sld [smem:$0x3FA8]  }
0x29: {  	s4 =	sld [smem:$0x3FAA]  }
0x2a: {  	p0 =	seq.s32 s5, $0x0;
	s5 =	sld [smem:$0x3FAB]  }
0x2b: {  	s6 =	sld [smem:$0x3FAC]  }
0x2c: {  	s7 =	sld [smem:$0x3FAD]  }
0x2d: {  	s3 =	simm.s32 $0x108;
	s8 =	sld [smem:$0x3FAE]  }
0x2e: {  	s3 =	simm.s32 @!p0 $0x1082;
	s9 =	sld [smem:$0x3FAF]  }
0x2f: {  	lr =	sadd.s32 s0, s3;
	s0 =	sld [smem:$0x3FA6]  }
0x30: {  	s3 =	sld [smem:$0x3FA9]  }
0x31: {  	[smem:$0x3FB2] =	sst s10  }
0x32: {  	s10 =	sld [smem:$0x3FB0];
	_ =	sdelay $0x3  }
0x33: {  	p0 =	seq.s32 s10, $0x1;
	s10 =	sld [smem:$0x3FB2];
	_ =	sdelay $0x3  }
0x34: {  	[smem:$0x3FB2] =	sst s10  }
0x35: {  	s10 =	sld [smem:$0x3FB1];
	_ =	sdelay $0x3  }
0x36: {  	p1 =	seq.s32 s10, $0x1;
	s10 =	sld [smem:$0x3FB2];
	_ =	sdelay $0x3  }
0x37: {  	[smem:$0x3FB2] =	sst s10  }
0x38: {  	s10 =	sld [smem:$0x3FB3]  }
0x39: {  	_ = 	snop;
	(pc) =	sbr.ind lr, $3  }
0x3a: {  	_ = 	snop  }
0x3b: {  	_ = 	snop  }
0x3c: {  	p2 =	seq.s32 s10, $0x1;
	s10 =	sld [smem:$0x3FB2]  }
0x3d: {  	_ =	shalt  }
0x3e: {  	_ =	shalt  }
0x3f: {  	_ =	shalt  }
0x40: {  	_ =	shalt  }
0x41: {  	_ =	shalt  }
0x42: {  	_ =	shalt  }
0x43: {  	_ =	shalt  }
0x44: {  	_ =	shalt  }
0x45: {  	_ =	shalt  }
0x46: {  	_ =	shalt  }
0x47: {  	_ =	shalt  }
0x48: {  	_ =	shalt  }
0x49: {  	_ =	shalt  }
0x4a: {  	_ =	shalt  }
0x4b: {  	_ =	shalt  }
0x4c: {  	_ =	shalt  }
0x4d: {  	_ =	shalt  }
0x4e: {  	_ =	shalt  }
0x4f: {  	_ =	shalt  }
0x50: {  	_ =	shalt  }
0x51: {  	_ =	shalt  }
0x52: {  	_ =	shalt  }
0x53: {  	_ =	shalt  }
0x54: {  	_ =	shalt  }
0x55: {  	_ =	shalt  }
0x56: {  	_ =	shalt  }
0x57: {  	_ =	shalt  }
0x58: {  	_ =	shalt  }
0x59: {  	_ =	shalt  }
0x5a: {  	_ =	shalt  }
0x5b: {  	_ =	shalt  }
0x5c: {  	_ =	shalt  }
0x5d: {  	_ =	shalt  }
0x5e: {  	_ =	shalt  }
0x5f: {  	_ =	shalt  }
0x60: {  	_ =	shalt  }
0x61: {  	_ =	shalt  }
0x62: {  	_ =	shalt  }
0x63: {  	_ =	shalt  }
0x64: {  	_ =	shalt  }
0x65: {  	_ =	shalt  }
0x66: {  	_ =	shalt  }
0x67: {  	_ =	shalt  }
0x68: {  	_ =	shalt  }
0x69: {  	_ =	shalt  }
0x6a: {  	_ =	shalt  }
0x6b: {  	_ =	shalt  }
0x6c: {  	_ =	shalt  }
0x6d: {  	_ =	shalt  }
0x6e: {  	_ =	shalt  }
0x6f: {  	_ =	shalt  }
0x70: {  	_ =	shalt  }
0x71: {  	_ =	shalt  }
0x72: {  	_ =	shalt  }
0x73: {  	_ =	shalt  }
0x74: {  	_ =	shalt  }
0x75: {  	_ =	shalt  }
0x76: {  	_ =	shalt  }
0x77: {  	_ =	shalt  }
0x78: {  	_ =	shalt  }
0x79: {  	_ =	shalt  }
0x7a: {  	_ =	shalt  }
0x7b: {  	_ =	shalt  }
0x7c: {  	_ =	shalt  }
0x7d: {  	_ =	shalt  }
0x7e: {  	_ =	shalt  }
0x7f: {  	_ =	shalt  }
0x80: {  	_ =	shalt  }
0x81: {  	_ =	shalt  }
0x82: {  	_ =	shalt  }
0x83: {  	_ =	shalt  }
0x84: {  	_ =	shalt  }
0x85: {  	_ =	shalt  }
0x86: {  	_ =	shalt  }
0x87: {  	_ =	shalt  }
.Lfunc_end0:
.L_simem_size_0:
called_computation.1_lowered:
.L_overlay_start_0:
0x88: {  	s2 =	sld [smem:$0x3FD9]  }
0x89: {  	s3 =	sld [smem:$0x3FFE];
	_ =	sdelay $0x1  }
0x8a: {  	s1 =	srdreg.scid  }
0x8b: {  	s0 =	sand.u32 $0x1, s1  }
0x8c: {  	s16 =	sshll.u32 s0, $0xA;
	s2 =	sadd.s32 s3, s2  }
0x8d: {  	s2 =	sadd.s32 s2, s16  }
0x8e: {  	[smem:$0x3FBE] =	sst s2  }
0x8f: {  	_ = 	snop  }
0x90: {  	(tm) =	ssettm $0x1  }
0x91: {  	s17 =	sld [smem:$0x3FFB];
	_ =	sdelay $0x3  }
0x92: {  	_ =	strace s17  }
0x93: {  	s2 =	sld [smem:$0x3FFC];
	_ =	sdelay $0x3  }
0x94: {  	_ =	strace s2  }
0x95: {  	s2 =	sld [smem:$0x3FFD];
	_ =	sdelay $0x3  }
0x96: {  	_ =	strace s2  }
0x97: {  	_ =	strace $0x8FFFFFFF  }
0x98: {  	s18 =	sld [smem:$0x3FDB];
	_ =	sdelay $0x1  }
0x99: {  	s19 =	simm.s32 $_scs_section_size  }
0x9a: {  	s4 =	simm.s32 $_size__tile_overlayer_lowered;
	s5 =	simm.s32 $_tile_overlayer_lowered  }
0x9b: {  	s22 =	simm.s32 $0x1BFF;
	s21 =	sshll.u32 s5, $0x1;
	s2 =	sadd.s32 s19, s18  }
0x9c: {  	s6 =	simm.s32 $0x0;
	s20 =	sshll.u32 s4, $0x1;
	s4 =	sadd.s32 s21, s2  }
0x9d: {  	[timem:s6], [sflag:s22] =	dma.local [hbm:s4], s20  }
0x9e: {  	_ =	swait.ge [sflag:s22], s20  }
0x9f: {  	s3 =	ssub.s32 $0x0, s20;
	[sflag:s22] =	ssyncset.done $0x0  }
0xa0: {  	[sflag:s22] =	ssyncadd.s32 s3;
	_ =	sdelay $0x1  }
0xa1: {  	s23 =	simm.s32 $0x1B8B  }
0xa2: {  	_ =	swait.ge [sflag:s23], $0x1  }
0xa3: {  	[sflag:s23] =	ssyncset.done $0x0  }
0xa4: {  	s25 =	simm.s32 $0x1B8E;
	s24 =	sld [smem:$0x3FFE];
	[sflag:s23] =	ssyncadd.s32 $0xFFFFFFFF  }
0xa5: {  	s26 =	simm.s32 $execute0_lowered;
	[smem:$0x3FD2] =	sst s25  }
0xa6: {  	s4 =	sshll.u32 s26, $0x1;
	_ =	strace $0x80000049;
	[dreg:$0x1] =	wrdreg $0xFFFFFFFF  }
0xa7: {  	s28 =	simm.s32 $_size_execute0_lowered;
	s2 =	sadd.s32 s2, s4;
	[dreg:$0x0] =	wrdreg $0x0  }
0xa8: {  	s4 =	sshll.u32 s28, $0x1;
	[dreg:$0x2] =	wrdreg s2  }
0xa9: {  	[dreg:$0x3] =	wrdreg s4  }
0xaa: {  	[dreg:$0x4] =	wrdreg $0xC0  }
0xab: {  	_ =	task [dreg:s6], $0x5FFFF  }
0xac: {  	[dreg:$0x1] =	wrdreg $0xFFFFFFFF  }
0xad: {  	[dreg:$0x0] =	wrdreg $0x60  }
0xae: {  	[dreg:$0x2] =	wrdreg s24  }
0xaf: {  	[dreg:$0x3] =	wrdreg $0x0  }
0xb0: {  	[dreg:$0x4] =	wrdreg $0x9  }
0xb1: {  	_ =	task.clear_ibuf [dreg:s6], $0x5FFFF;
	_ =	strace $0x90000049  }
0xb2: {  	s29 =	simm.s32 $0x9;
	_ =	strace $0x8000004B  }
0xb3: {  	_ =	swait.ge [sflag:s29], $0x1  }
0xb4: {  	[sflag:s29] =	ssyncadd.s32 $0xFFFFFFFF  }
0xb5: {  	_ =	strace $0x9000004B  }
0xb6: {  	_ =	sfence  }
0xb7: {  	s30 =	sld [smem:$0x0];
	_ =	sdelay $0x2  }
0xb8: {  	s31 =	sshll.u32 s1, $0xD;
	s1 =	sshrl.u32 s1, $0x2  }
0xb9: {  	s3 =	sand.u32 $0x4000, s31;
	s1 =	sadd.s32 s1, s30  }
0xba: {  	s0 =	sor.u32 s3, s0;
	s1 =	sshll.u32 s1, $0x11  }
0xbb: {  	s0 =	sor.u32 s1, s0  }
0xbc: {  	s0 =	sadd.s32 $0x8F2B, s0  }
0xbd: {  	[sflag:s0] =	ssyncadd.remote.s32 $0x1  }
0xbe: {  	_ =	sfence.sel $0xFFFF  }
0xbf: {  	[dreg:$0x0] =	wrdreg $0xFFFFFFFF;
	(pc) =	sbr.abs _section_cstart, $3  }
0xc0: {  	[dreg:$0x1] =	wrdreg $0xFFFFFFFF  }
0xc1: {  	_ =	task.clear_ibuf [dreg:s6], $0x2FFFF;
	_ =	strace $0x9FFFFFFF  }
0xc2: {  	(tm) =	ssettm $0x7FFFFFFF  }
0xc3: {  	_ =	shalt  }
tec
execute0_lowered:
.L_overlay_start_1:
0x0: {  	(tag) =	ssettag $0x1  }
0x1: {  	s0 =	rddreg [dreg:$0x0]  }
0x2: {  	s2 =	rddreg [dreg:$0x1]  }
0x3: {  	s1 =	srdreg.scid;
	s7 =	stileid.u32  }
0x4: {  	s3 =	simm.s32 $0x0;
	s11 =	simm.s32 $0x9;
	s12 =	simm.s32 $0x5000  }
0x5: {  	s14 =	simm.s32 $0x80;
	s15 =	simm.s32 $0xA000;
	s17 =	simm.s32 $0xA800  }
0x6: {  	s19 =	simm.s32 $0xB000;
	s20 =	simm.s32 $0x5180;
	s21 =	simm.s32 $0xB800  }
0x7: {  	s22 =	simm.s32 $0x1;
	s23 =	simm.s32 $0x5;
	s24 =	simm.s32 $0x2  }
0x8: {  	s25 =	simm.s32 $0x6;
	s28 =	simm.s32 $0x7;
	s29 =	simm.s32 $0x4  }
0x9: {  	s30 =	simm.s32 $0x8;
	s31 =	simm.s32 $0x9E00;
	s10 =	simm.s32 $0x9F80  }
0xa: {  	s1 =	sand.u32 $0x1, s1;
	s5 =	smul.u32 $0x2800, s7;
	[smem:$0x7FF] =	sst s3  }
0xb: {  	s4 =	sshll.u32 s1, $0x4;
	s6 =	smul.u32 $0x28000, s1;
	s1 =	ssub.s32 $0x2, s1  }
0xc: {  	_ =	strace $0x8000004A;
	s4 =	sor.u32 s7, s4;
	s26 =	sshrl.u32 s1, $0x1  }
0xd: {  	s7 =	smul.u32 $0x500, s4;
	s6 =	sadd.s32 s5, s6;
	s4 =	sadd.s32 $0x16800, s0  }
0xe: {  	s1 =	ssub.s32 s1, s26;
	s5 =	sadd.s32 s5, s2;
	s26 =	simm.s32 $0x3  }
0xf: {  	s6 =	sshrl.u32 s6, $0x3;
	s9 =	smax.u32 s1, $0x1;
	s7 =	sadd.s32 s7, s0  }
0x10: {  	s1 =	simm.s32 $0x9F00;
	s0 =	sadd.s32 s6, s0;
	s6 =	sadd.s32 $0xC800, s7  }
0x11: {  	v0 =	vimm.f32 $0.0e+00;
	s7 =	sadd.s32 $0x1E00, s7;
	s8 =	sadd.s32 $0x1B800, s0;
	s0 =	simm.s32 $0x9E80  }
.LBB2_1:
0x12: {  	s13 =	simm.s32 $0x40;
	s16 =	simm.s32 $0x0  }
.LBB2_2:
0x13: {  	p0 =	sne.s32 s13, $0x9FC0;
	[tilespmem:s16+$0x2800] =	vst v0;
	s16 =	smov.u32 s13;
	s13 =	sadd.s32 $0x40, s13  }
.Ltmp0:
0x14: {  	(pc) =	sbr.rel @p0 .LBB2_2-.Ltmp0, $2  }
0x15: {  	_ =	sdelay $0x2  }
0x16: {  	s16 =	sshra.s32 s16, $0x2  }
0x17: {  	[tilespmem:s16+$0x2800] =	vst v0;
	s13 =	simm.s32 $0x2800  }
0x18: {  	[spmem:s5] =	stream.linear.scatter [tilespmem:s13], [sflag:$0x9], $0x2800, $0x38;
	[tilespmem:$0xC000] =	vst v63  }
0x19: {  	_ =	swait.ge [sflag:s11], $0x2800  }
0x1a: {  	[sflag:s11] =	ssyncset.done $0x0  }
0x1b: {  	s16 =	simm.s32 $0x0;
	[sflag:s11] =	ssyncadd.s32 $0xFFFFD800  }
0x1c: {  	[tilespmem:s12], [sflag:$0x9] =	stream.linear.gather [hbm4b:s6+s16], $0x2800, $0x38;
	[tilespmem:$0xC000] =	vst v63  }
0x1d: {  	_ =	swait.ge [sflag:s11], $0x2800  }
0x1e: {  	[sflag:s11] =	ssyncset.done $0x0  }
0x1f: {  	s18 =	simm.s32 $0x7800;
	[sflag:s11] =	ssyncadd.s32 $0xFFFFD800  }
0x20: {  	[tilespmem:s18], [sflag:$0x9] =	stream.linear.gather [hbm4b:s7+s16], $0x2800, $0x38;
	[tilespmem:$0xC000] =	vst v63  }
0x21: {  	_ =	swait.ge [sflag:s11], $0x2800  }
0x22: {  	[sflag:s11] =	ssyncset.done $0x0  }
0x23: {  	[sflag:s11] =	ssyncadd.s32 $0xFFFFD800  }
0x24: {  	[bflag:$0x0] =	sbarrier.arrive $0xFFFF  }
0x25: {  	[tilespmem:s15], [sflag:$0x1] =	stream.indirect.gather [hbm4b:s4+s14], $0x10, s12, s14, $0xb8;
	[tilespmem:$0xC000] =	vst v63  }
0x26: {  	s18 =	simm.s32 $0x5080  }
0x27: {  	[tilespmem:s17], [sflag:$0x2] =	stream.indirect.gather [hbm4b:s4+s14], $0x10, s18, s14, $0xb8;
	[tilespmem:$0xC000] =	vst v63  }
0x28: {  	s16 =	simm.s32 $0x5100  }
0x29: {  	[tilespmem:s19], [sflag:$0x3] =	stream.indirect.gather [hbm4b:s4+s14], $0x10, s16, s14, $0xb8;
	[tilespmem:$0xC000] =	vst v63  }
0x2a: {  	_ = 	snop  }
0x2b: {  	[tilespmem:s21], [sflag:$0x4] =	stream.indirect.gather [hbm4b:s4+s14], $0x10, s20, s14, $0xb8;
	[tilespmem:$0xC000] =	vst v63  }
0x2c: {  	_ =	swait.ge [sflag:s22], $0x800  }
0x2d: {  	[sflag:s22] =	ssyncset.done $0x0  }
0x2e: {  	s18 =	simm.s32 $0x7800;
	[sflag:s22] =	ssyncadd.s32 $0xFFFFF800  }
0x2f: {  	[spmem:s2] =	stream.indirect.scatter.add.f32 [tilespmem:s15], [sflag:$0x5], $0x10, s18, s14, $0xb8;
	[tilespmem:$0xC000] =	vst v63  }
0x30: {  	_ =	swait.ge [sflag:s23], $0x800  }
0x31: {  	[sflag:s23] =	ssyncset.done $0x0  }
0x32: {  	s16 =	simm.s32 $0x5200;
	[sflag:s23] =	ssyncadd.s32 $0xFFFFF800  }
0x33: {  	[tilespmem:s15], [sflag:$0x1] =	stream.indirect.gather [hbm4b:s4+s14], $0x10, s16, s14, $0xb8;
	[tilespmem:$0xC000] =	vst v63  }
0x34: {  	_ =	swait.ge [sflag:s24], $0x800  }
0x35: {  	[sflag:s24] =	ssyncset.done $0x0  }
0x36: {  	s18 =	simm.s32 $0x7880;
	[sflag:s24] =	ssyncadd.s32 $0xFFFFF800  }
0x37: {  	[spmem:s2] =	stream.indirect.scatter.add.f32 [tilespmem:s17], [sflag:$0x6], $0x10, s18, s14, $0xb8;
	[tilespmem:$0xC000] =	vst v63  }
0x38: {  	_ =	swait.ge [sflag:s25], $0x800  }
0x39: {  	[sflag:s25] =	ssyncset.done $0x0  }
0x3a: {  	s16 =	simm.s32 $0x5280;
	[sflag:s25] =	ssyncadd.s32 $0xFFFFF800  }
0x3b: {  	[tilespmem:s17], [sflag:$0x2] =	stream.indirect.gather [hbm4b:s4+s14], $0x10, s16, s14, $0xb8;
	[tilespmem:$0xC000] =	vst v63  }
0x3c: {  	_ =	swait.ge [sflag:s26], $0x800  }
0x3d: {  	[sflag:s26] =	ssyncset.done $0x0  }
0x3e: {  	s18 =	simm.s32 $0x7900;
	[sflag:s26] =	ssyncadd.s32 $0xFFFFF800  }
0x3f: {  	[spmem:s2] =	stream.indirect.scatter.add.f32 [tilespmem:s19], [sflag:$0x7], $0x10, s18, s14, $0xb8;
	[tilespmem:$0xC000] =	vst v63  }
0x40: {  	_ =	swait.ge [sflag:s28], $0x800  }
0x41: {  	[sflag:s28] =	ssyncset.done $0x0  }
0x42: {  	s16 =	simm.s32 $0x5300;
	[sflag:s28] =	ssyncadd.s32 $0xFFFFF800  }
0x43: {  	[tilespmem:s19], [sflag:$0x3] =	stream.indirect.gather [hbm4b:s4+s14], $0x10, s16, s14, $0xb8;
	[tilespmem:$0xC000] =	vst v63  }
0x44: {  	_ =	swait.ge [sflag:s29], $0x800  }
0x45: {  	[sflag:s29] =	ssyncset.done $0x0  }
0x46: {  	s18 =	simm.s32 $0x7980;
	[sflag:s29] =	ssyncadd.s32 $0xFFFFF800  }
0x47: {  	[spmem:s2] =	stream.indirect.scatter.add.f32 [tilespmem:s21], [sflag:$0x8], $0x10, s18, s14, $0xb8;
	[tilespmem:$0xC000] =	vst v63  }
0x48: {  	_ =	swait.ge [sflag:s30], $0x800  }
0x49: {  	[sflag:s30] =	ssyncset.done $0x0  }
0x4a: {  	s13 =	simm.s32 $0x800;
	s16 =	simm.s32 $0x5380;
	[sflag:s30] =	ssyncadd.s32 $0xFFFFF800  }
.LBB2_4:
0x4b: {  	[tilespmem:s21], [sflag:$0x4] =	stream.indirect.gather [hbm4b:s4+s14], $0x10, s16, s14, $0xb8;
	[tilespmem:$0xC000] =	vst v63  }
0x4c: {  	s16 =	smov.u32 s13  }
0x4d: {  	p0 =	sne.s32 s13, $0x9000;
	s13 =	sadd.s32 $0x800, s13;
	_ =	swait.ge [sflag:s22], $0x800  }
0x4e: {  	s16 =	sshra.s32 s16, $0x2;
	[sflag:s22] =	ssyncset.done $0x0  }
0x4f: {  	s18 =	sadd.s32 $0x7800, s16;
	[sflag:s22] =	ssyncadd.s32 $0xFFFFF800  }
0x50: {  	[spmem:s2] =	stream.indirect.scatter.add.f32 [tilespmem:s15], [sflag:$0x5], $0x10, s18, s14, $0xb8;
	[tilespmem:$0xC000] =	vst v63  }
0x51: {  	_ =	swait.ge [sflag:s23], $0x800  }
0x52: {  	[sflag:s23] =	ssyncset.done $0x0  }
0x53: {  	s18 =	sadd.s32 $0x5200, s16;
	[sflag:s23] =	ssyncadd.s32 $0xFFFFF800  }
0x54: {  	[tilespmem:s15], [sflag:$0x1] =	stream.indirect.gather [hbm4b:s4+s14], $0x10, s18, s14, $0xb8;
	[tilespmem:$0xC000] =	vst v63  }
0x55: {  	_ =	swait.ge [sflag:s24], $0x800  }
0x56: {  	[sflag:s24] =	ssyncset.done $0x0  }
0x57: {  	s18 =	sadd.s32 $0x7880, s16;
	[sflag:s24] =	ssyncadd.s32 $0xFFFFF800  }
0x58: {  	[spmem:s2] =	stream.indirect.scatter.add.f32 [tilespmem:s17], [sflag:$0x6], $0x10, s18, s14, $0xb8;
	[tilespmem:$0xC000] =	vst v63  }
0x59: {  	_ =	swait.ge [sflag:s25], $0x800  }
0x5a: {  	[sflag:s25] =	ssyncset.done $0x0  }
0x5b: {  	s18 =	sadd.s32 $0x5280, s16;
	[sflag:s25] =	ssyncadd.s32 $0xFFFFF800  }
0x5c: {  	[tilespmem:s17], [sflag:$0x2] =	stream.indirect.gather [hbm4b:s4+s14], $0x10, s18, s14, $0xb8;
	[tilespmem:$0xC000] =	vst v63  }
0x5d: {  	_ =	swait.ge [sflag:s26], $0x800  }
0x5e: {  	[sflag:s26] =	ssyncset.done $0x0  }
0x5f: {  	s18 =	sadd.s32 $0x7900, s16;
	[sflag:s26] =	ssyncadd.s32 $0xFFFFF800  }
0x60: {  	[spmem:s2] =	stream.indirect.scatter.add.f32 [tilespmem:s19], [sflag:$0x7], $0x10, s18, s14, $0xb8;
	[tilespmem:$0xC000] =	vst v63  }
0x61: {  	_ =	swait.ge [sflag:s28], $0x800  }
0x62: {  	[sflag:s28] =	ssyncset.done $0x0  }
0x63: {  	s18 =	sadd.s32 $0x5300, s16;
	[sflag:s28] =	ssyncadd.s32 $0xFFFFF800  }
0x64: {  	[tilespmem:s19], [sflag:$0x3] =	stream.indirect.gather [hbm4b:s4+s14], $0x10, s18, s14, $0xb8;
	[tilespmem:$0xC000] =	vst v63  }
0x65: {  	_ =	swait.ge [sflag:s29], $0x800  }
0x66: {  	[sflag:s29] =	ssyncset.done $0x0  }
.Ltmp1:
0x67: {  	s18 =	sadd.s32 $0x7980, s16;
	[sflag:s29] =	ssyncadd.s32 $0xFFFFF800;
	(pc) =	sbr.rel @p0 .LBB2_4-.Ltmp1, $4  }
0x68: {  	[spmem:s2] =	stream.indirect.scatter.add.f32 [tilespmem:s21], [sflag:$0x8], $0x10, s18, s14, $0xb8;
	[tilespmem:$0xC000] =	vst v63  }
0x69: {  	_ =	swait.ge [sflag:s30], $0x800  }
0x6a: {  	[sflag:s30] =	ssyncset.done $0x0  }
0x6b: {  	s16 =	sadd.s32 $0x5380, s16;
	[sflag:s30] =	ssyncadd.s32 $0xFFFFF800  }
0x6c: {  	[tilespmem:s21], [sflag:$0x4] =	stream.indirect.gather [hbm4b:s4+s14], $0x10, s16, s14, $0xb8;
	[tilespmem:$0xC000] =	vst v63  }
0x6d: {  	_ =	swait.ge [sflag:s22], $0x800  }
0x6e: {  	[sflag:s22] =	ssyncset.done $0x0  }
0x6f: {  	[sflag:s22] =	ssyncadd.s32 $0xFFFFF800  }
0x70: {  	[spmem:s2] =	stream.indirect.scatter.add.f32 [tilespmem:s15], [sflag:$0x5], $0x10, s31, s14, $0xb8;
	[tilespmem:$0xC000] =	vst v63  }
0x71: {  	_ =	swait.ge [sflag:s23], $0x800  }
0x72: {  	[sflag:s23] =	ssyncset.done $0x0  }
0x73: {  	[sflag:s23] =	ssyncadd.s32 $0xFFFFF800  }
0x74: {  	_ =	swait.ge [sflag:s24], $0x800  }
0x75: {  	[sflag:s24] =	ssyncset.done $0x0  }
0x76: {  	[sflag:s24] =	ssyncadd.s32 $0xFFFFF800  }
0x77: {  	[spmem:s2] =	stream.indirect.scatter.add.f32 [tilespmem:s17], [sflag:$0x6], $0x10, s0, s14, $0xb8;
	[tilespmem:$0xC000] =	vst v63  }
0x78: {  	_ =	swait.ge [sflag:s25], $0x800  }
0x79: {  	[sflag:s25] =	ssyncset.done $0x0  }
0x7a: {  	[sflag:s25] =	ssyncadd.s32 $0xFFFFF800  }
0x7b: {  	_ =	swait.ge [sflag:s26], $0x800  }
0x7c: {  	[sflag:s26] =	ssyncset.done $0x0  }
0x7d: {  	[sflag:s26] =	ssyncadd.s32 $0xFFFFF800  }
0x7e: {  	[spmem:s2] =	stream.indirect.scatter.add.f32 [tilespmem:s19], [sflag:$0x7], $0x10, s1, s14, $0xb8;
	[tilespmem:$0xC000] =	vst v63  }
0x7f: {  	_ =	swait.ge [sflag:s28], $0x800  }
0x80: {  	[sflag:s28] =	ssyncset.done $0x0  }
0x81: {  	[sflag:s28] =	ssyncadd.s32 $0xFFFFF800  }
0x82: {  	_ =	swait.ge [sflag:s29], $0x800  }
0x83: {  	[sflag:s29] =	ssyncset.done $0x0  }
0x84: {  	[sflag:s29] =	ssyncadd.s32 $0xFFFFF800  }
0x85: {  	[spmem:s2] =	stream.indirect.scatter.add.f32 [tilespmem:s21], [sflag:$0x8], $0x10, s10, s14, $0xb8;
	[tilespmem:$0xC000] =	vst v63  }
0x86: {  	s13 =	stileid.u32;
	_ =	swait.ge [sflag:s30], $0x800  }
0x87: {  	s18 =	sshrl.u32 s5, $0x3;
	s3 =	sadd.s32 $0x1, s3;
	[sflag:s30] =	ssyncset.done $0x0  }
0x88: {  	s13 =	sshll.u32 s13, $0x6;
	p0 =	sne.s32 s3, s9;
	[sflag:s30] =	ssyncadd.s32 $0xFFFFF800  }
.Ltmp2:
0x89: {  	s13 =	sor.u32 $0x1C09, s13;
	[bflag:$0x0] =	sbarrier.arrive $0xFFFF;
	(pc) =	sbr.rel @p0 .LBB2_1-.Ltmp2, $4  }
0x8a: {  	[hbm:s8], [sflag:s13] =	dma.local [spmem:s18], $0x500  }
0x8b: {  	_ =	swait.ge [sflag:s11], $0x500  }
0x8c: {  	[sflag:s11] =	ssyncset.done $0x0  }
0x8d: {  	[sflag:s11] =	ssyncadd.s32 $0xFFFFFB00  }
0x8e: {  	_ =	sfence.sel $0x180000  }
0x8f: {  	[bflag:$0x0] =	sbarrier.arrive $0xFFFF  }
0x90: {  	_ =	strace $0x9000004A  }
0x91: {  	s0 =	stileid.u32;
	[bflag:$0x2] =	sbarrier.arrive $0xFFFF  }
0x92: {  	p0 =	sne.s32 s0, $0x0;
	s0 =	rddreg [dreg:$0x2]  }
0x93: {  	s0 =	sadd.s32 @!p0 $0x100000, s0  }
0x94: {  	[sflag:s0] =	ssyncadd.tile.s32 @!p0 $0x1;
	_ =	shalt  }
.Lfunc_end2:
_tile_overlayer_lowered:
.L_overlay_start_2:
0x95: {  	(tag) =	ssettag $0x2  }
0x96: {  	s0 =	rddreg [dreg:$0x0];
	s2 =	stileid.u32  }
0x97: {  	s1 =	rddreg [dreg:$0x1];
	p0 =	sne.s32 s2, $0x0  }
0x98: {  	s3 =	rddreg [dreg:$0x2];
	[bflag:$0x3] =	sbarrier.arrive $0xFFFF;
	s2 =	simm.s32 @!p0 $0x1C09  }
0x99: {  	[timem:s3], [sflag:s2] =	dma.local @!p0 [hbm:s0], s1  }
0x9a: {  	s0 =	simm.s32 @!p0 $0x9  }
0x9b: {  	_ =	swait.ge @!p0 [sflag:s0], s1  }
0x9c: {  	s1 =	ssub.s32 @!p0 $0x0, s1;
	[sflag:s0] =	ssyncset.done @!p0 $0x0  }
0x9d: {  	[sflag:s0] =	ssyncadd.s32 @!p0 s1  }
0x9e: {  	[bflag:$0x3] =	sbarrier.arrive $0xFFFF  }
0x9f: {  	_ =	shalt  }

// kernel: kernel.17.cloned.1.call-start
scs
__scs_entry_jumppad:
0x0: {  	(pc) =	sbr.rel $0x88, $3  }
0x1: {  	(tag) =	ssettag $0x0;
	lr =	simm.s32 $0x1  }
0x2: {  	[smem:$0x3F97] =	sst lr;
	_ =	strace $0xD0000000  }
0x3: {  	_ = 	snop  }
0x4: {  	_ = 	snop  }
0x5: {  	_ = 	snop  }
0x6: {  	_ = 	snop  }
0x7: {  	_ = 	snop  }
__scs_overlays_trampoline_lowered:
0x8: {  	[smem:$0x3FA6] =	sst s0  }
0x9: {  	[smem:$0x3FA7] =	sst s1  }
0xa: {  	[smem:$0x3FA8] =	sst s2  }
0xb: {  	[smem:$0x3FA9] =	sst s3  }
0xc: {  	[smem:$0x3FAA] =	sst s4  }
0xd: {  	[smem:$0x3FAB] =	sst s5  }
0xe: {  	[smem:$0x3FAC] =	sst s6  }
0xf: {  	[smem:$0x3FAD] =	sst s7  }
0x10: {  	[smem:$0x3FAE] =	sst s8  }
0x11: {  	[smem:$0x3FAF] =	sst s9;
	s0 =	simm.s32 @!p0 $0x0  }
0x12: {  	s1 =	sld [smem:$0x3F95];
	s0 =	simm.s32 @p0 $0x1  }
0x13: {  	[smem:$0x3FB0] =	sst s0;
	s0 =	simm.s32 @!p1 $0x0  }
0x14: {  	s2 =	sld [smem:$0x3F94];
	s0 =	simm.s32 @p1 $0x1  }
0x15: {  	[smem:$0x3FB1] =	sst s0;
	s0 =	simm.s32 @!p2 $0x0  }
0x16: {  	s3 =	sld [smem:$0x3FDB];
	s0 =	simm.s32 @p2 $0x1  }
0x17: {  	s4 =	simm.s32 $0x1BF5;
	[smem:$0x3FB3] =	sst s0  }
0x18: {  	s0 =	sld [smem:$0x3F96];
	_ =	swait.ge [sflag:s4], $0x0  }
0x19: {  	s7 =	sld [smem:$0x3F97]  }
0x1a: {  	s8 =	sadd.s32 $0xFFFFE003, lr  }
0x1b: {  	s9 =	sadd.s32 $0xFFFFFEF7, lr;
	s5 =	simm.s32 $0xFFFFFFFF;
	p2 =	slt.u32 s8, $0xFFFFF086  }
0x1c: {  	p1 =	slt.u32 s9, $0xF7A;
	s5 =	simm.s32 @!p2 $0x0  }
0x1d: {  	s5 =	simm.s32 @p1 $0x1;
	p0 =	seq.s32 s7, s2  }
0x1e: {  	s7 =	smul.u32 @!p0 $0xF7A, s2;
	p2 =	seq.s32 @!p0 s5, $0x0  }
0x1f: {  	s9 =	smul.u32 $0xF7A, s1;
	s8 =	simm.s32 @!p0 $0x1BF5;
	p2 =	por !p2, p0  }
0x20: {  	[sflag:s8] =	ssyncset.s32 @!p0 $0xFFFFF086;
	s6 =	sadd.s32 @!p0 s3, s7;
	s7 =	simm.s32 @!p0 $0x108  }
0x21: {  	s3 =	sadd.s32 s3, s9;
	s6 =	sadd.s32 @!p0 $0x88, s6;
	s7 =	simm.s32 @p2 $0x1082  }
0x22: {  	[simem:s7], [sflag:s8] =	dma.local @!p0 [hbm:s6], $0xF7A  }
0x23: {  	s9 =	sor.u32 $0xD0000000, s2;
	s6 =	simm.s32 $0x108;
	_ =	swait.ge @!p0 [sflag:s8], $0x0  }
0x24: {  	s3 =	sadd.s32 $0x88, s3;
	s6 =	simm.s32 @!p1 $0x1082;
	[sflag:s4] =	ssyncset.s32 $0xFFFFF086  }
0x25: {  	[simem:s6], [sflag:s4] =	dma.local [hbm:s3], $0xF7A  }
0x26: {  	[smem:$0x3F97] =	sst s1;
	(tag) =	ssettag s2;
	_ =	strace s9  }
0x27: {  	s1 =	sld [smem:$0x3FA7]  }
0x28: {  	s2 =	sld [smem:$0x3FA8]  }
0x29: {  	s4 =	sld [smem:$0x3FAA]  }
0x2a: {  	p0 =	seq.s32 s5, $0x0;
	s5 =	sld [smem:$0x3FAB]  }
0x2b: {  	s6 =	sld [smem:$0x3FAC]  }
0x2c: {  	s7 =	sld [smem:$0x3FAD]  }
0x2d: {  	s3 =	simm.s32 $0x108;
	s8 =	sld [smem:$0x3FAE]  }
0x2e: {  	s3 =	simm.s32 @!p0 $0x1082;
	s9 =	sld [smem:$0x3FAF]  }
0x2f: {  	lr =	sadd.s32 s0, s3;
	s0 =	sld [smem:$0x3FA6]  }
0x30: {  	s3 =	sld [smem:$0x3FA9]  }
0x31: {  	[smem:$0x3FB2] =	sst s10  }
0x32: {  	s10 =	sld [smem:$0x3FB0];
	_ =	sdelay $0x3  }
0x33: {  	p0 =	seq.s32 s10, $0x1;
	s10 =	sld [smem:$0x3FB2];
	_ =	sdelay $0x3  }
0x34: {  	[smem:$0x3FB2] =	sst s10  }
0x35: {  	s10 =	sld [smem:$0x3FB1];
	_ =	sdelay $0x3  }
0x36: {  	p1 =	seq.s32 s10, $0x1;
	s10 =	sld [smem:$0x3FB2];
	_ =	sdelay $0x3  }
0x37: {  	[smem:$0x3FB2] =	sst s10  }
0x38: {  	s10 =	sld [smem:$0x3FB3]  }
0x39: {  	_ = 	snop;
	(pc) =	sbr.ind lr, $3  }
0x3a: {  	_ = 	snop  }
0x3b: {  	_ = 	snop  }
0x3c: {  	p2 =	seq.s32 s10, $0x1;
	s10 =	sld [smem:$0x3FB2]  }
0x3d: {  	_ =	shalt  }
0x3e: {  	_ =	shalt  }
0x3f: {  	_ =	shalt  }
0x40: {  	_ =	shalt  }
0x41: {  	_ =	shalt  }
0x42: {  	_ =	shalt  }
0x43: {  	_ =	shalt  }
0x44: {  	_ =	shalt  }
0x45: {  	_ =	shalt  }
0x46: {  	_ =	shalt  }
0x47: {  	_ =	shalt  }
0x48: {  	_ =	shalt  }
0x49: {  	_ =	shalt  }
0x4a: {  	_ =	shalt  }
0x4b: {  	_ =	shalt  }
0x4c: {  	_ =	shalt  }
0x4d: {  	_ =	shalt  }
0x4e: {  	_ =	shalt  }
0x4f: {  	_ =	shalt  }
0x50: {  	_ =	shalt  }
0x51: {  	_ =	shalt  }
0x52: {  	_ =	shalt  }
0x53: {  	_ =	shalt  }
0x54: {  	_ =	shalt  }
0x55: {  	_ =	shalt  }
0x56: {  	_ =	shalt  }
0x57: {  	_ =	shalt  }
0x58: {  	_ =	shalt  }
0x59: {  	_ =	shalt  }
0x5a: {  	_ =	shalt  }
0x5b: {  	_ =	shalt  }
0x5c: {  	_ =	shalt  }
0x5d: {  	_ =	shalt  }
0x5e: {  	_ =	shalt  }
0x5f: {  	_ =	shalt  }
0x60: {  	_ =	shalt  }
0x61: {  	_ =	shalt  }
0x62: {  	_ =	shalt  }
0x63: {  	_ =	shalt  }
0x64: {  	_ =	shalt  }
0x65: {  	_ =	shalt  }
0x66: {  	_ =	shalt  }
0x67: {  	_ =	shalt  }
0x68: {  	_ =	shalt  }
0x69: {  	_ =	shalt  }
0x6a: {  	_ =	shalt  }
0x6b: {  	_ =	shalt  }
0x6c: {  	_ =	shalt  }
0x6d: {  	_ =	shalt  }
0x6e: {  	_ =	shalt  }
0x6f: {  	_ =	shalt  }
0x70: {  	_ =	shalt  }
0x71: {  	_ =	shalt  }
0x72: {  	_ =	shalt  }
0x73: {  	_ =	shalt  }
0x74: {  	_ =	shalt  }
0x75: {  	_ =	shalt  }
0x76: {  	_ =	shalt  }
0x77: {  	_ =	shalt  }
0x78: {  	_ =	shalt  }
0x79: {  	_ =	shalt  }
0x7a: {  	_ =	shalt  }
0x7b: {  	_ =	shalt  }
0x7c: {  	_ =	shalt  }
0x7d: {  	_ =	shalt  }
0x7e: {  	_ =	shalt  }
0x7f: {  	_ =	shalt  }
0x80: {  	_ =	shalt  }
0x81: {  	_ =	shalt  }
0x82: {  	_ =	shalt  }
0x83: {  	_ =	shalt  }
0x84: {  	_ =	shalt  }
0x85: {  	_ =	shalt  }
0x86: {  	_ =	shalt  }
0x87: {  	_ =	shalt  }
.Lfunc_end0:
.L_simem_size_0:
called_computation.2_lowered:
.L_overlay_start_0:
0x88: {  	s2 =	sld [smem:$0x3FD9]  }
0x89: {  	s3 =	sld [smem:$0x3FFE];
	_ =	sdelay $0x1  }
0x8a: {  	s1 =	srdreg.scid  }
0x8b: {  	s0 =	sand.u32 $0x1, s1  }
0x8c: {  	s16 =	sshll.u32 s0, $0xA;
	s2 =	sadd.s32 s3, s2  }
0x8d: {  	s2 =	sadd.s32 s2, s16  }
0x8e: {  	[smem:$0x3FBE] =	sst s2  }
0x8f: {  	_ = 	snop  }
0x90: {  	(tm) =	ssettm $0x1  }
0x91: {  	s17 =	sld [smem:$0x3FFB];
	_ =	sdelay $0x3  }
0x92: {  	_ =	strace s17  }
0x93: {  	s2 =	sld [smem:$0x3FFC];
	_ =	sdelay $0x3  }
0x94: {  	_ =	strace s2  }
0x95: {  	s2 =	sld [smem:$0x3FFD];
	_ =	sdelay $0x3  }
0x96: {  	_ =	strace s2  }
0x97: {  	_ =	strace $0x8FFFFFFF  }
0x98: {  	s18 =	sld [smem:$0x3FDB];
	_ =	sdelay $0x1  }
0x99: {  	s19 =	simm.s32 $_scs_section_size  }
0x9a: {  	s4 =	simm.s32 $_size__tile_overlayer_lowered;
	s5 =	simm.s32 $_tile_overlayer_lowered  }
0x9b: {  	s22 =	simm.s32 $0x1BFF;
	s21 =	sshll.u32 s5, $0x1;
	s2 =	sadd.s32 s19, s18  }
0x9c: {  	s6 =	simm.s32 $0x0;
	s20 =	sshll.u32 s4, $0x1;
	s4 =	sadd.s32 s21, s2  }
0x9d: {  	[timem:s6], [sflag:s22] =	dma.local [hbm:s4], s20  }
0x9e: {  	_ =	swait.ge [sflag:s22], s20  }
0x9f: {  	s3 =	ssub.s32 $0x0, s20;
	[sflag:s22] =	ssyncset.done $0x0  }
0xa0: {  	[sflag:s22] =	ssyncadd.s32 s3;
	_ =	sdelay $0x1  }
0xa1: {  	s23 =	simm.s32 $0x1B8B  }
0xa2: {  	_ =	swait.ge [sflag:s23], $0x1  }
0xa3: {  	[sflag:s23] =	ssyncset.done $0x0  }
0xa4: {  	s25 =	simm.s32 $0x1B8E;
	s24 =	sld [smem:$0x3FFE];
	[sflag:s23] =	ssyncadd.s32 $0xFFFFFFFF  }
0xa5: {  	s26 =	simm.s32 $execute0_lowered;
	[smem:$0x3FD2] =	sst s25  }
0xa6: {  	s4 =	sshll.u32 s26, $0x1;
	_ =	strace $0x8000004C;
	[dreg:$0x1] =	wrdreg $0xFFFFFFFF  }
0xa7: {  	s28 =	simm.s32 $_size_execute0_lowered;
	s2 =	sadd.s32 s2, s4;
	[dreg:$0x0] =	wrdreg $0x0  }
0xa8: {  	s4 =	sshll.u32 s28, $0x1;
	[dreg:$0x2] =	wrdreg s2  }
0xa9: {  	[dreg:$0x3] =	wrdreg s4  }
0xaa: {  	[dreg:$0x4] =	wrdreg $0xC0  }
0xab: {  	_ =	task [dreg:s6], $0x5FFFF  }
0xac: {  	[dreg:$0x1] =	wrdreg $0xFFFFFFFF  }
0xad: {  	[dreg:$0x0] =	wrdreg $0x60  }
0xae: {  	[dreg:$0x2] =	wrdreg s24  }
0xaf: {  	[dreg:$0x3] =	wrdreg $0x0  }
0xb0: {  	[dreg:$0x4] =	wrdreg $0x9  }
0xb1: {  	_ =	task.clear_ibuf [dreg:s6], $0x5FFFF;
	_ =	strace $0x9000004C  }
0xb2: {  	s29 =	simm.s32 $0x9;
	_ =	strace $0x8000004E  }
0xb3: {  	_ =	swait.ge [sflag:s29], $0x1  }
0xb4: {  	[sflag:s29] =	ssyncadd.s32 $0xFFFFFFFF  }
0xb5: {  	_ =	strace $0x9000004E  }
0xb6: {  	_ =	sfence  }
0xb7: {  	s30 =	sld [smem:$0x0];
	_ =	sdelay $0x2  }
0xb8: {  	s31 =	sshll.u32 s1, $0xD;
	s1 =	sshrl.u32 s1, $0x2  }
0xb9: {  	s3 =	sand.u32 $0x4000, s31;
	s1 =	sadd.s32 s1, s30  }
0xba: {  	s0 =	sor.u32 s3, s0;
	s1 =	sshll.u32 s1, $0x11  }
0xbb: {  	s0 =	sor.u32 s1, s0  }
0xbc: {  	s0 =	sadd.s32 $0x8F2B, s0  }
0xbd: {  	[sflag:s0] =	ssyncadd.remote.s32 $0x1  }
0xbe: {  	_ =	sfence.sel $0xFFFF  }
0xbf: {  	[dreg:$0x0] =	wrdreg $0xFFFFFFFF;
	(pc) =	sbr.abs _section_cstart, $3  }
0xc0: {  	[dreg:$0x1] =	wrdreg $0xFFFFFFFF  }
0xc1: {  	_ =	task.clear_ibuf [dreg:s6], $0x2FFFF;
	_ =	strace $0x9FFFFFFF  }
0xc2: {  	(tm) =	ssettm $0x7FFFFFFF  }
0xc3: {  	_ =	shalt  }
tec
execute0_lowered:
.L_overlay_start_1:
0x0: {  	(tag) =	ssettag $0x1  }
0x1: {  	s0 =	rddreg [dreg:$0x0]  }
0x2: {  	s2 =	rddreg [dreg:$0x1]  }
0x3: {  	s1 =	srdreg.scid;
	s7 =	stileid.u32  }
0x4: {  	s3 =	simm.s32 $0x0;
	s11 =	simm.s32 $0x9;
	s12 =	simm.s32 $0x5000  }
0x5: {  	s14 =	simm.s32 $0x80;
	s15 =	simm.s32 $0xA000;
	s17 =	simm.s32 $0xA800  }
0x6: {  	s19 =	simm.s32 $0xB000;
	s20 =	simm.s32 $0x5180;
	s21 =	simm.s32 $0xB800  }
0x7: {  	s22 =	simm.s32 $0x1;
	s23 =	simm.s32 $0x5;
	s24 =	simm.s32 $0x2  }
0x8: {  	s25 =	simm.s32 $0x6;
	s28 =	simm.s32 $0x7;
	s29 =	simm.s32 $0x4  }
0x9: {  	s30 =	simm.s32 $0x8;
	s31 =	simm.s32 $0x9E00;
	s10 =	simm.s32 $0x9F80  }
0xa: {  	s1 =	sand.u32 $0x1, s1;
	s5 =	smul.u32 $0x2800, s7;
	[smem:$0x7FF] =	sst s3  }
0xb: {  	s4 =	sshll.u32 s1, $0x4;
	s6 =	smul.u32 $0x28000, s1;
	s1 =	ssub.s32 $0x2, s1  }
0xc: {  	_ =	strace $0x8000004D;
	s4 =	sor.u32 s7, s4;
	s26 =	sshrl.u32 s1, $0x1  }
0xd: {  	s7 =	smul.u32 $0x500, s4;
	s6 =	sadd.s32 s5, s6;
	s4 =	sadd.s32 $0x16800, s0  }
0xe: {  	s1 =	ssub.s32 s1, s26;
	s5 =	sadd.s32 s5, s2;
	s26 =	simm.s32 $0x3  }
0xf: {  	s6 =	sshrl.u32 s6, $0x3;
	s9 =	smax.u32 s1, $0x1;
	s7 =	sadd.s32 s7, s0  }
0x10: {  	s1 =	simm.s32 $0x9F00;
	s0 =	sadd.s32 s6, s0;
	s6 =	sadd.s32 $0xC800, s7  }
0x11: {  	v0 =	vimm.f32 $0.0e+00;
	s7 =	sadd.s32 $0x1E00, s7;
	s8 =	sadd.s32 $0x1B800, s0;
	s0 =	simm.s32 $0x9E80  }
.LBB2_1:
0x12: {  	s13 =	simm.s32 $0x40;
	s16 =	simm.s32 $0x0  }
.LBB2_2:
0x13: {  	p0 =	sne.s32 s13, $0x9FC0;
	[tilespmem:s16+$0x2800] =	vst v0;
	s16 =	smov.u32 s13;
	s13 =	sadd.s32 $0x40, s13  }
.Ltmp0:
0x14: {  	(pc) =	sbr.rel @p0 .LBB2_2-.Ltmp0, $2  }
0x15: {  	_ =	sdelay $0x2  }
0x16: {  	s16 =	sshra.s32 s16, $0x2  }
0x17: {  	[tilespmem:s16+$0x2800] =	vst v0;
	s13 =	simm.s32 $0x2800  }
0x18: {  	[spmem:s5] =	stream.linear.scatter [tilespmem:s13], [sflag:$0x9], $0x2800, $0x38;
	[tilespmem:$0xC000] =	vst v63  }
0x19: {  	_ =	swait.ge [sflag:s11], $0x2800  }
0x1a: {  	[sflag:s11] =	ssyncset.done $0x0  }
0x1b: {  	s16 =	simm.s32 $0x0;
	[sflag:s11] =	ssyncadd.s32 $0xFFFFD800  }
0x1c: {  	[tilespmem:s12], [sflag:$0x9] =	stream.linear.gather [hbm4b:s6+s16], $0x2800, $0x38;
	[tilespmem:$0xC000] =	vst v63  }
0x1d: {  	_ =	swait.ge [sflag:s11], $0x2800  }
0x1e: {  	[sflag:s11] =	ssyncset.done $0x0  }
0x1f: {  	s18 =	simm.s32 $0x7800;
	[sflag:s11] =	ssyncadd.s32 $0xFFFFD800  }
0x20: {  	[tilespmem:s18], [sflag:$0x9] =	stream.linear.gather [hbm4b:s7+s16], $0x2800, $0x38;
	[tilespmem:$0xC000] =	vst v63  }
0x21: {  	_ =	swait.ge [sflag:s11], $0x2800  }
0x22: {  	[sflag:s11] =	ssyncset.done $0x0  }
0x23: {  	[sflag:s11] =	ssyncadd.s32 $0xFFFFD800  }
0x24: {  	[bflag:$0x0] =	sbarrier.arrive $0xFFFF  }
0x25: {  	[tilespmem:s15], [sflag:$0x1] =	stream.indirect.gather [hbm4b:s4+s14], $0x10, s12, s14, $0xb8;
	[tilespmem:$0xC000] =	vst v63  }
0x26: {  	s18 =	simm.s32 $0x5080  }
0x27: {  	[tilespmem:s17], [sflag:$0x2] =	stream.indirect.gather [hbm4b:s4+s14], $0x10, s18, s14, $0xb8;
	[tilespmem:$0xC000] =	vst v63  }
0x28: {  	s16 =	simm.s32 $0x5100  }
0x29: {  	[tilespmem:s19], [sflag:$0x3] =	stream.indirect.gather [hbm4b:s4+s14], $0x10, s16, s14, $0xb8;
	[tilespmem:$0xC000] =	vst v63  }
0x2a: {  	_ = 	snop  }
0x2b: {  	[tilespmem:s21], [sflag:$0x4] =	stream.indirect.gather [hbm4b:s4+s14], $0x10, s20, s14, $0xb8;
	[tilespmem:$0xC000] =	vst v63  }
0x2c: {  	_ =	swait.ge [sflag:s22], $0x800  }
0x2d: {  	[sflag:s22] =	ssyncset.done $0x0  }
0x2e: {  	s18 =	simm.s32 $0x7800;
	[sflag:s22] =	ssyncadd.s32 $0xFFFFF800  }
0x2f: {  	[spmem:s2] =	stream.indirect.scatter.add.f32 [tilespmem:s15], [sflag:$0x5], $0x10, s18, s14, $0xb8;
	[tilespmem:$0xC000] =	vst v63  }
0x30: {  	_ =	swait.ge [sflag:s23], $0x800  }
0x31: {  	[sflag:s23] =	ssyncset.done $0x0  }
0x32: {  	s16 =	simm.s32 $0x5200;
	[sflag:s23] =	ssyncadd.s32 $0xFFFFF800  }
0x33: {  	[tilespmem:s15], [sflag:$0x1] =	stream.indirect.gather [hbm4b:s4+s14], $0x10, s16, s14, $0xb8;
	[tilespmem:$0xC000] =	vst v63  }
0x34: {  	_ =	swait.ge [sflag:s24], $0x800  }
0x35: {  	[sflag:s24] =	ssyncset.done $0x0  }
0x36: {  	s18 =	simm.s32 $0x7880;
	[sflag:s24] =	ssyncadd.s32 $0xFFFFF800  }
0x37: {  	[spmem:s2] =	stream.indirect.scatter.add.f32 [tilespmem:s17], [sflag:$0x6], $0x10, s18, s14, $0xb8;
	[tilespmem:$0xC000] =	vst v63  }
0x38: {  	_ =	swait.ge [sflag:s25], $0x800  }
0x39: {  	[sflag:s25] =	ssyncset.done $0x0  }
0x3a: {  	s16 =	simm.s32 $0x5280;
	[sflag:s25] =	ssyncadd.s32 $0xFFFFF800  }
0x3b: {  	[tilespmem:s17], [sflag:$0x2] =	stream.indirect.gather [hbm4b:s4+s14], $0x10, s16, s14, $0xb8;
	[tilespmem:$0xC000] =	vst v63  }
0x3c: {  	_ =	swait.ge [sflag:s26], $0x800  }
0x3d: {  	[sflag:s26] =	ssyncset.done $0x0  }
0x3e: {  	s18 =	simm.s32 $0x7900;
	[sflag:s26] =	ssyncadd.s32 $0xFFFFF800  }
0x3f: {  	[spmem:s2] =	stream.indirect.scatter.add.f32 [tilespmem:s19], [sflag:$0x7], $0x10, s18, s14, $0xb8;
	[tilespmem:$0xC000] =	vst v63  }
0x40: {  	_ =	swait.ge [sflag:s28], $0x800  }
0x41: {  	[sflag:s28] =	ssyncset.done $0x0  }
0x42: {  	s16 =	simm.s32 $0x5300;
	[sflag:s28] =	ssyncadd.s32 $0xFFFFF800  }
0x43: {  	[tilespmem:s19], [sflag:$0x3] =	stream.indirect.gather [hbm4b:s4+s14], $0x10, s16, s14, $0xb8;
	[tilespmem:$0xC000] =	vst v63  }
0x44: {  	_ =	swait.ge [sflag:s29], $0x800  }
0x45: {  	[sflag:s29] =	ssyncset.done $0x0  }
0x46: {  	s18 =	simm.s32 $0x7980;
	[sflag:s29] =	ssyncadd.s32 $0xFFFFF800  }
0x47: {  	[spmem:s2] =	stream.indirect.scatter.add.f32 [tilespmem:s21], [sflag:$0x8], $0x10, s18, s14, $0xb8;
	[tilespmem:$0xC000] =	vst v63  }
0x48: {  	_ =	swait.ge [sflag:s30], $0x800  }
0x49: {  	[sflag:s30] =	ssyncset.done $0x0  }
0x4a: {  	s13 =	simm.s32 $0x800;
	s16 =	simm.s32 $0x5380;
	[sflag:s30] =	ssyncadd.s32 $0xFFFFF800  }
.LBB2_4:
0x4b: {  	[tilespmem:s21], [sflag:$0x4] =	stream.indirect.gather [hbm4b:s4+s14], $0x10, s16, s14, $0xb8;
	[tilespmem:$0xC000] =	vst v63  }
0x4c: {  	s16 =	smov.u32 s13  }
0x4d: {  	p0 =	sne.s32 s13, $0x9000;
	s13 =	sadd.s32 $0x800, s13;
	_ =	swait.ge [sflag:s22], $0x800  }
0x4e: {  	s16 =	sshra.s32 s16, $0x2;
	[sflag:s22] =	ssyncset.done $0x0  }
0x4f: {  	s18 =	sadd.s32 $0x7800, s16;
	[sflag:s22] =	ssyncadd.s32 $0xFFFFF800  }
0x50: {  	[spmem:s2] =	stream.indirect.scatter.add.f32 [tilespmem:s15], [sflag:$0x5], $0x10, s18, s14, $0xb8;
	[tilespmem:$0xC000] =	vst v63  }
0x51: {  	_ =	swait.ge [sflag:s23], $0x800  }
0x52: {  	[sflag:s23] =	ssyncset.done $0x0  }
0x53: {  	s18 =	sadd.s32 $0x5200, s16;
	[sflag:s23] =	ssyncadd.s32 $0xFFFFF800  }
0x54: {  	[tilespmem:s15], [sflag:$0x1] =	stream.indirect.gather [hbm4b:s4+s14], $0x10, s18, s14, $0xb8;
	[tilespmem:$0xC000] =	vst v63  }
0x55: {  	_ =	swait.ge [sflag:s24], $0x800  }
0x56: {  	[sflag:s24] =	ssyncset.done $0x0  }
0x57: {  	s18 =	sadd.s32 $0x7880, s16;
	[sflag:s24] =	ssyncadd.s32 $0xFFFFF800  }
0x58: {  	[spmem:s2] =	stream.indirect.scatter.add.f32 [tilespmem:s17], [sflag:$0x6], $0x10, s18, s14, $0xb8;
	[tilespmem:$0xC000] =	vst v63  }
0x59: {  	_ =	swait.ge [sflag:s25], $0x800  }
0x5a: {  	[sflag:s25] =	ssyncset.done $0x0  }
0x5b: {  	s18 =	sadd.s32 $0x5280, s16;
	[sflag:s25] =	ssyncadd.s32 $0xFFFFF800  }
0x5c: {  	[tilespmem:s17], [sflag:$0x2] =	stream.indirect.gather [hbm4b:s4+s14], $0x10, s18, s14, $0xb8;
	[tilespmem:$0xC000] =	vst v63  }
0x5d: {  	_ =	swait.ge [sflag:s26], $0x800  }
0x5e: {  	[sflag:s26] =	ssyncset.done $0x0  }
0x5f: {  	s18 =	sadd.s32 $0x7900, s16;
	[sflag:s26] =	ssyncadd.s32 $0xFFFFF800  }
0x60: {  	[spmem:s2] =	stream.indirect.scatter.add.f32 [tilespmem:s19], [sflag:$0x7], $0x10, s18, s14, $0xb8;
	[tilespmem:$0xC000] =	vst v63  }
0x61: {  	_ =	swait.ge [sflag:s28], $0x800  }
0x62: {  	[sflag:s28] =	ssyncset.done $0x0  }
0x63: {  	s18 =	sadd.s32 $0x5300, s16;
	[sflag:s28] =	ssyncadd.s32 $0xFFFFF800  }
0x64: {  	[tilespmem:s19], [sflag:$0x3] =	stream.indirect.gather [hbm4b:s4+s14], $0x10, s18, s14, $0xb8;
	[tilespmem:$0xC000] =	vst v63  }
0x65: {  	_ =	swait.ge [sflag:s29], $0x800  }
0x66: {  	[sflag:s29] =	ssyncset.done $0x0  }
.Ltmp1:
0x67: {  	s18 =	sadd.s32 $0x7980, s16;
	[sflag:s29] =	ssyncadd.s32 $0xFFFFF800;
	(pc) =	sbr.rel @p0 .LBB2_4-.Ltmp1, $4  }
0x68: {  	[spmem:s2] =	stream.indirect.scatter.add.f32 [tilespmem:s21], [sflag:$0x8], $0x10, s18, s14, $0xb8;
	[tilespmem:$0xC000] =	vst v63  }
0x69: {  	_ =	swait.ge [sflag:s30], $0x800  }
0x6a: {  	[sflag:s30] =	ssyncset.done $0x0  }
0x6b: {  	s16 =	sadd.s32 $0x5380, s16;
	[sflag:s30] =	ssyncadd.s32 $0xFFFFF800  }
0x6c: {  	[tilespmem:s21], [sflag:$0x4] =	stream.indirect.gather [hbm4b:s4+s14], $0x10, s16, s14, $0xb8;
	[tilespmem:$0xC000] =	vst v63  }
0x6d: {  	_ =	swait.ge [sflag:s22], $0x800  }
0x6e: {  	[sflag:s22] =	ssyncset.done $0x0  }
0x6f: {  	[sflag:s22] =	ssyncadd.s32 $0xFFFFF800  }
0x70: {  	[spmem:s2] =	stream.indirect.scatter.add.f32 [tilespmem:s15], [sflag:$0x5], $0x10, s31, s14, $0xb8;
	[tilespmem:$0xC000] =	vst v63  }
0x71: {  	_ =	swait.ge [sflag:s23], $0x800  }
0x72: {  	[sflag:s23] =	ssyncset.done $0x0  }
0x73: {  	[sflag:s23] =	ssyncadd.s32 $0xFFFFF800  }
0x74: {  	_ =	swait.ge [sflag:s24], $0x800  }
0x75: {  	[sflag:s24] =	ssyncset.done $0x0  }
0x76: {  	[sflag:s24] =	ssyncadd.s32 $0xFFFFF800  }
0x77: {  	[spmem:s2] =	stream.indirect.scatter.add.f32 [tilespmem:s17], [sflag:$0x6], $0x10, s0, s14, $0xb8;
	[tilespmem:$0xC000] =	vst v63  }
0x78: {  	_ =	swait.ge [sflag:s25], $0x800  }
0x79: {  	[sflag:s25] =	ssyncset.done $0x0  }
0x7a: {  	[sflag:s25] =	ssyncadd.s32 $0xFFFFF800  }
0x7b: {  	_ =	swait.ge [sflag:s26], $0x800  }
0x7c: {  	[sflag:s26] =	ssyncset.done $0x0  }
0x7d: {  	[sflag:s26] =	ssyncadd.s32 $0xFFFFF800  }
0x7e: {  	[spmem:s2] =	stream.indirect.scatter.add.f32 [tilespmem:s19], [sflag:$0x7], $0x10, s1, s14, $0xb8;
	[tilespmem:$0xC000] =	vst v63  }
0x7f: {  	_ =	swait.ge [sflag:s28], $0x800  }
0x80: {  	[sflag:s28] =	ssyncset.done $0x0  }
0x81: {  	[sflag:s28] =	ssyncadd.s32 $0xFFFFF800  }
0x82: {  	_ =	swait.ge [sflag:s29], $0x800  }
0x83: {  	[sflag:s29] =	ssyncset.done $0x0  }
0x84: {  	[sflag:s29] =	ssyncadd.s32 $0xFFFFF800  }
0x85: {  	[spmem:s2] =	stream.indirect.scatter.add.f32 [tilespmem:s21], [sflag:$0x8], $0x10, s10, s14, $0xb8;
	[tilespmem:$0xC000] =	vst v63  }
0x86: {  	s13 =	stileid.u32;
	_ =	swait.ge [sflag:s30], $0x800  }
0x87: {  	s18 =	sshrl.u32 s5, $0x3;
	s3 =	sadd.s32 $0x1, s3;
	[sflag:s30] =	ssyncset.done $0x0  }
0x88: {  	s13 =	sshll.u32 s13, $0x6;
	p0 =	sne.s32 s3, s9;
	[sflag:s30] =	ssyncadd.s32 $0xFFFFF800  }
.Ltmp2:
0x89: {  	s13 =	sor.u32 $0x1C09, s13;
	[bflag:$0x0] =	sbarrier.arrive $0xFFFF;
	(pc) =	sbr.rel @p0 .LBB2_1-.Ltmp2, $4  }
0x8a: {  	[hbm:s8], [sflag:s13] =	dma.local [spmem:s18], $0x500  }
0x8b: {  	_ =	swait.ge [sflag:s11], $0x500  }
0x8c: {  	[sflag:s11] =	ssyncset.done $0x0  }
0x8d: {  	[sflag:s11] =	ssyncadd.s32 $0xFFFFFB00  }
0x8e: {  	_ =	sfence.sel $0x180000  }
0x8f: {  	[bflag:$0x0] =	sbarrier.arrive $0xFFFF  }
0x90: {  	_ =	strace $0x9000004D  }
0x91: {  	s0 =	stileid.u32;
	[bflag:$0x2] =	sbarrier.arrive $0xFFFF  }
0x92: {  	p0 =	sne.s32 s0, $0x0;
	s0 =	rddreg [dreg:$0x2]  }
0x93: {  	s0 =	sadd.s32 @!p0 $0x100000, s0  }
0x94: {  	[sflag:s0] =	ssyncadd.tile.s32 @!p0 $0x1;
	_ =	shalt  }
.Lfunc_end2:
_tile_overlayer_lowered:
.L_overlay_start_2:
0x95: {  	(tag) =	ssettag $0x2  }
0x96: {  	s0 =	rddreg [dreg:$0x0];
	s2 =	stileid.u32  }
0x97: {  	s1 =	rddreg [dreg:$0x1];
	p0 =	sne.s32 s2, $0x0  }
0x98: {  	s3 =	rddreg [dreg:$0x2];
	[bflag:$0x3] =	sbarrier.arrive $0xFFFF;
	s2 =	simm.s32 @!p0 $0x1C09  }
0x99: {  	[timem:s3], [sflag:s2] =	dma.local @!p0 [hbm:s0], s1  }
0x9a: {  	s0 =	simm.s32 @!p0 $0x9  }
0x9b: {  	_ =	swait.ge @!p0 [sflag:s0], s1  }
0x9c: {  	s1 =	ssub.s32 @!p0 $0x0, s1;
	[sflag:s0] =	ssyncset.done @!p0 $0x0  }
0x9d: {  	[sflag:s0] =	ssyncadd.s32 @!p0 s1  }
0x9e: {  	[bflag:$0x3] =	sbarrier.arrive $0xFFFF  }
0x9f: {  	_ =	shalt  }

// kernel: kernel.20.cloned.1.call-start
scs
__scs_entry_jumppad:
0x0: {  	(pc) =	sbr.rel $0x88, $3  }
0x1: {  	(tag) =	ssettag $0x0;
	lr =	simm.s32 $0x1  }
0x2: {  	[smem:$0x3F97] =	sst lr;
	_ =	strace $0xD0000000  }
0x3: {  	_ = 	snop  }
0x4: {  	_ = 	snop  }
0x5: {  	_ = 	snop  }
0x6: {  	_ = 	snop  }
0x7: {  	_ = 	snop  }
__scs_overlays_trampoline_lowered:
0x8: {  	[smem:$0x3FA6] =	sst s0  }
0x9: {  	[smem:$0x3FA7] =	sst s1  }
0xa: {  	[smem:$0x3FA8] =	sst s2  }
0xb: {  	[smem:$0x3FA9] =	sst s3  }
0xc: {  	[smem:$0x3FAA] =	sst s4  }
0xd: {  	[smem:$0x3FAB] =	sst s5  }
0xe: {  	[smem:$0x3FAC] =	sst s6  }
0xf: {  	[smem:$0x3FAD] =	sst s7  }
0x10: {  	[smem:$0x3FAE] =	sst s8  }
0x11: {  	[smem:$0x3FAF] =	sst s9;
	s0 =	simm.s32 @!p0 $0x0  }
0x12: {  	s1 =	sld [smem:$0x3F95];
	s0 =	simm.s32 @p0 $0x1  }
0x13: {  	[smem:$0x3FB0] =	sst s0;
	s0 =	simm.s32 @!p1 $0x0  }
0x14: {  	s2 =	sld [smem:$0x3F94];
	s0 =	simm.s32 @p1 $0x1  }
0x15: {  	[smem:$0x3FB1] =	sst s0;
	s0 =	simm.s32 @!p2 $0x0  }
0x16: {  	s3 =	sld [smem:$0x3FDB];
	s0 =	simm.s32 @p2 $0x1  }
0x17: {  	s4 =	simm.s32 $0x1BF5;
	[smem:$0x3FB3] =	sst s0  }
0x18: {  	s0 =	sld [smem:$0x3F96];
	_ =	swait.ge [sflag:s4], $0x0  }
0x19: {  	s7 =	sld [smem:$0x3F97]  }
0x1a: {  	s8 =	sadd.s32 $0xFFFFE003, lr  }
0x1b: {  	s9 =	sadd.s32 $0xFFFFFEF7, lr;
	s5 =	simm.s32 $0xFFFFFFFF;
	p2 =	slt.u32 s8, $0xFFFFF086  }
0x1c: {  	p1 =	slt.u32 s9, $0xF7A;
	s5 =	simm.s32 @!p2 $0x0  }
0x1d: {  	s5 =	simm.s32 @p1 $0x1;
	p0 =	seq.s32 s7, s2  }
0x1e: {  	s7 =	smul.u32 @!p0 $0xF7A, s2;
	p2 =	seq.s32 @!p0 s5, $0x0  }
0x1f: {  	s9 =	smul.u32 $0xF7A, s1;
	s8 =	simm.s32 @!p0 $0x1BF5;
	p2 =	por !p2, p0  }
0x20: {  	[sflag:s8] =	ssyncset.s32 @!p0 $0xFFFFF086;
	s6 =	sadd.s32 @!p0 s3, s7;
	s7 =	simm.s32 @!p0 $0x108  }
0x21: {  	s3 =	sadd.s32 s3, s9;
	s6 =	sadd.s32 @!p0 $0x88, s6;
	s7 =	simm.s32 @p2 $0x1082  }
0x22: {  	[simem:s7], [sflag:s8] =	dma.local @!p0 [hbm:s6], $0xF7A  }
0x23: {  	s9 =	sor.u32 $0xD0000000, s2;
	s6 =	simm.s32 $0x108;
	_ =	swait.ge @!p0 [sflag:s8], $0x0  }
0x24: {  	s3 =	sadd.s32 $0x88, s3;
	s6 =	simm.s32 @!p1 $0x1082;
	[sflag:s4] =	ssyncset.s32 $0xFFFFF086  }
0x25: {  	[simem:s6], [sflag:s4] =	dma.local [hbm:s3], $0xF7A  }
0x26: {  	[smem:$0x3F97] =	sst s1;
	(tag) =	ssettag s2;
	_ =	strace s9  }
0x27: {  	s1 =	sld [smem:$0x3FA7]  }
0x28: {  	s2 =	sld [smem:$0x3FA8]  }
0x29: {  	s4 =	sld [smem:$0x3FAA]  }
0x2a: {  	p0 =	seq.s32 s5, $0x0;
	s5 =	sld [smem:$0x3FAB]  }
0x2b: {  	s6 =	sld [smem:$0x3FAC]  }
0x2c: {  	s7 =	sld [smem:$0x3FAD]  }
0x2d: {  	s3 =	simm.s32 $0x108;
	s8 =	sld [smem:$0x3FAE]  }
0x2e: {  	s3 =	simm.s32 @!p0 $0x1082;
	s9 =	sld [smem:$0x3FAF]  }
0x2f: {  	lr =	sadd.s32 s0, s3;
	s0 =	sld [smem:$0x3FA6]  }
0x30: {  	s3 =	sld [smem:$0x3FA9]  }
0x31: {  	[smem:$0x3FB2] =	sst s10  }
0x32: {  	s10 =	sld [smem:$0x3FB0];
	_ =	sdelay $0x3  }
0x33: {  	p0 =	seq.s32 s10, $0x1;
	s10 =	sld [smem:$0x3FB2];
	_ =	sdelay $0x3  }
0x34: {  	[smem:$0x3FB2] =	sst s10  }
0x35: {  	s10 =	sld [smem:$0x3FB1];
	_ =	sdelay $0x3  }
0x36: {  	p1 =	seq.s32 s10, $0x1;
	s10 =	sld [smem:$0x3FB2];
	_ =	sdelay $0x3  }
0x37: {  	[smem:$0x3FB2] =	sst s10  }
0x38: {  	s10 =	sld [smem:$0x3FB3]  }
0x39: {  	_ = 	snop;
	(pc) =	sbr.ind lr, $3  }
0x3a: {  	_ = 	snop  }
0x3b: {  	_ = 	snop  }
0x3c: {  	p2 =	seq.s32 s10, $0x1;
	s10 =	sld [smem:$0x3FB2]  }
0x3d: {  	_ =	shalt  }
0x3e: {  	_ =	shalt  }
0x3f: {  	_ =	shalt  }
0x40: {  	_ =	shalt  }
0x41: {  	_ =	shalt  }
0x42: {  	_ =	shalt  }
0x43: {  	_ =	shalt  }
0x44: {  	_ =	shalt  }
0x45: {  	_ =	shalt  }
0x46: {  	_ =	shalt  }
0x47: {  	_ =	shalt  }
0x48: {  	_ =	shalt  }
0x49: {  	_ =	shalt  }
0x4a: {  	_ =	shalt  }
0x4b: {  	_ =	shalt  }
0x4c: {  	_ =	shalt  }
0x4d: {  	_ =	shalt  }
0x4e: {  	_ =	shalt  }
0x4f: {  	_ =	shalt  }
0x50: {  	_ =	shalt  }
0x51: {  	_ =	shalt  }
0x52: {  	_ =	shalt  }
0x53: {  	_ =	shalt  }
0x54: {  	_ =	shalt  }
0x55: {  	_ =	shalt  }
0x56: {  	_ =	shalt  }
0x57: {  	_ =	shalt  }
0x58: {  	_ =	shalt  }
0x59: {  	_ =	shalt  }
0x5a: {  	_ =	shalt  }
0x5b: {  	_ =	shalt  }
0x5c: {  	_ =	shalt  }
0x5d: {  	_ =	shalt  }
0x5e: {  	_ =	shalt  }
0x5f: {  	_ =	shalt  }
0x60: {  	_ =	shalt  }
0x61: {  	_ =	shalt  }
0x62: {  	_ =	shalt  }
0x63: {  	_ =	shalt  }
0x64: {  	_ =	shalt  }
0x65: {  	_ =	shalt  }
0x66: {  	_ =	shalt  }
0x67: {  	_ =	shalt  }
0x68: {  	_ =	shalt  }
0x69: {  	_ =	shalt  }
0x6a: {  	_ =	shalt  }
0x6b: {  	_ =	shalt  }
0x6c: {  	_ =	shalt  }
0x6d: {  	_ =	shalt  }
0x6e: {  	_ =	shalt  }
0x6f: {  	_ =	shalt  }
0x70: {  	_ =	shalt  }
0x71: {  	_ =	shalt  }
0x72: {  	_ =	shalt  }
0x73: {  	_ =	shalt  }
0x74: {  	_ =	shalt  }
0x75: {  	_ =	shalt  }
0x76: {  	_ =	shalt  }
0x77: {  	_ =	shalt  }
0x78: {  	_ =	shalt  }
0x79: {  	_ =	shalt  }
0x7a: {  	_ =	shalt  }
0x7b: {  	_ =	shalt  }
0x7c: {  	_ =	shalt  }
0x7d: {  	_ =	shalt  }
0x7e: {  	_ =	shalt  }
0x7f: {  	_ =	shalt  }
0x80: {  	_ =	shalt  }
0x81: {  	_ =	shalt  }
0x82: {  	_ =	shalt  }
0x83: {  	_ =	shalt  }
0x84: {  	_ =	shalt  }
0x85: {  	_ =	shalt  }
0x86: {  	_ =	shalt  }
0x87: {  	_ =	shalt  }
.Lfunc_end0:
.L_simem_size_0:
called_computation.3_lowered:
.L_overlay_start_0:
0x88: {  	s2 =	sld [smem:$0x3FD9]  }
0x89: {  	s3 =	sld [smem:$0x3FFE];
	_ =	sdelay $0x1  }
0x8a: {  	s1 =	srdreg.scid  }
0x8b: {  	s0 =	sand.u32 $0x1, s1  }
0x8c: {  	s16 =	sshll.u32 s0, $0xA;
	s2 =	sadd.s32 s3, s2  }
0x8d: {  	s2 =	sadd.s32 s2, s16  }
0x8e: {  	[smem:$0x3FBE] =	sst s2  }
0x8f: {  	_ = 	snop  }
0x90: {  	(tm) =	ssettm $0x1  }
0x91: {  	s17 =	sld [smem:$0x3FFB];
	_ =	sdelay $0x3  }
0x92: {  	_ =	strace s17  }
0x93: {  	s2 =	sld [smem:$0x3FFC];
	_ =	sdelay $0x3  }
0x94: {  	_ =	strace s2  }
0x95: {  	s2 =	sld [smem:$0x3FFD];
	_ =	sdelay $0x3  }
0x96: {  	_ =	strace s2  }
0x97: {  	_ =	strace $0x8FFFFFFF  }
0x98: {  	s18 =	sld [smem:$0x3FDB];
	_ =	sdelay $0x1  }
0x99: {  	s19 =	simm.s32 $_scs_section_size  }
0x9a: {  	s4 =	simm.s32 $_size__tile_overlayer_lowered;
	s5 =	simm.s32 $_tile_overlayer_lowered  }
0x9b: {  	s22 =	simm.s32 $0x1BFF;
	s21 =	sshll.u32 s5, $0x1;
	s2 =	sadd.s32 s19, s18  }
0x9c: {  	s6 =	simm.s32 $0x0;
	s20 =	sshll.u32 s4, $0x1;
	s4 =	sadd.s32 s21, s2  }
0x9d: {  	[timem:s6], [sflag:s22] =	dma.local [hbm:s4], s20  }
0x9e: {  	_ =	swait.ge [sflag:s22], s20  }
0x9f: {  	s3 =	ssub.s32 $0x0, s20;
	[sflag:s22] =	ssyncset.done $0x0  }
0xa0: {  	[sflag:s22] =	ssyncadd.s32 s3;
	_ =	sdelay $0x1  }
0xa1: {  	s23 =	simm.s32 $0x1B8B  }
0xa2: {  	_ =	swait.ge [sflag:s23], $0x1  }
0xa3: {  	[sflag:s23] =	ssyncset.done $0x0  }
0xa4: {  	s25 =	simm.s32 $0x1B8E;
	s24 =	sld [smem:$0x3FFE];
	[sflag:s23] =	ssyncadd.s32 $0xFFFFFFFF  }
0xa5: {  	s26 =	simm.s32 $execute0_lowered;
	[smem:$0x3FD2] =	sst s25  }
0xa6: {  	s4 =	sshll.u32 s26, $0x1;
	_ =	strace $0x8000004F;
	[dreg:$0x1] =	wrdreg $0xFFFFFFFF  }
0xa7: {  	s28 =	simm.s32 $_size_execute0_lowered;
	s2 =	sadd.s32 s2, s4;
	[dreg:$0x0] =	wrdreg $0x0  }
0xa8: {  	s4 =	sshll.u32 s28, $0x1;
	[dreg:$0x2] =	wrdreg s2  }
0xa9: {  	[dreg:$0x3] =	wrdreg s4  }
0xaa: {  	[dreg:$0x4] =	wrdreg $0xC0  }
0xab: {  	_ =	task [dreg:s6], $0x5FFFF  }
0xac: {  	[dreg:$0x1] =	wrdreg $0xFFFFFFFF  }
0xad: {  	[dreg:$0x0] =	wrdreg $0x60  }
0xae: {  	[dreg:$0x2] =	wrdreg s24  }
0xaf: {  	[dreg:$0x3] =	wrdreg $0x0  }
0xb0: {  	[dreg:$0x4] =	wrdreg $0x9  }
0xb1: {  	_ =	task.clear_ibuf [dreg:s6], $0x5FFFF;
	_ =	strace $0x9000004F  }
0xb2: {  	s29 =	simm.s32 $0x9;
	_ =	strace $0x80000051  }
0xb3: {  	_ =	swait.ge [sflag:s29], $0x1  }
0xb4: {  	[sflag:s29] =	ssyncadd.s32 $0xFFFFFFFF  }
0xb5: {  	_ =	strace $0x90000051  }
0xb6: {  	_ =	sfence  }
0xb7: {  	s30 =	sld [smem:$0x0];
	_ =	sdelay $0x2  }
0xb8: {  	s31 =	sshll.u32 s1, $0xD;
	s1 =	sshrl.u32 s1, $0x2  }
0xb9: {  	s3 =	sand.u32 $0x4000, s31;
	s1 =	sadd.s32 s1, s30  }
0xba: {  	s0 =	sor.u32 s3, s0;
	s1 =	sshll.u32 s1, $0x11  }
0xbb: {  	s0 =	sor.u32 s1, s0  }
0xbc: {  	s0 =	sadd.s32 $0x8F2B, s0  }
0xbd: {  	[sflag:s0] =	ssyncadd.remote.s32 $0x1  }
0xbe: {  	_ =	sfence.sel $0xFFFF  }
0xbf: {  	[dreg:$0x0] =	wrdreg $0xFFFFFFFF;
	(pc) =	sbr.abs _section_cstart, $3  }
0xc0: {  	[dreg:$0x1] =	wrdreg $0xFFFFFFFF  }
0xc1: {  	_ =	task.clear_ibuf [dreg:s6], $0x2FFFF;
	_ =	strace $0x9FFFFFFF  }
0xc2: {  	(tm) =	ssettm $0x7FFFFFFF  }
0xc3: {  	_ =	shalt  }
tec
execute0_lowered:
.L_overlay_start_1:
0x0: {  	(tag) =	ssettag $0x1  }
0x1: {  	s0 =	rddreg [dreg:$0x0]  }
0x2: {  	s2 =	rddreg [dreg:$0x1]  }
0x3: {  	s1 =	srdreg.scid;
	s7 =	stileid.u32  }
0x4: {  	s3 =	simm.s32 $0x0;
	s11 =	simm.s32 $0x9;
	s12 =	simm.s32 $0x5000  }
0x5: {  	s14 =	simm.s32 $0x80;
	s15 =	simm.s32 $0xA000;
	s17 =	simm.s32 $0xA800  }
0x6: {  	s19 =	simm.s32 $0xB000;
	s20 =	simm.s32 $0x5180;
	s21 =	simm.s32 $0xB800  }
0x7: {  	s22 =	simm.s32 $0x1;
	s23 =	simm.s32 $0x5;
	s24 =	simm.s32 $0x2  }
0x8: {  	s25 =	simm.s32 $0x6;
	s28 =	simm.s32 $0x7;
	s29 =	simm.s32 $0x4  }
0x9: {  	s30 =	simm.s32 $0x8;
	s31 =	simm.s32 $0x9E00;
	s10 =	simm.s32 $0x9F80  }
0xa: {  	s1 =	sand.u32 $0x1, s1;
	s5 =	smul.u32 $0x2800, s7;
	[smem:$0x7FF] =	sst s3  }
0xb: {  	s4 =	sshll.u32 s1, $0x4;
	s6 =	smul.u32 $0x28000, s1;
	s1 =	ssub.s32 $0x2, s1  }
0xc: {  	_ =	strace $0x80000050;
	s4 =	sor.u32 s7, s4;
	s26 =	sshrl.u32 s1, $0x1  }
0xd: {  	s7 =	smul.u32 $0x500, s4;
	s6 =	sadd.s32 s5, s6;
	s4 =	sadd.s32 $0x16800, s0  }
0xe: {  	s1 =	ssub.s32 s1, s26;
	s5 =	sadd.s32 s5, s2;
	s26 =	simm.s32 $0x3  }
0xf: {  	s6 =	sshrl.u32 s6, $0x3;
	s9 =	smax.u32 s1, $0x1;
	s7 =	sadd.s32 s7, s0  }
0x10: {  	s1 =	simm.s32 $0x9F00;
	s0 =	sadd.s32 s6, s0;
	s6 =	sadd.s32 $0xC800, s7  }
0x11: {  	v0 =	vimm.f32 $0.0e+00;
	s7 =	sadd.s32 $0x1E00, s7;
	s8 =	sadd.s32 $0x1B800, s0;
	s0 =	simm.s32 $0x9E80  }
.LBB2_1:
0x12: {  	s13 =	simm.s32 $0x40;
	s16 =	simm.s32 $0x0  }
.LBB2_2:
0x13: {  	p0 =	sne.s32 s13, $0x9FC0;
	[tilespmem:s16+$0x2800] =	vst v0;
	s16 =	smov.u32 s13;
	s13 =	sadd.s32 $0x40, s13  }
.Ltmp0:
0x14: {  	(pc) =	sbr.rel @p0 .LBB2_2-.Ltmp0, $2  }
0x15: {  	_ =	sdelay $0x2  }
0x16: {  	s16 =	sshra.s32 s16, $0x2  }
0x17: {  	[tilespmem:s16+$0x2800] =	vst v0;
	s13 =	simm.s32 $0x2800  }
0x18: {  	[spmem:s5] =	stream.linear.scatter [tilespmem:s13], [sflag:$0x9], $0x2800, $0x38;
	[tilespmem:$0xC000] =	vst v63  }
0x19: {  	_ =	swait.ge [sflag:s11], $0x2800  }
0x1a: {  	[sflag:s11] =	ssyncset.done $0x0  }
0x1b: {  	s16 =	simm.s32 $0x0;
	[sflag:s11] =	ssyncadd.s32 $0xFFFFD800  }
0x1c: {  	[tilespmem:s12], [sflag:$0x9] =	stream.linear.gather [hbm4b:s6+s16], $0x2800, $0x38;
	[tilespmem:$0xC000] =	vst v63  }
0x1d: {  	_ =	swait.ge [sflag:s11], $0x2800  }
0x1e: {  	[sflag:s11] =	ssyncset.done $0x0  }
0x1f: {  	s18 =	simm.s32 $0x7800;
	[sflag:s11] =	ssyncadd.s32 $0xFFFFD800  }
0x20: {  	[tilespmem:s18], [sflag:$0x9] =	stream.linear.gather [hbm4b:s7+s16], $0x2800, $0x38;
	[tilespmem:$0xC000] =	vst v63  }
0x21: {  	_ =	swait.ge [sflag:s11], $0x2800  }
0x22: {  	[sflag:s11] =	ssyncset.done $0x0  }
0x23: {  	[sflag:s11] =	ssyncadd.s32 $0xFFFFD800  }
0x24: {  	[bflag:$0x0] =	sbarrier.arrive $0xFFFF  }
0x25: {  	[tilespmem:s15], [sflag:$0x1] =	stream.indirect.gather [hbm4b:s4+s14], $0x10, s12, s14, $0xb8;
	[tilespmem:$0xC000] =	vst v63  }
0x26: {  	s18 =	simm.s32 $0x5080  }
0x27: {  	[tilespmem:s17], [sflag:$0x2] =	stream.indirect.gather [hbm4b:s4+s14], $0x10, s18, s14, $0xb8;
	[tilespmem:$0xC000] =	vst v63  }
0x28: {  	s16 =	simm.s32 $0x5100  }
0x29: {  	[tilespmem:s19], [sflag:$0x3] =	stream.indirect.gather [hbm4b:s4+s14], $0x10, s16, s14, $0xb8;
	[tilespmem:$0xC000] =	vst v63  }
0x2a: {  	_ = 	snop  }
0x2b: {  	[tilespmem:s21], [sflag:$0x4] =	stream.indirect.gather [hbm4b:s4+s14], $0x10, s20, s14, $0xb8;
	[tilespmem:$0xC000] =	vst v63  }
0x2c: {  	_ =	swait.ge [sflag:s22], $0x800  }
0x2d: {  	[sflag:s22] =	ssyncset.done $0x0  }
0x2e: {  	s18 =	simm.s32 $0x7800;
	[sflag:s22] =	ssyncadd.s32 $0xFFFFF800  }
0x2f: {  	[spmem:s2] =	stream.indirect.scatter.add.f32 [tilespmem:s15], [sflag:$0x5], $0x10, s18, s14, $0xb8;
	[tilespmem:$0xC000] =	vst v63  }
0x30: {  	_ =	swait.ge [sflag:s23], $0x800  }
0x31: {  	[sflag:s23] =	ssyncset.done $0x0  }
0x32: {  	s16 =	simm.s32 $0x5200;
	[sflag:s23] =	ssyncadd.s32 $0xFFFFF800  }
0x33: {  	[tilespmem:s15], [sflag:$0x1] =	stream.indirect.gather [hbm4b:s4+s14], $0x10, s16, s14, $0xb8;
	[tilespmem:$0xC000] =	vst v63  }
0x34: {  	_ =	swait.ge [sflag:s24], $0x800  }
0x35: {  	[sflag:s24] =	ssyncset.done $0x0  }
0x36: {  	s18 =	simm.s32 $0x7880;
	[sflag:s24] =	ssyncadd.s32 $0xFFFFF800  }
0x37: {  	[spmem:s2] =	stream.indirect.scatter.add.f32 [tilespmem:s17], [sflag:$0x6], $0x10, s18, s14, $0xb8;
	[tilespmem:$0xC000] =	vst v63  }
0x38: {  	_ =	swait.ge [sflag:s25], $0x800  }
0x39: {  	[sflag:s25] =	ssyncset.done $0x0  }
0x3a: {  	s16 =	simm.s32 $0x5280;
	[sflag:s25] =	ssyncadd.s32 $0xFFFFF800  }
0x3b: {  	[tilespmem:s17], [sflag:$0x2] =	stream.indirect.gather [hbm4b:s4+s14], $0x10, s16, s14, $0xb8;
	[tilespmem:$0xC000] =	vst v63  }
0x3c: {  	_ =	swait.ge [sflag:s26], $0x800  }
0x3d: {  	[sflag:s26] =	ssyncset.done $0x0  }
0x3e: {  	s18 =	simm.s32 $0x7900;
	[sflag:s26] =	ssyncadd.s32 $0xFFFFF800  }
0x3f: {  	[spmem:s2] =	stream.indirect.scatter.add.f32 [tilespmem:s19], [sflag:$0x7], $0x10, s18, s14, $0xb8;
	[tilespmem:$0xC000] =	vst v63  }
0x40: {  	_ =	swait.ge [sflag:s28], $0x800  }
0x41: {  	[sflag:s28] =	ssyncset.done $0x0  }
0x42: {  	s16 =	simm.s32 $0x5300;
	[sflag:s28] =	ssyncadd.s32 $0xFFFFF800  }
0x43: {  	[tilespmem:s19], [sflag:$0x3] =	stream.indirect.gather [hbm4b:s4+s14], $0x10, s16, s14, $0xb8;
	[tilespmem:$0xC000] =	vst v63  }
0x44: {  	_ =	swait.ge [sflag:s29], $0x800  }
0x45: {  	[sflag:s29] =	ssyncset.done $0x0  }
0x46: {  	s18 =	simm.s32 $0x7980;
	[sflag:s29] =	ssyncadd.s32 $0xFFFFF800  }
0x47: {  	[spmem:s2] =	stream.indirect.scatter.add.f32 [tilespmem:s21], [sflag:$0x8], $0x10, s18, s14, $0xb8;
	[tilespmem:$0xC000] =	vst v63  }
0x48: {  	_ =	swait.ge [sflag:s30], $0x800  }
0x49: {  	[sflag:s30] =	ssyncset.done $0x0  }
0x4a: {  	s13 =	simm.s32 $0x800;
	s16 =	simm.s32 $0x5380;
	[sflag:s30] =	ssyncadd.s32 $0xFFFFF800  }
.LBB2_4:
0x4b: {  	[tilespmem:s21], [sflag:$0x4] =	stream.indirect.gather [hbm4b:s4+s14], $0x10, s16, s14, $0xb8;
	[tilespmem:$0xC000] =	vst v63  }
0x4c: {  	s16 =	smov.u32 s13  }
0x4d: {  	p0 =	sne.s32 s13, $0x9000;
	s13 =	sadd.s32 $0x800, s13;
	_ =	swait.ge [sflag:s22], $0x800  }
0x4e: {  	s16 =	sshra.s32 s16, $0x2;
	[sflag:s22] =	ssyncset.done $0x0  }
0x4f: {  	s18 =	sadd.s32 $0x7800, s16;
	[sflag:s22] =	ssyncadd.s32 $0xFFFFF800  }
0x50: {  	[spmem:s2] =	stream.indirect.scatter.add.f32 [tilespmem:s15], [sflag:$0x5], $0x10, s18, s14, $0xb8;
	[tilespmem:$0xC000] =	vst v63  }
0x51: {  	_ =	swait.ge [sflag:s23], $0x800  }
0x52: {  	[sflag:s23] =	ssyncset.done $0x0  }
0x53: {  	s18 =	sadd.s32 $0x5200, s16;
	[sflag:s23] =	ssyncadd.s32 $0xFFFFF800  }
0x54: {  	[tilespmem:s15], [sflag:$0x1] =	stream.indirect.gather [hbm4b:s4+s14], $0x10, s18, s14, $0xb8;
	[tilespmem:$0xC000] =	vst v63  }
0x55: {  	_ =	swait.ge [sflag:s24], $0x800  }
0x56: {  	[sflag:s24] =	ssyncset.done $0x0  }
0x57: {  	s18 =	sadd.s32 $0x7880, s16;
	[sflag:s24] =	ssyncadd.s32 $0xFFFFF800  }
0x58: {  	[spmem:s2] =	stream.indirect.scatter.add.f32 [tilespmem:s17], [sflag:$0x6], $0x10, s18, s14, $0xb8;
	[tilespmem:$0xC000] =	vst v63  }
0x59: {  	_ =	swait.ge [sflag:s25], $0x800  }
0x5a: {  	[sflag:s25] =	ssyncset.done $0x0  }
0x5b: {  	s18 =	sadd.s32 $0x5280, s16;
	[sflag:s25] =	ssyncadd.s32 $0xFFFFF800  }
0x5c: {  	[tilespmem:s17], [sflag:$0x2] =	stream.indirect.gather [hbm4b:s4+s14], $0x10, s18, s14, $0xb8;
	[tilespmem:$0xC000] =	vst v63  }
0x5d: {  	_ =	swait.ge [sflag:s26], $0x800  }
0x5e: {  	[sflag:s26] =	ssyncset.done $0x0  }
0x5f: {  	s18 =	sadd.s32 $0x7900, s16;
	[sflag:s26] =	ssyncadd.s32 $0xFFFFF800  }
0x60: {  	[spmem:s2] =	stream.indirect.scatter.add.f32 [tilespmem:s19], [sflag:$0x7], $0x10, s18, s14, $0xb8;
	[tilespmem:$0xC000] =	vst v63  }
0x61: {  	_ =	swait.ge [sflag:s28], $0x800  }
0x62: {  	[sflag:s28] =	ssyncset.done $0x0  }
0x63: {  	s18 =	sadd.s32 $0x5300, s16;
	[sflag:s28] =	ssyncadd.s32 $0xFFFFF800  }
0x64: {  	[tilespmem:s19], [sflag:$0x3] =	stream.indirect.gather [hbm4b:s4+s14], $0x10, s18, s14, $0xb8;
	[tilespmem:$0xC000] =	vst v63  }
0x65: {  	_ =	swait.ge [sflag:s29], $0x800  }
0x66: {  	[sflag:s29] =	ssyncset.done $0x0  }
.Ltmp1:
0x67: {  	s18 =	sadd.s32 $0x7980, s16;
	[sflag:s29] =	ssyncadd.s32 $0xFFFFF800;
	(pc) =	sbr.rel @p0 .LBB2_4-.Ltmp1, $4  }
0x68: {  	[spmem:s2] =	stream.indirect.scatter.add.f32 [tilespmem:s21], [sflag:$0x8], $0x10, s18, s14, $0xb8;
	[tilespmem:$0xC000] =	vst v63  }
0x69: {  	_ =	swait.ge [sflag:s30], $0x800  }
0x6a: {  	[sflag:s30] =	ssyncset.done $0x0  }
0x6b: {  	s16 =	sadd.s32 $0x5380, s16;
	[sflag:s30] =	ssyncadd.s32 $0xFFFFF800  }
0x6c: {  	[tilespmem:s21], [sflag:$0x4] =	stream.indirect.gather [hbm4b:s4+s14], $0x10, s16, s14, $0xb8;
	[tilespmem:$0xC000] =	vst v63  }
0x6d: {  	_ =	swait.ge [sflag:s22], $0x800  }
0x6e: {  	[sflag:s22] =	ssyncset.done $0x0  }
0x6f: {  	[sflag:s22] =	ssyncadd.s32 $0xFFFFF800  }
0x70: {  	[spmem:s2] =	stream.indirect.scatter.add.f32 [tilespmem:s15], [sflag:$0x5], $0x10, s31, s14, $0xb8;
	[tilespmem:$0xC000] =	vst v63  }
0x71: {  	_ =	swait.ge [sflag:s23], $0x800  }
0x72: {  	[sflag:s23] =	ssyncset.done $0x0  }
0x73: {  	[sflag:s23] =	ssyncadd.s32 $0xFFFFF800  }
0x74: {  	_ =	swait.ge [sflag:s24], $0x800  }
0x75: {  	[sflag:s24] =	ssyncset.done $0x0  }
0x76: {  	[sflag:s24] =	ssyncadd.s32 $0xFFFFF800  }
0x77: {  	[spmem:s2] =	stream.indirect.scatter.add.f32 [tilespmem:s17], [sflag:$0x6], $0x10, s0, s14, $0xb8;
	[tilespmem:$0xC000] =	vst v63  }
0x78: {  	_ =	swait.ge [sflag:s25], $0x800  }
0x79: {  	[sflag:s25] =	ssyncset.done $0x0  }
0x7a: {  	[sflag:s25] =	ssyncadd.s32 $0xFFFFF800  }
0x7b: {  	_ =	swait.ge [sflag:s26], $0x800  }
0x7c: {  	[sflag:s26] =	ssyncset.done $0x0  }
0x7d: {  	[sflag:s26] =	ssyncadd.s32 $0xFFFFF800  }
0x7e: {  	[spmem:s2] =	stream.indirect.scatter.add.f32 [tilespmem:s19], [sflag:$0x7], $0x10, s1, s14, $0xb8;
	[tilespmem:$0xC000] =	vst v63  }
0x7f: {  	_ =	swait.ge [sflag:s28], $0x800  }
0x80: {  	[sflag:s28] =	ssyncset.done $0x0  }
0x81: {  	[sflag:s28] =	ssyncadd.s32 $0xFFFFF800  }
0x82: {  	_ =	swait.ge [sflag:s29], $0x800  }
0x83: {  	[sflag:s29] =	ssyncset.done $0x0  }
0x84: {  	[sflag:s29] =	ssyncadd.s32 $0xFFFFF800  }
0x85: {  	[spmem:s2] =	stream.indirect.scatter.add.f32 [tilespmem:s21], [sflag:$0x8], $0x10, s10, s14, $0xb8;
	[tilespmem:$0xC000] =	vst v63  }
0x86: {  	s13 =	stileid.u32;
	_ =	swait.ge [sflag:s30], $0x800  }
0x87: {  	s18 =	sshrl.u32 s5, $0x3;
	s3 =	sadd.s32 $0x1, s3;
	[sflag:s30] =	ssyncset.done $0x0  }
0x88: {  	s13 =	sshll.u32 s13, $0x6;
	p0 =	sne.s32 s3, s9;
	[sflag:s30] =	ssyncadd.s32 $0xFFFFF800  }
.Ltmp2:
0x89: {  	s13 =	sor.u32 $0x1C09, s13;
	[bflag:$0x0] =	sbarrier.arrive $0xFFFF;
	(pc) =	sbr.rel @p0 .LBB2_1-.Ltmp2, $4  }
0x8a: {  	[hbm:s8], [sflag:s13] =	dma.local [spmem:s18], $0x500  }
0x8b: {  	_ =	swait.ge [sflag:s11], $0x500  }
0x8c: {  	[sflag:s11] =	ssyncset.done $0x0  }
0x8d: {  	[sflag:s11] =	ssyncadd.s32 $0xFFFFFB00  }
0x8e: {  	_ =	sfence.sel $0x180000  }
0x8f: {  	[bflag:$0x0] =	sbarrier.arrive $0xFFFF  }
0x90: {  	_ =	strace $0x90000050  }
0x91: {  	s0 =	stileid.u32;
	[bflag:$0x2] =	sbarrier.arrive $0xFFFF  }
0x92: {  	p0 =	sne.s32 s0, $0x0;
	s0 =	rddreg [dreg:$0x2]  }
0x93: {  	s0 =	sadd.s32 @!p0 $0x100000, s0  }
0x94: {  	[sflag:s0] =	ssyncadd.tile.s32 @!p0 $0x1;
	_ =	shalt  }
.Lfunc_end2:
_tile_overlayer_lowered:
.L_overlay_start_2:
0x95: {  	(tag) =	ssettag $0x2  }
0x96: {  	s0 =	rddreg [dreg:$0x0];
	s2 =	stileid.u32  }
0x97: {  	s1 =	rddreg [dreg:$0x1];
	p0 =	sne.s32 s2, $0x0  }
0x98: {  	s3 =	rddreg [dreg:$0x2];
	[bflag:$0x3] =	sbarrier.arrive $0xFFFF;
	s2 =	simm.s32 @!p0 $0x1C09  }
0x99: {  	[timem:s3], [sflag:s2] =	dma.local @!p0 [hbm:s0], s1  }
0x9a: {  	s0 =	simm.s32 @!p0 $0x9  }
0x9b: {  	_ =	swait.ge @!p0 [sflag:s0], s1  }
0x9c: {  	s1 =	ssub.s32 @!p0 $0x0, s1;
	[sflag:s0] =	ssyncset.done @!p0 $0x0  }
0x9d: {  	[sflag:s0] =	ssyncadd.s32 @!p0 s1  }
0x9e: {  	[bflag:$0x3] =	sbarrier.arrive $0xFFFF  }
0x9f: {  	_ =	shalt  }

</sc_bundles>
